<compile_context>
chip_gen: v7x
topology: tpu7x:2x2x1
jax: 0.10.2.dev20260603
libtpu: 0.0.44.dev20260713+nightly
codegen_flags: <defaults>
</compile_context>

<pallas_src>
import dataclasses
import functools

import jax
import jax.numpy as jnp
from jax import lax
from jax.experimental import pallas as pl
from jax.experimental.pallas import tpu as pltpu
from jax.experimental.pallas import tpu_sc as plsc

NC = 2
NS = 16
L = 16
B = 128


def _round_up(a: int, b: int) -> int:
    return (a + b - 1) // b * b


@functools.lru_cache(maxsize=None)
def _degree_call(n_pad: int, e_pad: int):
    mesh = plsc.VectorSubcoreMesh(core_axis_name="c", subcore_axis_name="s")
    SB = 1024
    e_sc = e_pad // NC
    e_tile = e_sc // NS
    nsb = e_tile // SB
    assert nsb % 2 == 0

    cp = pltpu.CompilerParams()
    if "needs_layout_passes" in pltpu.CompilerParams.__dataclass_fields__:
        cp = dataclasses.replace(cp, needs_layout_passes=False)

    @functools.partial(
        pl.kernel,
        out_type=jax.ShapeDtypeStruct((NC, NS, n_pad), jnp.int32),
        mesh=mesh,
        compiler_params=cp,
        scratch_types=[
            pltpu.VMEM((SB,), jnp.int32),
            pltpu.VMEM((SB,), jnp.int32),
            pltpu.VMEM((n_pad,), jnp.int32),
            pltpu.SemaphoreType.DMA,
            pltpu.SemaphoreType.DMA,
        ],
    )
    def deg_kernel(srcp_hbm, out_s_hbm, sidx0_v, sidx1_v, hs_v,
                   sem_s0, sem_s1):
        c = lax.axis_index("c")
        s = lax.axis_index("s")
        sidx = (sidx0_v, sidx1_v)
        sem_s = (sem_s0, sem_s1)

        @pl.loop(jnp.int32(0), jnp.int32(n_pad // (8 * L)))
        def _zero(i):
            base = i * jnp.int32(8 * L)
            for u in range(8):
                off = base + jnp.int32(u * L)
                hs_v[pl.ds(off, L)] = jnp.zeros((L,), jnp.int32)

        base_e = c * jnp.int32(e_sc) + s * jnp.int32(e_tile)

        def start_load(q, sb):
            off = base_e + sb * jnp.int32(SB)
            pltpu.async_copy(srcp_hbm.at[pl.ds(off, SB)], sidx[q], sem_s[q])

        def wait_load(q):
            pltpu.make_async_copy(srcp_hbm.at[pl.ds(0, SB)], sidx[q],
                                  sem_s[q]).wait()

        start_load(0, jnp.int32(0))
        start_load(1, jnp.int32(1))

        @pl.loop(jnp.int32(0), jnp.int32(nsb // 2))
        def _super(p):
            for q in range(2):
                wait_load(q)

                @pl.loop(jnp.int32(0), jnp.int32(SB // (8 * L)))
                def _vec(j):
                    ones = jnp.full((L,), 1, jnp.int32)
                    jbase = j * jnp.int32(8 * L)
                    for u in range(8):
                        off = jbase + jnp.int32(u * L)
                        vs = sidx[q][pl.ds(off, L)]
                        plsc.addupdate_scatter(hs_v, [vs], ones)

                sb = jnp.int32(2) * p + jnp.int32(q + 2)
                start_load(q, sb)

        wait_load(0)
        wait_load(1)

        pltpu.async_copy(hs_v, out_s_hbm.at[c, s], sem_s0).wait()

    return deg_kernel


@functools.lru_cache(maxsize=None)
def _agg_call(n_pad: int, e_pad: int, d: int):
    mesh = plsc.VectorSubcoreMesh(core_axis_name="c", subcore_axis_name="s")
    rows_pt = n_pad // NS
    e_sc = e_pad // NC
    e_tile = e_sc // NS
    SBB = 8
    nsb = e_tile // (SBB * B)
    assert nsb % 2 == 0

    idx_t = pltpu.VMEM((SBB, B), jnp.int32)

    cp = pltpu.CompilerParams()
    if "needs_layout_passes" in pltpu.CompilerParams.__dataclass_fields__:
        cp = dataclasses.replace(cp, needs_layout_passes=False)

    @functools.partial(
        pl.kernel,
        out_type=(jax.ShapeDtypeStruct((NC, n_pad, d), jnp.float32),
                  jax.ShapeDtypeStruct((NC, NS, n_pad), jnp.int32)),
        mesh=mesh,
        compiler_params=cp,
        scratch_types=[
            pltpu.VMEM((B, d), jnp.float32),
            pltpu.VMEM((B, d), jnp.float32),
            idx_t, idx_t,
            idx_t, idx_t,
            pltpu.VMEM((n_pad,), jnp.int32),
            pltpu.VMEM_SHARED((n_pad, d), jnp.float32),
            pltpu.SemaphoreType.DMA, pltpu.SemaphoreType.DMA,
            pltpu.SemaphoreType.DMA, pltpu.SemaphoreType.DMA,
            pltpu.SemaphoreType.DMA, pltpu.SemaphoreType.DMA,
            pltpu.SemaphoreType.DMA, pltpu.SemaphoreType.DMA,
        ],
    )
    def agg_kernel(feat_hbm, srcp_hbm, dstp_hbm, out_hbm, out_d_hbm,
                   rows0_v, rows1_v,
                   sidxa_v, sidxb_v, didxa_v, didxb_v, hd_v, h_s,
                   gsem0, gsem1,
                   isem_sa, isem_sb, isem_da, isem_db,
                   ssem0, ssem1):
        c = lax.axis_index("c")
        s = lax.axis_index("s")
        rows = (rows0_v, rows1_v)
        gsem = (gsem0, gsem1)
        ssem = (ssem0, ssem1)
        sidx = (sidxa_v, sidxb_v)
        didx = (didxa_v, didxb_v)
        isem_s = (isem_sa, isem_sb)
        isem_d = (isem_da, isem_db)

        @pl.loop(jnp.int32(0), jnp.int32(B))
        def _init(i):
            for u in range(d // L):
                rows0_v[i, pl.ds(jnp.int32(u * L), L)] = jnp.zeros(
                    (L,), jnp.float32)

        @pl.loop(jnp.int32(0), jnp.int32(n_pad // (8 * L)))
        def _zeroh(i):
            base = i * jnp.int32(8 * L)
            for u in range(8):
                hd_v[pl.ds(base + jnp.int32(u * L), L)] = jnp.zeros(
                    (L,), jnp.int32)

        @pl.loop(jnp.int32(0), jnp.int32(rows_pt // B))
        def _zero(k):
            base = s * jnp.int32(rows_pt) + k * jnp.int32(B)

            @pl.when(c == 0)
            def _seed():
                pltpu.sync_copy(feat_hbm.at[pl.ds(base, B), :],
                                h_s.at[pl.ds(base, B), :])

            @pl.when(c != 0)
            def _zero_fill():
                pltpu.sync_copy(rows0_v, h_s.at[pl.ds(base, B), :])

        plsc.subcore_barrier()

        base_row = (c * jnp.int32(e_sc) + s * jnp.int32(e_tile)) // jnp.int32(B)

        def start_idx(q, sb):
            r0 = pl.multiple_of(base_row + sb * jnp.int32(SBB), SBB)
            pltpu.async_copy(srcp_hbm.at[pl.ds(r0, SBB), :], sidx[q],
                             isem_s[q])
            pltpu.async_copy(dstp_hbm.at[pl.ds(r0, SBB), :], didx[q],
                             isem_d[q])

        def wait_idx(q):
            pltpu.make_async_copy(srcp_hbm.at[pl.ds(0, SBB), :], sidx[q],
                                  isem_s[q]).wait()
            pltpu.make_async_copy(dstp_hbm.at[pl.ds(0, SBB), :], didx[q],
                                  isem_d[q]).wait()

        def start_gather(slot, q, j):
            pltpu.async_copy(feat_hbm.at[sidx[q].at[jnp.int32(j)]],
                             rows[slot], gsem[slot])

        def wait_gather(slot, q, j):
            pltpu.make_async_copy(feat_hbm.at[sidx[q].at[jnp.int32(j)]],
                                  rows[slot], gsem[slot]).wait()

        start_idx(0, jnp.int32(0))
        start_idx(1, jnp.int32(1))
        wait_idx(0)
        for j in range(2):
            start_gather(j, 0, j)

        @pl.loop(jnp.int32(0), jnp.int32(nsb // 2))
        def _super(p):
            for q in range(2):
                sb = jnp.int32(2) * p + jnp.int32(q)
                for j in range(SBB):
                    slot = j % 2
                    wait_gather(slot, q, j)
                    pltpu.async_copy(rows[slot],
                                     h_s.at[didx[q].at[jnp.int32(j)]],
                                     ssem[slot], add=True)
                    ones = jnp.full((L,), 1, jnp.int32)
                    for u in range(B // L):
                        vd = didx[q][jnp.int32(j), pl.ds(jnp.int32(u * L), L)]
                        plsc.addupdate_scatter(hd_v, [vd], ones)
                    pltpu.make_async_copy(rows[slot],
                                          h_s.at[didx[q].at[jnp.int32(j)]],
                                          ssem[slot]).wait()
                    if j < SBB - 2:
                        start_gather(slot, q, j + 2)
                    else:
                        if j == SBB - 2:
                            wait_idx(1 - q)
                        start_gather(slot, 1 - q, j - (SBB - 2))
                start_idx(q, sb + jnp.int32(2))

        for j in range(2):
            wait_gather(j, nsb % 2, j)
        wait_idx((nsb - 1) % 2)

        plsc.subcore_barrier()

        r0 = s * jnp.int32(rows_pt)
        pltpu.async_copy(h_s.at[pl.ds(r0, rows_pt), :],
                         out_hbm.at[c, pl.ds(r0, rows_pt), :], gsem0).wait()
        pltpu.async_copy(hd_v, out_d_hbm.at[c, s], gsem1).wait()

    return agg_kernel


def kernel(x, edge_index):
    n, d = x.shape
    e = edge_index.shape[1]
    src = edge_index[0].astype(jnp.int32)
    dst = edge_index[1].astype(jnp.int32)

    n_pad = _round_up(n + 1, NS * B)
    e_pad = _round_up(e, 2 * NC * NS * B)
    pr = n_pad - n
    pad = e_pad - e
    pad_idx = n + (jnp.arange(pad, dtype=jnp.int32) % pr)
    extra = jnp.zeros((2048,), jnp.int32)
    srcp = jnp.concatenate([src, pad_idx, extra])
    dstp = jnp.concatenate([dst, pad_idx, extra])

    cnt_s = _degree_call(n_pad, e_pad)(srcp)
    deg_out = cnt_s.sum(axis=(0, 1))[:n].astype(jnp.float32) + 1.0

    feat = x * lax.rsqrt(deg_out)[:, None]
    featp = jnp.concatenate([feat, jnp.zeros((pr, d), jnp.float32)])

    srcp2 = srcp.reshape(-1, B)
    dstp2 = dstp.reshape(-1, B)
    hp, cnt_d = _agg_call(n_pad, e_pad, d)(featp, srcp2, dstp2)
    deg_in = cnt_d.sum(axis=(0, 1))[:n].astype(jnp.float32) + 1.0
    h = (hp[0, :n] + hp[1, :n]) * lax.rsqrt(deg_in)[:, None]
    return h

# --- scband reference (transcript-rebuilt; emitter-appended) ---
"""Pipeline reference for scband-info-agg-15496242004105 (READ-ONLY COPY).

The authoritative reference and input builder live on the scoring server;
editing this copy changes nothing except your own understanding.
"""

import jax
jax.config.update("jax_enable_x64", True)
import jax.numpy as jnp
import numpy as np

N = 10000
E = 320000
D = 128


def setup_inputs(seed: int = 0) -> dict:
    key = jax.random.key(seed)
    k1, k2 = jax.random.split(key)
    x = jax.random.normal(k1, (N, D), dtype=jnp.float32)
    edge_index = jax.random.randint(k2, (2, E), 0, N, dtype=jnp.int64)
    return {"x": x, "edge_index": edge_index}


def reference(x, edge_index):
    # DGL: g = dgl.add_self_loop(g); GraphConv(weight=False, bias=False, norm='both')
    # h_i = (1/sqrt(deg_in_i)) * sum_{j->i} (1/sqrt(deg_out_j)) * x_j, with self-loops added
    src = edge_index[0]
    dst = edge_index[1]
    loop = jnp.arange(N, dtype=edge_index.dtype)
    src2 = jnp.concatenate([src, loop])
    dst2 = jnp.concatenate([dst, loop])
    # degrees including self-loops (always >= 1)
    deg_out = jnp.zeros((N,), dtype=x.dtype).at[src2].add(1.0)
    deg_in = jnp.zeros((N,), dtype=x.dtype).at[dst2].add(1.0)
    norm_src = jax.lax.rsqrt(deg_out)
    norm_dst = jax.lax.rsqrt(deg_in)
    # source-side normalization, gather, scatter-add to destination, dest-side normalization
    feat = x * norm_src[:, None]
    msg = jnp.take(feat, src2, axis=0)
    h = jax.ops.segment_sum(msg, dst2, num_segments=N)
    h = h * norm_dst[:, None]
    return h

if __name__ == "__main__":
    import jax
    _d = setup_inputs()
    print(jax.jit(kernel)(*tuple(_d.values())))

</pallas_src>

<mosaic_0001>
#map = affine_map<(d0, d1) -> (0)>
#map1 = affine_map<(d0, d1) -> (0, 0, 0)>
module attributes {stable_mosaic.version = 14 : i64} {
  func.func @deg_kernel(%arg0: i32, %arg1: i32, %arg2: memref<329728xi32, #tpu.memory_space<hbm>>, %arg3: memref<2x16x10240xi32, #tpu.memory_space<hbm>>, %arg4: memref<1024xi32, #tpu.memory_space<vmem>>, %arg5: memref<1024xi32, #tpu.memory_space<vmem>>, %arg6: memref<10240xi32, #tpu.memory_space<vmem>>, %arg7: memref<!tpu.dma_semaphore, #tpu.memory_space<semaphore_mem>>, %arg8: memref<!tpu.dma_semaphore, #tpu.memory_space<semaphore_mem>>) attributes {dimension_semantics = [#tpu.dimension_semantics<core_parallel>, #tpu.dimension_semantics<subcore_parallel>], iteration_bounds = array<i64: 2, 16>, scalar_prefetch = 0 : i64, scratch_operands = 5 : i64, tpu.core_type = #tpu.core_type<sc_vector_subcore>, window_params = [{transform_indices = #map}, {transform_indices = #map1}]} {
    %sub3A = arith.constant 80 : i32
    %sub3A_0 = arith.constant 0 : i32
    %sub3A_1 = arith.subi %sub3A, %sub3A_0 : i32
    %sub3A_2 = arith.constant 1 : i32
    %sub3A_3 = arith.constant 1 : i32
    %sub3A_4 = arith.subi %sub3A_2, %sub3A_3 : i32
    %add3A = arith.addi %sub3A_1, %sub3A_4 : i32
    %div3A = arith.constant 1 : i32
    %div3A_5 = arith.divsi %add3A, %div3A : i32
    %while3A = arith.constant 1 : i32
    %while3A_6 = arith.constant 0 : i32
    %while3A_7 = arith.constant 0 : i32
    %while3A_8 = arith.subi %div3A_5, %while3A_7 : i32
    %while3A_9 = arith.addi %while3A_7, %while3A_8 : i32
    %while3A_10 = arith.constant 1 : i32
    %while3A_11 = arith.divsi %while3A_8, %while3A_10 : i32
    %while3A_12 = arith.muli %while3A_11, %while3A_10 : i32
    %while3A_13 = arith.addi %while3A_7, %while3A_12 : i32
    %while3A_14 = arith.constant 1 : i32
    scf.for %while3A_70 = %while3A_7 to %while3A_13 step %while3A_14  : i32 {
      %mul3A_71 = arith.muli %while3A_70, %while3A : i32
      %add3A_72 = arith.addi %while3A_6, %mul3A_71 : i32
      %mul3A_73 = arith.constant 128 : i32
      %mul3A_74 = arith.muli %add3A_72, %mul3A_73 : i32
      %add3A_75 = arith.constant 0 : i32
      %add3A_76 = arith.addi %mul3A_74, %add3A_75 : i32
      %broadcast_in_dim3A = arith.constant 0 : i32
      %broadcast_in_dim3A_77 = vector.broadcast %broadcast_in_dim3A : i32 to vector<16xi32>
      %swap3A = arith.index_cast %add3A_76 : i32 to index
      %swap3A_78 = tpu.vector_load %arg6[%swap3A] {strides = array<i32>} : memref<10240xi32, #tpu.memory_space<vmem>>, vector<16xi32>,
      tpu.vector_store %arg6[%swap3A], %broadcast_in_dim3A_77 {strides = array<i32>} : memref<10240xi32, #tpu.memory_space<vmem>>, vector<16xi32>,
      %add3A_79 = arith.constant 16 : i32
      %add3A_80 = arith.addi %mul3A_74, %add3A_79 : i32
      %broadcast_in_dim3A_81 = arith.constant 0 : i32
      %broadcast_in_dim3A_82 = vector.broadcast %broadcast_in_dim3A_81 : i32 to vector<16xi32>
      %swap3A_83 = arith.index_cast %add3A_80 : i32 to index
      %swap3A_84 = tpu.vector_load %arg6[%swap3A_83] {strides = array<i32>} : memref<10240xi32, #tpu.memory_space<vmem>>, vector<16xi32>,
      tpu.vector_store %arg6[%swap3A_83], %broadcast_in_dim3A_82 {strides = array<i32>} : memref<10240xi32, #tpu.memory_space<vmem>>, vector<16xi32>,
      %add3A_85 = arith.constant 32 : i32
      %add3A_86 = arith.addi %mul3A_74, %add3A_85 : i32
      %broadcast_in_dim3A_87 = arith.constant 0 : i32
      %broadcast_in_dim3A_88 = vector.broadcast %broadcast_in_dim3A_87 : i32 to vector<16xi32>
      %swap3A_89 = arith.index_cast %add3A_86 : i32 to index
      %swap3A_90 = tpu.vector_load %arg6[%swap3A_89] {strides = array<i32>} : memref<10240xi32, #tpu.memory_space<vmem>>, vector<16xi32>,
      tpu.vector_store %arg6[%swap3A_89], %broadcast_in_dim3A_88 {strides = array<i32>} : memref<10240xi32, #tpu.memory_space<vmem>>, vector<16xi32>,
      %add3A_91 = arith.constant 48 : i32
      %add3A_92 = arith.addi %mul3A_74, %add3A_91 : i32
      %broadcast_in_dim3A_93 = arith.constant 0 : i32
      %broadcast_in_dim3A_94 = vector.broadcast %broadcast_in_dim3A_93 : i32 to vector<16xi32>
      %swap3A_95 = arith.index_cast %add3A_92 : i32 to index
      %swap3A_96 = tpu.vector_load %arg6[%swap3A_95] {strides = array<i32>} : memref<10240xi32, #tpu.memory_space<vmem>>, vector<16xi32>,
      tpu.vector_store %arg6[%swap3A_95], %broadcast_in_dim3A_94 {strides = array<i32>} : memref<10240xi32, #tpu.memory_space<vmem>>, vector<16xi32>,
      %add3A_97 = arith.constant 64 : i32
      %add3A_98 = arith.addi %mul3A_74, %add3A_97 : i32
      %broadcast_in_dim3A_99 = arith.constant 0 : i32
      %broadcast_in_dim3A_100 = vector.broadcast %broadcast_in_dim3A_99 : i32 to vector<16xi32>
      %swap3A_101 = arith.index_cast %add3A_98 : i32 to index
      %swap3A_102 = tpu.vector_load %arg6[%swap3A_101] {strides = array<i32>} : memref<10240xi32, #tpu.memory_space<vmem>>, vector<16xi32>,
      tpu.vector_store %arg6[%swap3A_101], %broadcast_in_dim3A_100 {strides = array<i32>} : memref<10240xi32, #tpu.memory_space<vmem>>, vector<16xi32>,
      %add3A_103 = arith.constant 80 : i32
      %add3A_104 = arith.addi %mul3A_74, %add3A_103 : i32
      %broadcast_in_dim3A_105 = arith.constant 0 : i32
      %broadcast_in_dim3A_106 = vector.broadcast %broadcast_in_dim3A_105 : i32 to vector<16xi32>
      %swap3A_107 = arith.index_cast %add3A_104 : i32 to index
      %swap3A_108 = tpu.vector_load %arg6[%swap3A_107] {strides = array<i32>} : memref<10240xi32, #tpu.memory_space<vmem>>, vector<16xi32>,
      tpu.vector_store %arg6[%swap3A_107], %broadcast_in_dim3A_106 {strides = array<i32>} : memref<10240xi32, #tpu.memory_space<vmem>>, vector<16xi32>,
      %add3A_109 = arith.constant 96 : i32
      %add3A_110 = arith.addi %mul3A_74, %add3A_109 : i32
      %broadcast_in_dim3A_111 = arith.constant 0 : i32
      %broadcast_in_dim3A_112 = vector.broadcast %broadcast_in_dim3A_111 : i32 to vector<16xi32>
      %swap3A_113 = arith.index_cast %add3A_110 : i32 to index
      %swap3A_114 = tpu.vector_load %arg6[%swap3A_113] {strides = array<i32>} : memref<10240xi32, #tpu.memory_space<vmem>>, vector<16xi32>,
      tpu.vector_store %arg6[%swap3A_113], %broadcast_in_dim3A_112 {strides = array<i32>} : memref<10240xi32, #tpu.memory_space<vmem>>, vector<16xi32>,
      %add3A_115 = arith.constant 112 : i32
      %add3A_116 = arith.addi %mul3A_74, %add3A_115 : i32
      %broadcast_in_dim3A_117 = arith.constant 0 : i32
      %broadcast_in_dim3A_118 = vector.broadcast %broadcast_in_dim3A_117 : i32 to vector<16xi32>
      %swap3A_119 = arith.index_cast %add3A_116 : i32 to index
      %swap3A_120 = tpu.vector_load %arg6[%swap3A_119] {strides = array<i32>} : memref<10240xi32, #tpu.memory_space<vmem>>, vector<16xi32>,
      tpu.vector_store %arg6[%swap3A_119], %broadcast_in_dim3A_118 {strides = array<i32>} : memref<10240xi32, #tpu.memory_space<vmem>>, vector<16xi32>,
    }
    %while3A_15 = arith.constant 1 : i32
    scf.for %while3A_70 = %while3A_13 to %while3A_9 step %while3A_15  : i32 {
      %mul3A_71 = arith.muli %while3A_70, %while3A : i32
      %add3A_72 = arith.addi %while3A_6, %mul3A_71 : i32
      %mul3A_73 = arith.constant 128 : i32
      %mul3A_74 = arith.muli %add3A_72, %mul3A_73 : i32
      %add3A_75 = arith.constant 0 : i32
      %add3A_76 = arith.addi %mul3A_74, %add3A_75 : i32
      %broadcast_in_dim3A = arith.constant 0 : i32
      %broadcast_in_dim3A_77 = vector.broadcast %broadcast_in_dim3A : i32 to vector<16xi32>
      %swap3A = arith.index_cast %add3A_76 : i32 to index
      %swap3A_78 = tpu.vector_load %arg6[%swap3A] {strides = array<i32>} : memref<10240xi32, #tpu.memory_space<vmem>>, vector<16xi32>,
      tpu.vector_store %arg6[%swap3A], %broadcast_in_dim3A_77 {strides = array<i32>} : memref<10240xi32, #tpu.memory_space<vmem>>, vector<16xi32>,
      %add3A_79 = arith.constant 16 : i32
      %add3A_80 = arith.addi %mul3A_74, %add3A_79 : i32
      %broadcast_in_dim3A_81 = arith.constant 0 : i32
      %broadcast_in_dim3A_82 = vector.broadcast %broadcast_in_dim3A_81 : i32 to vector<16xi32>
      %swap3A_83 = arith.index_cast %add3A_80 : i32 to index
      %swap3A_84 = tpu.vector_load %arg6[%swap3A_83] {strides = array<i32>} : memref<10240xi32, #tpu.memory_space<vmem>>, vector<16xi32>,
      tpu.vector_store %arg6[%swap3A_83], %broadcast_in_dim3A_82 {strides = array<i32>} : memref<10240xi32, #tpu.memory_space<vmem>>, vector<16xi32>,
      %add3A_85 = arith.constant 32 : i32
      %add3A_86 = arith.addi %mul3A_74, %add3A_85 : i32
      %broadcast_in_dim3A_87 = arith.constant 0 : i32
      %broadcast_in_dim3A_88 = vector.broadcast %broadcast_in_dim3A_87 : i32 to vector<16xi32>
      %swap3A_89 = arith.index_cast %add3A_86 : i32 to index
      %swap3A_90 = tpu.vector_load %arg6[%swap3A_89] {strides = array<i32>} : memref<10240xi32, #tpu.memory_space<vmem>>, vector<16xi32>,
      tpu.vector_store %arg6[%swap3A_89], %broadcast_in_dim3A_88 {strides = array<i32>} : memref<10240xi32, #tpu.memory_space<vmem>>, vector<16xi32>,
      %add3A_91 = arith.constant 48 : i32
      %add3A_92 = arith.addi %mul3A_74, %add3A_91 : i32
      %broadcast_in_dim3A_93 = arith.constant 0 : i32
      %broadcast_in_dim3A_94 = vector.broadcast %broadcast_in_dim3A_93 : i32 to vector<16xi32>
      %swap3A_95 = arith.index_cast %add3A_92 : i32 to index
      %swap3A_96 = tpu.vector_load %arg6[%swap3A_95] {strides = array<i32>} : memref<10240xi32, #tpu.memory_space<vmem>>, vector<16xi32>,
      tpu.vector_store %arg6[%swap3A_95], %broadcast_in_dim3A_94 {strides = array<i32>} : memref<10240xi32, #tpu.memory_space<vmem>>, vector<16xi32>,
      %add3A_97 = arith.constant 64 : i32
      %add3A_98 = arith.addi %mul3A_74, %add3A_97 : i32
      %broadcast_in_dim3A_99 = arith.constant 0 : i32
      %broadcast_in_dim3A_100 = vector.broadcast %broadcast_in_dim3A_99 : i32 to vector<16xi32>
      %swap3A_101 = arith.index_cast %add3A_98 : i32 to index
      %swap3A_102 = tpu.vector_load %arg6[%swap3A_101] {strides = array<i32>} : memref<10240xi32, #tpu.memory_space<vmem>>, vector<16xi32>,
      tpu.vector_store %arg6[%swap3A_101], %broadcast_in_dim3A_100 {strides = array<i32>} : memref<10240xi32, #tpu.memory_space<vmem>>, vector<16xi32>,
      %add3A_103 = arith.constant 80 : i32
      %add3A_104 = arith.addi %mul3A_74, %add3A_103 : i32
      %broadcast_in_dim3A_105 = arith.constant 0 : i32
      %broadcast_in_dim3A_106 = vector.broadcast %broadcast_in_dim3A_105 : i32 to vector<16xi32>
      %swap3A_107 = arith.index_cast %add3A_104 : i32 to index
      %swap3A_108 = tpu.vector_load %arg6[%swap3A_107] {strides = array<i32>} : memref<10240xi32, #tpu.memory_space<vmem>>, vector<16xi32>,
      tpu.vector_store %arg6[%swap3A_107], %broadcast_in_dim3A_106 {strides = array<i32>} : memref<10240xi32, #tpu.memory_space<vmem>>, vector<16xi32>,
      %add3A_109 = arith.constant 96 : i32
      %add3A_110 = arith.addi %mul3A_74, %add3A_109 : i32
      %broadcast_in_dim3A_111 = arith.constant 0 : i32
      %broadcast_in_dim3A_112 = vector.broadcast %broadcast_in_dim3A_111 : i32 to vector<16xi32>
      %swap3A_113 = arith.index_cast %add3A_110 : i32 to index
      %swap3A_114 = tpu.vector_load %arg6[%swap3A_113] {strides = array<i32>} : memref<10240xi32, #tpu.memory_space<vmem>>, vector<16xi32>,
      tpu.vector_store %arg6[%swap3A_113], %broadcast_in_dim3A_112 {strides = array<i32>} : memref<10240xi32, #tpu.memory_space<vmem>>, vector<16xi32>,
      %add3A_115 = arith.constant 112 : i32
      %add3A_116 = arith.addi %mul3A_74, %add3A_115 : i32
      %broadcast_in_dim3A_117 = arith.constant 0 : i32
      %broadcast_in_dim3A_118 = vector.broadcast %broadcast_in_dim3A_117 : i32 to vector<16xi32>
      %swap3A_119 = arith.index_cast %add3A_116 : i32 to index
      %swap3A_120 = tpu.vector_load %arg6[%swap3A_119] {strides = array<i32>} : memref<10240xi32, #tpu.memory_space<vmem>>, vector<16xi32>,
      tpu.vector_store %arg6[%swap3A_119], %broadcast_in_dim3A_118 {strides = array<i32>} : memref<10240xi32, #tpu.memory_space<vmem>>, vector<16xi32>,
    }
    %mul3A = arith.constant 163840 : i32
    %mul3A_16 = arith.muli %arg0, %mul3A : i32
    %mul3A_17 = arith.constant 10240 : i32
    %mul3A_18 = arith.muli %arg1, %mul3A_17 : i32
    %add3A_19 = arith.addi %mul3A_16, %mul3A_18 : i32
    %mul3A_20 = arith.constant 0 : i32
    %mul3A_21 = arith.constant 1024 : i32
    %mul3A_22 = arith.muli %mul3A_20, %mul3A_21 : i32
    %add3A_23 = arith.addi %add3A_19, %mul3A_22 : i32
    %dma_start3A = tpu.memref_slice %arg2[%add3A_23] : memref<329728xi32, #tpu.memory_space<hbm>> -> memref<1024xi32, #tpu.memory_space<hbm>>
    %dma_start3A_24 = tpu.memref_slice %arg2[%add3A_23] : memref<329728xi32, #tpu.memory_space<hbm>> -> memref<1024xi32, #tpu.memory_space<hbm>>
    tpu.enqueue_dma source(%dma_start3A_24 : memref<1024xi32, #tpu.memory_space<hbm>>) target(%arg4 : memref<1024xi32, #tpu.memory_space<vmem>>) target_semaphore(%arg7 : memref<!tpu.dma_semaphore, #tpu.memory_space<semaphore_mem>>)
    %mul3A_25 = arith.constant 1 : i32
    %mul3A_26 = arith.constant 1024 : i32
    %mul3A_27 = arith.muli %mul3A_25, %mul3A_26 : i32
    %add3A_28 = arith.addi %add3A_19, %mul3A_27 : i32
    %dma_start3A_29 = tpu.memref_slice %arg2[%add3A_28] : memref<329728xi32, #tpu.memory_space<hbm>> -> memref<1024xi32, #tpu.memory_space<hbm>>
    %dma_start3A_30 = tpu.memref_slice %arg2[%add3A_28] : memref<329728xi32, #tpu.memory_space<hbm>> -> memref<1024xi32, #tpu.memory_space<hbm>>
    tpu.enqueue_dma source(%dma_start3A_30 : memref<1024xi32, #tpu.memory_space<hbm>>) target(%arg5 : memref<1024xi32, #tpu.memory_space<vmem>>) target_semaphore(%arg8 : memref<!tpu.dma_semaphore, #tpu.memory_space<semaphore_mem>>)
    %sub3A_31 = arith.constant 5 : i32
    %sub3A_32 = arith.constant 0 : i32
    %sub3A_33 = arith.subi %sub3A_31, %sub3A_32 : i32
    %sub3A_34 = arith.constant 1 : i32
    %sub3A_35 = arith.constant 1 : i32
    %sub3A_36 = arith.subi %sub3A_34, %sub3A_35 : i32
    %add3A_37 = arith.addi %sub3A_33, %sub3A_36 : i32
    %div3A_38 = arith.constant 1 : i32
    %div3A_39 = arith.divsi %add3A_37, %div3A_38 : i32
    %while3A_40 = arith.constant 1 : i32
    %while3A_41 = arith.constant 0 : i32
    %while3A_42 = arith.constant 0 : i32
    %while3A_43 = arith.subi %div3A_39, %while3A_42 : i32
    %while3A_44 = arith.addi %while3A_42, %while3A_43 : i32
    %while3A_45 = arith.constant 1 : i32
    %while3A_46 = arith.divsi %while3A_43, %while3A_45 : i32
    %while3A_47 = arith.muli %while3A_46, %while3A_45 : i32
    %while3A_48 = arith.addi %while3A_42, %while3A_47 : i32
    %while3A_49 = arith.constant 1 : i32
    scf.for %while3A_70 = %while3A_42 to %while3A_48 step %while3A_49  : i32 {
      %mul3A_71 = arith.muli %while3A_70, %while3A_40 : i32
      %add3A_72 = arith.addi %while3A_41, %mul3A_71 : i32
      %dma_wait3A_73 = arith.constant 0 : i32
      %dma_wait3A_74 = tpu.memref_slice %arg2[%dma_wait3A_73] : memref<329728xi32, #tpu.memory_space<hbm>> -> memref<1024xi32, #tpu.memory_space<hbm>>
      %dma_wait3A_75 = arith.constant 0 : i32
      %dma_wait3A_76 = tpu.memref_slice %arg2[%dma_wait3A_75] : memref<329728xi32, #tpu.memory_space<hbm>> -> memref<1024xi32, #tpu.memory_space<hbm>>
      tpu.wait_dma2 semaphore(%arg7 : memref<!tpu.dma_semaphore, #tpu.memory_space<semaphore_mem>>) src(%dma_wait3A_76 : memref<1024xi32, #tpu.memory_space<hbm>>) dst(%arg4 : memref<1024xi32, #tpu.memory_space<vmem>>)
      %sub3A_77 = arith.constant 8 : i32
      %sub3A_78 = arith.constant 0 : i32
      %sub3A_79 = arith.subi %sub3A_77, %sub3A_78 : i32
      %sub3A_80 = arith.constant 1 : i32
      %sub3A_81 = arith.constant 1 : i32
      %sub3A_82 = arith.subi %sub3A_80, %sub3A_81 : i32
      %add3A_83 = arith.addi %sub3A_79, %sub3A_82 : i32
      %div3A_84 = arith.constant 1 : i32
      %div3A_85 = arith.divsi %add3A_83, %div3A_84 : i32
      %while3A_86 = arith.constant 1 : i32
      %while3A_87 = arith.constant 0 : i32
      %while3A_88 = arith.constant 0 : i32
      %while3A_89 = arith.subi %div3A_85, %while3A_88 : i32
      %while3A_90 = arith.addi %while3A_88, %while3A_89 : i32
      %while3A_91 = arith.constant 1 : i32
      %while3A_92 = arith.divsi %while3A_89, %while3A_91 : i32
      %while3A_93 = arith.muli %while3A_92, %while3A_91 : i32
      %while3A_94 = arith.addi %while3A_88, %while3A_93 : i32
      %while3A_95 = arith.constant 1 : i32
      scf.for %while3A_139 = %while3A_88 to %while3A_94 step %while3A_95  : i32 {
        %mul3A_140 = arith.muli %while3A_139, %while3A_86 : i32
        %add3A_141 = arith.addi %while3A_87, %mul3A_140 : i32
        %broadcast_in_dim3A = arith.constant 1 : i32
        %broadcast_in_dim3A_142 = vector.broadcast %broadcast_in_dim3A : i32 to vector<16xi32>
        %mul3A_143 = arith.constant 128 : i32
        %mul3A_144 = arith.muli %add3A_141, %mul3A_143 : i32
        %add3A_145 = arith.constant 0 : i32
        %add3A_146 = arith.addi %mul3A_144, %add3A_145 : i32
        %get3A = arith.index_cast %add3A_146 : i32 to index
        %get3A_147 = tpu.vector_load %arg4[%get3A] {strides = array<i32>} : memref<1024xi32, #tpu.memory_space<vmem>>, vector<16xi32>,
        tpu.vector_store_idx %arg6[%get3A_147], %broadcast_in_dim3A_142 {add = true} : memref<10240xi32, #tpu.memory_space<vmem>>[vector<16xi32>], vector<16xi32>,
        %add3A_148 = arith.constant 16 : i32
        %add3A_149 = arith.addi %mul3A_144, %add3A_148 : i32
        %get3A_150 = arith.index_cast %add3A_149 : i32 to index
        %get3A_151 = tpu.vector_load %arg4[%get3A_150] {strides = array<i32>} : memref<1024xi32, #tpu.memory_space<vmem>>, vector<16xi32>,
        tpu.vector_store_idx %arg6[%get3A_151], %broadcast_in_dim3A_142 {add = true} : memref<10240xi32, #tpu.memory_space<vmem>>[vector<16xi32>], vector<16xi32>,
        %add3A_152 = arith.constant 32 : i32
        %add3A_153 = arith.addi %mul3A_144, %add3A_152 : i32
        %get3A_154 = arith.index_cast %add3A_153 : i32 to index
        %get3A_155 = tpu.vector_load %arg4[%get3A_154] {strides = array<i32>} : memref<1024xi32, #tpu.memory_space<vmem>>, vector<16xi32>,
        tpu.vector_store_idx %arg6[%get3A_155], %broadcast_in_dim3A_142 {add = true} : memref<10240xi32, #tpu.memory_space<vmem>>[vector<16xi32>], vector<16xi32>,
        %add3A_156 = arith.constant 48 : i32
        %add3A_157 = arith.addi %mul3A_144, %add3A_156 : i32
        %get3A_158 = arith.index_cast %add3A_157 : i32 to index
        %get3A_159 = tpu.vector_load %arg4[%get3A_158] {strides = array<i32>} : memref<1024xi32, #tpu.memory_space<vmem>>, vector<16xi32>,
        tpu.vector_store_idx %arg6[%get3A_159], %broadcast_in_dim3A_142 {add = true} : memref<10240xi32, #tpu.memory_space<vmem>>[vector<16xi32>], vector<16xi32>,
        %add3A_160 = arith.constant 64 : i32
        %add3A_161 = arith.addi %mul3A_144, %add3A_160 : i32
        %get3A_162 = arith.index_cast %add3A_161 : i32 to index
        %get3A_163 = tpu.vector_load %arg4[%get3A_162] {strides = array<i32>} : memref<1024xi32, #tpu.memory_space<vmem>>, vector<16xi32>,
        tpu.vector_store_idx %arg6[%get3A_163], %broadcast_in_dim3A_142 {add = true} : memref<10240xi32, #tpu.memory_space<vmem>>[vector<16xi32>], vector<16xi32>,
        %add3A_164 = arith.constant 80 : i32
        %add3A_165 = arith.addi %mul3A_144, %add3A_164 : i32
        %get3A_166 = arith.index_cast %add3A_165 : i32 to index
        %get3A_167 = tpu.vector_load %arg4[%get3A_166] {strides = array<i32>} : memref<1024xi32, #tpu.memory_space<vmem>>, vector<16xi32>,
        tpu.vector_store_idx %arg6[%get3A_167], %broadcast_in_dim3A_142 {add = true} : memref<10240xi32, #tpu.memory_space<vmem>>[vector<16xi32>], vector<16xi32>,
        %add3A_168 = arith.constant 96 : i32
        %add3A_169 = arith.addi %mul3A_144, %add3A_168 : i32
        %get3A_170 = arith.index_cast %add3A_169 : i32 to index
        %get3A_171 = tpu.vector_load %arg4[%get3A_170] {strides = array<i32>} : memref<1024xi32, #tpu.memory_space<vmem>>, vector<16xi32>,
        tpu.vector_store_idx %arg6[%get3A_171], %broadcast_in_dim3A_142 {add = true} : memref<10240xi32, #tpu.memory_space<vmem>>[vector<16xi32>], vector<16xi32>,
        %add3A_172 = arith.constant 112 : i32
        %add3A_173 = arith.addi %mul3A_144, %add3A_172 : i32
        %get3A_174 = arith.index_cast %add3A_173 : i32 to index
        %get3A_175 = tpu.vector_load %arg4[%get3A_174] {strides = array<i32>} : memref<1024xi32, #tpu.memory_space<vmem>>, vector<16xi32>,
        tpu.vector_store_idx %arg6[%get3A_175], %broadcast_in_dim3A_142 {add = true} : memref<10240xi32, #tpu.memory_space<vmem>>[vector<16xi32>], vector<16xi32>,
      }
      %while3A_96 = arith.constant 1 : i32
      scf.for %while3A_139 = %while3A_94 to %while3A_90 step %while3A_96  : i32 {
        %mul3A_140 = arith.muli %while3A_139, %while3A_86 : i32
        %add3A_141 = arith.addi %while3A_87, %mul3A_140 : i32
        %broadcast_in_dim3A = arith.constant 1 : i32
        %broadcast_in_dim3A_142 = vector.broadcast %broadcast_in_dim3A : i32 to vector<16xi32>
        %mul3A_143 = arith.constant 128 : i32
        %mul3A_144 = arith.muli %add3A_141, %mul3A_143 : i32
        %add3A_145 = arith.constant 0 : i32
        %add3A_146 = arith.addi %mul3A_144, %add3A_145 : i32
        %get3A = arith.index_cast %add3A_146 : i32 to index
        %get3A_147 = tpu.vector_load %arg4[%get3A] {strides = array<i32>} : memref<1024xi32, #tpu.memory_space<vmem>>, vector<16xi32>,
        tpu.vector_store_idx %arg6[%get3A_147], %broadcast_in_dim3A_142 {add = true} : memref<10240xi32, #tpu.memory_space<vmem>>[vector<16xi32>], vector<16xi32>,
        %add3A_148 = arith.constant 16 : i32
        %add3A_149 = arith.addi %mul3A_144, %add3A_148 : i32
        %get3A_150 = arith.index_cast %add3A_149 : i32 to index
        %get3A_151 = tpu.vector_load %arg4[%get3A_150] {strides = array<i32>} : memref<1024xi32, #tpu.memory_space<vmem>>, vector<16xi32>,
        tpu.vector_store_idx %arg6[%get3A_151], %broadcast_in_dim3A_142 {add = true} : memref<10240xi32, #tpu.memory_space<vmem>>[vector<16xi32>], vector<16xi32>,
        %add3A_152 = arith.constant 32 : i32
        %add3A_153 = arith.addi %mul3A_144, %add3A_152 : i32
        %get3A_154 = arith.index_cast %add3A_153 : i32 to index
        %get3A_155 = tpu.vector_load %arg4[%get3A_154] {strides = array<i32>} : memref<1024xi32, #tpu.memory_space<vmem>>, vector<16xi32>,
        tpu.vector_store_idx %arg6[%get3A_155], %broadcast_in_dim3A_142 {add = true} : memref<10240xi32, #tpu.memory_space<vmem>>[vector<16xi32>], vector<16xi32>,
        %add3A_156 = arith.constant 48 : i32
        %add3A_157 = arith.addi %mul3A_144, %add3A_156 : i32
        %get3A_158 = arith.index_cast %add3A_157 : i32 to index
        %get3A_159 = tpu.vector_load %arg4[%get3A_158] {strides = array<i32>} : memref<1024xi32, #tpu.memory_space<vmem>>, vector<16xi32>,
        tpu.vector_store_idx %arg6[%get3A_159], %broadcast_in_dim3A_142 {add = true} : memref<10240xi32, #tpu.memory_space<vmem>>[vector<16xi32>], vector<16xi32>,
        %add3A_160 = arith.constant 64 : i32
        %add3A_161 = arith.addi %mul3A_144, %add3A_160 : i32
        %get3A_162 = arith.index_cast %add3A_161 : i32 to index
        %get3A_163 = tpu.vector_load %arg4[%get3A_162] {strides = array<i32>} : memref<1024xi32, #tpu.memory_space<vmem>>, vector<16xi32>,
        tpu.vector_store_idx %arg6[%get3A_163], %broadcast_in_dim3A_142 {add = true} : memref<10240xi32, #tpu.memory_space<vmem>>[vector<16xi32>], vector<16xi32>,
        %add3A_164 = arith.constant 80 : i32
        %add3A_165 = arith.addi %mul3A_144, %add3A_164 : i32
        %get3A_166 = arith.index_cast %add3A_165 : i32 to index
        %get3A_167 = tpu.vector_load %arg4[%get3A_166] {strides = array<i32>} : memref<1024xi32, #tpu.memory_space<vmem>>, vector<16xi32>,
        tpu.vector_store_idx %arg6[%get3A_167], %broadcast_in_dim3A_142 {add = true} : memref<10240xi32, #tpu.memory_space<vmem>>[vector<16xi32>], vector<16xi32>,
        %add3A_168 = arith.constant 96 : i32
        %add3A_169 = arith.addi %mul3A_144, %add3A_168 : i32
        %get3A_170 = arith.index_cast %add3A_169 : i32 to index
        %get3A_171 = tpu.vector_load %arg4[%get3A_170] {strides = array<i32>} : memref<1024xi32, #tpu.memory_space<vmem>>, vector<16xi32>,
        tpu.vector_store_idx %arg6[%get3A_171], %broadcast_in_dim3A_142 {add = true} : memref<10240xi32, #tpu.memory_space<vmem>>[vector<16xi32>], vector<16xi32>,
        %add3A_172 = arith.constant 112 : i32
        %add3A_173 = arith.addi %mul3A_144, %add3A_172 : i32
        %get3A_174 = arith.index_cast %add3A_173 : i32 to index
        %get3A_175 = tpu.vector_load %arg4[%get3A_174] {strides = array<i32>} : memref<1024xi32, #tpu.memory_space<vmem>>, vector<16xi32>,
        tpu.vector_store_idx %arg6[%get3A_175], %broadcast_in_dim3A_142 {add = true} : memref<10240xi32, #tpu.memory_space<vmem>>[vector<16xi32>], vector<16xi32>,
      }
      %mul3A_97 = arith.constant 2 : i32
      %mul3A_98 = arith.muli %mul3A_97, %add3A_72 : i32
      %add3A_99 = arith.constant 2 : i32
      %add3A_100 = arith.addi %mul3A_98, %add3A_99 : i32
      %mul3A_101 = arith.constant 1024 : i32
      %mul3A_102 = arith.muli %add3A_100, %mul3A_101 : i32
      %add3A_103 = arith.addi %add3A_19, %mul3A_102 : i32
      %dma_start3A_104 = tpu.memref_slice %arg2[%add3A_103] : memref<329728xi32, #tpu.memory_space<hbm>> -> memref<1024xi32, #tpu.memory_space<hbm>>
      %dma_start3A_105 = tpu.memref_slice %arg2[%add3A_103] : memref<329728xi32, #tpu.memory_space<hbm>> -> memref<1024xi32, #tpu.memory_space<hbm>>
      tpu.enqueue_dma source(%dma_start3A_105 : memref<1024xi32, #tpu.memory_space<hbm>>) target(%arg4 : memref<1024xi32, #tpu.memory_space<vmem>>) target_semaphore(%arg7 : memref<!tpu.dma_semaphore, #tpu.memory_space<semaphore_mem>>)
      %dma_wait3A_106 = arith.constant 0 : i32
      %dma_wait3A_107 = tpu.memref_slice %arg2[%dma_wait3A_106] : memref<329728xi32, #tpu.memory_space<hbm>> -> memref<1024xi32, #tpu.memory_space<hbm>>
      %dma_wait3A_108 = arith.constant 0 : i32
      %dma_wait3A_109 = tpu.memref_slice %arg2[%dma_wait3A_108] : memref<329728xi32, #tpu.memory_space<hbm>> -> memref<1024xi32, #tpu.memory_space<hbm>>
      tpu.wait_dma2 semaphore(%arg8 : memref<!tpu.dma_semaphore, #tpu.memory_space<semaphore_mem>>) src(%dma_wait3A_109 : memref<1024xi32, #tpu.memory_space<hbm>>) dst(%arg5 : memref<1024xi32, #tpu.memory_space<vmem>>)
      %sub3A_110 = arith.constant 8 : i32
      %sub3A_111 = arith.constant 0 : i32
      %sub3A_112 = arith.subi %sub3A_110, %sub3A_111 : i32
      %sub3A_113 = arith.constant 1 : i32
      %sub3A_114 = arith.constant 1 : i32
      %sub3A_115 = arith.subi %sub3A_113, %sub3A_114 : i32
      %add3A_116 = arith.addi %sub3A_112, %sub3A_115 : i32
      %div3A_117 = arith.constant 1 : i32
      %div3A_118 = arith.divsi %add3A_116, %div3A_117 : i32
      %while3A_119 = arith.constant 1 : i32
      %while3A_120 = arith.constant 0 : i32
      %while3A_121 = arith.constant 0 : i32
      %while3A_122 = arith.subi %div3A_118, %while3A_121 : i32
      %while3A_123 = arith.addi %while3A_121, %while3A_122 : i32
      %while3A_124 = arith.constant 1 : i32
      %while3A_125 = arith.divsi %while3A_122, %while3A_124 : i32
      %while3A_126 = arith.muli %while3A_125, %while3A_124 : i32
      %while3A_127 = arith.addi %while3A_121, %while3A_126 : i32
      %while3A_128 = arith.constant 1 : i32
      scf.for %while3A_139 = %while3A_121 to %while3A_127 step %while3A_128  : i32 {
        %mul3A_140 = arith.muli %while3A_139, %while3A_119 : i32
        %add3A_141 = arith.addi %while3A_120, %mul3A_140 : i32
        %broadcast_in_dim3A = arith.constant 1 : i32
        %broadcast_in_dim3A_142 = vector.broadcast %broadcast_in_dim3A : i32 to vector<16xi32>
        %mul3A_143 = arith.constant 128 : i32
        %mul3A_144 = arith.muli %add3A_141, %mul3A_143 : i32
        %add3A_145 = arith.constant 0 : i32
        %add3A_146 = arith.addi %mul3A_144, %add3A_145 : i32
        %get3A = arith.index_cast %add3A_146 : i32 to index
        %get3A_147 = tpu.vector_load %arg5[%get3A] {strides = array<i32>} : memref<1024xi32, #tpu.memory_space<vmem>>, vector<16xi32>,
        tpu.vector_store_idx %arg6[%get3A_147], %broadcast_in_dim3A_142 {add = true} : memref<10240xi32, #tpu.memory_space<vmem>>[vector<16xi32>], vector<16xi32>,
        %add3A_148 = arith.constant 16 : i32
        %add3A_149 = arith.addi %mul3A_144, %add3A_148 : i32
        %get3A_150 = arith.index_cast %add3A_149 : i32 to index
        %get3A_151 = tpu.vector_load %arg5[%get3A_150] {strides = array<i32>} : memref<1024xi32, #tpu.memory_space<vmem>>, vector<16xi32>,
        tpu.vector_store_idx %arg6[%get3A_151], %broadcast_in_dim3A_142 {add = true} : memref<10240xi32, #tpu.memory_space<vmem>>[vector<16xi32>], vector<16xi32>,
        %add3A_152 = arith.constant 32 : i32
        %add3A_153 = arith.addi %mul3A_144, %add3A_152 : i32
        %get3A_154 = arith.index_cast %add3A_153 : i32 to index
        %get3A_155 = tpu.vector_load %arg5[%get3A_154] {strides = array<i32>} : memref<1024xi32, #tpu.memory_space<vmem>>, vector<16xi32>,
        tpu.vector_store_idx %arg6[%get3A_155], %broadcast_in_dim3A_142 {add = true} : memref<10240xi32, #tpu.memory_space<vmem>>[vector<16xi32>], vector<16xi32>,
        %add3A_156 = arith.constant 48 : i32
        %add3A_157 = arith.addi %mul3A_144, %add3A_156 : i32
        %get3A_158 = arith.index_cast %add3A_157 : i32 to index
        %get3A_159 = tpu.vector_load %arg5[%get3A_158] {strides = array<i32>} : memref<1024xi32, #tpu.memory_space<vmem>>, vector<16xi32>,
        tpu.vector_store_idx %arg6[%get3A_159], %broadcast_in_dim3A_142 {add = true} : memref<10240xi32, #tpu.memory_space<vmem>>[vector<16xi32>], vector<16xi32>,
        %add3A_160 = arith.constant 64 : i32
        %add3A_161 = arith.addi %mul3A_144, %add3A_160 : i32
        %get3A_162 = arith.index_cast %add3A_161 : i32 to index
        %get3A_163 = tpu.vector_load %arg5[%get3A_162] {strides = array<i32>} : memref<1024xi32, #tpu.memory_space<vmem>>, vector<16xi32>,
        tpu.vector_store_idx %arg6[%get3A_163], %broadcast_in_dim3A_142 {add = true} : memref<10240xi32, #tpu.memory_space<vmem>>[vector<16xi32>], vector<16xi32>,
        %add3A_164 = arith.constant 80 : i32
        %add3A_165 = arith.addi %mul3A_144, %add3A_164 : i32
        %get3A_166 = arith.index_cast %add3A_165 : i32 to index
        %get3A_167 = tpu.vector_load %arg5[%get3A_166] {strides = array<i32>} : memref<1024xi32, #tpu.memory_space<vmem>>, vector<16xi32>,
        tpu.vector_store_idx %arg6[%get3A_167], %broadcast_in_dim3A_142 {add = true} : memref<10240xi32, #tpu.memory_space<vmem>>[vector<16xi32>], vector<16xi32>,
        %add3A_168 = arith.constant 96 : i32
        %add3A_169 = arith.addi %mul3A_144, %add3A_168 : i32
        %get3A_170 = arith.index_cast %add3A_169 : i32 to index
        %get3A_171 = tpu.vector_load %arg5[%get3A_170] {strides = array<i32>} : memref<1024xi32, #tpu.memory_space<vmem>>, vector<16xi32>,
        tpu.vector_store_idx %arg6[%get3A_171], %broadcast_in_dim3A_142 {add = true} : memref<10240xi32, #tpu.memory_space<vmem>>[vector<16xi32>], vector<16xi32>,
        %add3A_172 = arith.constant 112 : i32
        %add3A_173 = arith.addi %mul3A_144, %add3A_172 : i32
        %get3A_174 = arith.index_cast %add3A_173 : i32 to index
        %get3A_175 = tpu.vector_load %arg5[%get3A_174] {strides = array<i32>} : memref<1024xi32, #tpu.memory_space<vmem>>, vector<16xi32>,
        tpu.vector_store_idx %arg6[%get3A_175], %broadcast_in_dim3A_142 {add = true} : memref<10240xi32, #tpu.memory_space<vmem>>[vector<16xi32>], vector<16xi32>,
      }
      %while3A_129 = arith.constant 1 : i32
      scf.for %while3A_139 = %while3A_127 to %while3A_123 step %while3A_129  : i32 {
        %mul3A_140 = arith.muli %while3A_139, %while3A_119 : i32
        %add3A_141 = arith.addi %while3A_120, %mul3A_140 : i32
        %broadcast_in_dim3A = arith.constant 1 : i32
        %broadcast_in_dim3A_142 = vector.broadcast %broadcast_in_dim3A : i32 to vector<16xi32>
        %mul3A_143 = arith.constant 128 : i32
        %mul3A_144 = arith.muli %add3A_141, %mul3A_143 : i32
        %add3A_145 = arith.constant 0 : i32
        %add3A_146 = arith.addi %mul3A_144, %add3A_145 : i32
        %get3A = arith.index_cast %add3A_146 : i32 to index
        %get3A_147 = tpu.vector_load %arg5[%get3A] {strides = array<i32>} : memref<1024xi32, #tpu.memory_space<vmem>>, vector<16xi32>,
        tpu.vector_store_idx %arg6[%get3A_147], %broadcast_in_dim3A_142 {add = true} : memref<10240xi32, #tpu.memory_space<vmem>>[vector<16xi32>], vector<16xi32>,
        %add3A_148 = arith.constant 16 : i32
        %add3A_149 = arith.addi %mul3A_144, %add3A_148 : i32
        %get3A_150 = arith.index_cast %add3A_149 : i32 to index
        %get3A_151 = tpu.vector_load %arg5[%get3A_150] {strides = array<i32>} : memref<1024xi32, #tpu.memory_space<vmem>>, vector<16xi32>,
        tpu.vector_store_idx %arg6[%get3A_151], %broadcast_in_dim3A_142 {add = true} : memref<10240xi32, #tpu.memory_space<vmem>>[vector<16xi32>], vector<16xi32>,
        %add3A_152 = arith.constant 32 : i32
        %add3A_153 = arith.addi %mul3A_144, %add3A_152 : i32
        %get3A_154 = arith.index_cast %add3A_153 : i32 to index
        %get3A_155 = tpu.vector_load %arg5[%get3A_154] {strides = array<i32>} : memref<1024xi32, #tpu.memory_space<vmem>>, vector<16xi32>,
        tpu.vector_store_idx %arg6[%get3A_155], %broadcast_in_dim3A_142 {add = true} : memref<10240xi32, #tpu.memory_space<vmem>>[vector<16xi32>], vector<16xi32>,
        %add3A_156 = arith.constant 48 : i32
        %add3A_157 = arith.addi %mul3A_144, %add3A_156 : i32
        %get3A_158 = arith.index_cast %add3A_157 : i32 to index
        %get3A_159 = tpu.vector_load %arg5[%get3A_158] {strides = array<i32>} : memref<1024xi32, #tpu.memory_space<vmem>>, vector<16xi32>,
        tpu.vector_store_idx %arg6[%get3A_159], %broadcast_in_dim3A_142 {add = true} : memref<10240xi32, #tpu.memory_space<vmem>>[vector<16xi32>], vector<16xi32>,
        %add3A_160 = arith.constant 64 : i32
        %add3A_161 = arith.addi %mul3A_144, %add3A_160 : i32
        %get3A_162 = arith.index_cast %add3A_161 : i32 to index
        %get3A_163 = tpu.vector_load %arg5[%get3A_162] {strides = array<i32>} : memref<1024xi32, #tpu.memory_space<vmem>>, vector<16xi32>,
        tpu.vector_store_idx %arg6[%get3A_163], %broadcast_in_dim3A_142 {add = true} : memref<10240xi32, #tpu.memory_space<vmem>>[vector<16xi32>], vector<16xi32>,
        %add3A_164 = arith.constant 80 : i32
        %add3A_165 = arith.addi %mul3A_144, %add3A_164 : i32
        %get3A_166 = arith.index_cast %add3A_165 : i32 to index
        %get3A_167 = tpu.vector_load %arg5[%get3A_166] {strides = array<i32>} : memref<1024xi32, #tpu.memory_space<vmem>>, vector<16xi32>,
        tpu.vector_store_idx %arg6[%get3A_167], %broadcast_in_dim3A_142 {add = true} : memref<10240xi32, #tpu.memory_space<vmem>>[vector<16xi32>], vector<16xi32>,
        %add3A_168 = arith.constant 96 : i32
        %add3A_169 = arith.addi %mul3A_144, %add3A_168 : i32
        %get3A_170 = arith.index_cast %add3A_169 : i32 to index
        %get3A_171 = tpu.vector_load %arg5[%get3A_170] {strides = array<i32>} : memref<1024xi32, #tpu.memory_space<vmem>>, vector<16xi32>,
        tpu.vector_store_idx %arg6[%get3A_171], %broadcast_in_dim3A_142 {add = true} : memref<10240xi32, #tpu.memory_space<vmem>>[vector<16xi32>], vector<16xi32>,
        %add3A_172 = arith.constant 112 : i32
        %add3A_173 = arith.addi %mul3A_144, %add3A_172 : i32
        %get3A_174 = arith.index_cast %add3A_173 : i32 to index
        %get3A_175 = tpu.vector_load %arg5[%get3A_174] {strides = array<i32>} : memref<1024xi32, #tpu.memory_space<vmem>>, vector<16xi32>,
        tpu.vector_store_idx %arg6[%get3A_175], %broadcast_in_dim3A_142 {add = true} : memref<10240xi32, #tpu.memory_space<vmem>>[vector<16xi32>], vector<16xi32>,
      }
      %mul3A_130 = arith.constant 2 : i32
      %mul3A_131 = arith.muli %mul3A_130, %add3A_72 : i32
      %add3A_132 = arith.constant 3 : i32
      %add3A_133 = arith.addi %mul3A_131, %add3A_132 : i32
      %mul3A_134 = arith.constant 1024 : i32
      %mul3A_135 = arith.muli %add3A_133, %mul3A_134 : i32
      %add3A_136 = arith.addi %add3A_19, %mul3A_135 : i32
      %dma_start3A_137 = tpu.memref_slice %arg2[%add3A_136] : memref<329728xi32, #tpu.memory_space<hbm>> -> memref<1024xi32, #tpu.memory_space<hbm>>
      %dma_start3A_138 = tpu.memref_slice %arg2[%add3A_136] : memref<329728xi32, #tpu.memory_space<hbm>> -> memref<1024xi32, #tpu.memory_space<hbm>>
      tpu.enqueue_dma source(%dma_start3A_138 : memref<1024xi32, #tpu.memory_space<hbm>>) target(%arg5 : memref<1024xi32, #tpu.memory_space<vmem>>) target_semaphore(%arg8 : memref<!tpu.dma_semaphore, #tpu.memory_space<semaphore_mem>>)
    }
    %while3A_50 = arith.constant 1 : i32
    scf.for %while3A_70 = %while3A_48 to %while3A_44 step %while3A_50  : i32 {
      %mul3A_71 = arith.muli %while3A_70, %while3A_40 : i32
      %add3A_72 = arith.addi %while3A_41, %mul3A_71 : i32
      %dma_wait3A_73 = arith.constant 0 : i32
      %dma_wait3A_74 = tpu.memref_slice %arg2[%dma_wait3A_73] : memref<329728xi32, #tpu.memory_space<hbm>> -> memref<1024xi32, #tpu.memory_space<hbm>>
      %dma_wait3A_75 = arith.constant 0 : i32
      %dma_wait3A_76 = tpu.memref_slice %arg2[%dma_wait3A_75] : memref<329728xi32, #tpu.memory_space<hbm>> -> memref<1024xi32, #tpu.memory_space<hbm>>
      tpu.wait_dma2 semaphore(%arg7 : memref<!tpu.dma_semaphore, #tpu.memory_space<semaphore_mem>>) src(%dma_wait3A_76 : memref<1024xi32, #tpu.memory_space<hbm>>) dst(%arg4 : memref<1024xi32, #tpu.memory_space<vmem>>)
      %sub3A_77 = arith.constant 8 : i32
      %sub3A_78 = arith.constant 0 : i32
      %sub3A_79 = arith.subi %sub3A_77, %sub3A_78 : i32
      %sub3A_80 = arith.constant 1 : i32
      %sub3A_81 = arith.constant 1 : i32
      %sub3A_82 = arith.subi %sub3A_80, %sub3A_81 : i32
      %add3A_83 = arith.addi %sub3A_79, %sub3A_82 : i32
      %div3A_84 = arith.constant 1 : i32
      %div3A_85 = arith.divsi %add3A_83, %div3A_84 : i32
      %while3A_86 = arith.constant 1 : i32
      %while3A_87 = arith.constant 0 : i32
      %while3A_88 = arith.constant 0 : i32
      %while3A_89 = arith.subi %div3A_85, %while3A_88 : i32
      %while3A_90 = arith.addi %while3A_88, %while3A_89 : i32
      %while3A_91 = arith.constant 1 : i32
      %while3A_92 = arith.divsi %while3A_89, %while3A_91 : i32
      %while3A_93 = arith.muli %while3A_92, %while3A_91 : i32
      %while3A_94 = arith.addi %while3A_88, %while3A_93 : i32
      %while3A_95 = arith.constant 1 : i32
      scf.for %while3A_139 = %while3A_88 to %while3A_94 step %while3A_95  : i32 {
        %mul3A_140 = arith.muli %while3A_139, %while3A_86 : i32
        %add3A_141 = arith.addi %while3A_87, %mul3A_140 : i32
        %broadcast_in_dim3A = arith.constant 1 : i32
        %broadcast_in_dim3A_142 = vector.broadcast %broadcast_in_dim3A : i32 to vector<16xi32>
        %mul3A_143 = arith.constant 128 : i32
        %mul3A_144 = arith.muli %add3A_141, %mul3A_143 : i32
        %add3A_145 = arith.constant 0 : i32
        %add3A_146 = arith.addi %mul3A_144, %add3A_145 : i32
        %get3A = arith.index_cast %add3A_146 : i32 to index
        %get3A_147 = tpu.vector_load %arg4[%get3A] {strides = array<i32>} : memref<1024xi32, #tpu.memory_space<vmem>>, vector<16xi32>,
        tpu.vector_store_idx %arg6[%get3A_147], %broadcast_in_dim3A_142 {add = true} : memref<10240xi32, #tpu.memory_space<vmem>>[vector<16xi32>], vector<16xi32>,
        %add3A_148 = arith.constant 16 : i32
        %add3A_149 = arith.addi %mul3A_144, %add3A_148 : i32
        %get3A_150 = arith.index_cast %add3A_149 : i32 to index
        %get3A_151 = tpu.vector_load %arg4[%get3A_150] {strides = array<i32>} : memref<1024xi32, #tpu.memory_space<vmem>>, vector<16xi32>,
        tpu.vector_store_idx %arg6[%get3A_151], %broadcast_in_dim3A_142 {add = true} : memref<10240xi32, #tpu.memory_space<vmem>>[vector<16xi32>], vector<16xi32>,
        %add3A_152 = arith.constant 32 : i32
        %add3A_153 = arith.addi %mul3A_144, %add3A_152 : i32
        %get3A_154 = arith.index_cast %add3A_153 : i32 to index
        %get3A_155 = tpu.vector_load %arg4[%get3A_154] {strides = array<i32>} : memref<1024xi32, #tpu.memory_space<vmem>>, vector<16xi32>,
        tpu.vector_store_idx %arg6[%get3A_155], %broadcast_in_dim3A_142 {add = true} : memref<10240xi32, #tpu.memory_space<vmem>>[vector<16xi32>], vector<16xi32>,
        %add3A_156 = arith.constant 48 : i32
        %add3A_157 = arith.addi %mul3A_144, %add3A_156 : i32
        %get3A_158 = arith.index_cast %add3A_157 : i32 to index
        %get3A_159 = tpu.vector_load %arg4[%get3A_158] {strides = array<i32>} : memref<1024xi32, #tpu.memory_space<vmem>>, vector<16xi32>,
        tpu.vector_store_idx %arg6[%get3A_159], %broadcast_in_dim3A_142 {add = true} : memref<10240xi32, #tpu.memory_space<vmem>>[vector<16xi32>], vector<16xi32>,
        %add3A_160 = arith.constant 64 : i32
        %add3A_161 = arith.addi %mul3A_144, %add3A_160 : i32
        %get3A_162 = arith.index_cast %add3A_161 : i32 to index
        %get3A_163 = tpu.vector_load %arg4[%get3A_162] {strides = array<i32>} : memref<1024xi32, #tpu.memory_space<vmem>>, vector<16xi32>,
        tpu.vector_store_idx %arg6[%get3A_163], %broadcast_in_dim3A_142 {add = true} : memref<10240xi32, #tpu.memory_space<vmem>>[vector<16xi32>], vector<16xi32>,
        %add3A_164 = arith.constant 80 : i32
        %add3A_165 = arith.addi %mul3A_144, %add3A_164 : i32
        %get3A_166 = arith.index_cast %add3A_165 : i32 to index
        %get3A_167 = tpu.vector_load %arg4[%get3A_166] {strides = array<i32>} : memref<1024xi32, #tpu.memory_space<vmem>>, vector<16xi32>,
        tpu.vector_store_idx %arg6[%get3A_167], %broadcast_in_dim3A_142 {add = true} : memref<10240xi32, #tpu.memory_space<vmem>>[vector<16xi32>], vector<16xi32>,
        %add3A_168 = arith.constant 96 : i32
        %add3A_169 = arith.addi %mul3A_144, %add3A_168 : i32
        %get3A_170 = arith.index_cast %add3A_169 : i32 to index
        %get3A_171 = tpu.vector_load %arg4[%get3A_170] {strides = array<i32>} : memref<1024xi32, #tpu.memory_space<vmem>>, vector<16xi32>,
        tpu.vector_store_idx %arg6[%get3A_171], %broadcast_in_dim3A_142 {add = true} : memref<10240xi32, #tpu.memory_space<vmem>>[vector<16xi32>], vector<16xi32>,
        %add3A_172 = arith.constant 112 : i32
        %add3A_173 = arith.addi %mul3A_144, %add3A_172 : i32
        %get3A_174 = arith.index_cast %add3A_173 : i32 to index
        %get3A_175 = tpu.vector_load %arg4[%get3A_174] {strides = array<i32>} : memref<1024xi32, #tpu.memory_space<vmem>>, vector<16xi32>,
        tpu.vector_store_idx %arg6[%get3A_175], %broadcast_in_dim3A_142 {add = true} : memref<10240xi32, #tpu.memory_space<vmem>>[vector<16xi32>], vector<16xi32>,
      }
      %while3A_96 = arith.constant 1 : i32
      scf.for %while3A_139 = %while3A_94 to %while3A_90 step %while3A_96  : i32 {
        %mul3A_140 = arith.muli %while3A_139, %while3A_86 : i32
        %add3A_141 = arith.addi %while3A_87, %mul3A_140 : i32
        %broadcast_in_dim3A = arith.constant 1 : i32
        %broadcast_in_dim3A_142 = vector.broadcast %broadcast_in_dim3A : i32 to vector<16xi32>
        %mul3A_143 = arith.constant 128 : i32
        %mul3A_144 = arith.muli %add3A_141, %mul3A_143 : i32
        %add3A_145 = arith.constant 0 : i32
        %add3A_146 = arith.addi %mul3A_144, %add3A_145 : i32
        %get3A = arith.index_cast %add3A_146 : i32 to index
        %get3A_147 = tpu.vector_load %arg4[%get3A] {strides = array<i32>} : memref<1024xi32, #tpu.memory_space<vmem>>, vector<16xi32>,
        tpu.vector_store_idx %arg6[%get3A_147], %broadcast_in_dim3A_142 {add = true} : memref<10240xi32, #tpu.memory_space<vmem>>[vector<16xi32>], vector<16xi32>,
        %add3A_148 = arith.constant 16 : i32
        %add3A_149 = arith.addi %mul3A_144, %add3A_148 : i32
        %get3A_150 = arith.index_cast %add3A_149 : i32 to index
        %get3A_151 = tpu.vector_load %arg4[%get3A_150] {strides = array<i32>} : memref<1024xi32, #tpu.memory_space<vmem>>, vector<16xi32>,
        tpu.vector_store_idx %arg6[%get3A_151], %broadcast_in_dim3A_142 {add = true} : memref<10240xi32, #tpu.memory_space<vmem>>[vector<16xi32>], vector<16xi32>,
        %add3A_152 = arith.constant 32 : i32
        %add3A_153 = arith.addi %mul3A_144, %add3A_152 : i32
        %get3A_154 = arith.index_cast %add3A_153 : i32 to index
        %get3A_155 = tpu.vector_load %arg4[%get3A_154] {strides = array<i32>} : memref<1024xi32, #tpu.memory_space<vmem>>, vector<16xi32>,
        tpu.vector_store_idx %arg6[%get3A_155], %broadcast_in_dim3A_142 {add = true} : memref<10240xi32, #tpu.memory_space<vmem>>[vector<16xi32>], vector<16xi32>,
        %add3A_156 = arith.constant 48 : i32
        %add3A_157 = arith.addi %mul3A_144, %add3A_156 : i32
        %get3A_158 = arith.index_cast %add3A_157 : i32 to index
        %get3A_159 = tpu.vector_load %arg4[%get3A_158] {strides = array<i32>} : memref<1024xi32, #tpu.memory_space<vmem>>, vector<16xi32>,
        tpu.vector_store_idx %arg6[%get3A_159], %broadcast_in_dim3A_142 {add = true} : memref<10240xi32, #tpu.memory_space<vmem>>[vector<16xi32>], vector<16xi32>,
        %add3A_160 = arith.constant 64 : i32
        %add3A_161 = arith.addi %mul3A_144, %add3A_160 : i32
        %get3A_162 = arith.index_cast %add3A_161 : i32 to index
        %get3A_163 = tpu.vector_load %arg4[%get3A_162] {strides = array<i32>} : memref<1024xi32, #tpu.memory_space<vmem>>, vector<16xi32>,
        tpu.vector_store_idx %arg6[%get3A_163], %broadcast_in_dim3A_142 {add = true} : memref<10240xi32, #tpu.memory_space<vmem>>[vector<16xi32>], vector<16xi32>,
        %add3A_164 = arith.constant 80 : i32
        %add3A_165 = arith.addi %mul3A_144, %add3A_164 : i32
        %get3A_166 = arith.index_cast %add3A_165 : i32 to index
        %get3A_167 = tpu.vector_load %arg4[%get3A_166] {strides = array<i32>} : memref<1024xi32, #tpu.memory_space<vmem>>, vector<16xi32>,
        tpu.vector_store_idx %arg6[%get3A_167], %broadcast_in_dim3A_142 {add = true} : memref<10240xi32, #tpu.memory_space<vmem>>[vector<16xi32>], vector<16xi32>,
        %add3A_168 = arith.constant 96 : i32
        %add3A_169 = arith.addi %mul3A_144, %add3A_168 : i32
        %get3A_170 = arith.index_cast %add3A_169 : i32 to index
        %get3A_171 = tpu.vector_load %arg4[%get3A_170] {strides = array<i32>} : memref<1024xi32, #tpu.memory_space<vmem>>, vector<16xi32>,
        tpu.vector_store_idx %arg6[%get3A_171], %broadcast_in_dim3A_142 {add = true} : memref<10240xi32, #tpu.memory_space<vmem>>[vector<16xi32>], vector<16xi32>,
        %add3A_172 = arith.constant 112 : i32
        %add3A_173 = arith.addi %mul3A_144, %add3A_172 : i32
        %get3A_174 = arith.index_cast %add3A_173 : i32 to index
        %get3A_175 = tpu.vector_load %arg4[%get3A_174] {strides = array<i32>} : memref<1024xi32, #tpu.memory_space<vmem>>, vector<16xi32>,
        tpu.vector_store_idx %arg6[%get3A_175], %broadcast_in_dim3A_142 {add = true} : memref<10240xi32, #tpu.memory_space<vmem>>[vector<16xi32>], vector<16xi32>,
      }
      %mul3A_97 = arith.constant 2 : i32
      %mul3A_98 = arith.muli %mul3A_97, %add3A_72 : i32
      %add3A_99 = arith.constant 2 : i32
      %add3A_100 = arith.addi %mul3A_98, %add3A_99 : i32
      %mul3A_101 = arith.constant 1024 : i32
      %mul3A_102 = arith.muli %add3A_100, %mul3A_101 : i32
      %add3A_103 = arith.addi %add3A_19, %mul3A_102 : i32
      %dma_start3A_104 = tpu.memref_slice %arg2[%add3A_103] : memref<329728xi32, #tpu.memory_space<hbm>> -> memref<1024xi32, #tpu.memory_space<hbm>>
      %dma_start3A_105 = tpu.memref_slice %arg2[%add3A_103] : memref<329728xi32, #tpu.memory_space<hbm>> -> memref<1024xi32, #tpu.memory_space<hbm>>
      tpu.enqueue_dma source(%dma_start3A_105 : memref<1024xi32, #tpu.memory_space<hbm>>) target(%arg4 : memref<1024xi32, #tpu.memory_space<vmem>>) target_semaphore(%arg7 : memref<!tpu.dma_semaphore, #tpu.memory_space<semaphore_mem>>)
      %dma_wait3A_106 = arith.constant 0 : i32
      %dma_wait3A_107 = tpu.memref_slice %arg2[%dma_wait3A_106] : memref<329728xi32, #tpu.memory_space<hbm>> -> memref<1024xi32, #tpu.memory_space<hbm>>
      %dma_wait3A_108 = arith.constant 0 : i32
      %dma_wait3A_109 = tpu.memref_slice %arg2[%dma_wait3A_108] : memref<329728xi32, #tpu.memory_space<hbm>> -> memref<1024xi32, #tpu.memory_space<hbm>>
      tpu.wait_dma2 semaphore(%arg8 : memref<!tpu.dma_semaphore, #tpu.memory_space<semaphore_mem>>) src(%dma_wait3A_109 : memref<1024xi32, #tpu.memory_space<hbm>>) dst(%arg5 : memref<1024xi32, #tpu.memory_space<vmem>>)
      %sub3A_110 = arith.constant 8 : i32
      %sub3A_111 = arith.constant 0 : i32
      %sub3A_112 = arith.subi %sub3A_110, %sub3A_111 : i32
      %sub3A_113 = arith.constant 1 : i32
      %sub3A_114 = arith.constant 1 : i32
      %sub3A_115 = arith.subi %sub3A_113, %sub3A_114 : i32
      %add3A_116 = arith.addi %sub3A_112, %sub3A_115 : i32
      %div3A_117 = arith.constant 1 : i32
      %div3A_118 = arith.divsi %add3A_116, %div3A_117 : i32
      %while3A_119 = arith.constant 1 : i32
      %while3A_120 = arith.constant 0 : i32
      %while3A_121 = arith.constant 0 : i32
      %while3A_122 = arith.subi %div3A_118, %while3A_121 : i32
      %while3A_123 = arith.addi %while3A_121, %while3A_122 : i32
      %while3A_124 = arith.constant 1 : i32
      %while3A_125 = arith.divsi %while3A_122, %while3A_124 : i32
      %while3A_126 = arith.muli %while3A_125, %while3A_124 : i32
      %while3A_127 = arith.addi %while3A_121, %while3A_126 : i32
      %while3A_128 = arith.constant 1 : i32
      scf.for %while3A_139 = %while3A_121 to %while3A_127 step %while3A_128  : i32 {
        %mul3A_140 = arith.muli %while3A_139, %while3A_119 : i32
        %add3A_141 = arith.addi %while3A_120, %mul3A_140 : i32
        %broadcast_in_dim3A = arith.constant 1 : i32
        %broadcast_in_dim3A_142 = vector.broadcast %broadcast_in_dim3A : i32 to vector<16xi32>
        %mul3A_143 = arith.constant 128 : i32
        %mul3A_144 = arith.muli %add3A_141, %mul3A_143 : i32
        %add3A_145 = arith.constant 0 : i32
        %add3A_146 = arith.addi %mul3A_144, %add3A_145 : i32
        %get3A = arith.index_cast %add3A_146 : i32 to index
        %get3A_147 = tpu.vector_load %arg5[%get3A] {strides = array<i32>} : memref<1024xi32, #tpu.memory_space<vmem>>, vector<16xi32>,
        tpu.vector_store_idx %arg6[%get3A_147], %broadcast_in_dim3A_142 {add = true} : memref<10240xi32, #tpu.memory_space<vmem>>[vector<16xi32>], vector<16xi32>,
        %add3A_148 = arith.constant 16 : i32
        %add3A_149 = arith.addi %mul3A_144, %add3A_148 : i32
        %get3A_150 = arith.index_cast %add3A_149 : i32 to index
        %get3A_151 = tpu.vector_load %arg5[%get3A_150] {strides = array<i32>} : memref<1024xi32, #tpu.memory_space<vmem>>, vector<16xi32>,
        tpu.vector_store_idx %arg6[%get3A_151], %broadcast_in_dim3A_142 {add = true} : memref<10240xi32, #tpu.memory_space<vmem>>[vector<16xi32>], vector<16xi32>,
        %add3A_152 = arith.constant 32 : i32
        %add3A_153 = arith.addi %mul3A_144, %add3A_152 : i32
        %get3A_154 = arith.index_cast %add3A_153 : i32 to index
        %get3A_155 = tpu.vector_load %arg5[%get3A_154] {strides = array<i32>} : memref<1024xi32, #tpu.memory_space<vmem>>, vector<16xi32>,
        tpu.vector_store_idx %arg6[%get3A_155], %broadcast_in_dim3A_142 {add = true} : memref<10240xi32, #tpu.memory_space<vmem>>[vector<16xi32>], vector<16xi32>,
        %add3A_156 = arith.constant 48 : i32
        %add3A_157 = arith.addi %mul3A_144, %add3A_156 : i32
        %get3A_158 = arith.index_cast %add3A_157 : i32 to index
        %get3A_159 = tpu.vector_load %arg5[%get3A_158] {strides = array<i32>} : memref<1024xi32, #tpu.memory_space<vmem>>, vector<16xi32>,
        tpu.vector_store_idx %arg6[%get3A_159], %broadcast_in_dim3A_142 {add = true} : memref<10240xi32, #tpu.memory_space<vmem>>[vector<16xi32>], vector<16xi32>,
        %add3A_160 = arith.constant 64 : i32
        %add3A_161 = arith.addi %mul3A_144, %add3A_160 : i32
        %get3A_162 = arith.index_cast %add3A_161 : i32 to index
        %get3A_163 = tpu.vector_load %arg5[%get3A_162] {strides = array<i32>} : memref<1024xi32, #tpu.memory_space<vmem>>, vector<16xi32>,
        tpu.vector_store_idx %arg6[%get3A_163], %broadcast_in_dim3A_142 {add = true} : memref<10240xi32, #tpu.memory_space<vmem>>[vector<16xi32>], vector<16xi32>,
        %add3A_164 = arith.constant 80 : i32
        %add3A_165 = arith.addi %mul3A_144, %add3A_164 : i32
        %get3A_166 = arith.index_cast %add3A_165 : i32 to index
        %get3A_167 = tpu.vector_load %arg5[%get3A_166] {strides = array<i32>} : memref<1024xi32, #tpu.memory_space<vmem>>, vector<16xi32>,
        tpu.vector_store_idx %arg6[%get3A_167], %broadcast_in_dim3A_142 {add = true} : memref<10240xi32, #tpu.memory_space<vmem>>[vector<16xi32>], vector<16xi32>,
        %add3A_168 = arith.constant 96 : i32
        %add3A_169 = arith.addi %mul3A_144, %add3A_168 : i32
        %get3A_170 = arith.index_cast %add3A_169 : i32 to index
        %get3A_171 = tpu.vector_load %arg5[%get3A_170] {strides = array<i32>} : memref<1024xi32, #tpu.memory_space<vmem>>, vector<16xi32>,
        tpu.vector_store_idx %arg6[%get3A_171], %broadcast_in_dim3A_142 {add = true} : memref<10240xi32, #tpu.memory_space<vmem>>[vector<16xi32>], vector<16xi32>,
        %add3A_172 = arith.constant 112 : i32
        %add3A_173 = arith.addi %mul3A_144, %add3A_172 : i32
        %get3A_174 = arith.index_cast %add3A_173 : i32 to index
        %get3A_175 = tpu.vector_load %arg5[%get3A_174] {strides = array<i32>} : memref<1024xi32, #tpu.memory_space<vmem>>, vector<16xi32>,
        tpu.vector_store_idx %arg6[%get3A_175], %broadcast_in_dim3A_142 {add = true} : memref<10240xi32, #tpu.memory_space<vmem>>[vector<16xi32>], vector<16xi32>,
      }
      %while3A_129 = arith.constant 1 : i32
      scf.for %while3A_139 = %while3A_127 to %while3A_123 step %while3A_129  : i32 {
        %mul3A_140 = arith.muli %while3A_139, %while3A_119 : i32
        %add3A_141 = arith.addi %while3A_120, %mul3A_140 : i32
        %broadcast_in_dim3A = arith.constant 1 : i32
        %broadcast_in_dim3A_142 = vector.broadcast %broadcast_in_dim3A : i32 to vector<16xi32>
        %mul3A_143 = arith.constant 128 : i32
        %mul3A_144 = arith.muli %add3A_141, %mul3A_143 : i32
        %add3A_145 = arith.constant 0 : i32
        %add3A_146 = arith.addi %mul3A_144, %add3A_145 : i32
        %get3A = arith.index_cast %add3A_146 : i32 to index
        %get3A_147 = tpu.vector_load %arg5[%get3A] {strides = array<i32>} : memref<1024xi32, #tpu.memory_space<vmem>>, vector<16xi32>,
        tpu.vector_store_idx %arg6[%get3A_147], %broadcast_in_dim3A_142 {add = true} : memref<10240xi32, #tpu.memory_space<vmem>>[vector<16xi32>], vector<16xi32>,
        %add3A_148 = arith.constant 16 : i32
        %add3A_149 = arith.addi %mul3A_144, %add3A_148 : i32
        %get3A_150 = arith.index_cast %add3A_149 : i32 to index
        %get3A_151 = tpu.vector_load %arg5[%get3A_150] {strides = array<i32>} : memref<1024xi32, #tpu.memory_space<vmem>>, vector<16xi32>,
        tpu.vector_store_idx %arg6[%get3A_151], %broadcast_in_dim3A_142 {add = true} : memref<10240xi32, #tpu.memory_space<vmem>>[vector<16xi32>], vector<16xi32>,
        %add3A_152 = arith.constant 32 : i32
        %add3A_153 = arith.addi %mul3A_144, %add3A_152 : i32
        %get3A_154 = arith.index_cast %add3A_153 : i32 to index
        %get3A_155 = tpu.vector_load %arg5[%get3A_154] {strides = array<i32>} : memref<1024xi32, #tpu.memory_space<vmem>>, vector<16xi32>,
        tpu.vector_store_idx %arg6[%get3A_155], %broadcast_in_dim3A_142 {add = true} : memref<10240xi32, #tpu.memory_space<vmem>>[vector<16xi32>], vector<16xi32>,
        %add3A_156 = arith.constant 48 : i32
        %add3A_157 = arith.addi %mul3A_144, %add3A_156 : i32
        %get3A_158 = arith.index_cast %add3A_157 : i32 to index
        %get3A_159 = tpu.vector_load %arg5[%get3A_158] {strides = array<i32>} : memref<1024xi32, #tpu.memory_space<vmem>>, vector<16xi32>,
        tpu.vector_store_idx %arg6[%get3A_159], %broadcast_in_dim3A_142 {add = true} : memref<10240xi32, #tpu.memory_space<vmem>>[vector<16xi32>], vector<16xi32>,
        %add3A_160 = arith.constant 64 : i32
        %add3A_161 = arith.addi %mul3A_144, %add3A_160 : i32
        %get3A_162 = arith.index_cast %add3A_161 : i32 to index
        %get3A_163 = tpu.vector_load %arg5[%get3A_162] {strides = array<i32>} : memref<1024xi32, #tpu.memory_space<vmem>>, vector<16xi32>,
        tpu.vector_store_idx %arg6[%get3A_163], %broadcast_in_dim3A_142 {add = true} : memref<10240xi32, #tpu.memory_space<vmem>>[vector<16xi32>], vector<16xi32>,
        %add3A_164 = arith.constant 80 : i32
        %add3A_165 = arith.addi %mul3A_144, %add3A_164 : i32
        %get3A_166 = arith.index_cast %add3A_165 : i32 to index
        %get3A_167 = tpu.vector_load %arg5[%get3A_166] {strides = array<i32>} : memref<1024xi32, #tpu.memory_space<vmem>>, vector<16xi32>,
        tpu.vector_store_idx %arg6[%get3A_167], %broadcast_in_dim3A_142 {add = true} : memref<10240xi32, #tpu.memory_space<vmem>>[vector<16xi32>], vector<16xi32>,
        %add3A_168 = arith.constant 96 : i32
        %add3A_169 = arith.addi %mul3A_144, %add3A_168 : i32
        %get3A_170 = arith.index_cast %add3A_169 : i32 to index
        %get3A_171 = tpu.vector_load %arg5[%get3A_170] {strides = array<i32>} : memref<1024xi32, #tpu.memory_space<vmem>>, vector<16xi32>,
        tpu.vector_store_idx %arg6[%get3A_171], %broadcast_in_dim3A_142 {add = true} : memref<10240xi32, #tpu.memory_space<vmem>>[vector<16xi32>], vector<16xi32>,
        %add3A_172 = arith.constant 112 : i32
        %add3A_173 = arith.addi %mul3A_144, %add3A_172 : i32
        %get3A_174 = arith.index_cast %add3A_173 : i32 to index
        %get3A_175 = tpu.vector_load %arg5[%get3A_174] {strides = array<i32>} : memref<1024xi32, #tpu.memory_space<vmem>>, vector<16xi32>,
        tpu.vector_store_idx %arg6[%get3A_175], %broadcast_in_dim3A_142 {add = true} : memref<10240xi32, #tpu.memory_space<vmem>>[vector<16xi32>], vector<16xi32>,
      }
      %mul3A_130 = arith.constant 2 : i32
      %mul3A_131 = arith.muli %mul3A_130, %add3A_72 : i32
      %add3A_132 = arith.constant 3 : i32
      %add3A_133 = arith.addi %mul3A_131, %add3A_132 : i32
      %mul3A_134 = arith.constant 1024 : i32
      %mul3A_135 = arith.muli %add3A_133, %mul3A_134 : i32
      %add3A_136 = arith.addi %add3A_19, %mul3A_135 : i32
      %dma_start3A_137 = tpu.memref_slice %arg2[%add3A_136] : memref<329728xi32, #tpu.memory_space<hbm>> -> memref<1024xi32, #tpu.memory_space<hbm>>
      %dma_start3A_138 = tpu.memref_slice %arg2[%add3A_136] : memref<329728xi32, #tpu.memory_space<hbm>> -> memref<1024xi32, #tpu.memory_space<hbm>>
      tpu.enqueue_dma source(%dma_start3A_138 : memref<1024xi32, #tpu.memory_space<hbm>>) target(%arg5 : memref<1024xi32, #tpu.memory_space<vmem>>) target_semaphore(%arg8 : memref<!tpu.dma_semaphore, #tpu.memory_space<semaphore_mem>>)
    }
    %dma_wait3A = arith.constant 0 : i32
    %dma_wait3A_51 = tpu.memref_slice %arg2[%dma_wait3A] : memref<329728xi32, #tpu.memory_space<hbm>> -> memref<1024xi32, #tpu.memory_space<hbm>>
    %dma_wait3A_52 = arith.constant 0 : i32
    %dma_wait3A_53 = tpu.memref_slice %arg2[%dma_wait3A_52] : memref<329728xi32, #tpu.memory_space<hbm>> -> memref<1024xi32, #tpu.memory_space<hbm>>
    tpu.wait_dma2 semaphore(%arg7 : memref<!tpu.dma_semaphore, #tpu.memory_space<semaphore_mem>>) src(%dma_wait3A_53 : memref<1024xi32, #tpu.memory_space<hbm>>) dst(%arg4 : memref<1024xi32, #tpu.memory_space<vmem>>)
    %dma_wait3A_54 = arith.constant 0 : i32
    %dma_wait3A_55 = tpu.memref_slice %arg2[%dma_wait3A_54] : memref<329728xi32, #tpu.memory_space<hbm>> -> memref<1024xi32, #tpu.memory_space<hbm>>
    %dma_wait3A_56 = arith.constant 0 : i32
    %dma_wait3A_57 = tpu.memref_slice %arg2[%dma_wait3A_56] : memref<329728xi32, #tpu.memory_space<hbm>> -> memref<1024xi32, #tpu.memory_space<hbm>>
    tpu.wait_dma2 semaphore(%arg8 : memref<!tpu.dma_semaphore, #tpu.memory_space<semaphore_mem>>) src(%dma_wait3A_57 : memref<1024xi32, #tpu.memory_space<hbm>>) dst(%arg5 : memref<1024xi32, #tpu.memory_space<vmem>>)
    %dma_start3A_58 = arith.constant 0 : i32
    %dma_start3A_59 = tpu.memref_slice %arg3[%arg0, %arg1, %dma_start3A_58] : memref<2x16x10240xi32, #tpu.memory_space<hbm>> -> memref<1x1x10240xi32, #tpu.memory_space<hbm>>
    %dma_start3A_60 = tpu.memref_squeeze %dma_start3A_59 : memref<1x1x10240xi32, #tpu.memory_space<hbm>> -> memref<10240xi32, #tpu.memory_space<hbm>>
    %dma_start3A_61 = arith.constant 0 : i32
    %dma_start3A_62 = tpu.memref_slice %arg3[%arg0, %arg1, %dma_start3A_61] : memref<2x16x10240xi32, #tpu.memory_space<hbm>> -> memref<1x1x10240xi32, #tpu.memory_space<hbm>>
    %dma_start3A_63 = tpu.memref_squeeze %dma_start3A_62 : memref<1x1x10240xi32, #tpu.memory_space<hbm>> -> memref<10240xi32, #tpu.memory_space<hbm>>
    tpu.enqueue_dma source(%arg6 : memref<10240xi32, #tpu.memory_space<vmem>>) target(%dma_start3A_63 : memref<10240xi32, #tpu.memory_space<hbm>>) target_semaphore(%arg7 : memref<!tpu.dma_semaphore, #tpu.memory_space<semaphore_mem>>)
    %dma_wait3A_64 = arith.constant 0 : i32
    %dma_wait3A_65 = tpu.memref_slice %arg3[%arg0, %arg1, %dma_wait3A_64] : memref<2x16x10240xi32, #tpu.memory_space<hbm>> -> memref<1x1x10240xi32, #tpu.memory_space<hbm>>
    %dma_wait3A_66 = tpu.memref_squeeze %dma_wait3A_65 : memref<1x1x10240xi32, #tpu.memory_space<hbm>> -> memref<10240xi32, #tpu.memory_space<hbm>>
    %dma_wait3A_67 = arith.constant 0 : i32
    %dma_wait3A_68 = tpu.memref_slice %arg3[%arg0, %arg1, %dma_wait3A_67] : memref<2x16x10240xi32, #tpu.memory_space<hbm>> -> memref<1x1x10240xi32, #tpu.memory_space<hbm>>
    %dma_wait3A_69 = tpu.memref_squeeze %dma_wait3A_68 : memref<1x1x10240xi32, #tpu.memory_space<hbm>> -> memref<10240xi32, #tpu.memory_space<hbm>>
    tpu.wait_dma2 semaphore(%arg7 : memref<!tpu.dma_semaphore, #tpu.memory_space<semaphore_mem>>) src(%arg6 : memref<10240xi32, #tpu.memory_space<vmem>>) dst(%dma_wait3A_69 : memref<10240xi32, #tpu.memory_space<hbm>>)
    return
  }
}

#map = affine_map<(d0, d1) -> (0, 0)>
#map1 = affine_map<(d0, d1) -> (0, 0, 0)>
module attributes {stable_mosaic.version = 14 : i64} {
  func.func @agg_kernel(%arg0: i32, %arg1: i32, %arg2: memref<10240x128xf32, #tpu.memory_space<hbm>>, %arg3: memref<2576x128xi32, #tpu.memory_space<hbm>>, %arg4: memref<2576x128xi32, #tpu.memory_space<hbm>>, %arg5: memref<2x10240x128xf32, #tpu.memory_space<hbm>>, %arg6: memref<2x16x10240xi32, #tpu.memory_space<hbm>>, %arg7: memref<128x128xf32, #tpu.memory_space<vmem>>, %arg8: memref<128x128xf32, #tpu.memory_space<vmem>>, %arg9: memref<8x128xi32, #tpu.memory_space<vmem>>, %arg10: memref<8x128xi32, #tpu.memory_space<vmem>>, %arg11: memref<8x128xi32, #tpu.memory_space<vmem>>, %arg12: memref<8x128xi32, #tpu.memory_space<vmem>>, %arg13: memref<10240xi32, #tpu.memory_space<vmem>>, %arg14: memref<10240x128xf32, #tpu.memory_space<vmem_shared>>, %arg15: memref<!tpu.dma_semaphore, #tpu.memory_space<semaphore_mem>>, %arg16: memref<!tpu.dma_semaphore, #tpu.memory_space<semaphore_mem>>, %arg17: memref<!tpu.dma_semaphore, #tpu.memory_space<semaphore_mem>>, %arg18: memref<!tpu.dma_semaphore, #tpu.memory_space<semaphore_mem>>, %arg19: memref<!tpu.dma_semaphore, #tpu.memory_space<semaphore_mem>>, %arg20: memref<!tpu.dma_semaphore, #tpu.memory_space<semaphore_mem>>, %arg21: memref<!tpu.dma_semaphore, #tpu.memory_space<semaphore_mem>>, %arg22: memref<!tpu.dma_semaphore, #tpu.memory_space<semaphore_mem>>) attributes {dimension_semantics = [#tpu.dimension_semantics<core_parallel>, #tpu.dimension_semantics<subcore_parallel>], iteration_bounds = array<i64: 2, 16>, scalar_prefetch = 0 : i64, scratch_operands = 16 : i64, tpu.core_type = #tpu.core_type<sc_vector_subcore>, window_params = [{transform_indices = #map}, {transform_indices = #map}, {transform_indices = #map}, {transform_indices = #map1}, {transform_indices = #map1}]} {
    %sub3A = arith.constant 128 : i32
    %sub3A_0 = arith.constant 0 : i32
    %sub3A_1 = arith.subi %sub3A, %sub3A_0 : i32
    %sub3A_2 = arith.constant 1 : i32
    %sub3A_3 = arith.constant 1 : i32
    %sub3A_4 = arith.subi %sub3A_2, %sub3A_3 : i32
    %add3A = arith.addi %sub3A_1, %sub3A_4 : i32
    %div3A = arith.constant 1 : i32
    %div3A_5 = arith.divsi %add3A, %div3A : i32
    %while3A = arith.constant 1 : i32
    %while3A_6 = arith.constant 0 : i32
    %while3A_7 = arith.constant 0 : i32
    %while3A_8 = arith.subi %div3A_5, %while3A_7 : i32
    %while3A_9 = arith.addi %while3A_7, %while3A_8 : i32
    %while3A_10 = arith.constant 1 : i32
    %while3A_11 = arith.divsi %while3A_8, %while3A_10 : i32
    %while3A_12 = arith.muli %while3A_11, %while3A_10 : i32
    %while3A_13 = arith.addi %while3A_7, %while3A_12 : i32
    %while3A_14 = arith.constant 1 : i32
    scf.for %while3A_198 = %while3A_7 to %while3A_13 step %while3A_14  : i32 {
      %mul3A_199 = arith.muli %while3A_198, %while3A : i32
      %add3A_200 = arith.addi %while3A_6, %mul3A_199 : i32
      %broadcast_in_dim3A = arith.constant 0.000000e+00 : f32
      %broadcast_in_dim3A_201 = vector.broadcast %broadcast_in_dim3A : f32 to vector<16xf32>
      %swap3A = arith.constant 0 : i32
      %swap3A_202 = arith.index_cast %add3A_200 : i32 to index
      %swap3A_203 = arith.index_cast %swap3A : i32 to index
      %swap3A_204 = tpu.vector_load %arg7[%swap3A_202, %swap3A_203] {strides = array<i32>} : memref<128x128xf32, #tpu.memory_space<vmem>>, vector<16xf32>,
      tpu.vector_store %arg7[%swap3A_202, %swap3A_203], %broadcast_in_dim3A_201 {strides = array<i32>} : memref<128x128xf32, #tpu.memory_space<vmem>>, vector<16xf32>,
      %broadcast_in_dim3A_205 = arith.constant 0.000000e+00 : f32
      %broadcast_in_dim3A_206 = vector.broadcast %broadcast_in_dim3A_205 : f32 to vector<16xf32>
      %swap3A_207 = arith.constant 16 : i32
      %swap3A_208 = arith.index_cast %add3A_200 : i32 to index
      %swap3A_209 = arith.index_cast %swap3A_207 : i32 to index
      %swap3A_210 = tpu.vector_load %arg7[%swap3A_208, %swap3A_209] {strides = array<i32>} : memref<128x128xf32, #tpu.memory_space<vmem>>, vector<16xf32>,
      tpu.vector_store %arg7[%swap3A_208, %swap3A_209], %broadcast_in_dim3A_206 {strides = array<i32>} : memref<128x128xf32, #tpu.memory_space<vmem>>, vector<16xf32>,
      %broadcast_in_dim3A_211 = arith.constant 0.000000e+00 : f32
      %broadcast_in_dim3A_212 = vector.broadcast %broadcast_in_dim3A_211 : f32 to vector<16xf32>
      %swap3A_213 = arith.constant 32 : i32
      %swap3A_214 = arith.index_cast %add3A_200 : i32 to index
      %swap3A_215 = arith.index_cast %swap3A_213 : i32 to index
      %swap3A_216 = tpu.vector_load %arg7[%swap3A_214, %swap3A_215] {strides = array<i32>} : memref<128x128xf32, #tpu.memory_space<vmem>>, vector<16xf32>,
      tpu.vector_store %arg7[%swap3A_214, %swap3A_215], %broadcast_in_dim3A_212 {strides = array<i32>} : memref<128x128xf32, #tpu.memory_space<vmem>>, vector<16xf32>,
      %broadcast_in_dim3A_217 = arith.constant 0.000000e+00 : f32
      %broadcast_in_dim3A_218 = vector.broadcast %broadcast_in_dim3A_217 : f32 to vector<16xf32>
      %swap3A_219 = arith.constant 48 : i32
      %swap3A_220 = arith.index_cast %add3A_200 : i32 to index
      %swap3A_221 = arith.index_cast %swap3A_219 : i32 to index
      %swap3A_222 = tpu.vector_load %arg7[%swap3A_220, %swap3A_221] {strides = array<i32>} : memref<128x128xf32, #tpu.memory_space<vmem>>, vector<16xf32>,
      tpu.vector_store %arg7[%swap3A_220, %swap3A_221], %broadcast_in_dim3A_218 {strides = array<i32>} : memref<128x128xf32, #tpu.memory_space<vmem>>, vector<16xf32>,
      %broadcast_in_dim3A_223 = arith.constant 0.000000e+00 : f32
      %broadcast_in_dim3A_224 = vector.broadcast %broadcast_in_dim3A_223 : f32 to vector<16xf32>
      %swap3A_225 = arith.constant 64 : i32
      %swap3A_226 = arith.index_cast %add3A_200 : i32 to index
      %swap3A_227 = arith.index_cast %swap3A_225 : i32 to index
      %swap3A_228 = tpu.vector_load %arg7[%swap3A_226, %swap3A_227] {strides = array<i32>} : memref<128x128xf32, #tpu.memory_space<vmem>>, vector<16xf32>,
      tpu.vector_store %arg7[%swap3A_226, %swap3A_227], %broadcast_in_dim3A_224 {strides = array<i32>} : memref<128x128xf32, #tpu.memory_space<vmem>>, vector<16xf32>,
      %broadcast_in_dim3A_229 = arith.constant 0.000000e+00 : f32
      %broadcast_in_dim3A_230 = vector.broadcast %broadcast_in_dim3A_229 : f32 to vector<16xf32>
      %swap3A_231 = arith.constant 80 : i32
      %swap3A_232 = arith.index_cast %add3A_200 : i32 to index
      %swap3A_233 = arith.index_cast %swap3A_231 : i32 to index
      %swap3A_234 = tpu.vector_load %arg7[%swap3A_232, %swap3A_233] {strides = array<i32>} : memref<128x128xf32, #tpu.memory_space<vmem>>, vector<16xf32>,
      tpu.vector_store %arg7[%swap3A_232, %swap3A_233], %broadcast_in_dim3A_230 {strides = array<i32>} : memref<128x128xf32, #tpu.memory_space<vmem>>, vector<16xf32>,
      %broadcast_in_dim3A_235 = arith.constant 0.000000e+00 : f32
      %broadcast_in_dim3A_236 = vector.broadcast %broadcast_in_dim3A_235 : f32 to vector<16xf32>
      %swap3A_237 = arith.constant 96 : i32
      %swap3A_238 = arith.index_cast %add3A_200 : i32 to index
      %swap3A_239 = arith.index_cast %swap3A_237 : i32 to index
      %swap3A_240 = tpu.vector_load %arg7[%swap3A_238, %swap3A_239] {strides = array<i32>} : memref<128x128xf32, #tpu.memory_space<vmem>>, vector<16xf32>,
      tpu.vector_store %arg7[%swap3A_238, %swap3A_239], %broadcast_in_dim3A_236 {strides = array<i32>} : memref<128x128xf32, #tpu.memory_space<vmem>>, vector<16xf32>,
      %broadcast_in_dim3A_241 = arith.constant 0.000000e+00 : f32
      %broadcast_in_dim3A_242 = vector.broadcast %broadcast_in_dim3A_241 : f32 to vector<16xf32>
      %swap3A_243 = arith.constant 112 : i32
      %swap3A_244 = arith.index_cast %add3A_200 : i32 to index
      %swap3A_245 = arith.index_cast %swap3A_243 : i32 to index
      %swap3A_246 = tpu.vector_load %arg7[%swap3A_244, %swap3A_245] {strides = array<i32>} : memref<128x128xf32, #tpu.memory_space<vmem>>, vector<16xf32>,
      tpu.vector_store %arg7[%swap3A_244, %swap3A_245], %broadcast_in_dim3A_242 {strides = array<i32>} : memref<128x128xf32, #tpu.memory_space<vmem>>, vector<16xf32>,
    }
    %while3A_15 = arith.constant 1 : i32
    scf.for %while3A_198 = %while3A_13 to %while3A_9 step %while3A_15  : i32 {
      %mul3A_199 = arith.muli %while3A_198, %while3A : i32
      %add3A_200 = arith.addi %while3A_6, %mul3A_199 : i32
      %broadcast_in_dim3A = arith.constant 0.000000e+00 : f32
      %broadcast_in_dim3A_201 = vector.broadcast %broadcast_in_dim3A : f32 to vector<16xf32>
      %swap3A = arith.constant 0 : i32
      %swap3A_202 = arith.index_cast %add3A_200 : i32 to index
      %swap3A_203 = arith.index_cast %swap3A : i32 to index
      %swap3A_204 = tpu.vector_load %arg7[%swap3A_202, %swap3A_203] {strides = array<i32>} : memref<128x128xf32, #tpu.memory_space<vmem>>, vector<16xf32>,
      tpu.vector_store %arg7[%swap3A_202, %swap3A_203], %broadcast_in_dim3A_201 {strides = array<i32>} : memref<128x128xf32, #tpu.memory_space<vmem>>, vector<16xf32>,
      %broadcast_in_dim3A_205 = arith.constant 0.000000e+00 : f32
      %broadcast_in_dim3A_206 = vector.broadcast %broadcast_in_dim3A_205 : f32 to vector<16xf32>
      %swap3A_207 = arith.constant 16 : i32
      %swap3A_208 = arith.index_cast %add3A_200 : i32 to index
      %swap3A_209 = arith.index_cast %swap3A_207 : i32 to index
      %swap3A_210 = tpu.vector_load %arg7[%swap3A_208, %swap3A_209] {strides = array<i32>} : memref<128x128xf32, #tpu.memory_space<vmem>>, vector<16xf32>,
      tpu.vector_store %arg7[%swap3A_208, %swap3A_209], %broadcast_in_dim3A_206 {strides = array<i32>} : memref<128x128xf32, #tpu.memory_space<vmem>>, vector<16xf32>,
      %broadcast_in_dim3A_211 = arith.constant 0.000000e+00 : f32
      %broadcast_in_dim3A_212 = vector.broadcast %broadcast_in_dim3A_211 : f32 to vector<16xf32>
      %swap3A_213 = arith.constant 32 : i32
      %swap3A_214 = arith.index_cast %add3A_200 : i32 to index
      %swap3A_215 = arith.index_cast %swap3A_213 : i32 to index
      %swap3A_216 = tpu.vector_load %arg7[%swap3A_214, %swap3A_215] {strides = array<i32>} : memref<128x128xf32, #tpu.memory_space<vmem>>, vector<16xf32>,
      tpu.vector_store %arg7[%swap3A_214, %swap3A_215], %broadcast_in_dim3A_212 {strides = array<i32>} : memref<128x128xf32, #tpu.memory_space<vmem>>, vector<16xf32>,
      %broadcast_in_dim3A_217 = arith.constant 0.000000e+00 : f32
      %broadcast_in_dim3A_218 = vector.broadcast %broadcast_in_dim3A_217 : f32 to vector<16xf32>
      %swap3A_219 = arith.constant 48 : i32
      %swap3A_220 = arith.index_cast %add3A_200 : i32 to index
      %swap3A_221 = arith.index_cast %swap3A_219 : i32 to index
      %swap3A_222 = tpu.vector_load %arg7[%swap3A_220, %swap3A_221] {strides = array<i32>} : memref<128x128xf32, #tpu.memory_space<vmem>>, vector<16xf32>,
      tpu.vector_store %arg7[%swap3A_220, %swap3A_221], %broadcast_in_dim3A_218 {strides = array<i32>} : memref<128x128xf32, #tpu.memory_space<vmem>>, vector<16xf32>,
      %broadcast_in_dim3A_223 = arith.constant 0.000000e+00 : f32
      %broadcast_in_dim3A_224 = vector.broadcast %broadcast_in_dim3A_223 : f32 to vector<16xf32>
      %swap3A_225 = arith.constant 64 : i32
      %swap3A_226 = arith.index_cast %add3A_200 : i32 to index
      %swap3A_227 = arith.index_cast %swap3A_225 : i32 to index
      %swap3A_228 = tpu.vector_load %arg7[%swap3A_226, %swap3A_227] {strides = array<i32>} : memref<128x128xf32, #tpu.memory_space<vmem>>, vector<16xf32>,
      tpu.vector_store %arg7[%swap3A_226, %swap3A_227], %broadcast_in_dim3A_224 {strides = array<i32>} : memref<128x128xf32, #tpu.memory_space<vmem>>, vector<16xf32>,
      %broadcast_in_dim3A_229 = arith.constant 0.000000e+00 : f32
      %broadcast_in_dim3A_230 = vector.broadcast %broadcast_in_dim3A_229 : f32 to vector<16xf32>
      %swap3A_231 = arith.constant 80 : i32
      %swap3A_232 = arith.index_cast %add3A_200 : i32 to index
      %swap3A_233 = arith.index_cast %swap3A_231 : i32 to index
      %swap3A_234 = tpu.vector_load %arg7[%swap3A_232, %swap3A_233] {strides = array<i32>} : memref<128x128xf32, #tpu.memory_space<vmem>>, vector<16xf32>,
      tpu.vector_store %arg7[%swap3A_232, %swap3A_233], %broadcast_in_dim3A_230 {strides = array<i32>} : memref<128x128xf32, #tpu.memory_space<vmem>>, vector<16xf32>,
      %broadcast_in_dim3A_235 = arith.constant 0.000000e+00 : f32
      %broadcast_in_dim3A_236 = vector.broadcast %broadcast_in_dim3A_235 : f32 to vector<16xf32>
      %swap3A_237 = arith.constant 96 : i32
      %swap3A_238 = arith.index_cast %add3A_200 : i32 to index
      %swap3A_239 = arith.index_cast %swap3A_237 : i32 to index
      %swap3A_240 = tpu.vector_load %arg7[%swap3A_238, %swap3A_239] {strides = array<i32>} : memref<128x128xf32, #tpu.memory_space<vmem>>, vector<16xf32>,
      tpu.vector_store %arg7[%swap3A_238, %swap3A_239], %broadcast_in_dim3A_236 {strides = array<i32>} : memref<128x128xf32, #tpu.memory_space<vmem>>, vector<16xf32>,
      %broadcast_in_dim3A_241 = arith.constant 0.000000e+00 : f32
      %broadcast_in_dim3A_242 = vector.broadcast %broadcast_in_dim3A_241 : f32 to vector<16xf32>
      %swap3A_243 = arith.constant 112 : i32
      %swap3A_244 = arith.index_cast %add3A_200 : i32 to index
      %swap3A_245 = arith.index_cast %swap3A_243 : i32 to index
      %swap3A_246 = tpu.vector_load %arg7[%swap3A_244, %swap3A_245] {strides = array<i32>} : memref<128x128xf32, #tpu.memory_space<vmem>>, vector<16xf32>,
      tpu.vector_store %arg7[%swap3A_244, %swap3A_245], %broadcast_in_dim3A_242 {strides = array<i32>} : memref<128x128xf32, #tpu.memory_space<vmem>>, vector<16xf32>,
    }
    %sub3A_16 = arith.constant 80 : i32
    %sub3A_17 = arith.constant 0 : i32
    %sub3A_18 = arith.subi %sub3A_16, %sub3A_17 : i32
    %sub3A_19 = arith.constant 1 : i32
    %sub3A_20 = arith.constant 1 : i32
    %sub3A_21 = arith.subi %sub3A_19, %sub3A_20 : i32
    %add3A_22 = arith.addi %sub3A_18, %sub3A_21 : i32
    %div3A_23 = arith.constant 1 : i32
    %div3A_24 = arith.divsi %add3A_22, %div3A_23 : i32
    %while3A_25 = arith.constant 1 : i32
    %while3A_26 = arith.constant 0 : i32
    %while3A_27 = arith.constant 0 : i32
    %while3A_28 = arith.subi %div3A_24, %while3A_27 : i32
    %while3A_29 = arith.addi %while3A_27, %while3A_28 : i32
    %while3A_30 = arith.constant 1 : i32
    %while3A_31 = arith.divsi %while3A_28, %while3A_30 : i32
    %while3A_32 = arith.muli %while3A_31, %while3A_30 : i32
    %while3A_33 = arith.addi %while3A_27, %while3A_32 : i32
    %while3A_34 = arith.constant 1 : i32
    scf.for %while3A_198 = %while3A_27 to %while3A_33 step %while3A_34  : i32 {
      %mul3A_199 = arith.muli %while3A_198, %while3A_25 : i32
      %add3A_200 = arith.addi %while3A_26, %mul3A_199 : i32
      %mul3A_201 = arith.constant 128 : i32
      %mul3A_202 = arith.muli %add3A_200, %mul3A_201 : i32
      %broadcast_in_dim3A = arith.constant 0 : i32
      %broadcast_in_dim3A_203 = vector.broadcast %broadcast_in_dim3A : i32 to vector<16xi32>
      %add3A_204 = arith.constant 0 : i32
      %add3A_205 = arith.addi %mul3A_202, %add3A_204 : i32
      %swap3A = arith.index_cast %add3A_205 : i32 to index
      %swap3A_206 = tpu.vector_load %arg13[%swap3A] {strides = array<i32>} : memref<10240xi32, #tpu.memory_space<vmem>>, vector<16xi32>,
      tpu.vector_store %arg13[%swap3A], %broadcast_in_dim3A_203 {strides = array<i32>} : memref<10240xi32, #tpu.memory_space<vmem>>, vector<16xi32>,
      %broadcast_in_dim3A_207 = arith.constant 0 : i32
      %broadcast_in_dim3A_208 = vector.broadcast %broadcast_in_dim3A_207 : i32 to vector<16xi32>
      %add3A_209 = arith.constant 16 : i32
      %add3A_210 = arith.addi %mul3A_202, %add3A_209 : i32
      %swap3A_211 = arith.index_cast %add3A_210 : i32 to index
      %swap3A_212 = tpu.vector_load %arg13[%swap3A_211] {strides = array<i32>} : memref<10240xi32, #tpu.memory_space<vmem>>, vector<16xi32>,
      tpu.vector_store %arg13[%swap3A_211], %broadcast_in_dim3A_208 {strides = array<i32>} : memref<10240xi32, #tpu.memory_space<vmem>>, vector<16xi32>,
      %broadcast_in_dim3A_213 = arith.constant 0 : i32
      %broadcast_in_dim3A_214 = vector.broadcast %broadcast_in_dim3A_213 : i32 to vector<16xi32>
      %add3A_215 = arith.constant 32 : i32
      %add3A_216 = arith.addi %mul3A_202, %add3A_215 : i32
      %swap3A_217 = arith.index_cast %add3A_216 : i32 to index
      %swap3A_218 = tpu.vector_load %arg13[%swap3A_217] {strides = array<i32>} : memref<10240xi32, #tpu.memory_space<vmem>>, vector<16xi32>,
      tpu.vector_store %arg13[%swap3A_217], %broadcast_in_dim3A_214 {strides = array<i32>} : memref<10240xi32, #tpu.memory_space<vmem>>, vector<16xi32>,
      %broadcast_in_dim3A_219 = arith.constant 0 : i32
      %broadcast_in_dim3A_220 = vector.broadcast %broadcast_in_dim3A_219 : i32 to vector<16xi32>
      %add3A_221 = arith.constant 48 : i32
      %add3A_222 = arith.addi %mul3A_202, %add3A_221 : i32
      %swap3A_223 = arith.index_cast %add3A_222 : i32 to index
      %swap3A_224 = tpu.vector_load %arg13[%swap3A_223] {strides = array<i32>} : memref<10240xi32, #tpu.memory_space<vmem>>, vector<16xi32>,
      tpu.vector_store %arg13[%swap3A_223], %broadcast_in_dim3A_220 {strides = array<i32>} : memref<10240xi32, #tpu.memory_space<vmem>>, vector<16xi32>,
      %broadcast_in_dim3A_225 = arith.constant 0 : i32
      %broadcast_in_dim3A_226 = vector.broadcast %broadcast_in_dim3A_225 : i32 to vector<16xi32>
      %add3A_227 = arith.constant 64 : i32
      %add3A_228 = arith.addi %mul3A_202, %add3A_227 : i32
      %swap3A_229 = arith.index_cast %add3A_228 : i32 to index
      %swap3A_230 = tpu.vector_load %arg13[%swap3A_229] {strides = array<i32>} : memref<10240xi32, #tpu.memory_space<vmem>>, vector<16xi32>,
      tpu.vector_store %arg13[%swap3A_229], %broadcast_in_dim3A_226 {strides = array<i32>} : memref<10240xi32, #tpu.memory_space<vmem>>, vector<16xi32>,
      %broadcast_in_dim3A_231 = arith.constant 0 : i32
      %broadcast_in_dim3A_232 = vector.broadcast %broadcast_in_dim3A_231 : i32 to vector<16xi32>
      %add3A_233 = arith.constant 80 : i32
      %add3A_234 = arith.addi %mul3A_202, %add3A_233 : i32
      %swap3A_235 = arith.index_cast %add3A_234 : i32 to index
      %swap3A_236 = tpu.vector_load %arg13[%swap3A_235] {strides = array<i32>} : memref<10240xi32, #tpu.memory_space<vmem>>, vector<16xi32>,
      tpu.vector_store %arg13[%swap3A_235], %broadcast_in_dim3A_232 {strides = array<i32>} : memref<10240xi32, #tpu.memory_space<vmem>>, vector<16xi32>,
      %broadcast_in_dim3A_237 = arith.constant 0 : i32
      %broadcast_in_dim3A_238 = vector.broadcast %broadcast_in_dim3A_237 : i32 to vector<16xi32>
      %add3A_239 = arith.constant 96 : i32
      %add3A_240 = arith.addi %mul3A_202, %add3A_239 : i32
      %swap3A_241 = arith.index_cast %add3A_240 : i32 to index
      %swap3A_242 = tpu.vector_load %arg13[%swap3A_241] {strides = array<i32>} : memref<10240xi32, #tpu.memory_space<vmem>>, vector<16xi32>,
      tpu.vector_store %arg13[%swap3A_241], %broadcast_in_dim3A_238 {strides = array<i32>} : memref<10240xi32, #tpu.memory_space<vmem>>, vector<16xi32>,
      %broadcast_in_dim3A_243 = arith.constant 0 : i32
      %broadcast_in_dim3A_244 = vector.broadcast %broadcast_in_dim3A_243 : i32 to vector<16xi32>
      %add3A_245 = arith.constant 112 : i32
      %add3A_246 = arith.addi %mul3A_202, %add3A_245 : i32
      %swap3A_247 = arith.index_cast %add3A_246 : i32 to index
      %swap3A_248 = tpu.vector_load %arg13[%swap3A_247] {strides = array<i32>} : memref<10240xi32, #tpu.memory_space<vmem>>, vector<16xi32>,
      tpu.vector_store %arg13[%swap3A_247], %broadcast_in_dim3A_244 {strides = array<i32>} : memref<10240xi32, #tpu.memory_space<vmem>>, vector<16xi32>,
    }
    %while3A_35 = arith.constant 1 : i32
    scf.for %while3A_198 = %while3A_33 to %while3A_29 step %while3A_35  : i32 {
      %mul3A_199 = arith.muli %while3A_198, %while3A_25 : i32
      %add3A_200 = arith.addi %while3A_26, %mul3A_199 : i32
      %mul3A_201 = arith.constant 128 : i32
      %mul3A_202 = arith.muli %add3A_200, %mul3A_201 : i32
      %broadcast_in_dim3A = arith.constant 0 : i32
      %broadcast_in_dim3A_203 = vector.broadcast %broadcast_in_dim3A : i32 to vector<16xi32>
      %add3A_204 = arith.constant 0 : i32
      %add3A_205 = arith.addi %mul3A_202, %add3A_204 : i32
      %swap3A = arith.index_cast %add3A_205 : i32 to index
      %swap3A_206 = tpu.vector_load %arg13[%swap3A] {strides = array<i32>} : memref<10240xi32, #tpu.memory_space<vmem>>, vector<16xi32>,
      tpu.vector_store %arg13[%swap3A], %broadcast_in_dim3A_203 {strides = array<i32>} : memref<10240xi32, #tpu.memory_space<vmem>>, vector<16xi32>,
      %broadcast_in_dim3A_207 = arith.constant 0 : i32
      %broadcast_in_dim3A_208 = vector.broadcast %broadcast_in_dim3A_207 : i32 to vector<16xi32>
      %add3A_209 = arith.constant 16 : i32
      %add3A_210 = arith.addi %mul3A_202, %add3A_209 : i32
      %swap3A_211 = arith.index_cast %add3A_210 : i32 to index
      %swap3A_212 = tpu.vector_load %arg13[%swap3A_211] {strides = array<i32>} : memref<10240xi32, #tpu.memory_space<vmem>>, vector<16xi32>,
      tpu.vector_store %arg13[%swap3A_211], %broadcast_in_dim3A_208 {strides = array<i32>} : memref<10240xi32, #tpu.memory_space<vmem>>, vector<16xi32>,
      %broadcast_in_dim3A_213 = arith.constant 0 : i32
      %broadcast_in_dim3A_214 = vector.broadcast %broadcast_in_dim3A_213 : i32 to vector<16xi32>
      %add3A_215 = arith.constant 32 : i32
      %add3A_216 = arith.addi %mul3A_202, %add3A_215 : i32
      %swap3A_217 = arith.index_cast %add3A_216 : i32 to index
      %swap3A_218 = tpu.vector_load %arg13[%swap3A_217] {strides = array<i32>} : memref<10240xi32, #tpu.memory_space<vmem>>, vector<16xi32>,
      tpu.vector_store %arg13[%swap3A_217], %broadcast_in_dim3A_214 {strides = array<i32>} : memref<10240xi32, #tpu.memory_space<vmem>>, vector<16xi32>,
      %broadcast_in_dim3A_219 = arith.constant 0 : i32
      %broadcast_in_dim3A_220 = vector.broadcast %broadcast_in_dim3A_219 : i32 to vector<16xi32>
      %add3A_221 = arith.constant 48 : i32
      %add3A_222 = arith.addi %mul3A_202, %add3A_221 : i32
      %swap3A_223 = arith.index_cast %add3A_222 : i32 to index
      %swap3A_224 = tpu.vector_load %arg13[%swap3A_223] {strides = array<i32>} : memref<10240xi32, #tpu.memory_space<vmem>>, vector<16xi32>,
      tpu.vector_store %arg13[%swap3A_223], %broadcast_in_dim3A_220 {strides = array<i32>} : memref<10240xi32, #tpu.memory_space<vmem>>, vector<16xi32>,
      %broadcast_in_dim3A_225 = arith.constant 0 : i32
      %broadcast_in_dim3A_226 = vector.broadcast %broadcast_in_dim3A_225 : i32 to vector<16xi32>
      %add3A_227 = arith.constant 64 : i32
      %add3A_228 = arith.addi %mul3A_202, %add3A_227 : i32
      %swap3A_229 = arith.index_cast %add3A_228 : i32 to index
      %swap3A_230 = tpu.vector_load %arg13[%swap3A_229] {strides = array<i32>} : memref<10240xi32, #tpu.memory_space<vmem>>, vector<16xi32>,
      tpu.vector_store %arg13[%swap3A_229], %broadcast_in_dim3A_226 {strides = array<i32>} : memref<10240xi32, #tpu.memory_space<vmem>>, vector<16xi32>,
      %broadcast_in_dim3A_231 = arith.constant 0 : i32
      %broadcast_in_dim3A_232 = vector.broadcast %broadcast_in_dim3A_231 : i32 to vector<16xi32>
      %add3A_233 = arith.constant 80 : i32
      %add3A_234 = arith.addi %mul3A_202, %add3A_233 : i32
      %swap3A_235 = arith.index_cast %add3A_234 : i32 to index
      %swap3A_236 = tpu.vector_load %arg13[%swap3A_235] {strides = array<i32>} : memref<10240xi32, #tpu.memory_space<vmem>>, vector<16xi32>,
      tpu.vector_store %arg13[%swap3A_235], %broadcast_in_dim3A_232 {strides = array<i32>} : memref<10240xi32, #tpu.memory_space<vmem>>, vector<16xi32>,
      %broadcast_in_dim3A_237 = arith.constant 0 : i32
      %broadcast_in_dim3A_238 = vector.broadcast %broadcast_in_dim3A_237 : i32 to vector<16xi32>
      %add3A_239 = arith.constant 96 : i32
      %add3A_240 = arith.addi %mul3A_202, %add3A_239 : i32
      %swap3A_241 = arith.index_cast %add3A_240 : i32 to index
      %swap3A_242 = tpu.vector_load %arg13[%swap3A_241] {strides = array<i32>} : memref<10240xi32, #tpu.memory_space<vmem>>, vector<16xi32>,
      tpu.vector_store %arg13[%swap3A_241], %broadcast_in_dim3A_238 {strides = array<i32>} : memref<10240xi32, #tpu.memory_space<vmem>>, vector<16xi32>,
      %broadcast_in_dim3A_243 = arith.constant 0 : i32
      %broadcast_in_dim3A_244 = vector.broadcast %broadcast_in_dim3A_243 : i32 to vector<16xi32>
      %add3A_245 = arith.constant 112 : i32
      %add3A_246 = arith.addi %mul3A_202, %add3A_245 : i32
      %swap3A_247 = arith.index_cast %add3A_246 : i32 to index
      %swap3A_248 = tpu.vector_load %arg13[%swap3A_247] {strides = array<i32>} : memref<10240xi32, #tpu.memory_space<vmem>>, vector<16xi32>,
      tpu.vector_store %arg13[%swap3A_247], %broadcast_in_dim3A_244 {strides = array<i32>} : memref<10240xi32, #tpu.memory_space<vmem>>, vector<16xi32>,
    }
    %sub3A_36 = arith.constant 5 : i32
    %sub3A_37 = arith.constant 0 : i32
    %sub3A_38 = arith.subi %sub3A_36, %sub3A_37 : i32
    %sub3A_39 = arith.constant 1 : i32
    %sub3A_40 = arith.constant 1 : i32
    %sub3A_41 = arith.subi %sub3A_39, %sub3A_40 : i32
    %add3A_42 = arith.addi %sub3A_38, %sub3A_41 : i32
    %div3A_43 = arith.constant 1 : i32
    %div3A_44 = arith.divsi %add3A_42, %div3A_43 : i32
    %while3A_45 = arith.constant 1 : i32
    %while3A_46 = arith.constant 0 : i32
    %while3A_47 = arith.constant 0 : i32
    %while3A_48 = arith.subi %div3A_44, %while3A_47 : i32
    %while3A_49 = arith.addi %while3A_47, %while3A_48 : i32
    %while3A_50 = arith.constant 1 : i32
    %while3A_51 = arith.divsi %while3A_48, %while3A_50 : i32
    %while3A_52 = arith.muli %while3A_51, %while3A_50 : i32
    %while3A_53 = arith.addi %while3A_47, %while3A_52 : i32
    %while3A_54 = arith.constant 1 : i32
    scf.for %while3A_198 = %while3A_47 to %while3A_53 step %while3A_54  : i32 {
      %mul3A_199 = arith.muli %while3A_198, %while3A_45 : i32
      %add3A_200 = arith.addi %while3A_46, %mul3A_199 : i32
      %mul3A_201 = arith.constant 640 : i32
      %mul3A_202 = arith.muli %arg1, %mul3A_201 : i32
      %mul3A_203 = arith.constant 128 : i32
      %mul3A_204 = arith.muli %add3A_200, %mul3A_203 : i32
      %add3A_205 = arith.addi %mul3A_202, %mul3A_204 : i32
      %eq3A = arith.constant 0 : i32
      %eq3A_206 = arith.cmpi eq, %arg0, %eq3A : i32
      %convert_element_type3A = arith.extui %eq3A_206 : i1 to i32
      %cond3A = arith.constant 0 : i32
      %cond3A_207 = arith.cmpi ne, %convert_element_type3A, %cond3A : i32
      scf.if %cond3A_207 {
        "tpu.region"() ({
          %run_scoped3A = tpu.sem_alloc : memref<!tpu.dma_semaphore, #tpu.memory_space<semaphore_mem>>
          %dma_start3A_213 = arith.constant 0 : i32
          %dma_start3A_214 = tpu.memref_slice %arg14[%add3A_205, %dma_start3A_213] : memref<10240x128xf32, #tpu.memory_space<vmem_shared>> -> memref<128x128xf32, #tpu.memory_space<vmem_shared>>
          %dma_start3A_215 = arith.constant 0 : i32
          %dma_start3A_216 = tpu.memref_slice %arg2[%add3A_205, %dma_start3A_215] : memref<10240x128xf32, #tpu.memory_space<hbm>> -> memref<128x128xf32, #tpu.memory_space<hbm>>
          tpu.enqueue_dma source(%dma_start3A_216 : memref<128x128xf32, #tpu.memory_space<hbm>>) target(%dma_start3A_214 : memref<128x128xf32, #tpu.memory_space<vmem_shared>>) target_semaphore(%run_scoped3A : memref<!tpu.dma_semaphore, #tpu.memory_space<semaphore_mem>>)
          %dma_wait3A_217 = arith.constant 0 : i32
          %dma_wait3A_218 = tpu.memref_slice %arg14[%add3A_205, %dma_wait3A_217] : memref<10240x128xf32, #tpu.memory_space<vmem_shared>> -> memref<128x128xf32, #tpu.memory_space<vmem_shared>>
          %dma_wait3A_219 = arith.constant 0 : i32
          %dma_wait3A_220 = tpu.memref_slice %arg2[%add3A_205, %dma_wait3A_219] : memref<10240x128xf32, #tpu.memory_space<hbm>> -> memref<128x128xf32, #tpu.memory_space<hbm>>
          tpu.wait_dma2 semaphore(%run_scoped3A : memref<!tpu.dma_semaphore, #tpu.memory_space<semaphore_mem>>) src(%dma_wait3A_220 : memref<128x128xf32, #tpu.memory_space<hbm>>) dst(%dma_wait3A_218 : memref<128x128xf32, #tpu.memory_space<vmem_shared>>)
          tpu.yield
        }) : () -> ()
      } else {
      }
      %ne3A_208 = arith.constant 0 : i32
      %ne3A_209 = arith.cmpi ne, %arg0, %ne3A_208 : i32
      %convert_element_type3A_210 = arith.extui %ne3A_209 : i1 to i32
      %cond3A_211 = arith.constant 0 : i32
      %cond3A_212 = arith.cmpi ne, %convert_element_type3A_210, %cond3A_211 : i32
      scf.if %cond3A_212 {
        "tpu.region"() ({
          %run_scoped3A = tpu.sem_alloc : memref<!tpu.dma_semaphore, #tpu.memory_space<semaphore_mem>>
          %dma_start3A_213 = arith.constant 0 : i32
          %dma_start3A_214 = tpu.memref_slice %arg14[%add3A_205, %dma_start3A_213] : memref<10240x128xf32, #tpu.memory_space<vmem_shared>> -> memref<128x128xf32, #tpu.memory_space<vmem_shared>>
          %dma_start3A_215 = arith.constant 0 : i32
          %dma_start3A_216 = tpu.memref_slice %arg14[%add3A_205, %dma_start3A_215] : memref<10240x128xf32, #tpu.memory_space<vmem_shared>> -> memref<128x128xf32, #tpu.memory_space<vmem_shared>>
          tpu.enqueue_dma source(%arg7 : memref<128x128xf32, #tpu.memory_space<vmem>>) target(%dma_start3A_216 : memref<128x128xf32, #tpu.memory_space<vmem_shared>>) target_semaphore(%run_scoped3A : memref<!tpu.dma_semaphore, #tpu.memory_space<semaphore_mem>>)
          %dma_wait3A_217 = arith.constant 0 : i32
          %dma_wait3A_218 = tpu.memref_slice %arg14[%add3A_205, %dma_wait3A_217] : memref<10240x128xf32, #tpu.memory_space<vmem_shared>> -> memref<128x128xf32, #tpu.memory_space<vmem_shared>>
          %dma_wait3A_219 = arith.constant 0 : i32
          %dma_wait3A_220 = tpu.memref_slice %arg14[%add3A_205, %dma_wait3A_219] : memref<10240x128xf32, #tpu.memory_space<vmem_shared>> -> memref<128x128xf32, #tpu.memory_space<vmem_shared>>
          tpu.wait_dma2 semaphore(%run_scoped3A : memref<!tpu.dma_semaphore, #tpu.memory_space<semaphore_mem>>) src(%arg7 : memref<128x128xf32, #tpu.memory_space<vmem>>) dst(%dma_wait3A_220 : memref<128x128xf32, #tpu.memory_space<vmem_shared>>)
          tpu.yield
        }) : () -> ()
      } else {
      }
    }
    %while3A_55 = arith.constant 1 : i32
    scf.for %while3A_198 = %while3A_53 to %while3A_49 step %while3A_55  : i32 {
      %mul3A_199 = arith.muli %while3A_198, %while3A_45 : i32
      %add3A_200 = arith.addi %while3A_46, %mul3A_199 : i32
      %mul3A_201 = arith.constant 640 : i32
      %mul3A_202 = arith.muli %arg1, %mul3A_201 : i32
      %mul3A_203 = arith.constant 128 : i32
      %mul3A_204 = arith.muli %add3A_200, %mul3A_203 : i32
      %add3A_205 = arith.addi %mul3A_202, %mul3A_204 : i32
      %eq3A = arith.constant 0 : i32
      %eq3A_206 = arith.cmpi eq, %arg0, %eq3A : i32
      %convert_element_type3A = arith.extui %eq3A_206 : i1 to i32
      %cond3A = arith.constant 0 : i32
      %cond3A_207 = arith.cmpi ne, %convert_element_type3A, %cond3A : i32
      scf.if %cond3A_207 {
        "tpu.region"() ({
          %run_scoped3A = tpu.sem_alloc : memref<!tpu.dma_semaphore, #tpu.memory_space<semaphore_mem>>
          %dma_start3A_213 = arith.constant 0 : i32
          %dma_start3A_214 = tpu.memref_slice %arg14[%add3A_205, %dma_start3A_213] : memref<10240x128xf32, #tpu.memory_space<vmem_shared>> -> memref<128x128xf32, #tpu.memory_space<vmem_shared>>
          %dma_start3A_215 = arith.constant 0 : i32
          %dma_start3A_216 = tpu.memref_slice %arg2[%add3A_205, %dma_start3A_215] : memref<10240x128xf32, #tpu.memory_space<hbm>> -> memref<128x128xf32, #tpu.memory_space<hbm>>
          tpu.enqueue_dma source(%dma_start3A_216 : memref<128x128xf32, #tpu.memory_space<hbm>>) target(%dma_start3A_214 : memref<128x128xf32, #tpu.memory_space<vmem_shared>>) target_semaphore(%run_scoped3A : memref<!tpu.dma_semaphore, #tpu.memory_space<semaphore_mem>>)
          %dma_wait3A_217 = arith.constant 0 : i32
          %dma_wait3A_218 = tpu.memref_slice %arg14[%add3A_205, %dma_wait3A_217] : memref<10240x128xf32, #tpu.memory_space<vmem_shared>> -> memref<128x128xf32, #tpu.memory_space<vmem_shared>>
          %dma_wait3A_219 = arith.constant 0 : i32
          %dma_wait3A_220 = tpu.memref_slice %arg2[%add3A_205, %dma_wait3A_219] : memref<10240x128xf32, #tpu.memory_space<hbm>> -> memref<128x128xf32, #tpu.memory_space<hbm>>
          tpu.wait_dma2 semaphore(%run_scoped3A : memref<!tpu.dma_semaphore, #tpu.memory_space<semaphore_mem>>) src(%dma_wait3A_220 : memref<128x128xf32, #tpu.memory_space<hbm>>) dst(%dma_wait3A_218 : memref<128x128xf32, #tpu.memory_space<vmem_shared>>)
          tpu.yield
        }) : () -> ()
      } else {
      }
      %ne3A_208 = arith.constant 0 : i32
      %ne3A_209 = arith.cmpi ne, %arg0, %ne3A_208 : i32
      %convert_element_type3A_210 = arith.extui %ne3A_209 : i1 to i32
      %cond3A_211 = arith.constant 0 : i32
      %cond3A_212 = arith.cmpi ne, %convert_element_type3A_210, %cond3A_211 : i32
      scf.if %cond3A_212 {
        "tpu.region"() ({
          %run_scoped3A = tpu.sem_alloc : memref<!tpu.dma_semaphore, #tpu.memory_space<semaphore_mem>>
          %dma_start3A_213 = arith.constant 0 : i32
          %dma_start3A_214 = tpu.memref_slice %arg14[%add3A_205, %dma_start3A_213] : memref<10240x128xf32, #tpu.memory_space<vmem_shared>> -> memref<128x128xf32, #tpu.memory_space<vmem_shared>>
          %dma_start3A_215 = arith.constant 0 : i32
          %dma_start3A_216 = tpu.memref_slice %arg14[%add3A_205, %dma_start3A_215] : memref<10240x128xf32, #tpu.memory_space<vmem_shared>> -> memref<128x128xf32, #tpu.memory_space<vmem_shared>>
          tpu.enqueue_dma source(%arg7 : memref<128x128xf32, #tpu.memory_space<vmem>>) target(%dma_start3A_216 : memref<128x128xf32, #tpu.memory_space<vmem_shared>>) target_semaphore(%run_scoped3A : memref<!tpu.dma_semaphore, #tpu.memory_space<semaphore_mem>>)
          %dma_wait3A_217 = arith.constant 0 : i32
          %dma_wait3A_218 = tpu.memref_slice %arg14[%add3A_205, %dma_wait3A_217] : memref<10240x128xf32, #tpu.memory_space<vmem_shared>> -> memref<128x128xf32, #tpu.memory_space<vmem_shared>>
          %dma_wait3A_219 = arith.constant 0 : i32
          %dma_wait3A_220 = tpu.memref_slice %arg14[%add3A_205, %dma_wait3A_219] : memref<10240x128xf32, #tpu.memory_space<vmem_shared>> -> memref<128x128xf32, #tpu.memory_space<vmem_shared>>
          tpu.wait_dma2 semaphore(%run_scoped3A : memref<!tpu.dma_semaphore, #tpu.memory_space<semaphore_mem>>) src(%arg7 : memref<128x128xf32, #tpu.memory_space<vmem>>) dst(%dma_wait3A_220 : memref<128x128xf32, #tpu.memory_space<vmem_shared>>)
          tpu.yield
        }) : () -> ()
      } else {
      }
    }
    %barrier3A = arith.constant 0 : index
    tpu.barrier barrier_id(%barrier3A)
    %mul3A = arith.constant 163840 : i32
    %mul3A_56 = arith.muli %arg0, %mul3A : i32
    %mul3A_57 = arith.constant 10240 : i32
    %mul3A_58 = arith.muli %arg1, %mul3A_57 : i32
    %add3A_59 = arith.addi %mul3A_56, %mul3A_58 : i32
    %jit3A = arith.constant 128 : i32
    %div3A_60 = arith.divsi %add3A_59, %jit3A : i32
    %sign3A = arith.constant 0 : i32
    %sign3A_61 = arith.cmpi sgt, %add3A_59, %sign3A : i32
    %sign3A_62 = arith.extui %sign3A_61 : i1 to i32
    %sign3A_63 = arith.constant 0 : i32
    %sign3A_64 = arith.cmpi slt, %add3A_59, %sign3A_63 : i32
    %sign3A_65 = arith.extui %sign3A_64 : i1 to i32
    %sign3A_66 = arith.subi %sign3A_62, %sign3A_65 : i32
    %sign3A_67 = arith.constant 0 : i32
    %sign3A_68 = arith.cmpi sgt, %jit3A, %sign3A_67 : i32
    %sign3A_69 = arith.extui %sign3A_68 : i1 to i32
    %sign3A_70 = arith.constant 0 : i32
    %sign3A_71 = arith.cmpi slt, %jit3A, %sign3A_70 : i32
    %sign3A_72 = arith.extui %sign3A_71 : i1 to i32
    %sign3A_73 = arith.subi %sign3A_69, %sign3A_72 : i32
    %ne3A = arith.cmpi ne, %sign3A_66, %sign3A_73 : i32
    %rem3A = arith.remsi %add3A_59, %jit3A : i32
    %ne3A_74 = arith.constant 0 : i32
    %ne3A_75 = arith.cmpi ne, %rem3A, %ne3A_74 : i32
    %and3A = arith.andi %ne3A, %ne3A_75 : i1
    %sub3A_76 = arith.constant 1 : i32
    %sub3A_77 = arith.subi %div3A_60, %sub3A_76 : i32
    %select_n3A = arith.select %and3A, %sub3A_77, %div3A_60 : i32
    %mul3A_78 = arith.constant 0 : i32
    %mul3A_79 = arith.constant 8 : i32
    %mul3A_80 = arith.muli %mul3A_78, %mul3A_79 : i32
    %add3A_81 = arith.addi %select_n3A, %mul3A_80 : i32
    %multiple_of3A = tpu.assume_multiple %add3A_81, 8 : i32
    %dma_start3A = arith.constant 0 : i32
    %dma_start3A_82 = tpu.memref_slice %arg3[%multiple_of3A, %dma_start3A] : memref<2576x128xi32, #tpu.memory_space<hbm>> -> memref<8x128xi32, #tpu.memory_space<hbm>>
    %dma_start3A_83 = arith.constant 0 : i32
    %dma_start3A_84 = tpu.memref_slice %arg3[%multiple_of3A, %dma_start3A_83] : memref<2576x128xi32, #tpu.memory_space<hbm>> -> memref<8x128xi32, #tpu.memory_space<hbm>>
    tpu.enqueue_dma source(%dma_start3A_84 : memref<8x128xi32, #tpu.memory_space<hbm>>) target(%arg9 : memref<8x128xi32, #tpu.memory_space<vmem>>) target_semaphore(%arg17 : memref<!tpu.dma_semaphore, #tpu.memory_space<semaphore_mem>>)
    %dma_start3A_85 = arith.constant 0 : i32
    %dma_start3A_86 = tpu.memref_slice %arg4[%multiple_of3A, %dma_start3A_85] : memref<2576x128xi32, #tpu.memory_space<hbm>> -> memref<8x128xi32, #tpu.memory_space<hbm>>
    %dma_start3A_87 = arith.constant 0 : i32
    %dma_start3A_88 = tpu.memref_slice %arg4[%multiple_of3A, %dma_start3A_87] : memref<2576x128xi32, #tpu.memory_space<hbm>> -> memref<8x128xi32, #tpu.memory_space<hbm>>
    tpu.enqueue_dma source(%dma_start3A_88 : memref<8x128xi32, #tpu.memory_space<hbm>>) target(%arg11 : memref<8x128xi32, #tpu.memory_space<vmem>>) target_semaphore(%arg19 : memref<!tpu.dma_semaphore, #tpu.memory_space<semaphore_mem>>)
    %mul3A_89 = arith.constant 1 : i32
    %mul3A_90 = arith.constant 8 : i32
    %mul3A_91 = arith.muli %mul3A_89, %mul3A_90 : i32
    %add3A_92 = arith.addi %select_n3A, %mul3A_91 : i32
    %multiple_of3A_93 = tpu.assume_multiple %add3A_92, 8 : i32
    %dma_start3A_94 = arith.constant 0 : i32
    %dma_start3A_95 = tpu.memref_slice %arg3[%multiple_of3A_93, %dma_start3A_94] : memref<2576x128xi32, #tpu.memory_space<hbm>> -> memref<8x128xi32, #tpu.memory_space<hbm>>
    %dma_start3A_96 = arith.constant 0 : i32
    %dma_start3A_97 = tpu.memref_slice %arg3[%multiple_of3A_93, %dma_start3A_96] : memref<2576x128xi32, #tpu.memory_space<hbm>> -> memref<8x128xi32, #tpu.memory_space<hbm>>
    tpu.enqueue_dma source(%dma_start3A_97 : memref<8x128xi32, #tpu.memory_space<hbm>>) target(%arg10 : memref<8x128xi32, #tpu.memory_space<vmem>>) target_semaphore(%arg18 : memref<!tpu.dma_semaphore, #tpu.memory_space<semaphore_mem>>)
    %dma_start3A_98 = arith.constant 0 : i32
    %dma_start3A_99 = tpu.memref_slice %arg4[%multiple_of3A_93, %dma_start3A_98] : memref<2576x128xi32, #tpu.memory_space<hbm>> -> memref<8x128xi32, #tpu.memory_space<hbm>>
    %dma_start3A_100 = arith.constant 0 : i32
    %dma_start3A_101 = tpu.memref_slice %arg4[%multiple_of3A_93, %dma_start3A_100] : memref<2576x128xi32, #tpu.memory_space<hbm>> -> memref<8x128xi32, #tpu.memory_space<hbm>>
    tpu.enqueue_dma source(%dma_start3A_101 : memref<8x128xi32, #tpu.memory_space<hbm>>) target(%arg12 : memref<8x128xi32, #tpu.memory_space<vmem>>) target_semaphore(%arg20 : memref<!tpu.dma_semaphore, #tpu.memory_space<semaphore_mem>>)
    %dma_wait3A = arith.constant 0 : i32
    %dma_wait3A_102 = arith.constant 0 : i32
    %dma_wait3A_103 = tpu.memref_slice %arg3[%dma_wait3A, %dma_wait3A_102] : memref<2576x128xi32, #tpu.memory_space<hbm>> -> memref<8x128xi32, #tpu.memory_space<hbm>>
    %dma_wait3A_104 = arith.constant 0 : i32
    %dma_wait3A_105 = arith.constant 0 : i32
    %dma_wait3A_106 = tpu.memref_slice %arg3[%dma_wait3A_104, %dma_wait3A_105] : memref<2576x128xi32, #tpu.memory_space<hbm>> -> memref<8x128xi32, #tpu.memory_space<hbm>>
    tpu.wait_dma2 semaphore(%arg17 : memref<!tpu.dma_semaphore, #tpu.memory_space<semaphore_mem>>) src(%dma_wait3A_106 : memref<8x128xi32, #tpu.memory_space<hbm>>) dst(%arg9 : memref<8x128xi32, #tpu.memory_space<vmem>>)
    %dma_wait3A_107 = arith.constant 0 : i32
    %dma_wait3A_108 = arith.constant 0 : i32
    %dma_wait3A_109 = tpu.memref_slice %arg4[%dma_wait3A_107, %dma_wait3A_108] : memref<2576x128xi32, #tpu.memory_space<hbm>> -> memref<8x128xi32, #tpu.memory_space<hbm>>
    %dma_wait3A_110 = arith.constant 0 : i32
    %dma_wait3A_111 = arith.constant 0 : i32
    %dma_wait3A_112 = tpu.memref_slice %arg4[%dma_wait3A_110, %dma_wait3A_111] : memref<2576x128xi32, #tpu.memory_space<hbm>> -> memref<8x128xi32, #tpu.memory_space<hbm>>
    tpu.wait_dma2 semaphore(%arg19 : memref<!tpu.dma_semaphore, #tpu.memory_space<semaphore_mem>>) src(%dma_wait3A_112 : memref<8x128xi32, #tpu.memory_space<hbm>>) dst(%arg11 : memref<8x128xi32, #tpu.memory_space<vmem>>)
    %dma_start3A_113 = arith.constant 0 : i32
    %dma_start3A_114 = arith.constant 0 : i32
    %dma_start3A_115 = tpu.memref_slice %arg9[%dma_start3A_113, %dma_start3A_114] : memref<8x128xi32, #tpu.memory_space<vmem>> -> memref<1x128xi32, #tpu.memory_space<vmem>>
    %dma_start3A_116 = tpu.memref_squeeze %dma_start3A_115 : memref<1x128xi32, #tpu.memory_space<vmem>> -> memref<128xi32, #tpu.memory_space<vmem>>
    %dma_start3A_117 = arith.constant 0 : i32
    %dma_start3A_118 = arith.constant 0 : i32
    %dma_start3A_119 = tpu.memref_slice %arg2[%dma_start3A_117, %dma_start3A_118] : memref<10240x128xf32, #tpu.memory_space<hbm>> -> memref<10240x128xf32, #tpu.memory_space<hbm>>
    tpu.enqueue_indirect_dma source(%dma_start3A_119 : memref<10240x128xf32, #tpu.memory_space<hbm>>) target(%arg7 : memref<128x128xf32, #tpu.memory_space<vmem>>) offsets(%dma_start3A_116 : memref<128xi32, #tpu.memory_space<vmem>>) semaphore(%arg15 : memref<!tpu.dma_semaphore, #tpu.memory_space<semaphore_mem>>)
    %dma_start3A_120 = arith.constant 1 : i32
    %dma_start3A_121 = arith.constant 0 : i32
    %dma_start3A_122 = tpu.memref_slice %arg9[%dma_start3A_120, %dma_start3A_121] : memref<8x128xi32, #tpu.memory_space<vmem>> -> memref<1x128xi32, #tpu.memory_space<vmem>>
    %dma_start3A_123 = tpu.memref_squeeze %dma_start3A_122 : memref<1x128xi32, #tpu.memory_space<vmem>> -> memref<128xi32, #tpu.memory_space<vmem>>
    %dma_start3A_124 = arith.constant 0 : i32
    %dma_start3A_125 = arith.constant 0 : i32
    %dma_start3A_126 = tpu.memref_slice %arg2[%dma_start3A_124, %dma_start3A_125] : memref<10240x128xf32, #tpu.memory_space<hbm>> -> memref<10240x128xf32, #tpu.memory_space<hbm>>
    tpu.enqueue_indirect_dma source(%dma_start3A_126 : memref<10240x128xf32, #tpu.memory_space<hbm>>) target(%arg8 : memref<128x128xf32, #tpu.memory_space<vmem>>) offsets(%dma_start3A_123 : memref<128xi32, #tpu.memory_space<vmem>>) semaphore(%arg16 : memref<!tpu.dma_semaphore, #tpu.memory_space<semaphore_mem>>)
    %sub3A_127 = arith.constant 5 : i32
    %sub3A_128 = arith.constant 0 : i32
    %sub3A_129 = arith.subi %sub3A_127, %sub3A_128 : i32
    %sub3A_130 = arith.constant 1 : i32
    %sub3A_131 = arith.constant 1 : i32
    %sub3A_132 = arith.subi %sub3A_130, %sub3A_131 : i32
    %add3A_133 = arith.addi %sub3A_129, %sub3A_132 : i32
    %div3A_134 = arith.constant 1 : i32
    %div3A_135 = arith.divsi %add3A_133, %div3A_134 : i32
    %while3A_136 = arith.constant 1 : i32
    %while3A_137 = arith.constant 0 : i32
    %while3A_138 = arith.constant 0 : i32
    %while3A_139 = arith.subi %div3A_135, %while3A_138 : i32
    %while3A_140 = arith.addi %while3A_138, %while3A_139 : i32
    %while3A_141 = arith.constant 1 : i32
    %while3A_142 = arith.divsi %while3A_139, %while3A_141 : i32
    %while3A_143 = arith.muli %while3A_142, %while3A_141 : i32
    %while3A_144 = arith.addi %while3A_138, %while3A_143 : i32
    %while3A_145 = arith.constant 1 : i32
    scf.for %while3A_198 = %while3A_138 to %while3A_144 step %while3A_145  : i32 {
      %mul3A_199 = arith.muli %while3A_198, %while3A_136 : i32
      %add3A_200 = arith.addi %while3A_137, %mul3A_199 : i32
      %mul3A_201 = arith.constant 2 : i32
      %mul3A_202 = arith.muli %mul3A_201, %add3A_200 : i32
      %add3A_203 = arith.constant 0 : i32
      %add3A_204 = arith.addi %mul3A_202, %add3A_203 : i32
      %dma_wait3A_205 = arith.constant 0 : i32
      %dma_wait3A_206 = arith.constant 0 : i32
      %dma_wait3A_207 = tpu.memref_slice %arg9[%dma_wait3A_205, %dma_wait3A_206] : memref<8x128xi32, #tpu.memory_space<vmem>> -> memref<1x128xi32, #tpu.memory_space<vmem>>
      %dma_wait3A_208 = tpu.memref_squeeze %dma_wait3A_207 : memref<1x128xi32, #tpu.memory_space<vmem>> -> memref<128xi32, #tpu.memory_space<vmem>>
      %dma_wait3A_209 = arith.constant 0 : i32
      %dma_wait3A_210 = arith.constant 0 : i32
      %dma_wait3A_211 = tpu.memref_slice %arg2[%dma_wait3A_209, %dma_wait3A_210] : memref<10240x128xf32, #tpu.memory_space<hbm>> -> memref<10240x128xf32, #tpu.memory_space<hbm>>
      tpu.wait_indirect_dma semaphore(%arg15 : memref<!tpu.dma_semaphore, #tpu.memory_space<semaphore_mem>>) src(%dma_wait3A_211 : memref<10240x128xf32, #tpu.memory_space<hbm>>) dst(%arg7 : memref<128x128xf32, #tpu.memory_space<vmem>>)
      %dma_start3A_212 = arith.constant 0 : i32
      %dma_start3A_213 = arith.constant 0 : i32
      %dma_start3A_214 = tpu.memref_slice %arg11[%dma_start3A_212, %dma_start3A_213] : memref<8x128xi32, #tpu.memory_space<vmem>> -> memref<1x128xi32, #tpu.memory_space<vmem>>
      %dma_start3A_215 = tpu.memref_squeeze %dma_start3A_214 : memref<1x128xi32, #tpu.memory_space<vmem>> -> memref<128xi32, #tpu.memory_space<vmem>>
      %dma_start3A_216 = arith.constant 0 : i32
      %dma_start3A_217 = arith.constant 0 : i32
      %dma_start3A_218 = tpu.memref_slice %arg14[%dma_start3A_216, %dma_start3A_217] : memref<10240x128xf32, #tpu.memory_space<vmem_shared>> -> memref<10240x128xf32, #tpu.memory_space<vmem_shared>>
      tpu.enqueue_indirect_dma source(%arg7 : memref<128x128xf32, #tpu.memory_space<vmem>>) target(%dma_start3A_218 : memref<10240x128xf32, #tpu.memory_space<vmem_shared>>) offsets(%dma_start3A_215 : memref<128xi32, #tpu.memory_space<vmem>>) semaphore(%arg21 : memref<!tpu.dma_semaphore, #tpu.memory_space<semaphore_mem>>) {add = true}
      %broadcast_in_dim3A = arith.constant 1 : i32
      %broadcast_in_dim3A_219 = vector.broadcast %broadcast_in_dim3A : i32 to vector<16xi32>
      %get3A = arith.constant 0 : i32
      %get3A_220 = arith.constant 0 : i32
      %get3A_221 = arith.index_cast %get3A : i32 to index
      %get3A_222 = arith.index_cast %get3A_220 : i32 to index
      %get3A_223 = tpu.vector_load %arg11[%get3A_221, %get3A_222] {strides = array<i32>} : memref<8x128xi32, #tpu.memory_space<vmem>>, vector<16xi32>,
      tpu.vector_store_idx %arg13[%get3A_223], %broadcast_in_dim3A_219 {add = true} : memref<10240xi32, #tpu.memory_space<vmem>>[vector<16xi32>], vector<16xi32>,
      %get3A_224 = arith.constant 0 : i32
      %get3A_225 = arith.constant 16 : i32
      %get3A_226 = arith.index_cast %get3A_224 : i32 to index
      %get3A_227 = arith.index_cast %get3A_225 : i32 to index
      %get3A_228 = tpu.vector_load %arg11[%get3A_226, %get3A_227] {strides = array<i32>} : memref<8x128xi32, #tpu.memory_space<vmem>>, vector<16xi32>,
      tpu.vector_store_idx %arg13[%get3A_228], %broadcast_in_dim3A_219 {add = true} : memref<10240xi32, #tpu.memory_space<vmem>>[vector<16xi32>], vector<16xi32>,
      %get3A_229 = arith.constant 0 : i32
      %get3A_230 = arith.constant 32 : i32
      %get3A_231 = arith.index_cast %get3A_229 : i32 to index
      %get3A_232 = arith.index_cast %get3A_230 : i32 to index
      %get3A_233 = tpu.vector_load %arg11[%get3A_231, %get3A_232] {strides = array<i32>} : memref<8x128xi32, #tpu.memory_space<vmem>>, vector<16xi32>,
      tpu.vector_store_idx %arg13[%get3A_233], %broadcast_in_dim3A_219 {add = true} : memref<10240xi32, #tpu.memory_space<vmem>>[vector<16xi32>], vector<16xi32>,
      %get3A_234 = arith.constant 0 : i32
      %get3A_235 = arith.constant 48 : i32
      %get3A_236 = arith.index_cast %get3A_234 : i32 to index
      %get3A_237 = arith.index_cast %get3A_235 : i32 to index
      %get3A_238 = tpu.vector_load %arg11[%get3A_236, %get3A_237] {strides = array<i32>} : memref<8x128xi32, #tpu.memory_space<vmem>>, vector<16xi32>,
      tpu.vector_store_idx %arg13[%get3A_238], %broadcast_in_dim3A_219 {add = true} : memref<10240xi32, #tpu.memory_space<vmem>>[vector<16xi32>], vector<16xi32>,
      %get3A_239 = arith.constant 0 : i32
      %get3A_240 = arith.constant 64 : i32
      %get3A_241 = arith.index_cast %get3A_239 : i32 to index
      %get3A_242 = arith.index_cast %get3A_240 : i32 to index
      %get3A_243 = tpu.vector_load %arg11[%get3A_241, %get3A_242] {strides = array<i32>} : memref<8x128xi32, #tpu.memory_space<vmem>>, vector<16xi32>,
      tpu.vector_store_idx %arg13[%get3A_243], %broadcast_in_dim3A_219 {add = true} : memref<10240xi32, #tpu.memory_space<vmem>>[vector<16xi32>], vector<16xi32>,
      %get3A_244 = arith.constant 0 : i32
      %get3A_245 = arith.constant 80 : i32
      %get3A_246 = arith.index_cast %get3A_244 : i32 to index
      %get3A_247 = arith.index_cast %get3A_245 : i32 to index
      %get3A_248 = tpu.vector_load %arg11[%get3A_246, %get3A_247] {strides = array<i32>} : memref<8x128xi32, #tpu.memory_space<vmem>>, vector<16xi32>,
      tpu.vector_store_idx %arg13[%get3A_248], %broadcast_in_dim3A_219 {add = true} : memref<10240xi32, #tpu.memory_space<vmem>>[vector<16xi32>], vector<16xi32>,
      %get3A_249 = arith.constant 0 : i32
      %get3A_250 = arith.constant 96 : i32
      %get3A_251 = arith.index_cast %get3A_249 : i32 to index
      %get3A_252 = arith.index_cast %get3A_250 : i32 to index
      %get3A_253 = tpu.vector_load %arg11[%get3A_251, %get3A_252] {strides = array<i32>} : memref<8x128xi32, #tpu.memory_space<vmem>>, vector<16xi32>,
      tpu.vector_store_idx %arg13[%get3A_253], %broadcast_in_dim3A_219 {add = true} : memref<10240xi32, #tpu.memory_space<vmem>>[vector<16xi32>], vector<16xi32>,
      %get3A_254 = arith.constant 0 : i32
      %get3A_255 = arith.constant 112 : i32
      %get3A_256 = arith.index_cast %get3A_254 : i32 to index
      %get3A_257 = arith.index_cast %get3A_255 : i32 to index
      %get3A_258 = tpu.vector_load %arg11[%get3A_256, %get3A_257] {strides = array<i32>} : memref<8x128xi32, #tpu.memory_space<vmem>>, vector<16xi32>,
      tpu.vector_store_idx %arg13[%get3A_258], %broadcast_in_dim3A_219 {add = true} : memref<10240xi32, #tpu.memory_space<vmem>>[vector<16xi32>], vector<16xi32>,
      %dma_wait3A_259 = arith.constant 0 : i32
      %dma_wait3A_260 = arith.constant 0 : i32
      %dma_wait3A_261 = tpu.memref_slice %arg11[%dma_wait3A_259, %dma_wait3A_260] : memref<8x128xi32, #tpu.memory_space<vmem>> -> memref<1x128xi32, #tpu.memory_space<vmem>>
      %dma_wait3A_262 = tpu.memref_squeeze %dma_wait3A_261 : memref<1x128xi32, #tpu.memory_space<vmem>> -> memref<128xi32, #tpu.memory_space<vmem>>
      %dma_wait3A_263 = arith.constant 0 : i32
      %dma_wait3A_264 = arith.constant 0 : i32
      %dma_wait3A_265 = tpu.memref_slice %arg14[%dma_wait3A_263, %dma_wait3A_264] : memref<10240x128xf32, #tpu.memory_space<vmem_shared>> -> memref<10240x128xf32, #tpu.memory_space<vmem_shared>>
      tpu.wait_indirect_dma semaphore(%arg21 : memref<!tpu.dma_semaphore, #tpu.memory_space<semaphore_mem>>) src(%arg7 : memref<128x128xf32, #tpu.memory_space<vmem>>) dst(%dma_wait3A_265 : memref<10240x128xf32, #tpu.memory_space<vmem_shared>>)
      %dma_start3A_266 = arith.constant 2 : i32
      %dma_start3A_267 = arith.constant 0 : i32
      %dma_start3A_268 = tpu.memref_slice %arg9[%dma_start3A_266, %dma_start3A_267] : memref<8x128xi32, #tpu.memory_space<vmem>> -> memref<1x128xi32, #tpu.memory_space<vmem>>
      %dma_start3A_269 = tpu.memref_squeeze %dma_start3A_268 : memref<1x128xi32, #tpu.memory_space<vmem>> -> memref<128xi32, #tpu.memory_space<vmem>>
      %dma_start3A_270 = arith.constant 0 : i32
      %dma_start3A_271 = arith.constant 0 : i32
      %dma_start3A_272 = tpu.memref_slice %arg2[%dma_start3A_270, %dma_start3A_271] : memref<10240x128xf32, #tpu.memory_space<hbm>> -> memref<10240x128xf32, #tpu.memory_space<hbm>>
      tpu.enqueue_indirect_dma source(%dma_start3A_272 : memref<10240x128xf32, #tpu.memory_space<hbm>>) target(%arg7 : memref<128x128xf32, #tpu.memory_space<vmem>>) offsets(%dma_start3A_269 : memref<128xi32, #tpu.memory_space<vmem>>) semaphore(%arg15 : memref<!tpu.dma_semaphore, #tpu.memory_space<semaphore_mem>>)
      %dma_wait3A_273 = arith.constant 1 : i32
      %dma_wait3A_274 = arith.constant 0 : i32
      %dma_wait3A_275 = tpu.memref_slice %arg9[%dma_wait3A_273, %dma_wait3A_274] : memref<8x128xi32, #tpu.memory_space<vmem>> -> memref<1x128xi32, #tpu.memory_space<vmem>>
      %dma_wait3A_276 = tpu.memref_squeeze %dma_wait3A_275 : memref<1x128xi32, #tpu.memory_space<vmem>> -> memref<128xi32, #tpu.memory_space<vmem>>
      %dma_wait3A_277 = arith.constant 0 : i32
      %dma_wait3A_278 = arith.constant 0 : i32
      %dma_wait3A_279 = tpu.memref_slice %arg2[%dma_wait3A_277, %dma_wait3A_278] : memref<10240x128xf32, #tpu.memory_space<hbm>> -> memref<10240x128xf32, #tpu.memory_space<hbm>>
      tpu.wait_indirect_dma semaphore(%arg16 : memref<!tpu.dma_semaphore, #tpu.memory_space<semaphore_mem>>) src(%dma_wait3A_279 : memref<10240x128xf32, #tpu.memory_space<hbm>>) dst(%arg8 : memref<128x128xf32, #tpu.memory_space<vmem>>)
      %dma_start3A_280 = arith.constant 1 : i32
      %dma_start3A_281 = arith.constant 0 : i32
      %dma_start3A_282 = tpu.memref_slice %arg11[%dma_start3A_280, %dma_start3A_281] : memref<8x128xi32, #tpu.memory_space<vmem>> -> memref<1x128xi32, #tpu.memory_space<vmem>>
      %dma_start3A_283 = tpu.memref_squeeze %dma_start3A_282 : memref<1x128xi32, #tpu.memory_space<vmem>> -> memref<128xi32, #tpu.memory_space<vmem>>
      %dma_start3A_284 = arith.constant 0 : i32
      %dma_start3A_285 = arith.constant 0 : i32
      %dma_start3A_286 = tpu.memref_slice %arg14[%dma_start3A_284, %dma_start3A_285] : memref<10240x128xf32, #tpu.memory_space<vmem_shared>> -> memref<10240x128xf32, #tpu.memory_space<vmem_shared>>
      tpu.enqueue_indirect_dma source(%arg8 : memref<128x128xf32, #tpu.memory_space<vmem>>) target(%dma_start3A_286 : memref<10240x128xf32, #tpu.memory_space<vmem_shared>>) offsets(%dma_start3A_283 : memref<128xi32, #tpu.memory_space<vmem>>) semaphore(%arg22 : memref<!tpu.dma_semaphore, #tpu.memory_space<semaphore_mem>>) {add = true}
      %broadcast_in_dim3A_287 = arith.constant 1 : i32
      %broadcast_in_dim3A_288 = vector.broadcast %broadcast_in_dim3A_287 : i32 to vector<16xi32>
      %get3A_289 = arith.constant 1 : i32
      %get3A_290 = arith.constant 0 : i32
      %get3A_291 = arith.index_cast %get3A_289 : i32 to index
      %get3A_292 = arith.index_cast %get3A_290 : i32 to index
      %get3A_293 = tpu.vector_load %arg11[%get3A_291, %get3A_292] {strides = array<i32>} : memref<8x128xi32, #tpu.memory_space<vmem>>, vector<16xi32>,
      tpu.vector_store_idx %arg13[%get3A_293], %broadcast_in_dim3A_288 {add = true} : memref<10240xi32, #tpu.memory_space<vmem>>[vector<16xi32>], vector<16xi32>,
      %get3A_294 = arith.constant 1 : i32
      %get3A_295 = arith.constant 16 : i32
      %get3A_296 = arith.index_cast %get3A_294 : i32 to index
      %get3A_297 = arith.index_cast %get3A_295 : i32 to index
      %get3A_298 = tpu.vector_load %arg11[%get3A_296, %get3A_297] {strides = array<i32>} : memref<8x128xi32, #tpu.memory_space<vmem>>, vector<16xi32>,
      tpu.vector_store_idx %arg13[%get3A_298], %broadcast_in_dim3A_288 {add = true} : memref<10240xi32, #tpu.memory_space<vmem>>[vector<16xi32>], vector<16xi32>,
      %get3A_299 = arith.constant 1 : i32
      %get3A_300 = arith.constant 32 : i32
      %get3A_301 = arith.index_cast %get3A_299 : i32 to index
      %get3A_302 = arith.index_cast %get3A_300 : i32 to index
      %get3A_303 = tpu.vector_load %arg11[%get3A_301, %get3A_302] {strides = array<i32>} : memref<8x128xi32, #tpu.memory_space<vmem>>, vector<16xi32>,
      tpu.vector_store_idx %arg13[%get3A_303], %broadcast_in_dim3A_288 {add = true} : memref<10240xi32, #tpu.memory_space<vmem>>[vector<16xi32>], vector<16xi32>,
      %get3A_304 = arith.constant 1 : i32
      %get3A_305 = arith.constant 48 : i32
      %get3A_306 = arith.index_cast %get3A_304 : i32 to index
      %get3A_307 = arith.index_cast %get3A_305 : i32 to index
      %get3A_308 = tpu.vector_load %arg11[%get3A_306, %get3A_307] {strides = array<i32>} : memref<8x128xi32, #tpu.memory_space<vmem>>, vector<16xi32>,
      tpu.vector_store_idx %arg13[%get3A_308], %broadcast_in_dim3A_288 {add = true} : memref<10240xi32, #tpu.memory_space<vmem>>[vector<16xi32>], vector<16xi32>,
      %get3A_309 = arith.constant 1 : i32
      %get3A_310 = arith.constant 64 : i32
      %get3A_311 = arith.index_cast %get3A_309 : i32 to index
      %get3A_312 = arith.index_cast %get3A_310 : i32 to index
      %get3A_313 = tpu.vector_load %arg11[%get3A_311, %get3A_312] {strides = array<i32>} : memref<8x128xi32, #tpu.memory_space<vmem>>, vector<16xi32>,
      tpu.vector_store_idx %arg13[%get3A_313], %broadcast_in_dim3A_288 {add = true} : memref<10240xi32, #tpu.memory_space<vmem>>[vector<16xi32>], vector<16xi32>,
      %get3A_314 = arith.constant 1 : i32
      %get3A_315 = arith.constant 80 : i32
      %get3A_316 = arith.index_cast %get3A_314 : i32 to index
      %get3A_317 = arith.index_cast %get3A_315 : i32 to index
      %get3A_318 = tpu.vector_load %arg11[%get3A_316, %get3A_317] {strides = array<i32>} : memref<8x128xi32, #tpu.memory_space<vmem>>, vector<16xi32>,
      tpu.vector_store_idx %arg13[%get3A_318], %broadcast_in_dim3A_288 {add = true} : memref<10240xi32, #tpu.memory_space<vmem>>[vector<16xi32>], vector<16xi32>,
      %get3A_319 = arith.constant 1 : i32
      %get3A_320 = arith.constant 96 : i32
      %get3A_321 = arith.index_cast %get3A_319 : i32 to index
      %get3A_322 = arith.index_cast %get3A_320 : i32 to index
      %get3A_323 = tpu.vector_load %arg11[%get3A_321, %get3A_322] {strides = array<i32>} : memref<8x128xi32, #tpu.memory_space<vmem>>, vector<16xi32>,
      tpu.vector_store_idx %arg13[%get3A_323], %broadcast_in_dim3A_288 {add = true} : memref<10240xi32, #tpu.memory_space<vmem>>[vector<16xi32>], vector<16xi32>,
      %get3A_324 = arith.constant 1 : i32
      %get3A_325 = arith.constant 112 : i32
      %get3A_326 = arith.index_cast %get3A_324 : i32 to index
      %get3A_327 = arith.index_cast %get3A_325 : i32 to index
      %get3A_328 = tpu.vector_load %arg11[%get3A_326, %get3A_327] {strides = array<i32>} : memref<8x128xi32, #tpu.memory_space<vmem>>, vector<16xi32>,
      tpu.vector_store_idx %arg13[%get3A_328], %broadcast_in_dim3A_288 {add = true} : memref<10240xi32, #tpu.memory_space<vmem>>[vector<16xi32>], vector<16xi32>,
      %dma_wait3A_329 = arith.constant 1 : i32
      %dma_wait3A_330 = arith.constant 0 : i32
      %dma_wait3A_331 = tpu.memref_slice %arg11[%dma_wait3A_329, %dma_wait3A_330] : memref<8x128xi32, #tpu.memory_space<vmem>> -> memref<1x128xi32, #tpu.memory_space<vmem>>
      %dma_wait3A_332 = tpu.memref_squeeze %dma_wait3A_331 : memref<1x128xi32, #tpu.memory_space<vmem>> -> memref<128xi32, #tpu.memory_space<vmem>>
      %dma_wait3A_333 = arith.constant 0 : i32
      %dma_wait3A_334 = arith.constant 0 : i32
      %dma_wait3A_335 = tpu.memref_slice %arg14[%dma_wait3A_333, %dma_wait3A_334] : memref<10240x128xf32, #tpu.memory_space<vmem_shared>> -> memref<10240x128xf32, #tpu.memory_space<vmem_shared>>
      tpu.wait_indirect_dma semaphore(%arg22 : memref<!tpu.dma_semaphore, #tpu.memory_space<semaphore_mem>>) src(%arg8 : memref<128x128xf32, #tpu.memory_space<vmem>>) dst(%dma_wait3A_335 : memref<10240x128xf32, #tpu.memory_space<vmem_shared>>)
      %dma_start3A_336 = arith.constant 3 : i32
      %dma_start3A_337 = arith.constant 0 : i32
      %dma_start3A_338 = tpu.memref_slice %arg9[%dma_start3A_336, %dma_start3A_337] : memref<8x128xi32, #tpu.memory_space<vmem>> -> memref<1x128xi32, #tpu.memory_space<vmem>>
      %dma_start3A_339 = tpu.memref_squeeze %dma_start3A_338 : memref<1x128xi32, #tpu.memory_space<vmem>> -> memref<128xi32, #tpu.memory_space<vmem>>
      %dma_start3A_340 = arith.constant 0 : i32
      %dma_start3A_341 = arith.constant 0 : i32
      %dma_start3A_342 = tpu.memref_slice %arg2[%dma_start3A_340, %dma_start3A_341] : memref<10240x128xf32, #tpu.memory_space<hbm>> -> memref<10240x128xf32, #tpu.memory_space<hbm>>
      tpu.enqueue_indirect_dma source(%dma_start3A_342 : memref<10240x128xf32, #tpu.memory_space<hbm>>) target(%arg8 : memref<128x128xf32, #tpu.memory_space<vmem>>) offsets(%dma_start3A_339 : memref<128xi32, #tpu.memory_space<vmem>>) semaphore(%arg16 : memref<!tpu.dma_semaphore, #tpu.memory_space<semaphore_mem>>)
      %dma_wait3A_343 = arith.constant 2 : i32
      %dma_wait3A_344 = arith.constant 0 : i32
      %dma_wait3A_345 = tpu.memref_slice %arg9[%dma_wait3A_343, %dma_wait3A_344] : memref<8x128xi32, #tpu.memory_space<vmem>> -> memref<1x128xi32, #tpu.memory_space<vmem>>
      %dma_wait3A_346 = tpu.memref_squeeze %dma_wait3A_345 : memref<1x128xi32, #tpu.memory_space<vmem>> -> memref<128xi32, #tpu.memory_space<vmem>>
      %dma_wait3A_347 = arith.constant 0 : i32
      %dma_wait3A_348 = arith.constant 0 : i32
      %dma_wait3A_349 = tpu.memref_slice %arg2[%dma_wait3A_347, %dma_wait3A_348] : memref<10240x128xf32, #tpu.memory_space<hbm>> -> memref<10240x128xf32, #tpu.memory_space<hbm>>
      tpu.wait_indirect_dma semaphore(%arg15 : memref<!tpu.dma_semaphore, #tpu.memory_space<semaphore_mem>>) src(%dma_wait3A_349 : memref<10240x128xf32, #tpu.memory_space<hbm>>) dst(%arg7 : memref<128x128xf32, #tpu.memory_space<vmem>>)
      %dma_start3A_350 = arith.constant 2 : i32
      %dma_start3A_351 = arith.constant 0 : i32
      %dma_start3A_352 = tpu.memref_slice %arg11[%dma_start3A_350, %dma_start3A_351] : memref<8x128xi32, #tpu.memory_space<vmem>> -> memref<1x128xi32, #tpu.memory_space<vmem>>
      %dma_start3A_353 = tpu.memref_squeeze %dma_start3A_352 : memref<1x128xi32, #tpu.memory_space<vmem>> -> memref<128xi32, #tpu.memory_space<vmem>>
      %dma_start3A_354 = arith.constant 0 : i32
      %dma_start3A_355 = arith.constant 0 : i32
      %dma_start3A_356 = tpu.memref_slice %arg14[%dma_start3A_354, %dma_start3A_355] : memref<10240x128xf32, #tpu.memory_space<vmem_shared>> -> memref<10240x128xf32, #tpu.memory_space<vmem_shared>>
      tpu.enqueue_indirect_dma source(%arg7 : memref<128x128xf32, #tpu.memory_space<vmem>>) target(%dma_start3A_356 : memref<10240x128xf32, #tpu.memory_space<vmem_shared>>) offsets(%dma_start3A_353 : memref<128xi32, #tpu.memory_space<vmem>>) semaphore(%arg21 : memref<!tpu.dma_semaphore, #tpu.memory_space<semaphore_mem>>) {add = true}
      %broadcast_in_dim3A_357 = arith.constant 1 : i32
      %broadcast_in_dim3A_358 = vector.broadcast %broadcast_in_dim3A_357 : i32 to vector<16xi32>
      %get3A_359 = arith.constant 2 : i32
      %get3A_360 = arith.constant 0 : i32
      %get3A_361 = arith.index_cast %get3A_359 : i32 to index
      %get3A_362 = arith.index_cast %get3A_360 : i32 to index
      %get3A_363 = tpu.vector_load %arg11[%get3A_361, %get3A_362] {strides = array<i32>} : memref<8x128xi32, #tpu.memory_space<vmem>>, vector<16xi32>,
      tpu.vector_store_idx %arg13[%get3A_363], %broadcast_in_dim3A_358 {add = true} : memref<10240xi32, #tpu.memory_space<vmem>>[vector<16xi32>], vector<16xi32>,
      %get3A_364 = arith.constant 2 : i32
      %get3A_365 = arith.constant 16 : i32
      %get3A_366 = arith.index_cast %get3A_364 : i32 to index
      %get3A_367 = arith.index_cast %get3A_365 : i32 to index
      %get3A_368 = tpu.vector_load %arg11[%get3A_366, %get3A_367] {strides = array<i32>} : memref<8x128xi32, #tpu.memory_space<vmem>>, vector<16xi32>,
      tpu.vector_store_idx %arg13[%get3A_368], %broadcast_in_dim3A_358 {add = true} : memref<10240xi32, #tpu.memory_space<vmem>>[vector<16xi32>], vector<16xi32>,
      %get3A_369 = arith.constant 2 : i32
      %get3A_370 = arith.constant 32 : i32
      %get3A_371 = arith.index_cast %get3A_369 : i32 to index
      %get3A_372 = arith.index_cast %get3A_370 : i32 to index
      %get3A_373 = tpu.vector_load %arg11[%get3A_371, %get3A_372] {strides = array<i32>} : memref<8x128xi32, #tpu.memory_space<vmem>>, vector<16xi32>,
      tpu.vector_store_idx %arg13[%get3A_373], %broadcast_in_dim3A_358 {add = true} : memref<10240xi32, #tpu.memory_space<vmem>>[vector<16xi32>], vector<16xi32>,
      %get3A_374 = arith.constant 2 : i32
      %get3A_375 = arith.constant 48 : i32
      %get3A_376 = arith.index_cast %get3A_374 : i32 to index
      %get3A_377 = arith.index_cast %get3A_375 : i32 to index
      %get3A_378 = tpu.vector_load %arg11[%get3A_376, %get3A_377] {strides = array<i32>} : memref<8x128xi32, #tpu.memory_space<vmem>>, vector<16xi32>,
      tpu.vector_store_idx %arg13[%get3A_378], %broadcast_in_dim3A_358 {add = true} : memref<10240xi32, #tpu.memory_space<vmem>>[vector<16xi32>], vector<16xi32>,
      %get3A_379 = arith.constant 2 : i32
      %get3A_380 = arith.constant 64 : i32
      %get3A_381 = arith.index_cast %get3A_379 : i32 to index
      %get3A_382 = arith.index_cast %get3A_380 : i32 to index
      %get3A_383 = tpu.vector_load %arg11[%get3A_381, %get3A_382] {strides = array<i32>} : memref<8x128xi32, #tpu.memory_space<vmem>>, vector<16xi32>,
      tpu.vector_store_idx %arg13[%get3A_383], %broadcast_in_dim3A_358 {add = true} : memref<10240xi32, #tpu.memory_space<vmem>>[vector<16xi32>], vector<16xi32>,
      %get3A_384 = arith.constant 2 : i32
      %get3A_385 = arith.constant 80 : i32
      %get3A_386 = arith.index_cast %get3A_384 : i32 to index
      %get3A_387 = arith.index_cast %get3A_385 : i32 to index
      %get3A_388 = tpu.vector_load %arg11[%get3A_386, %get3A_387] {strides = array<i32>} : memref<8x128xi32, #tpu.memory_space<vmem>>, vector<16xi32>,
      tpu.vector_store_idx %arg13[%get3A_388], %broadcast_in_dim3A_358 {add = true} : memref<10240xi32, #tpu.memory_space<vmem>>[vector<16xi32>], vector<16xi32>,
      %get3A_389 = arith.constant 2 : i32
      %get3A_390 = arith.constant 96 : i32
      %get3A_391 = arith.index_cast %get3A_389 : i32 to index
      %get3A_392 = arith.index_cast %get3A_390 : i32 to index
      %get3A_393 = tpu.vector_load %arg11[%get3A_391, %get3A_392] {strides = array<i32>} : memref<8x128xi32, #tpu.memory_space<vmem>>, vector<16xi32>,
      tpu.vector_store_idx %arg13[%get3A_393], %broadcast_in_dim3A_358 {add = true} : memref<10240xi32, #tpu.memory_space<vmem>>[vector<16xi32>], vector<16xi32>,
      %get3A_394 = arith.constant 2 : i32
      %get3A_395 = arith.constant 112 : i32
      %get3A_396 = arith.index_cast %get3A_394 : i32 to index
      %get3A_397 = arith.index_cast %get3A_395 : i32 to index
      %get3A_398 = tpu.vector_load %arg11[%get3A_396, %get3A_397] {strides = array<i32>} : memref<8x128xi32, #tpu.memory_space<vmem>>, vector<16xi32>,
      tpu.vector_store_idx %arg13[%get3A_398], %broadcast_in_dim3A_358 {add = true} : memref<10240xi32, #tpu.memory_space<vmem>>[vector<16xi32>], vector<16xi32>,
      %dma_wait3A_399 = arith.constant 2 : i32
      %dma_wait3A_400 = arith.constant 0 : i32
      %dma_wait3A_401 = tpu.memref_slice %arg11[%dma_wait3A_399, %dma_wait3A_400] : memref<8x128xi32, #tpu.memory_space<vmem>> -> memref<1x128xi32, #tpu.memory_space<vmem>>
      %dma_wait3A_402 = tpu.memref_squeeze %dma_wait3A_401 : memref<1x128xi32, #tpu.memory_space<vmem>> -> memref<128xi32, #tpu.memory_space<vmem>>
      %dma_wait3A_403 = arith.constant 0 : i32
      %dma_wait3A_404 = arith.constant 0 : i32
      %dma_wait3A_405 = tpu.memref_slice %arg14[%dma_wait3A_403, %dma_wait3A_404] : memref<10240x128xf32, #tpu.memory_space<vmem_shared>> -> memref<10240x128xf32, #tpu.memory_space<vmem_shared>>
      tpu.wait_indirect_dma semaphore(%arg21 : memref<!tpu.dma_semaphore, #tpu.memory_space<semaphore_mem>>) src(%arg7 : memref<128x128xf32, #tpu.memory_space<vmem>>) dst(%dma_wait3A_405 : memref<10240x128xf32, #tpu.memory_space<vmem_shared>>)
      %dma_start3A_406 = arith.constant 4 : i32
      %dma_start3A_407 = arith.constant 0 : i32
      %dma_start3A_408 = tpu.memref_slice %arg9[%dma_start3A_406, %dma_start3A_407] : memref<8x128xi32, #tpu.memory_space<vmem>> -> memref<1x128xi32, #tpu.memory_space<vmem>>
      %dma_start3A_409 = tpu.memref_squeeze %dma_start3A_408 : memref<1x128xi32, #tpu.memory_space<vmem>> -> memref<128xi32, #tpu.memory_space<vmem>>
      %dma_start3A_410 = arith.constant 0 : i32
      %dma_start3A_411 = arith.constant 0 : i32
      %dma_start3A_412 = tpu.memref_slice %arg2[%dma_start3A_410, %dma_start3A_411] : memref<10240x128xf32, #tpu.memory_space<hbm>> -> memref<10240x128xf32, #tpu.memory_space<hbm>>
      tpu.enqueue_indirect_dma source(%dma_start3A_412 : memref<10240x128xf32, #tpu.memory_space<hbm>>) target(%arg7 : memref<128x128xf32, #tpu.memory_space<vmem>>) offsets(%dma_start3A_409 : memref<128xi32, #tpu.memory_space<vmem>>) semaphore(%arg15 : memref<!tpu.dma_semaphore, #tpu.memory_space<semaphore_mem>>)
      %dma_wait3A_413 = arith.constant 3 : i32
      %dma_wait3A_414 = arith.constant 0 : i32
      %dma_wait3A_415 = tpu.memref_slice %arg9[%dma_wait3A_413, %dma_wait3A_414] : memref<8x128xi32, #tpu.memory_space<vmem>> -> memref<1x128xi32, #tpu.memory_space<vmem>>
      %dma_wait3A_416 = tpu.memref_squeeze %dma_wait3A_415 : memref<1x128xi32, #tpu.memory_space<vmem>> -> memref<128xi32, #tpu.memory_space<vmem>>
      %dma_wait3A_417 = arith.constant 0 : i32
      %dma_wait3A_418 = arith.constant 0 : i32
      %dma_wait3A_419 = tpu.memref_slice %arg2[%dma_wait3A_417, %dma_wait3A_418] : memref<10240x128xf32, #tpu.memory_space<hbm>> -> memref<10240x128xf32, #tpu.memory_space<hbm>>
      tpu.wait_indirect_dma semaphore(%arg16 : memref<!tpu.dma_semaphore, #tpu.memory_space<semaphore_mem>>) src(%dma_wait3A_419 : memref<10240x128xf32, #tpu.memory_space<hbm>>) dst(%arg8 : memref<128x128xf32, #tpu.memory_space<vmem>>)
      %dma_start3A_420 = arith.constant 3 : i32
      %dma_start3A_421 = arith.constant 0 : i32
      %dma_start3A_422 = tpu.memref_slice %arg11[%dma_start3A_420, %dma_start3A_421] : memref<8x128xi32, #tpu.memory_space<vmem>> -> memref<1x128xi32, #tpu.memory_space<vmem>>
      %dma_start3A_423 = tpu.memref_squeeze %dma_start3A_422 : memref<1x128xi32, #tpu.memory_space<vmem>> -> memref<128xi32, #tpu.memory_space<vmem>>
      %dma_start3A_424 = arith.constant 0 : i32
      %dma_start3A_425 = arith.constant 0 : i32
      %dma_start3A_426 = tpu.memref_slice %arg14[%dma_start3A_424, %dma_start3A_425] : memref<10240x128xf32, #tpu.memory_space<vmem_shared>> -> memref<10240x128xf32, #tpu.memory_space<vmem_shared>>
      tpu.enqueue_indirect_dma source(%arg8 : memref<128x128xf32, #tpu.memory_space<vmem>>) target(%dma_start3A_426 : memref<10240x128xf32, #tpu.memory_space<vmem_shared>>) offsets(%dma_start3A_423 : memref<128xi32, #tpu.memory_space<vmem>>) semaphore(%arg22 : memref<!tpu.dma_semaphore, #tpu.memory_space<semaphore_mem>>) {add = true}
      %broadcast_in_dim3A_427 = arith.constant 1 : i32
      %broadcast_in_dim3A_428 = vector.broadcast %broadcast_in_dim3A_427 : i32 to vector<16xi32>
      %get3A_429 = arith.constant 3 : i32
      %get3A_430 = arith.constant 0 : i32
      %get3A_431 = arith.index_cast %get3A_429 : i32 to index
      %get3A_432 = arith.index_cast %get3A_430 : i32 to index
      %get3A_433 = tpu.vector_load %arg11[%get3A_431, %get3A_432] {strides = array<i32>} : memref<8x128xi32, #tpu.memory_space<vmem>>, vector<16xi32>,
      tpu.vector_store_idx %arg13[%get3A_433], %broadcast_in_dim3A_428 {add = true} : memref<10240xi32, #tpu.memory_space<vmem>>[vector<16xi32>], vector<16xi32>,
      %get3A_434 = arith.constant 3 : i32
      %get3A_435 = arith.constant 16 : i32
      %get3A_436 = arith.index_cast %get3A_434 : i32 to index
      %get3A_437 = arith.index_cast %get3A_435 : i32 to index
      %get3A_438 = tpu.vector_load %arg11[%get3A_436, %get3A_437] {strides = array<i32>} : memref<8x128xi32, #tpu.memory_space<vmem>>, vector<16xi32>,
      tpu.vector_store_idx %arg13[%get3A_438], %broadcast_in_dim3A_428 {add = true} : memref<10240xi32, #tpu.memory_space<vmem>>[vector<16xi32>], vector<16xi32>,
      %get3A_439 = arith.constant 3 : i32
      %get3A_440 = arith.constant 32 : i32
      %get3A_441 = arith.index_cast %get3A_439 : i32 to index
      %get3A_442 = arith.index_cast %get3A_440 : i32 to index
      %get3A_443 = tpu.vector_load %arg11[%get3A_441, %get3A_442] {strides = array<i32>} : memref<8x128xi32, #tpu.memory_space<vmem>>, vector<16xi32>,
      tpu.vector_store_idx %arg13[%get3A_443], %broadcast_in_dim3A_428 {add = true} : memref<10240xi32, #tpu.memory_space<vmem>>[vector<16xi32>], vector<16xi32>,
      %get3A_444 = arith.constant 3 : i32
      %get3A_445 = arith.constant 48 : i32
      %get3A_446 = arith.index_cast %get3A_444 : i32 to index
      %get3A_447 = arith.index_cast %get3A_445 : i32 to index
      %get3A_448 = tpu.vector_load %arg11[%get3A_446, %get3A_447] {strides = array<i32>} : memref<8x128xi32, #tpu.memory_space<vmem>>, vector<16xi32>,
      tpu.vector_store_idx %arg13[%get3A_448], %broadcast_in_dim3A_428 {add = true} : memref<10240xi32, #tpu.memory_space<vmem>>[vector<16xi32>], vector<16xi32>,
      %get3A_449 = arith.constant 3 : i32
      %get3A_450 = arith.constant 64 : i32
      %get3A_451 = arith.index_cast %get3A_449 : i32 to index
      %get3A_452 = arith.index_cast %get3A_450 : i32 to index
      %get3A_453 = tpu.vector_load %arg11[%get3A_451, %get3A_452] {strides = array<i32>} : memref<8x128xi32, #tpu.memory_space<vmem>>, vector<16xi32>,
      tpu.vector_store_idx %arg13[%get3A_453], %broadcast_in_dim3A_428 {add = true} : memref<10240xi32, #tpu.memory_space<vmem>>[vector<16xi32>], vector<16xi32>,
      %get3A_454 = arith.constant 3 : i32
      %get3A_455 = arith.constant 80 : i32
      %get3A_456 = arith.index_cast %get3A_454 : i32 to index
      %get3A_457 = arith.index_cast %get3A_455 : i32 to index
      %get3A_458 = tpu.vector_load %arg11[%get3A_456, %get3A_457] {strides = array<i32>} : memref<8x128xi32, #tpu.memory_space<vmem>>, vector<16xi32>,
      tpu.vector_store_idx %arg13[%get3A_458], %broadcast_in_dim3A_428 {add = true} : memref<10240xi32, #tpu.memory_space<vmem>>[vector<16xi32>], vector<16xi32>,
      %get3A_459 = arith.constant 3 : i32
      %get3A_460 = arith.constant 96 : i32
      %get3A_461 = arith.index_cast %get3A_459 : i32 to index
      %get3A_462 = arith.index_cast %get3A_460 : i32 to index
      %get3A_463 = tpu.vector_load %arg11[%get3A_461, %get3A_462] {strides = array<i32>} : memref<8x128xi32, #tpu.memory_space<vmem>>, vector<16xi32>,
      tpu.vector_store_idx %arg13[%get3A_463], %broadcast_in_dim3A_428 {add = true} : memref<10240xi32, #tpu.memory_space<vmem>>[vector<16xi32>], vector<16xi32>,
      %get3A_464 = arith.constant 3 : i32
      %get3A_465 = arith.constant 112 : i32
      %get3A_466 = arith.index_cast %get3A_464 : i32 to index
      %get3A_467 = arith.index_cast %get3A_465 : i32 to index
      %get3A_468 = tpu.vector_load %arg11[%get3A_466, %get3A_467] {strides = array<i32>} : memref<8x128xi32, #tpu.memory_space<vmem>>, vector<16xi32>,
      tpu.vector_store_idx %arg13[%get3A_468], %broadcast_in_dim3A_428 {add = true} : memref<10240xi32, #tpu.memory_space<vmem>>[vector<16xi32>], vector<16xi32>,
      %dma_wait3A_469 = arith.constant 3 : i32
      %dma_wait3A_470 = arith.constant 0 : i32
      %dma_wait3A_471 = tpu.memref_slice %arg11[%dma_wait3A_469, %dma_wait3A_470] : memref<8x128xi32, #tpu.memory_space<vmem>> -> memref<1x128xi32, #tpu.memory_space<vmem>>
      %dma_wait3A_472 = tpu.memref_squeeze %dma_wait3A_471 : memref<1x128xi32, #tpu.memory_space<vmem>> -> memref<128xi32, #tpu.memory_space<vmem>>
      %dma_wait3A_473 = arith.constant 0 : i32
      %dma_wait3A_474 = arith.constant 0 : i32
      %dma_wait3A_475 = tpu.memref_slice %arg14[%dma_wait3A_473, %dma_wait3A_474] : memref<10240x128xf32, #tpu.memory_space<vmem_shared>> -> memref<10240x128xf32, #tpu.memory_space<vmem_shared>>
      tpu.wait_indirect_dma semaphore(%arg22 : memref<!tpu.dma_semaphore, #tpu.memory_space<semaphore_mem>>) src(%arg8 : memref<128x128xf32, #tpu.memory_space<vmem>>) dst(%dma_wait3A_475 : memref<10240x128xf32, #tpu.memory_space<vmem_shared>>)
      %dma_start3A_476 = arith.constant 5 : i32
      %dma_start3A_477 = arith.constant 0 : i32
      %dma_start3A_478 = tpu.memref_slice %arg9[%dma_start3A_476, %dma_start3A_477] : memref<8x128xi32, #tpu.memory_space<vmem>> -> memref<1x128xi32, #tpu.memory_space<vmem>>
      %dma_start3A_479 = tpu.memref_squeeze %dma_start3A_478 : memref<1x128xi32, #tpu.memory_space<vmem>> -> memref<128xi32, #tpu.memory_space<vmem>>
      %dma_start3A_480 = arith.constant 0 : i32
      %dma_start3A_481 = arith.constant 0 : i32
      %dma_start3A_482 = tpu.memref_slice %arg2[%dma_start3A_480, %dma_start3A_481] : memref<10240x128xf32, #tpu.memory_space<hbm>> -> memref<10240x128xf32, #tpu.memory_space<hbm>>
      tpu.enqueue_indirect_dma source(%dma_start3A_482 : memref<10240x128xf32, #tpu.memory_space<hbm>>) target(%arg8 : memref<128x128xf32, #tpu.memory_space<vmem>>) offsets(%dma_start3A_479 : memref<128xi32, #tpu.memory_space<vmem>>) semaphore(%arg16 : memref<!tpu.dma_semaphore, #tpu.memory_space<semaphore_mem>>)
      %dma_wait3A_483 = arith.constant 4 : i32
      %dma_wait3A_484 = arith.constant 0 : i32
      %dma_wait3A_485 = tpu.memref_slice %arg9[%dma_wait3A_483, %dma_wait3A_484] : memref<8x128xi32, #tpu.memory_space<vmem>> -> memref<1x128xi32, #tpu.memory_space<vmem>>
      %dma_wait3A_486 = tpu.memref_squeeze %dma_wait3A_485 : memref<1x128xi32, #tpu.memory_space<vmem>> -> memref<128xi32, #tpu.memory_space<vmem>>
      %dma_wait3A_487 = arith.constant 0 : i32
      %dma_wait3A_488 = arith.constant 0 : i32
      %dma_wait3A_489 = tpu.memref_slice %arg2[%dma_wait3A_487, %dma_wait3A_488] : memref<10240x128xf32, #tpu.memory_space<hbm>> -> memref<10240x128xf32, #tpu.memory_space<hbm>>
      tpu.wait_indirect_dma semaphore(%arg15 : memref<!tpu.dma_semaphore, #tpu.memory_space<semaphore_mem>>) src(%dma_wait3A_489 : memref<10240x128xf32, #tpu.memory_space<hbm>>) dst(%arg7 : memref<128x128xf32, #tpu.memory_space<vmem>>)
      %dma_start3A_490 = arith.constant 4 : i32
      %dma_start3A_491 = arith.constant 0 : i32
      %dma_start3A_492 = tpu.memref_slice %arg11[%dma_start3A_490, %dma_start3A_491] : memref<8x128xi32, #tpu.memory_space<vmem>> -> memref<1x128xi32, #tpu.memory_space<vmem>>
      %dma_start3A_493 = tpu.memref_squeeze %dma_start3A_492 : memref<1x128xi32, #tpu.memory_space<vmem>> -> memref<128xi32, #tpu.memory_space<vmem>>
      %dma_start3A_494 = arith.constant 0 : i32
      %dma_start3A_495 = arith.constant 0 : i32
      %dma_start3A_496 = tpu.memref_slice %arg14[%dma_start3A_494, %dma_start3A_495] : memref<10240x128xf32, #tpu.memory_space<vmem_shared>> -> memref<10240x128xf32, #tpu.memory_space<vmem_shared>>
      tpu.enqueue_indirect_dma source(%arg7 : memref<128x128xf32, #tpu.memory_space<vmem>>) target(%dma_start3A_496 : memref<10240x128xf32, #tpu.memory_space<vmem_shared>>) offsets(%dma_start3A_493 : memref<128xi32, #tpu.memory_space<vmem>>) semaphore(%arg21 : memref<!tpu.dma_semaphore, #tpu.memory_space<semaphore_mem>>) {add = true}
      %broadcast_in_dim3A_497 = arith.constant 1 : i32
      %broadcast_in_dim3A_498 = vector.broadcast %broadcast_in_dim3A_497 : i32 to vector<16xi32>
      %get3A_499 = arith.constant 4 : i32
      %get3A_500 = arith.constant 0 : i32
      %get3A_501 = arith.index_cast %get3A_499 : i32 to index
      %get3A_502 = arith.index_cast %get3A_500 : i32 to index
      %get3A_503 = tpu.vector_load %arg11[%get3A_501, %get3A_502] {strides = array<i32>} : memref<8x128xi32, #tpu.memory_space<vmem>>, vector<16xi32>,
      tpu.vector_store_idx %arg13[%get3A_503], %broadcast_in_dim3A_498 {add = true} : memref<10240xi32, #tpu.memory_space<vmem>>[vector<16xi32>], vector<16xi32>,
      %get3A_504 = arith.constant 4 : i32
      %get3A_505 = arith.constant 16 : i32
      %get3A_506 = arith.index_cast %get3A_504 : i32 to index
      %get3A_507 = arith.index_cast %get3A_505 : i32 to index
      %get3A_508 = tpu.vector_load %arg11[%get3A_506, %get3A_507] {strides = array<i32>} : memref<8x128xi32, #tpu.memory_space<vmem>>, vector<16xi32>,
      tpu.vector_store_idx %arg13[%get3A_508], %broadcast_in_dim3A_498 {add = true} : memref<10240xi32, #tpu.memory_space<vmem>>[vector<16xi32>], vector<16xi32>,
      %get3A_509 = arith.constant 4 : i32
      %get3A_510 = arith.constant 32 : i32
      %get3A_511 = arith.index_cast %get3A_509 : i32 to index
      %get3A_512 = arith.index_cast %get3A_510 : i32 to index
      %get3A_513 = tpu.vector_load %arg11[%get3A_511, %get3A_512] {strides = array<i32>} : memref<8x128xi32, #tpu.memory_space<vmem>>, vector<16xi32>,
      tpu.vector_store_idx %arg13[%get3A_513], %broadcast_in_dim3A_498 {add = true} : memref<10240xi32, #tpu.memory_space<vmem>>[vector<16xi32>], vector<16xi32>,
      %get3A_514 = arith.constant 4 : i32
      %get3A_515 = arith.constant 48 : i32
      %get3A_516 = arith.index_cast %get3A_514 : i32 to index
      %get3A_517 = arith.index_cast %get3A_515 : i32 to index
      %get3A_518 = tpu.vector_load %arg11[%get3A_516, %get3A_517] {strides = array<i32>} : memref<8x128xi32, #tpu.memory_space<vmem>>, vector<16xi32>,
      tpu.vector_store_idx %arg13[%get3A_518], %broadcast_in_dim3A_498 {add = true} : memref<10240xi32, #tpu.memory_space<vmem>>[vector<16xi32>], vector<16xi32>,
      %get3A_519 = arith.constant 4 : i32
      %get3A_520 = arith.constant 64 : i32
      %get3A_521 = arith.index_cast %get3A_519 : i32 to index
      %get3A_522 = arith.index_cast %get3A_520 : i32 to index
      %get3A_523 = tpu.vector_load %arg11[%get3A_521, %get3A_522] {strides = array<i32>} : memref<8x128xi32, #tpu.memory_space<vmem>>, vector<16xi32>,
      tpu.vector_store_idx %arg13[%get3A_523], %broadcast_in_dim3A_498 {add = true} : memref<10240xi32, #tpu.memory_space<vmem>>[vector<16xi32>], vector<16xi32>,
      %get3A_524 = arith.constant 4 : i32
      %get3A_525 = arith.constant 80 : i32
      %get3A_526 = arith.index_cast %get3A_524 : i32 to index
      %get3A_527 = arith.index_cast %get3A_525 : i32 to index
      %get3A_528 = tpu.vector_load %arg11[%get3A_526, %get3A_527] {strides = array<i32>} : memref<8x128xi32, #tpu.memory_space<vmem>>, vector<16xi32>,
      tpu.vector_store_idx %arg13[%get3A_528], %broadcast_in_dim3A_498 {add = true} : memref<10240xi32, #tpu.memory_space<vmem>>[vector<16xi32>], vector<16xi32>,
      %get3A_529 = arith.constant 4 : i32
      %get3A_530 = arith.constant 96 : i32
      %get3A_531 = arith.index_cast %get3A_529 : i32 to index
      %get3A_532 = arith.index_cast %get3A_530 : i32 to index
      %get3A_533 = tpu.vector_load %arg11[%get3A_531, %get3A_532] {strides = array<i32>} : memref<8x128xi32, #tpu.memory_space<vmem>>, vector<16xi32>,
      tpu.vector_store_idx %arg13[%get3A_533], %broadcast_in_dim3A_498 {add = true} : memref<10240xi32, #tpu.memory_space<vmem>>[vector<16xi32>], vector<16xi32>,
      %get3A_534 = arith.constant 4 : i32
      %get3A_535 = arith.constant 112 : i32
      %get3A_536 = arith.index_cast %get3A_534 : i32 to index
      %get3A_537 = arith.index_cast %get3A_535 : i32 to index
      %get3A_538 = tpu.vector_load %arg11[%get3A_536, %get3A_537] {strides = array<i32>} : memref<8x128xi32, #tpu.memory_space<vmem>>, vector<16xi32>,
      tpu.vector_store_idx %arg13[%get3A_538], %broadcast_in_dim3A_498 {add = true} : memref<10240xi32, #tpu.memory_space<vmem>>[vector<16xi32>], vector<16xi32>,
      %dma_wait3A_539 = arith.constant 4 : i32
      %dma_wait3A_540 = arith.constant 0 : i32
      %dma_wait3A_541 = tpu.memref_slice %arg11[%dma_wait3A_539, %dma_wait3A_540] : memref<8x128xi32, #tpu.memory_space<vmem>> -> memref<1x128xi32, #tpu.memory_space<vmem>>
      %dma_wait3A_542 = tpu.memref_squeeze %dma_wait3A_541 : memref<1x128xi32, #tpu.memory_space<vmem>> -> memref<128xi32, #tpu.memory_space<vmem>>
      %dma_wait3A_543 = arith.constant 0 : i32
      %dma_wait3A_544 = arith.constant 0 : i32
      %dma_wait3A_545 = tpu.memref_slice %arg14[%dma_wait3A_543, %dma_wait3A_544] : memref<10240x128xf32, #tpu.memory_space<vmem_shared>> -> memref<10240x128xf32, #tpu.memory_space<vmem_shared>>
      tpu.wait_indirect_dma semaphore(%arg21 : memref<!tpu.dma_semaphore, #tpu.memory_space<semaphore_mem>>) src(%arg7 : memref<128x128xf32, #tpu.memory_space<vmem>>) dst(%dma_wait3A_545 : memref<10240x128xf32, #tpu.memory_space<vmem_shared>>)
      %dma_start3A_546 = arith.constant 6 : i32
      %dma_start3A_547 = arith.constant 0 : i32
      %dma_start3A_548 = tpu.memref_slice %arg9[%dma_start3A_546, %dma_start3A_547] : memref<8x128xi32, #tpu.memory_space<vmem>> -> memref<1x128xi32, #tpu.memory_space<vmem>>
      %dma_start3A_549 = tpu.memref_squeeze %dma_start3A_548 : memref<1x128xi32, #tpu.memory_space<vmem>> -> memref<128xi32, #tpu.memory_space<vmem>>
      %dma_start3A_550 = arith.constant 0 : i32
      %dma_start3A_551 = arith.constant 0 : i32
      %dma_start3A_552 = tpu.memref_slice %arg2[%dma_start3A_550, %dma_start3A_551] : memref<10240x128xf32, #tpu.memory_space<hbm>> -> memref<10240x128xf32, #tpu.memory_space<hbm>>
      tpu.enqueue_indirect_dma source(%dma_start3A_552 : memref<10240x128xf32, #tpu.memory_space<hbm>>) target(%arg7 : memref<128x128xf32, #tpu.memory_space<vmem>>) offsets(%dma_start3A_549 : memref<128xi32, #tpu.memory_space<vmem>>) semaphore(%arg15 : memref<!tpu.dma_semaphore, #tpu.memory_space<semaphore_mem>>)
      %dma_wait3A_553 = arith.constant 5 : i32
      %dma_wait3A_554 = arith.constant 0 : i32
      %dma_wait3A_555 = tpu.memref_slice %arg9[%dma_wait3A_553, %dma_wait3A_554] : memref<8x128xi32, #tpu.memory_space<vmem>> -> memref<1x128xi32, #tpu.memory_space<vmem>>
      %dma_wait3A_556 = tpu.memref_squeeze %dma_wait3A_555 : memref<1x128xi32, #tpu.memory_space<vmem>> -> memref<128xi32, #tpu.memory_space<vmem>>
      %dma_wait3A_557 = arith.constant 0 : i32
      %dma_wait3A_558 = arith.constant 0 : i32
      %dma_wait3A_559 = tpu.memref_slice %arg2[%dma_wait3A_557, %dma_wait3A_558] : memref<10240x128xf32, #tpu.memory_space<hbm>> -> memref<10240x128xf32, #tpu.memory_space<hbm>>
      tpu.wait_indirect_dma semaphore(%arg16 : memref<!tpu.dma_semaphore, #tpu.memory_space<semaphore_mem>>) src(%dma_wait3A_559 : memref<10240x128xf32, #tpu.memory_space<hbm>>) dst(%arg8 : memref<128x128xf32, #tpu.memory_space<vmem>>)
      %dma_start3A_560 = arith.constant 5 : i32
      %dma_start3A_561 = arith.constant 0 : i32
      %dma_start3A_562 = tpu.memref_slice %arg11[%dma_start3A_560, %dma_start3A_561] : memref<8x128xi32, #tpu.memory_space<vmem>> -> memref<1x128xi32, #tpu.memory_space<vmem>>
      %dma_start3A_563 = tpu.memref_squeeze %dma_start3A_562 : memref<1x128xi32, #tpu.memory_space<vmem>> -> memref<128xi32, #tpu.memory_space<vmem>>
      %dma_start3A_564 = arith.constant 0 : i32
      %dma_start3A_565 = arith.constant 0 : i32
      %dma_start3A_566 = tpu.memref_slice %arg14[%dma_start3A_564, %dma_start3A_565] : memref<10240x128xf32, #tpu.memory_space<vmem_shared>> -> memref<10240x128xf32, #tpu.memory_space<vmem_shared>>
      tpu.enqueue_indirect_dma source(%arg8 : memref<128x128xf32, #tpu.memory_space<vmem>>) target(%dma_start3A_566 : memref<10240x128xf32, #tpu.memory_space<vmem_shared>>) offsets(%dma_start3A_563 : memref<128xi32, #tpu.memory_space<vmem>>) semaphore(%arg22 : memref<!tpu.dma_semaphore, #tpu.memory_space<semaphore_mem>>) {add = true}
      %broadcast_in_dim3A_567 = arith.constant 1 : i32
      %broadcast_in_dim3A_568 = vector.broadcast %broadcast_in_dim3A_567 : i32 to vector<16xi32>
      %get3A_569 = arith.constant 5 : i32
      %get3A_570 = arith.constant 0 : i32
      %get3A_571 = arith.index_cast %get3A_569 : i32 to index
      %get3A_572 = arith.index_cast %get3A_570 : i32 to index
      %get3A_573 = tpu.vector_load %arg11[%get3A_571, %get3A_572] {strides = array<i32>} : memref<8x128xi32, #tpu.memory_space<vmem>>, vector<16xi32>,
      tpu.vector_store_idx %arg13[%get3A_573], %broadcast_in_dim3A_568 {add = true} : memref<10240xi32, #tpu.memory_space<vmem>>[vector<16xi32>], vector<16xi32>,
      %get3A_574 = arith.constant 5 : i32
      %get3A_575 = arith.constant 16 : i32
      %get3A_576 = arith.index_cast %get3A_574 : i32 to index
      %get3A_577 = arith.index_cast %get3A_575 : i32 to index
      %get3A_578 = tpu.vector_load %arg11[%get3A_576, %get3A_577] {strides = array<i32>} : memref<8x128xi32, #tpu.memory_space<vmem>>, vector<16xi32>,
      tpu.vector_store_idx %arg13[%get3A_578], %broadcast_in_dim3A_568 {add = true} : memref<10240xi32, #tpu.memory_space<vmem>>[vector<16xi32>], vector<16xi32>,
      %get3A_579 = arith.constant 5 : i32
      %get3A_580 = arith.constant 32 : i32
      %get3A_581 = arith.index_cast %get3A_579 : i32 to index
      %get3A_582 = arith.index_cast %get3A_580 : i32 to index
      %get3A_583 = tpu.vector_load %arg11[%get3A_581, %get3A_582] {strides = array<i32>} : memref<8x128xi32, #tpu.memory_space<vmem>>, vector<16xi32>,
      tpu.vector_store_idx %arg13[%get3A_583], %broadcast_in_dim3A_568 {add = true} : memref<10240xi32, #tpu.memory_space<vmem>>[vector<16xi32>], vector<16xi32>,
      %get3A_584 = arith.constant 5 : i32
      %get3A_585 = arith.constant 48 : i32
      %get3A_586 = arith.index_cast %get3A_584 : i32 to index
      %get3A_587 = arith.index_cast %get3A_585 : i32 to index
      %get3A_588 = tpu.vector_load %arg11[%get3A_586, %get3A_587] {strides = array<i32>} : memref<8x128xi32, #tpu.memory_space<vmem>>, vector<16xi32>,
      tpu.vector_store_idx %arg13[%get3A_588], %broadcast_in_dim3A_568 {add = true} : memref<10240xi32, #tpu.memory_space<vmem>>[vector<16xi32>], vector<16xi32>,
      %get3A_589 = arith.constant 5 : i32
      %get3A_590 = arith.constant 64 : i32
      %get3A_591 = arith.index_cast %get3A_589 : i32 to index
      %get3A_592 = arith.index_cast %get3A_590 : i32 to index
      %get3A_593 = tpu.vector_load %arg11[%get3A_591, %get3A_592] {strides = array<i32>} : memref<8x128xi32, #tpu.memory_space<vmem>>, vector<16xi32>,
      tpu.vector_store_idx %arg13[%get3A_593], %broadcast_in_dim3A_568 {add = true} : memref<10240xi32, #tpu.memory_space<vmem>>[vector<16xi32>], vector<16xi32>,
      %get3A_594 = arith.constant 5 : i32
      %get3A_595 = arith.constant 80 : i32
      %get3A_596 = arith.index_cast %get3A_594 : i32 to index
      %get3A_597 = arith.index_cast %get3A_595 : i32 to index
      %get3A_598 = tpu.vector_load %arg11[%get3A_596, %get3A_597] {strides = array<i32>} : memref<8x128xi32, #tpu.memory_space<vmem>>, vector<16xi32>,
      tpu.vector_store_idx %arg13[%get3A_598], %broadcast_in_dim3A_568 {add = true} : memref<10240xi32, #tpu.memory_space<vmem>>[vector<16xi32>], vector<16xi32>,
      %get3A_599 = arith.constant 5 : i32
      %get3A_600 = arith.constant 96 : i32
      %get3A_601 = arith.index_cast %get3A_599 : i32 to index
      %get3A_602 = arith.index_cast %get3A_600 : i32 to index
      %get3A_603 = tpu.vector_load %arg11[%get3A_601, %get3A_602] {strides = array<i32>} : memref<8x128xi32, #tpu.memory_space<vmem>>, vector<16xi32>,
      tpu.vector_store_idx %arg13[%get3A_603], %broadcast_in_dim3A_568 {add = true} : memref<10240xi32, #tpu.memory_space<vmem>>[vector<16xi32>], vector<16xi32>,
      %get3A_604 = arith.constant 5 : i32
      %get3A_605 = arith.constant 112 : i32
      %get3A_606 = arith.index_cast %get3A_604 : i32 to index
      %get3A_607 = arith.index_cast %get3A_605 : i32 to index
      %get3A_608 = tpu.vector_load %arg11[%get3A_606, %get3A_607] {strides = array<i32>} : memref<8x128xi32, #tpu.memory_space<vmem>>, vector<16xi32>,
      tpu.vector_store_idx %arg13[%get3A_608], %broadcast_in_dim3A_568 {add = true} : memref<10240xi32, #tpu.memory_space<vmem>>[vector<16xi32>], vector<16xi32>,
      %dma_wait3A_609 = arith.constant 5 : i32
      %dma_wait3A_610 = arith.constant 0 : i32
      %dma_wait3A_611 = tpu.memref_slice %arg11[%dma_wait3A_609, %dma_wait3A_610] : memref<8x128xi32, #tpu.memory_space<vmem>> -> memref<1x128xi32, #tpu.memory_space<vmem>>
      %dma_wait3A_612 = tpu.memref_squeeze %dma_wait3A_611 : memref<1x128xi32, #tpu.memory_space<vmem>> -> memref<128xi32, #tpu.memory_space<vmem>>
      %dma_wait3A_613 = arith.constant 0 : i32
      %dma_wait3A_614 = arith.constant 0 : i32
      %dma_wait3A_615 = tpu.memref_slice %arg14[%dma_wait3A_613, %dma_wait3A_614] : memref<10240x128xf32, #tpu.memory_space<vmem_shared>> -> memref<10240x128xf32, #tpu.memory_space<vmem_shared>>
      tpu.wait_indirect_dma semaphore(%arg22 : memref<!tpu.dma_semaphore, #tpu.memory_space<semaphore_mem>>) src(%arg8 : memref<128x128xf32, #tpu.memory_space<vmem>>) dst(%dma_wait3A_615 : memref<10240x128xf32, #tpu.memory_space<vmem_shared>>)
      %dma_start3A_616 = arith.constant 7 : i32
      %dma_start3A_617 = arith.constant 0 : i32
      %dma_start3A_618 = tpu.memref_slice %arg9[%dma_start3A_616, %dma_start3A_617] : memref<8x128xi32, #tpu.memory_space<vmem>> -> memref<1x128xi32, #tpu.memory_space<vmem>>
      %dma_start3A_619 = tpu.memref_squeeze %dma_start3A_618 : memref<1x128xi32, #tpu.memory_space<vmem>> -> memref<128xi32, #tpu.memory_space<vmem>>
      %dma_start3A_620 = arith.constant 0 : i32
      %dma_start3A_621 = arith.constant 0 : i32
      %dma_start3A_622 = tpu.memref_slice %arg2[%dma_start3A_620, %dma_start3A_621] : memref<10240x128xf32, #tpu.memory_space<hbm>> -> memref<10240x128xf32, #tpu.memory_space<hbm>>
      tpu.enqueue_indirect_dma source(%dma_start3A_622 : memref<10240x128xf32, #tpu.memory_space<hbm>>) target(%arg8 : memref<128x128xf32, #tpu.memory_space<vmem>>) offsets(%dma_start3A_619 : memref<128xi32, #tpu.memory_space<vmem>>) semaphore(%arg16 : memref<!tpu.dma_semaphore, #tpu.memory_space<semaphore_mem>>)
      %dma_wait3A_623 = arith.constant 6 : i32
      %dma_wait3A_624 = arith.constant 0 : i32
      %dma_wait3A_625 = tpu.memref_slice %arg9[%dma_wait3A_623, %dma_wait3A_624] : memref<8x128xi32, #tpu.memory_space<vmem>> -> memref<1x128xi32, #tpu.memory_space<vmem>>
      %dma_wait3A_626 = tpu.memref_squeeze %dma_wait3A_625 : memref<1x128xi32, #tpu.memory_space<vmem>> -> memref<128xi32, #tpu.memory_space<vmem>>
      %dma_wait3A_627 = arith.constant 0 : i32
      %dma_wait3A_628 = arith.constant 0 : i32
      %dma_wait3A_629 = tpu.memref_slice %arg2[%dma_wait3A_627, %dma_wait3A_628] : memref<10240x128xf32, #tpu.memory_space<hbm>> -> memref<10240x128xf32, #tpu.memory_space<hbm>>
      tpu.wait_indirect_dma semaphore(%arg15 : memref<!tpu.dma_semaphore, #tpu.memory_space<semaphore_mem>>) src(%dma_wait3A_629 : memref<10240x128xf32, #tpu.memory_space<hbm>>) dst(%arg7 : memref<128x128xf32, #tpu.memory_space<vmem>>)
      %dma_start3A_630 = arith.constant 6 : i32
      %dma_start3A_631 = arith.constant 0 : i32
      %dma_start3A_632 = tpu.memref_slice %arg11[%dma_start3A_630, %dma_start3A_631] : memref<8x128xi32, #tpu.memory_space<vmem>> -> memref<1x128xi32, #tpu.memory_space<vmem>>
      %dma_start3A_633 = tpu.memref_squeeze %dma_start3A_632 : memref<1x128xi32, #tpu.memory_space<vmem>> -> memref<128xi32, #tpu.memory_space<vmem>>
      %dma_start3A_634 = arith.constant 0 : i32
      %dma_start3A_635 = arith.constant 0 : i32
      %dma_start3A_636 = tpu.memref_slice %arg14[%dma_start3A_634, %dma_start3A_635] : memref<10240x128xf32, #tpu.memory_space<vmem_shared>> -> memref<10240x128xf32, #tpu.memory_space<vmem_shared>>
      tpu.enqueue_indirect_dma source(%arg7 : memref<128x128xf32, #tpu.memory_space<vmem>>) target(%dma_start3A_636 : memref<10240x128xf32, #tpu.memory_space<vmem_shared>>) offsets(%dma_start3A_633 : memref<128xi32, #tpu.memory_space<vmem>>) semaphore(%arg21 : memref<!tpu.dma_semaphore, #tpu.memory_space<semaphore_mem>>) {add = true}
      %broadcast_in_dim3A_637 = arith.constant 1 : i32
      %broadcast_in_dim3A_638 = vector.broadcast %broadcast_in_dim3A_637 : i32 to vector<16xi32>
      %get3A_639 = arith.constant 6 : i32
      %get3A_640 = arith.constant 0 : i32
      %get3A_641 = arith.index_cast %get3A_639 : i32 to index
      %get3A_642 = arith.index_cast %get3A_640 : i32 to index
      %get3A_643 = tpu.vector_load %arg11[%get3A_641, %get3A_642] {strides = array<i32>} : memref<8x128xi32, #tpu.memory_space<vmem>>, vector<16xi32>,
      tpu.vector_store_idx %arg13[%get3A_643], %broadcast_in_dim3A_638 {add = true} : memref<10240xi32, #tpu.memory_space<vmem>>[vector<16xi32>], vector<16xi32>,
      %get3A_644 = arith.constant 6 : i32
      %get3A_645 = arith.constant 16 : i32
      %get3A_646 = arith.index_cast %get3A_644 : i32 to index
      %get3A_647 = arith.index_cast %get3A_645 : i32 to index
      %get3A_648 = tpu.vector_load %arg11[%get3A_646, %get3A_647] {strides = array<i32>} : memref<8x128xi32, #tpu.memory_space<vmem>>, vector<16xi32>,
      tpu.vector_store_idx %arg13[%get3A_648], %broadcast_in_dim3A_638 {add = true} : memref<10240xi32, #tpu.memory_space<vmem>>[vector<16xi32>], vector<16xi32>,
      %get3A_649 = arith.constant 6 : i32
      %get3A_650 = arith.constant 32 : i32
      %get3A_651 = arith.index_cast %get3A_649 : i32 to index
      %get3A_652 = arith.index_cast %get3A_650 : i32 to index
      %get3A_653 = tpu.vector_load %arg11[%get3A_651, %get3A_652] {strides = array<i32>} : memref<8x128xi32, #tpu.memory_space<vmem>>, vector<16xi32>,
      tpu.vector_store_idx %arg13[%get3A_653], %broadcast_in_dim3A_638 {add = true} : memref<10240xi32, #tpu.memory_space<vmem>>[vector<16xi32>], vector<16xi32>,
      %get3A_654 = arith.constant 6 : i32
      %get3A_655 = arith.constant 48 : i32
      %get3A_656 = arith.index_cast %get3A_654 : i32 to index
      %get3A_657 = arith.index_cast %get3A_655 : i32 to index
      %get3A_658 = tpu.vector_load %arg11[%get3A_656, %get3A_657] {strides = array<i32>} : memref<8x128xi32, #tpu.memory_space<vmem>>, vector<16xi32>,
      tpu.vector_store_idx %arg13[%get3A_658], %broadcast_in_dim3A_638 {add = true} : memref<10240xi32, #tpu.memory_space<vmem>>[vector<16xi32>], vector<16xi32>,
      %get3A_659 = arith.constant 6 : i32
      %get3A_660 = arith.constant 64 : i32
      %get3A_661 = arith.index_cast %get3A_659 : i32 to index
      %get3A_662 = arith.index_cast %get3A_660 : i32 to index
      %get3A_663 = tpu.vector_load %arg11[%get3A_661, %get3A_662] {strides = array<i32>} : memref<8x128xi32, #tpu.memory_space<vmem>>, vector<16xi32>,
      tpu.vector_store_idx %arg13[%get3A_663], %broadcast_in_dim3A_638 {add = true} : memref<10240xi32, #tpu.memory_space<vmem>>[vector<16xi32>], vector<16xi32>,
      %get3A_664 = arith.constant 6 : i32
      %get3A_665 = arith.constant 80 : i32
      %get3A_666 = arith.index_cast %get3A_664 : i32 to index
      %get3A_667 = arith.index_cast %get3A_665 : i32 to index
      %get3A_668 = tpu.vector_load %arg11[%get3A_666, %get3A_667] {strides = array<i32>} : memref<8x128xi32, #tpu.memory_space<vmem>>, vector<16xi32>,
      tpu.vector_store_idx %arg13[%get3A_668], %broadcast_in_dim3A_638 {add = true} : memref<10240xi32, #tpu.memory_space<vmem>>[vector<16xi32>], vector<16xi32>,
      %get3A_669 = arith.constant 6 : i32
      %get3A_670 = arith.constant 96 : i32
      %get3A_671 = arith.index_cast %get3A_669 : i32 to index
      %get3A_672 = arith.index_cast %get3A_670 : i32 to index
      %get3A_673 = tpu.vector_load %arg11[%get3A_671, %get3A_672] {strides = array<i32>} : memref<8x128xi32, #tpu.memory_space<vmem>>, vector<16xi32>,
      tpu.vector_store_idx %arg13[%get3A_673], %broadcast_in_dim3A_638 {add = true} : memref<10240xi32, #tpu.memory_space<vmem>>[vector<16xi32>], vector<16xi32>,
      %get3A_674 = arith.constant 6 : i32
      %get3A_675 = arith.constant 112 : i32
      %get3A_676 = arith.index_cast %get3A_674 : i32 to index
      %get3A_677 = arith.index_cast %get3A_675 : i32 to index
      %get3A_678 = tpu.vector_load %arg11[%get3A_676, %get3A_677] {strides = array<i32>} : memref<8x128xi32, #tpu.memory_space<vmem>>, vector<16xi32>,
      tpu.vector_store_idx %arg13[%get3A_678], %broadcast_in_dim3A_638 {add = true} : memref<10240xi32, #tpu.memory_space<vmem>>[vector<16xi32>], vector<16xi32>,
      %dma_wait3A_679 = arith.constant 6 : i32
      %dma_wait3A_680 = arith.constant 0 : i32
      %dma_wait3A_681 = tpu.memref_slice %arg11[%dma_wait3A_679, %dma_wait3A_680] : memref<8x128xi32, #tpu.memory_space<vmem>> -> memref<1x128xi32, #tpu.memory_space<vmem>>
      %dma_wait3A_682 = tpu.memref_squeeze %dma_wait3A_681 : memref<1x128xi32, #tpu.memory_space<vmem>> -> memref<128xi32, #tpu.memory_space<vmem>>
      %dma_wait3A_683 = arith.constant 0 : i32
      %dma_wait3A_684 = arith.constant 0 : i32
      %dma_wait3A_685 = tpu.memref_slice %arg14[%dma_wait3A_683, %dma_wait3A_684] : memref<10240x128xf32, #tpu.memory_space<vmem_shared>> -> memref<10240x128xf32, #tpu.memory_space<vmem_shared>>
      tpu.wait_indirect_dma semaphore(%arg21 : memref<!tpu.dma_semaphore, #tpu.memory_space<semaphore_mem>>) src(%arg7 : memref<128x128xf32, #tpu.memory_space<vmem>>) dst(%dma_wait3A_685 : memref<10240x128xf32, #tpu.memory_space<vmem_shared>>)
      %dma_wait3A_686 = arith.constant 0 : i32
      %dma_wait3A_687 = arith.constant 0 : i32
      %dma_wait3A_688 = tpu.memref_slice %arg3[%dma_wait3A_686, %dma_wait3A_687] : memref<2576x128xi32, #tpu.memory_space<hbm>> -> memref<8x128xi32, #tpu.memory_space<hbm>>
      %dma_wait3A_689 = arith.constant 0 : i32
      %dma_wait3A_690 = arith.constant 0 : i32
      %dma_wait3A_691 = tpu.memref_slice %arg3[%dma_wait3A_689, %dma_wait3A_690] : memref<2576x128xi32, #tpu.memory_space<hbm>> -> memref<8x128xi32, #tpu.memory_space<hbm>>
      tpu.wait_dma2 semaphore(%arg18 : memref<!tpu.dma_semaphore, #tpu.memory_space<semaphore_mem>>) src(%dma_wait3A_691 : memref<8x128xi32, #tpu.memory_space<hbm>>) dst(%arg10 : memref<8x128xi32, #tpu.memory_space<vmem>>)
      %dma_wait3A_692 = arith.constant 0 : i32
      %dma_wait3A_693 = arith.constant 0 : i32
      %dma_wait3A_694 = tpu.memref_slice %arg4[%dma_wait3A_692, %dma_wait3A_693] : memref<2576x128xi32, #tpu.memory_space<hbm>> -> memref<8x128xi32, #tpu.memory_space<hbm>>
      %dma_wait3A_695 = arith.constant 0 : i32
      %dma_wait3A_696 = arith.constant 0 : i32
      %dma_wait3A_697 = tpu.memref_slice %arg4[%dma_wait3A_695, %dma_wait3A_696] : memref<2576x128xi32, #tpu.memory_space<hbm>> -> memref<8x128xi32, #tpu.memory_space<hbm>>
      tpu.wait_dma2 semaphore(%arg20 : memref<!tpu.dma_semaphore, #tpu.memory_space<semaphore_mem>>) src(%dma_wait3A_697 : memref<8x128xi32, #tpu.memory_space<hbm>>) dst(%arg12 : memref<8x128xi32, #tpu.memory_space<vmem>>)
      %dma_start3A_698 = arith.constant 0 : i32
      %dma_start3A_699 = arith.constant 0 : i32
      %dma_start3A_700 = tpu.memref_slice %arg10[%dma_start3A_698, %dma_start3A_699] : memref<8x128xi32, #tpu.memory_space<vmem>> -> memref<1x128xi32, #tpu.memory_space<vmem>>
      %dma_start3A_701 = tpu.memref_squeeze %dma_start3A_700 : memref<1x128xi32, #tpu.memory_space<vmem>> -> memref<128xi32, #tpu.memory_space<vmem>>
      %dma_start3A_702 = arith.constant 0 : i32
      %dma_start3A_703 = arith.constant 0 : i32
      %dma_start3A_704 = tpu.memref_slice %arg2[%dma_start3A_702, %dma_start3A_703] : memref<10240x128xf32, #tpu.memory_space<hbm>> -> memref<10240x128xf32, #tpu.memory_space<hbm>>
      tpu.enqueue_indirect_dma source(%dma_start3A_704 : memref<10240x128xf32, #tpu.memory_space<hbm>>) target(%arg7 : memref<128x128xf32, #tpu.memory_space<vmem>>) offsets(%dma_start3A_701 : memref<128xi32, #tpu.memory_space<vmem>>) semaphore(%arg15 : memref<!tpu.dma_semaphore, #tpu.memory_space<semaphore_mem>>)
      %dma_wait3A_705 = arith.constant 7 : i32
      %dma_wait3A_706 = arith.constant 0 : i32
      %dma_wait3A_707 = tpu.memref_slice %arg9[%dma_wait3A_705, %dma_wait3A_706] : memref<8x128xi32, #tpu.memory_space<vmem>> -> memref<1x128xi32, #tpu.memory_space<vmem>>
      %dma_wait3A_708 = tpu.memref_squeeze %dma_wait3A_707 : memref<1x128xi32, #tpu.memory_space<vmem>> -> memref<128xi32, #tpu.memory_space<vmem>>
      %dma_wait3A_709 = arith.constant 0 : i32
      %dma_wait3A_710 = arith.constant 0 : i32
      %dma_wait3A_711 = tpu.memref_slice %arg2[%dma_wait3A_709, %dma_wait3A_710] : memref<10240x128xf32, #tpu.memory_space<hbm>> -> memref<10240x128xf32, #tpu.memory_space<hbm>>
      tpu.wait_indirect_dma semaphore(%arg16 : memref<!tpu.dma_semaphore, #tpu.memory_space<semaphore_mem>>) src(%dma_wait3A_711 : memref<10240x128xf32, #tpu.memory_space<hbm>>) dst(%arg8 : memref<128x128xf32, #tpu.memory_space<vmem>>)
      %dma_start3A_712 = arith.constant 7 : i32
      %dma_start3A_713 = arith.constant 0 : i32
      %dma_start3A_714 = tpu.memref_slice %arg11[%dma_start3A_712, %dma_start3A_713] : memref<8x128xi32, #tpu.memory_space<vmem>> -> memref<1x128xi32, #tpu.memory_space<vmem>>
      %dma_start3A_715 = tpu.memref_squeeze %dma_start3A_714 : memref<1x128xi32, #tpu.memory_space<vmem>> -> memref<128xi32, #tpu.memory_space<vmem>>
      %dma_start3A_716 = arith.constant 0 : i32
      %dma_start3A_717 = arith.constant 0 : i32
      %dma_start3A_718 = tpu.memref_slice %arg14[%dma_start3A_716, %dma_start3A_717] : memref<10240x128xf32, #tpu.memory_space<vmem_shared>> -> memref<10240x128xf32, #tpu.memory_space<vmem_shared>>
      tpu.enqueue_indirect_dma source(%arg8 : memref<128x128xf32, #tpu.memory_space<vmem>>) target(%dma_start3A_718 : memref<10240x128xf32, #tpu.memory_space<vmem_shared>>) offsets(%dma_start3A_715 : memref<128xi32, #tpu.memory_space<vmem>>) semaphore(%arg22 : memref<!tpu.dma_semaphore, #tpu.memory_space<semaphore_mem>>) {add = true}
      %broadcast_in_dim3A_719 = arith.constant 1 : i32
      %broadcast_in_dim3A_720 = vector.broadcast %broadcast_in_dim3A_719 : i32 to vector<16xi32>
      %get3A_721 = arith.constant 7 : i32
      %get3A_722 = arith.constant 0 : i32
      %get3A_723 = arith.index_cast %get3A_721 : i32 to index
      %get3A_724 = arith.index_cast %get3A_722 : i32 to index
      %get3A_725 = tpu.vector_load %arg11[%get3A_723, %get3A_724] {strides = array<i32>} : memref<8x128xi32, #tpu.memory_space<vmem>>, vector<16xi32>,
      tpu.vector_store_idx %arg13[%get3A_725], %broadcast_in_dim3A_720 {add = true} : memref<10240xi32, #tpu.memory_space<vmem>>[vector<16xi32>], vector<16xi32>,
      %get3A_726 = arith.constant 7 : i32
      %get3A_727 = arith.constant 16 : i32
      %get3A_728 = arith.index_cast %get3A_726 : i32 to index
      %get3A_729 = arith.index_cast %get3A_727 : i32 to index
      %get3A_730 = tpu.vector_load %arg11[%get3A_728, %get3A_729] {strides = array<i32>} : memref<8x128xi32, #tpu.memory_space<vmem>>, vector<16xi32>,
      tpu.vector_store_idx %arg13[%get3A_730], %broadcast_in_dim3A_720 {add = true} : memref<10240xi32, #tpu.memory_space<vmem>>[vector<16xi32>], vector<16xi32>,
      %get3A_731 = arith.constant 7 : i32
      %get3A_732 = arith.constant 32 : i32
      %get3A_733 = arith.index_cast %get3A_731 : i32 to index
      %get3A_734 = arith.index_cast %get3A_732 : i32 to index
      %get3A_735 = tpu.vector_load %arg11[%get3A_733, %get3A_734] {strides = array<i32>} : memref<8x128xi32, #tpu.memory_space<vmem>>, vector<16xi32>,
      tpu.vector_store_idx %arg13[%get3A_735], %broadcast_in_dim3A_720 {add = true} : memref<10240xi32, #tpu.memory_space<vmem>>[vector<16xi32>], vector<16xi32>,
      %get3A_736 = arith.constant 7 : i32
      %get3A_737 = arith.constant 48 : i32
      %get3A_738 = arith.index_cast %get3A_736 : i32 to index
      %get3A_739 = arith.index_cast %get3A_737 : i32 to index
      %get3A_740 = tpu.vector_load %arg11[%get3A_738, %get3A_739] {strides = array<i32>} : memref<8x128xi32, #tpu.memory_space<vmem>>, vector<16xi32>,
      tpu.vector_store_idx %arg13[%get3A_740], %broadcast_in_dim3A_720 {add = true} : memref<10240xi32, #tpu.memory_space<vmem>>[vector<16xi32>], vector<16xi32>,
      %get3A_741 = arith.constant 7 : i32
      %get3A_742 = arith.constant 64 : i32
      %get3A_743 = arith.index_cast %get3A_741 : i32 to index
      %get3A_744 = arith.index_cast %get3A_742 : i32 to index
      %get3A_745 = tpu.vector_load %arg11[%get3A_743, %get3A_744] {strides = array<i32>} : memref<8x128xi32, #tpu.memory_space<vmem>>, vector<16xi32>,
      tpu.vector_store_idx %arg13[%get3A_745], %broadcast_in_dim3A_720 {add = true} : memref<10240xi32, #tpu.memory_space<vmem>>[vector<16xi32>], vector<16xi32>,
      %get3A_746 = arith.constant 7 : i32
      %get3A_747 = arith.constant 80 : i32
      %get3A_748 = arith.index_cast %get3A_746 : i32 to index
      %get3A_749 = arith.index_cast %get3A_747 : i32 to index
      %get3A_750 = tpu.vector_load %arg11[%get3A_748, %get3A_749] {strides = array<i32>} : memref<8x128xi32, #tpu.memory_space<vmem>>, vector<16xi32>,
      tpu.vector_store_idx %arg13[%get3A_750], %broadcast_in_dim3A_720 {add = true} : memref<10240xi32, #tpu.memory_space<vmem>>[vector<16xi32>], vector<16xi32>,
      %get3A_751 = arith.constant 7 : i32
      %get3A_752 = arith.constant 96 : i32
      %get3A_753 = arith.index_cast %get3A_751 : i32 to index
      %get3A_754 = arith.index_cast %get3A_752 : i32 to index
      %get3A_755 = tpu.vector_load %arg11[%get3A_753, %get3A_754] {strides = array<i32>} : memref<8x128xi32, #tpu.memory_space<vmem>>, vector<16xi32>,
      tpu.vector_store_idx %arg13[%get3A_755], %broadcast_in_dim3A_720 {add = true} : memref<10240xi32, #tpu.memory_space<vmem>>[vector<16xi32>], vector<16xi32>,
      %get3A_756 = arith.constant 7 : i32
      %get3A_757 = arith.constant 112 : i32
      %get3A_758 = arith.index_cast %get3A_756 : i32 to index
      %get3A_759 = arith.index_cast %get3A_757 : i32 to index
      %get3A_760 = tpu.vector_load %arg11[%get3A_758, %get3A_759] {strides = array<i32>} : memref<8x128xi32, #tpu.memory_space<vmem>>, vector<16xi32>,
      tpu.vector_store_idx %arg13[%get3A_760], %broadcast_in_dim3A_720 {add = true} : memref<10240xi32, #tpu.memory_space<vmem>>[vector<16xi32>], vector<16xi32>,
      %dma_wait3A_761 = arith.constant 7 : i32
      %dma_wait3A_762 = arith.constant 0 : i32
      %dma_wait3A_763 = tpu.memref_slice %arg11[%dma_wait3A_761, %dma_wait3A_762] : memref<8x128xi32, #tpu.memory_space<vmem>> -> memref<1x128xi32, #tpu.memory_space<vmem>>
      %dma_wait3A_764 = tpu.memref_squeeze %dma_wait3A_763 : memref<1x128xi32, #tpu.memory_space<vmem>> -> memref<128xi32, #tpu.memory_space<vmem>>
      %dma_wait3A_765 = arith.constant 0 : i32
      %dma_wait3A_766 = arith.constant 0 : i32
      %dma_wait3A_767 = tpu.memref_slice %arg14[%dma_wait3A_765, %dma_wait3A_766] : memref<10240x128xf32, #tpu.memory_space<vmem_shared>> -> memref<10240x128xf32, #tpu.memory_space<vmem_shared>>
      tpu.wait_indirect_dma semaphore(%arg22 : memref<!tpu.dma_semaphore, #tpu.memory_space<semaphore_mem>>) src(%arg8 : memref<128x128xf32, #tpu.memory_space<vmem>>) dst(%dma_wait3A_767 : memref<10240x128xf32, #tpu.memory_space<vmem_shared>>)
      %dma_start3A_768 = arith.constant 1 : i32
      %dma_start3A_769 = arith.constant 0 : i32
      %dma_start3A_770 = tpu.memref_slice %arg10[%dma_start3A_768, %dma_start3A_769] : memref<8x128xi32, #tpu.memory_space<vmem>> -> memref<1x128xi32, #tpu.memory_space<vmem>>
      %dma_start3A_771 = tpu.memref_squeeze %dma_start3A_770 : memref<1x128xi32, #tpu.memory_space<vmem>> -> memref<128xi32, #tpu.memory_space<vmem>>
      %dma_start3A_772 = arith.constant 0 : i32
      %dma_start3A_773 = arith.constant 0 : i32
      %dma_start3A_774 = tpu.memref_slice %arg2[%dma_start3A_772, %dma_start3A_773] : memref<10240x128xf32, #tpu.memory_space<hbm>> -> memref<10240x128xf32, #tpu.memory_space<hbm>>
      tpu.enqueue_indirect_dma source(%dma_start3A_774 : memref<10240x128xf32, #tpu.memory_space<hbm>>) target(%arg8 : memref<128x128xf32, #tpu.memory_space<vmem>>) offsets(%dma_start3A_771 : memref<128xi32, #tpu.memory_space<vmem>>) semaphore(%arg16 : memref<!tpu.dma_semaphore, #tpu.memory_space<semaphore_mem>>)
      %add3A_775 = arith.constant 2 : i32
      %add3A_776 = arith.addi %add3A_204, %add3A_775 : i32
      %mul3A_777 = arith.constant 8 : i32
      %mul3A_778 = arith.muli %add3A_776, %mul3A_777 : i32
      %add3A_779 = arith.addi %select_n3A, %mul3A_778 : i32
      %multiple_of3A_780 = tpu.assume_multiple %add3A_779, 8 : i32
      %dma_start3A_781 = arith.constant 0 : i32
      %dma_start3A_782 = tpu.memref_slice %arg3[%multiple_of3A_780, %dma_start3A_781] : memref<2576x128xi32, #tpu.memory_space<hbm>> -> memref<8x128xi32, #tpu.memory_space<hbm>>
      %dma_start3A_783 = arith.constant 0 : i32
      %dma_start3A_784 = tpu.memref_slice %arg3[%multiple_of3A_780, %dma_start3A_783] : memref<2576x128xi32, #tpu.memory_space<hbm>> -> memref<8x128xi32, #tpu.memory_space<hbm>>
      tpu.enqueue_dma source(%dma_start3A_784 : memref<8x128xi32, #tpu.memory_space<hbm>>) target(%arg9 : memref<8x128xi32, #tpu.memory_space<vmem>>) target_semaphore(%arg17 : memref<!tpu.dma_semaphore, #tpu.memory_space<semaphore_mem>>)
      %dma_start3A_785 = arith.constant 0 : i32
      %dma_start3A_786 = tpu.memref_slice %arg4[%multiple_of3A_780, %dma_start3A_785] : memref<2576x128xi32, #tpu.memory_space<hbm>> -> memref<8x128xi32, #tpu.memory_space<hbm>>
      %dma_start3A_787 = arith.constant 0 : i32
      %dma_start3A_788 = tpu.memref_slice %arg4[%multiple_of3A_780, %dma_start3A_787] : memref<2576x128xi32, #tpu.memory_space<hbm>> -> memref<8x128xi32, #tpu.memory_space<hbm>>
      tpu.enqueue_dma source(%dma_start3A_788 : memref<8x128xi32, #tpu.memory_space<hbm>>) target(%arg11 : memref<8x128xi32, #tpu.memory_space<vmem>>) target_semaphore(%arg19 : memref<!tpu.dma_semaphore, #tpu.memory_space<semaphore_mem>>)
      %mul3A_789 = arith.constant 2 : i32
      %mul3A_790 = arith.muli %mul3A_789, %add3A_200 : i32
      %add3A_791 = arith.constant 1 : i32
      %add3A_792 = arith.addi %mul3A_790, %add3A_791 : i32
      %dma_wait3A_793 = arith.constant 0 : i32
      %dma_wait3A_794 = arith.constant 0 : i32
      %dma_wait3A_795 = tpu.memref_slice %arg10[%dma_wait3A_793, %dma_wait3A_794] : memref<8x128xi32, #tpu.memory_space<vmem>> -> memref<1x128xi32, #tpu.memory_space<vmem>>
      %dma_wait3A_796 = tpu.memref_squeeze %dma_wait3A_795 : memref<1x128xi32, #tpu.memory_space<vmem>> -> memref<128xi32, #tpu.memory_space<vmem>>
      %dma_wait3A_797 = arith.constant 0 : i32
      %dma_wait3A_798 = arith.constant 0 : i32
      %dma_wait3A_799 = tpu.memref_slice %arg2[%dma_wait3A_797, %dma_wait3A_798] : memref<10240x128xf32, #tpu.memory_space<hbm>> -> memref<10240x128xf32, #tpu.memory_space<hbm>>
      tpu.wait_indirect_dma semaphore(%arg15 : memref<!tpu.dma_semaphore, #tpu.memory_space<semaphore_mem>>) src(%dma_wait3A_799 : memref<10240x128xf32, #tpu.memory_space<hbm>>) dst(%arg7 : memref<128x128xf32, #tpu.memory_space<vmem>>)
      %dma_start3A_800 = arith.constant 0 : i32
      %dma_start3A_801 = arith.constant 0 : i32
      %dma_start3A_802 = tpu.memref_slice %arg12[%dma_start3A_800, %dma_start3A_801] : memref<8x128xi32, #tpu.memory_space<vmem>> -> memref<1x128xi32, #tpu.memory_space<vmem>>
      %dma_start3A_803 = tpu.memref_squeeze %dma_start3A_802 : memref<1x128xi32, #tpu.memory_space<vmem>> -> memref<128xi32, #tpu.memory_space<vmem>>
      %dma_start3A_804 = arith.constant 0 : i32
      %dma_start3A_805 = arith.constant 0 : i32
      %dma_start3A_806 = tpu.memref_slice %arg14[%dma_start3A_804, %dma_start3A_805] : memref<10240x128xf32, #tpu.memory_space<vmem_shared>> -> memref<10240x128xf32, #tpu.memory_space<vmem_shared>>
      tpu.enqueue_indirect_dma source(%arg7 : memref<128x128xf32, #tpu.memory_space<vmem>>) target(%dma_start3A_806 : memref<10240x128xf32, #tpu.memory_space<vmem_shared>>) offsets(%dma_start3A_803 : memref<128xi32, #tpu.memory_space<vmem>>) semaphore(%arg21 : memref<!tpu.dma_semaphore, #tpu.memory_space<semaphore_mem>>) {add = true}
      %broadcast_in_dim3A_807 = arith.constant 1 : i32
      %broadcast_in_dim3A_808 = vector.broadcast %broadcast_in_dim3A_807 : i32 to vector<16xi32>
      %get3A_809 = arith.constant 0 : i32
      %get3A_810 = arith.constant 0 : i32
      %get3A_811 = arith.index_cast %get3A_809 : i32 to index
      %get3A_812 = arith.index_cast %get3A_810 : i32 to index
      %get3A_813 = tpu.vector_load %arg12[%get3A_811, %get3A_812] {strides = array<i32>} : memref<8x128xi32, #tpu.memory_space<vmem>>, vector<16xi32>,
      tpu.vector_store_idx %arg13[%get3A_813], %broadcast_in_dim3A_808 {add = true} : memref<10240xi32, #tpu.memory_space<vmem>>[vector<16xi32>], vector<16xi32>,
      %get3A_814 = arith.constant 0 : i32
      %get3A_815 = arith.constant 16 : i32
      %get3A_816 = arith.index_cast %get3A_814 : i32 to index
      %get3A_817 = arith.index_cast %get3A_815 : i32 to index
      %get3A_818 = tpu.vector_load %arg12[%get3A_816, %get3A_817] {strides = array<i32>} : memref<8x128xi32, #tpu.memory_space<vmem>>, vector<16xi32>,
      tpu.vector_store_idx %arg13[%get3A_818], %broadcast_in_dim3A_808 {add = true} : memref<10240xi32, #tpu.memory_space<vmem>>[vector<16xi32>], vector<16xi32>,
      %get3A_819 = arith.constant 0 : i32
      %get3A_820 = arith.constant 32 : i32
      %get3A_821 = arith.index_cast %get3A_819 : i32 to index
      %get3A_822 = arith.index_cast %get3A_820 : i32 to index
      %get3A_823 = tpu.vector_load %arg12[%get3A_821, %get3A_822] {strides = array<i32>} : memref<8x128xi32, #tpu.memory_space<vmem>>, vector<16xi32>,
      tpu.vector_store_idx %arg13[%get3A_823], %broadcast_in_dim3A_808 {add = true} : memref<10240xi32, #tpu.memory_space<vmem>>[vector<16xi32>], vector<16xi32>,
      %get3A_824 = arith.constant 0 : i32
      %get3A_825 = arith.constant 48 : i32
      %get3A_826 = arith.index_cast %get3A_824 : i32 to index
      %get3A_827 = arith.index_cast %get3A_825 : i32 to index
      %get3A_828 = tpu.vector_load %arg12[%get3A_826, %get3A_827] {strides = array<i32>} : memref<8x128xi32, #tpu.memory_space<vmem>>, vector<16xi32>,
      tpu.vector_store_idx %arg13[%get3A_828], %broadcast_in_dim3A_808 {add = true} : memref<10240xi32, #tpu.memory_space<vmem>>[vector<16xi32>], vector<16xi32>,
      %get3A_829 = arith.constant 0 : i32
      %get3A_830 = arith.constant 64 : i32
      %get3A_831 = arith.index_cast %get3A_829 : i32 to index
      %get3A_832 = arith.index_cast %get3A_830 : i32 to index
      %get3A_833 = tpu.vector_load %arg12[%get3A_831, %get3A_832] {strides = array<i32>} : memref<8x128xi32, #tpu.memory_space<vmem>>, vector<16xi32>,
      tpu.vector_store_idx %arg13[%get3A_833], %broadcast_in_dim3A_808 {add = true} : memref<10240xi32, #tpu.memory_space<vmem>>[vector<16xi32>], vector<16xi32>,
      %get3A_834 = arith.constant 0 : i32
      %get3A_835 = arith.constant 80 : i32
      %get3A_836 = arith.index_cast %get3A_834 : i32 to index
      %get3A_837 = arith.index_cast %get3A_835 : i32 to index
      %get3A_838 = tpu.vector_load %arg12[%get3A_836, %get3A_837] {strides = array<i32>} : memref<8x128xi32, #tpu.memory_space<vmem>>, vector<16xi32>,
      tpu.vector_store_idx %arg13[%get3A_838], %broadcast_in_dim3A_808 {add = true} : memref<10240xi32, #tpu.memory_space<vmem>>[vector<16xi32>], vector<16xi32>,
      %get3A_839 = arith.constant 0 : i32
      %get3A_840 = arith.constant 96 : i32
      %get3A_841 = arith.index_cast %get3A_839 : i32 to index
      %get3A_842 = arith.index_cast %get3A_840 : i32 to index
      %get3A_843 = tpu.vector_load %arg12[%get3A_841, %get3A_842] {strides = array<i32>} : memref<8x128xi32, #tpu.memory_space<vmem>>, vector<16xi32>,
      tpu.vector_store_idx %arg13[%get3A_843], %broadcast_in_dim3A_808 {add = true} : memref<10240xi32, #tpu.memory_space<vmem>>[vector<16xi32>], vector<16xi32>,
      %get3A_844 = arith.constant 0 : i32
      %get3A_845 = arith.constant 112 : i32
      %get3A_846 = arith.index_cast %get3A_844 : i32 to index
      %get3A_847 = arith.index_cast %get3A_845 : i32 to index
      %get3A_848 = tpu.vector_load %arg12[%get3A_846, %get3A_847] {strides = array<i32>} : memref<8x128xi32, #tpu.memory_space<vmem>>, vector<16xi32>,
      tpu.vector_store_idx %arg13[%get3A_848], %broadcast_in_dim3A_808 {add = true} : memref<10240xi32, #tpu.memory_space<vmem>>[vector<16xi32>], vector<16xi32>,
      %dma_wait3A_849 = arith.constant 0 : i32
      %dma_wait3A_850 = arith.constant 0 : i32
      %dma_wait3A_851 = tpu.memref_slice %arg12[%dma_wait3A_849, %dma_wait3A_850] : memref<8x128xi32, #tpu.memory_space<vmem>> -> memref<1x128xi32, #tpu.memory_space<vmem>>
      %dma_wait3A_852 = tpu.memref_squeeze %dma_wait3A_851 : memref<1x128xi32, #tpu.memory_space<vmem>> -> memref<128xi32, #tpu.memory_space<vmem>>
      %dma_wait3A_853 = arith.constant 0 : i32
      %dma_wait3A_854 = arith.constant 0 : i32
      %dma_wait3A_855 = tpu.memref_slice %arg14[%dma_wait3A_853, %dma_wait3A_854] : memref<10240x128xf32, #tpu.memory_space<vmem_shared>> -> memref<10240x128xf32, #tpu.memory_space<vmem_shared>>
      tpu.wait_indirect_dma semaphore(%arg21 : memref<!tpu.dma_semaphore, #tpu.memory_space<semaphore_mem>>) src(%arg7 : memref<128x128xf32, #tpu.memory_space<vmem>>) dst(%dma_wait3A_855 : memref<10240x128xf32, #tpu.memory_space<vmem_shared>>)
      %dma_start3A_856 = arith.constant 2 : i32
      %dma_start3A_857 = arith.constant 0 : i32
      %dma_start3A_858 = tpu.memref_slice %arg10[%dma_start3A_856, %dma_start3A_857] : memref<8x128xi32, #tpu.memory_space<vmem>> -> memref<1x128xi32, #tpu.memory_space<vmem>>
      %dma_start3A_859 = tpu.memref_squeeze %dma_start3A_858 : memref<1x128xi32, #tpu.memory_space<vmem>> -> memref<128xi32, #tpu.memory_space<vmem>>
      %dma_start3A_860 = arith.constant 0 : i32
      %dma_start3A_861 = arith.constant 0 : i32
      %dma_start3A_862 = tpu.memref_slice %arg2[%dma_start3A_860, %dma_start3A_861] : memref<10240x128xf32, #tpu.memory_space<hbm>> -> memref<10240x128xf32, #tpu.memory_space<hbm>>
      tpu.enqueue_indirect_dma source(%dma_start3A_862 : memref<10240x128xf32, #tpu.memory_space<hbm>>) target(%arg7 : memref<128x128xf32, #tpu.memory_space<vmem>>) offsets(%dma_start3A_859 : memref<128xi32, #tpu.memory_space<vmem>>) semaphore(%arg15 : memref<!tpu.dma_semaphore, #tpu.memory_space<semaphore_mem>>)
      %dma_wait3A_863 = arith.constant 1 : i32
      %dma_wait3A_864 = arith.constant 0 : i32
      %dma_wait3A_865 = tpu.memref_slice %arg10[%dma_wait3A_863, %dma_wait3A_864] : memref<8x128xi32, #tpu.memory_space<vmem>> -> memref<1x128xi32, #tpu.memory_space<vmem>>
      %dma_wait3A_866 = tpu.memref_squeeze %dma_wait3A_865 : memref<1x128xi32, #tpu.memory_space<vmem>> -> memref<128xi32, #tpu.memory_space<vmem>>
      %dma_wait3A_867 = arith.constant 0 : i32
      %dma_wait3A_868 = arith.constant 0 : i32
      %dma_wait3A_869 = tpu.memref_slice %arg2[%dma_wait3A_867, %dma_wait3A_868] : memref<10240x128xf32, #tpu.memory_space<hbm>> -> memref<10240x128xf32, #tpu.memory_space<hbm>>
      tpu.wait_indirect_dma semaphore(%arg16 : memref<!tpu.dma_semaphore, #tpu.memory_space<semaphore_mem>>) src(%dma_wait3A_869 : memref<10240x128xf32, #tpu.memory_space<hbm>>) dst(%arg8 : memref<128x128xf32, #tpu.memory_space<vmem>>)
      %dma_start3A_870 = arith.constant 1 : i32
      %dma_start3A_871 = arith.constant 0 : i32
      %dma_start3A_872 = tpu.memref_slice %arg12[%dma_start3A_870, %dma_start3A_871] : memref<8x128xi32, #tpu.memory_space<vmem>> -> memref<1x128xi32, #tpu.memory_space<vmem>>
      %dma_start3A_873 = tpu.memref_squeeze %dma_start3A_872 : memref<1x128xi32, #tpu.memory_space<vmem>> -> memref<128xi32, #tpu.memory_space<vmem>>
      %dma_start3A_874 = arith.constant 0 : i32
      %dma_start3A_875 = arith.constant 0 : i32
      %dma_start3A_876 = tpu.memref_slice %arg14[%dma_start3A_874, %dma_start3A_875] : memref<10240x128xf32, #tpu.memory_space<vmem_shared>> -> memref<10240x128xf32, #tpu.memory_space<vmem_shared>>
      tpu.enqueue_indirect_dma source(%arg8 : memref<128x128xf32, #tpu.memory_space<vmem>>) target(%dma_start3A_876 : memref<10240x128xf32, #tpu.memory_space<vmem_shared>>) offsets(%dma_start3A_873 : memref<128xi32, #tpu.memory_space<vmem>>) semaphore(%arg22 : memref<!tpu.dma_semaphore, #tpu.memory_space<semaphore_mem>>) {add = true}
      %broadcast_in_dim3A_877 = arith.constant 1 : i32
      %broadcast_in_dim3A_878 = vector.broadcast %broadcast_in_dim3A_877 : i32 to vector<16xi32>
      %get3A_879 = arith.constant 1 : i32
      %get3A_880 = arith.constant 0 : i32
      %get3A_881 = arith.index_cast %get3A_879 : i32 to index
      %get3A_882 = arith.index_cast %get3A_880 : i32 to index
      %get3A_883 = tpu.vector_load %arg12[%get3A_881, %get3A_882] {strides = array<i32>} : memref<8x128xi32, #tpu.memory_space<vmem>>, vector<16xi32>,
      tpu.vector_store_idx %arg13[%get3A_883], %broadcast_in_dim3A_878 {add = true} : memref<10240xi32, #tpu.memory_space<vmem>>[vector<16xi32>], vector<16xi32>,
      %get3A_884 = arith.constant 1 : i32
      %get3A_885 = arith.constant 16 : i32
      %get3A_886 = arith.index_cast %get3A_884 : i32 to index
      %get3A_887 = arith.index_cast %get3A_885 : i32 to index
      %get3A_888 = tpu.vector_load %arg12[%get3A_886, %get3A_887] {strides = array<i32>} : memref<8x128xi32, #tpu.memory_space<vmem>>, vector<16xi32>,
      tpu.vector_store_idx %arg13[%get3A_888], %broadcast_in_dim3A_878 {add = true} : memref<10240xi32, #tpu.memory_space<vmem>>[vector<16xi32>], vector<16xi32>,
      %get3A_889 = arith.constant 1 : i32
      %get3A_890 = arith.constant 32 : i32
      %get3A_891 = arith.index_cast %get3A_889 : i32 to index
      %get3A_892 = arith.index_cast %get3A_890 : i32 to index
      %get3A_893 = tpu.vector_load %arg12[%get3A_891, %get3A_892] {strides = array<i32>} : memref<8x128xi32, #tpu.memory_space<vmem>>, vector<16xi32>,
      tpu.vector_store_idx %arg13[%get3A_893], %broadcast_in_dim3A_878 {add = true} : memref<10240xi32, #tpu.memory_space<vmem>>[vector<16xi32>], vector<16xi32>,
      %get3A_894 = arith.constant 1 : i32
      %get3A_895 = arith.constant 48 : i32
      %get3A_896 = arith.index_cast %get3A_894 : i32 to index
      %get3A_897 = arith.index_cast %get3A_895 : i32 to index
      %get3A_898 = tpu.vector_load %arg12[%get3A_896, %get3A_897] {strides = array<i32>} : memref<8x128xi32, #tpu.memory_space<vmem>>, vector<16xi32>,
      tpu.vector_store_idx %arg13[%get3A_898], %broadcast_in_dim3A_878 {add = true} : memref<10240xi32, #tpu.memory_space<vmem>>[vector<16xi32>], vector<16xi32>,
      %get3A_899 = arith.constant 1 : i32
      %get3A_900 = arith.constant 64 : i32
      %get3A_901 = arith.index_cast %get3A_899 : i32 to index
      %get3A_902 = arith.index_cast %get3A_900 : i32 to index
      %get3A_903 = tpu.vector_load %arg12[%get3A_901, %get3A_902] {strides = array<i32>} : memref<8x128xi32, #tpu.memory_space<vmem>>, vector<16xi32>,
      tpu.vector_store_idx %arg13[%get3A_903], %broadcast_in_dim3A_878 {add = true} : memref<10240xi32, #tpu.memory_space<vmem>>[vector<16xi32>], vector<16xi32>,
      %get3A_904 = arith.constant 1 : i32
      %get3A_905 = arith.constant 80 : i32
      %get3A_906 = arith.index_cast %get3A_904 : i32 to index
      %get3A_907 = arith.index_cast %get3A_905 : i32 to index
      %get3A_908 = tpu.vector_load %arg12[%get3A_906, %get3A_907] {strides = array<i32>} : memref<8x128xi32, #tpu.memory_space<vmem>>, vector<16xi32>,
      tpu.vector_store_idx %arg13[%get3A_908], %broadcast_in_dim3A_878 {add = true} : memref<10240xi32, #tpu.memory_space<vmem>>[vector<16xi32>], vector<16xi32>,
      %get3A_909 = arith.constant 1 : i32
      %get3A_910 = arith.constant 96 : i32
      %get3A_911 = arith.index_cast %get3A_909 : i32 to index
      %get3A_912 = arith.index_cast %get3A_910 : i32 to index
      %get3A_913 = tpu.vector_load %arg12[%get3A_911, %get3A_912] {strides = array<i32>} : memref<8x128xi32, #tpu.memory_space<vmem>>, vector<16xi32>,
      tpu.vector_store_idx %arg13[%get3A_913], %broadcast_in_dim3A_878 {add = true} : memref<10240xi32, #tpu.memory_space<vmem>>[vector<16xi32>], vector<16xi32>,
      %get3A_914 = arith.constant 1 : i32
      %get3A_915 = arith.constant 112 : i32
      %get3A_916 = arith.index_cast %get3A_914 : i32 to index
      %get3A_917 = arith.index_cast %get3A_915 : i32 to index
      %get3A_918 = tpu.vector_load %arg12[%get3A_916, %get3A_917] {strides = array<i32>} : memref<8x128xi32, #tpu.memory_space<vmem>>, vector<16xi32>,
      tpu.vector_store_idx %arg13[%get3A_918], %broadcast_in_dim3A_878 {add = true} : memref<10240xi32, #tpu.memory_space<vmem>>[vector<16xi32>], vector<16xi32>,
      %dma_wait3A_919 = arith.constant 1 : i32
      %dma_wait3A_920 = arith.constant 0 : i32
      %dma_wait3A_921 = tpu.memref_slice %arg12[%dma_wait3A_919, %dma_wait3A_920] : memref<8x128xi32, #tpu.memory_space<vmem>> -> memref<1x128xi32, #tpu.memory_space<vmem>>
      %dma_wait3A_922 = tpu.memref_squeeze %dma_wait3A_921 : memref<1x128xi32, #tpu.memory_space<vmem>> -> memref<128xi32, #tpu.memory_space<vmem>>
      %dma_wait3A_923 = arith.constant 0 : i32
      %dma_wait3A_924 = arith.constant 0 : i32
      %dma_wait3A_925 = tpu.memref_slice %arg14[%dma_wait3A_923, %dma_wait3A_924] : memref<10240x128xf32, #tpu.memory_space<vmem_shared>> -> memref<10240x128xf32, #tpu.memory_space<vmem_shared>>
      tpu.wait_indirect_dma semaphore(%arg22 : memref<!tpu.dma_semaphore, #tpu.memory_space<semaphore_mem>>) src(%arg8 : memref<128x128xf32, #tpu.memory_space<vmem>>) dst(%dma_wait3A_925 : memref<10240x128xf32, #tpu.memory_space<vmem_shared>>)
      %dma_start3A_926 = arith.constant 3 : i32
      %dma_start3A_927 = arith.constant 0 : i32
      %dma_start3A_928 = tpu.memref_slice %arg10[%dma_start3A_926, %dma_start3A_927] : memref<8x128xi32, #tpu.memory_space<vmem>> -> memref<1x128xi32, #tpu.memory_space<vmem>>
      %dma_start3A_929 = tpu.memref_squeeze %dma_start3A_928 : memref<1x128xi32, #tpu.memory_space<vmem>> -> memref<128xi32, #tpu.memory_space<vmem>>
      %dma_start3A_930 = arith.constant 0 : i32
      %dma_start3A_931 = arith.constant 0 : i32
      %dma_start3A_932 = tpu.memref_slice %arg2[%dma_start3A_930, %dma_start3A_931] : memref<10240x128xf32, #tpu.memory_space<hbm>> -> memref<10240x128xf32, #tpu.memory_space<hbm>>
      tpu.enqueue_indirect_dma source(%dma_start3A_932 : memref<10240x128xf32, #tpu.memory_space<hbm>>) target(%arg8 : memref<128x128xf32, #tpu.memory_space<vmem>>) offsets(%dma_start3A_929 : memref<128xi32, #tpu.memory_space<vmem>>) semaphore(%arg16 : memref<!tpu.dma_semaphore, #tpu.memory_space<semaphore_mem>>)
      %dma_wait3A_933 = arith.constant 2 : i32
      %dma_wait3A_934 = arith.constant 0 : i32
      %dma_wait3A_935 = tpu.memref_slice %arg10[%dma_wait3A_933, %dma_wait3A_934] : memref<8x128xi32, #tpu.memory_space<vmem>> -> memref<1x128xi32, #tpu.memory_space<vmem>>
      %dma_wait3A_936 = tpu.memref_squeeze %dma_wait3A_935 : memref<1x128xi32, #tpu.memory_space<vmem>> -> memref<128xi32, #tpu.memory_space<vmem>>
      %dma_wait3A_937 = arith.constant 0 : i32
      %dma_wait3A_938 = arith.constant 0 : i32
      %dma_wait3A_939 = tpu.memref_slice %arg2[%dma_wait3A_937, %dma_wait3A_938] : memref<10240x128xf32, #tpu.memory_space<hbm>> -> memref<10240x128xf32, #tpu.memory_space<hbm>>
      tpu.wait_indirect_dma semaphore(%arg15 : memref<!tpu.dma_semaphore, #tpu.memory_space<semaphore_mem>>) src(%dma_wait3A_939 : memref<10240x128xf32, #tpu.memory_space<hbm>>) dst(%arg7 : memref<128x128xf32, #tpu.memory_space<vmem>>)
      %dma_start3A_940 = arith.constant 2 : i32
      %dma_start3A_941 = arith.constant 0 : i32
      %dma_start3A_942 = tpu.memref_slice %arg12[%dma_start3A_940, %dma_start3A_941] : memref<8x128xi32, #tpu.memory_space<vmem>> -> memref<1x128xi32, #tpu.memory_space<vmem>>
      %dma_start3A_943 = tpu.memref_squeeze %dma_start3A_942 : memref<1x128xi32, #tpu.memory_space<vmem>> -> memref<128xi32, #tpu.memory_space<vmem>>
      %dma_start3A_944 = arith.constant 0 : i32
      %dma_start3A_945 = arith.constant 0 : i32
      %dma_start3A_946 = tpu.memref_slice %arg14[%dma_start3A_944, %dma_start3A_945] : memref<10240x128xf32, #tpu.memory_space<vmem_shared>> -> memref<10240x128xf32, #tpu.memory_space<vmem_shared>>
      tpu.enqueue_indirect_dma source(%arg7 : memref<128x128xf32, #tpu.memory_space<vmem>>) target(%dma_start3A_946 : memref<10240x128xf32, #tpu.memory_space<vmem_shared>>) offsets(%dma_start3A_943 : memref<128xi32, #tpu.memory_space<vmem>>) semaphore(%arg21 : memref<!tpu.dma_semaphore, #tpu.memory_space<semaphore_mem>>) {add = true}
      %broadcast_in_dim3A_947 = arith.constant 1 : i32
      %broadcast_in_dim3A_948 = vector.broadcast %broadcast_in_dim3A_947 : i32 to vector<16xi32>
      %get3A_949 = arith.constant 2 : i32
      %get3A_950 = arith.constant 0 : i32
      %get3A_951 = arith.index_cast %get3A_949 : i32 to index
      %get3A_952 = arith.index_cast %get3A_950 : i32 to index
      %get3A_953 = tpu.vector_load %arg12[%get3A_951, %get3A_952] {strides = array<i32>} : memref<8x128xi32, #tpu.memory_space<vmem>>, vector<16xi32>,
      tpu.vector_store_idx %arg13[%get3A_953], %broadcast_in_dim3A_948 {add = true} : memref<10240xi32, #tpu.memory_space<vmem>>[vector<16xi32>], vector<16xi32>,
      %get3A_954 = arith.constant 2 : i32
      %get3A_955 = arith.constant 16 : i32
      %get3A_956 = arith.index_cast %get3A_954 : i32 to index
      %get3A_957 = arith.index_cast %get3A_955 : i32 to index
      %get3A_958 = tpu.vector_load %arg12[%get3A_956, %get3A_957] {strides = array<i32>} : memref<8x128xi32, #tpu.memory_space<vmem>>, vector<16xi32>,
      tpu.vector_store_idx %arg13[%get3A_958], %broadcast_in_dim3A_948 {add = true} : memref<10240xi32, #tpu.memory_space<vmem>>[vector<16xi32>], vector<16xi32>,
      %get3A_959 = arith.constant 2 : i32
      %get3A_960 = arith.constant 32 : i32
      %get3A_961 = arith.index_cast %get3A_959 : i32 to index
      %get3A_962 = arith.index_cast %get3A_960 : i32 to index
      %get3A_963 = tpu.vector_load %arg12[%get3A_961, %get3A_962] {strides = array<i32>} : memref<8x128xi32, #tpu.memory_space<vmem>>, vector<16xi32>,
      tpu.vector_store_idx %arg13[%get3A_963], %broadcast_in_dim3A_948 {add = true} : memref<10240xi32, #tpu.memory_space<vmem>>[vector<16xi32>], vector<16xi32>,
      %get3A_964 = arith.constant 2 : i32
      %get3A_965 = arith.constant 48 : i32
      %get3A_966 = arith.index_cast %get3A_964 : i32 to index
      %get3A_967 = arith.index_cast %get3A_965 : i32 to index
      %get3A_968 = tpu.vector_load %arg12[%get3A_966, %get3A_967] {strides = array<i32>} : memref<8x128xi32, #tpu.memory_space<vmem>>, vector<16xi32>,
      tpu.vector_store_idx %arg13[%get3A_968], %broadcast_in_dim3A_948 {add = true} : memref<10240xi32, #tpu.memory_space<vmem>>[vector<16xi32>], vector<16xi32>,
      %get3A_969 = arith.constant 2 : i32
      %get3A_970 = arith.constant 64 : i32
      %get3A_971 = arith.index_cast %get3A_969 : i32 to index
      %get3A_972 = arith.index_cast %get3A_970 : i32 to index
      %get3A_973 = tpu.vector_load %arg12[%get3A_971, %get3A_972] {strides = array<i32>} : memref<8x128xi32, #tpu.memory_space<vmem>>, vector<16xi32>,
      tpu.vector_store_idx %arg13[%get3A_973], %broadcast_in_dim3A_948 {add = true} : memref<10240xi32, #tpu.memory_space<vmem>>[vector<16xi32>], vector<16xi32>,
      %get3A_974 = arith.constant 2 : i32
      %get3A_975 = arith.constant 80 : i32
      %get3A_976 = arith.index_cast %get3A_974 : i32 to index
      %get3A_977 = arith.index_cast %get3A_975 : i32 to index
      %get3A_978 = tpu.vector_load %arg12[%get3A_976, %get3A_977] {strides = array<i32>} : memref<8x128xi32, #tpu.memory_space<vmem>>, vector<16xi32>,
      tpu.vector_store_idx %arg13[%get3A_978], %broadcast_in_dim3A_948 {add = true} : memref<10240xi32, #tpu.memory_space<vmem>>[vector<16xi32>], vector<16xi32>,
      %get3A_979 = arith.constant 2 : i32
      %get3A_980 = arith.constant 96 : i32
      %get3A_981 = arith.index_cast %get3A_979 : i32 to index
      %get3A_982 = arith.index_cast %get3A_980 : i32 to index
      %get3A_983 = tpu.vector_load %arg12[%get3A_981, %get3A_982] {strides = array<i32>} : memref<8x128xi32, #tpu.memory_space<vmem>>, vector<16xi32>,
      tpu.vector_store_idx %arg13[%get3A_983], %broadcast_in_dim3A_948 {add = true} : memref<10240xi32, #tpu.memory_space<vmem>>[vector<16xi32>], vector<16xi32>,
      %get3A_984 = arith.constant 2 : i32
      %get3A_985 = arith.constant 112 : i32
      %get3A_986 = arith.index_cast %get3A_984 : i32 to index
      %get3A_987 = arith.index_cast %get3A_985 : i32 to index
      %get3A_988 = tpu.vector_load %arg12[%get3A_986, %get3A_987] {strides = array<i32>} : memref<8x128xi32, #tpu.memory_space<vmem>>, vector<16xi32>,
      tpu.vector_store_idx %arg13[%get3A_988], %broadcast_in_dim3A_948 {add = true} : memref<10240xi32, #tpu.memory_space<vmem>>[vector<16xi32>], vector<16xi32>,
      %dma_wait3A_989 = arith.constant 2 : i32
      %dma_wait3A_990 = arith.constant 0 : i32
      %dma_wait3A_991 = tpu.memref_slice %arg12[%dma_wait3A_989, %dma_wait3A_990] : memref<8x128xi32, #tpu.memory_space<vmem>> -> memref<1x128xi32, #tpu.memory_space<vmem>>
      %dma_wait3A_992 = tpu.memref_squeeze %dma_wait3A_991 : memref<1x128xi32, #tpu.memory_space<vmem>> -> memref<128xi32, #tpu.memory_space<vmem>>
      %dma_wait3A_993 = arith.constant 0 : i32
      %dma_wait3A_994 = arith.constant 0 : i32
      %dma_wait3A_995 = tpu.memref_slice %arg14[%dma_wait3A_993, %dma_wait3A_994] : memref<10240x128xf32, #tpu.memory_space<vmem_shared>> -> memref<10240x128xf32, #tpu.memory_space<vmem_shared>>
      tpu.wait_indirect_dma semaphore(%arg21 : memref<!tpu.dma_semaphore, #tpu.memory_space<semaphore_mem>>) src(%arg7 : memref<128x128xf32, #tpu.memory_space<vmem>>) dst(%dma_wait3A_995 : memref<10240x128xf32, #tpu.memory_space<vmem_shared>>)
      %dma_start3A_996 = arith.constant 4 : i32
      %dma_start3A_997 = arith.constant 0 : i32
      %dma_start3A_998 = tpu.memref_slice %arg10[%dma_start3A_996, %dma_start3A_997] : memref<8x128xi32, #tpu.memory_space<vmem>> -> memref<1x128xi32, #tpu.memory_space<vmem>>
      %dma_start3A_999 = tpu.memref_squeeze %dma_start3A_998 : memref<1x128xi32, #tpu.memory_space<vmem>> -> memref<128xi32, #tpu.memory_space<vmem>>
      %dma_start3A_1000 = arith.constant 0 : i32
      %dma_start3A_1001 = arith.constant 0 : i32
      %dma_start3A_1002 = tpu.memref_slice %arg2[%dma_start3A_1000, %dma_start3A_1001] : memref<10240x128xf32, #tpu.memory_space<hbm>> -> memref<10240x128xf32, #tpu.memory_space<hbm>>
      tpu.enqueue_indirect_dma source(%dma_start3A_1002 : memref<10240x128xf32, #tpu.memory_space<hbm>>) target(%arg7 : memref<128x128xf32, #tpu.memory_space<vmem>>) offsets(%dma_start3A_999 : memref<128xi32, #tpu.memory_space<vmem>>) semaphore(%arg15 : memref<!tpu.dma_semaphore, #tpu.memory_space<semaphore_mem>>)
      %dma_wait3A_1003 = arith.constant 3 : i32
      %dma_wait3A_1004 = arith.constant 0 : i32
      %dma_wait3A_1005 = tpu.memref_slice %arg10[%dma_wait3A_1003, %dma_wait3A_1004] : memref<8x128xi32, #tpu.memory_space<vmem>> -> memref<1x128xi32, #tpu.memory_space<vmem>>
      %dma_wait3A_1006 = tpu.memref_squeeze %dma_wait3A_1005 : memref<1x128xi32, #tpu.memory_space<vmem>> -> memref<128xi32, #tpu.memory_space<vmem>>
      %dma_wait3A_1007 = arith.constant 0 : i32
      %dma_wait3A_1008 = arith.constant 0 : i32
      %dma_wait3A_1009 = tpu.memref_slice %arg2[%dma_wait3A_1007, %dma_wait3A_1008] : memref<10240x128xf32, #tpu.memory_space<hbm>> -> memref<10240x128xf32, #tpu.memory_space<hbm>>
      tpu.wait_indirect_dma semaphore(%arg16 : memref<!tpu.dma_semaphore, #tpu.memory_space<semaphore_mem>>) src(%dma_wait3A_1009 : memref<10240x128xf32, #tpu.memory_space<hbm>>) dst(%arg8 : memref<128x128xf32, #tpu.memory_space<vmem>>)
      %dma_start3A_1010 = arith.constant 3 : i32
      %dma_start3A_1011 = arith.constant 0 : i32
      %dma_start3A_1012 = tpu.memref_slice %arg12[%dma_start3A_1010, %dma_start3A_1011] : memref<8x128xi32, #tpu.memory_space<vmem>> -> memref<1x128xi32, #tpu.memory_space<vmem>>
      %dma_start3A_1013 = tpu.memref_squeeze %dma_start3A_1012 : memref<1x128xi32, #tpu.memory_space<vmem>> -> memref<128xi32, #tpu.memory_space<vmem>>
      %dma_start3A_1014 = arith.constant 0 : i32
      %dma_start3A_1015 = arith.constant 0 : i32
      %dma_start3A_1016 = tpu.memref_slice %arg14[%dma_start3A_1014, %dma_start3A_1015] : memref<10240x128xf32, #tpu.memory_space<vmem_shared>> -> memref<10240x128xf32, #tpu.memory_space<vmem_shared>>
      tpu.enqueue_indirect_dma source(%arg8 : memref<128x128xf32, #tpu.memory_space<vmem>>) target(%dma_start3A_1016 : memref<10240x128xf32, #tpu.memory_space<vmem_shared>>) offsets(%dma_start3A_1013 : memref<128xi32, #tpu.memory_space<vmem>>) semaphore(%arg22 : memref<!tpu.dma_semaphore, #tpu.memory_space<semaphore_mem>>) {add = true}
      %broadcast_in_dim3A_1017 = arith.constant 1 : i32
      %broadcast_in_dim3A_1018 = vector.broadcast %broadcast_in_dim3A_1017 : i32 to vector<16xi32>
      %get3A_1019 = arith.constant 3 : i32
      %get3A_1020 = arith.constant 0 : i32
      %get3A_1021 = arith.index_cast %get3A_1019 : i32 to index
      %get3A_1022 = arith.index_cast %get3A_1020 : i32 to index
      %get3A_1023 = tpu.vector_load %arg12[%get3A_1021, %get3A_1022] {strides = array<i32>} : memref<8x128xi32, #tpu.memory_space<vmem>>, vector<16xi32>,
      tpu.vector_store_idx %arg13[%get3A_1023], %broadcast_in_dim3A_1018 {add = true} : memref<10240xi32, #tpu.memory_space<vmem>>[vector<16xi32>], vector<16xi32>,
      %get3A_1024 = arith.constant 3 : i32
      %get3A_1025 = arith.constant 16 : i32
      %get3A_1026 = arith.index_cast %get3A_1024 : i32 to index
      %get3A_1027 = arith.index_cast %get3A_1025 : i32 to index
      %get3A_1028 = tpu.vector_load %arg12[%get3A_1026, %get3A_1027] {strides = array<i32>} : memref<8x128xi32, #tpu.memory_space<vmem>>, vector<16xi32>,
      tpu.vector_store_idx %arg13[%get3A_1028], %broadcast_in_dim3A_1018 {add = true} : memref<10240xi32, #tpu.memory_space<vmem>>[vector<16xi32>], vector<16xi32>,
      %get3A_1029 = arith.constant 3 : i32
      %get3A_1030 = arith.constant 32 : i32
      %get3A_1031 = arith.index_cast %get3A_1029 : i32 to index
      %get3A_1032 = arith.index_cast %get3A_1030 : i32 to index
      %get3A_1033 = tpu.vector_load %arg12[%get3A_1031, %get3A_1032] {strides = array<i32>} : memref<8x128xi32, #tpu.memory_space<vmem>>, vector<16xi32>,
      tpu.vector_store_idx %arg13[%get3A_1033], %broadcast_in_dim3A_1018 {add = true} : memref<10240xi32, #tpu.memory_space<vmem>>[vector<16xi32>], vector<16xi32>,
      %get3A_1034 = arith.constant 3 : i32
      %get3A_1035 = arith.constant 48 : i32
      %get3A_1036 = arith.index_cast %get3A_1034 : i32 to index
      %get3A_1037 = arith.index_cast %get3A_1035 : i32 to index
      %get3A_1038 = tpu.vector_load %arg12[%get3A_1036, %get3A_1037] {strides = array<i32>} : memref<8x128xi32, #tpu.memory_space<vmem>>, vector<16xi32>,
      tpu.vector_store_idx %arg13[%get3A_1038], %broadcast_in_dim3A_1018 {add = true} : memref<10240xi32, #tpu.memory_space<vmem>>[vector<16xi32>], vector<16xi32>,
      %get3A_1039 = arith.constant 3 : i32
      %get3A_1040 = arith.constant 64 : i32
      %get3A_1041 = arith.index_cast %get3A_1039 : i32 to index
      %get3A_1042 = arith.index_cast %get3A_1040 : i32 to index
      %get3A_1043 = tpu.vector_load %arg12[%get3A_1041, %get3A_1042] {strides = array<i32>} : memref<8x128xi32, #tpu.memory_space<vmem>>, vector<16xi32>,
      tpu.vector_store_idx %arg13[%get3A_1043], %broadcast_in_dim3A_1018 {add = true} : memref<10240xi32, #tpu.memory_space<vmem>>[vector<16xi32>], vector<16xi32>,
      %get3A_1044 = arith.constant 3 : i32
      %get3A_1045 = arith.constant 80 : i32
      %get3A_1046 = arith.index_cast %get3A_1044 : i32 to index
      %get3A_1047 = arith.index_cast %get3A_1045 : i32 to index
      %get3A_1048 = tpu.vector_load %arg12[%get3A_1046, %get3A_1047] {strides = array<i32>} : memref<8x128xi32, #tpu.memory_space<vmem>>, vector<16xi32>,
      tpu.vector_store_idx %arg13[%get3A_1048], %broadcast_in_dim3A_1018 {add = true} : memref<10240xi32, #tpu.memory_space<vmem>>[vector<16xi32>], vector<16xi32>,
      %get3A_1049 = arith.constant 3 : i32
      %get3A_1050 = arith.constant 96 : i32
      %get3A_1051 = arith.index_cast %get3A_1049 : i32 to index
      %get3A_1052 = arith.index_cast %get3A_1050 : i32 to index
      %get3A_1053 = tpu.vector_load %arg12[%get3A_1051, %get3A_1052] {strides = array<i32>} : memref<8x128xi32, #tpu.memory_space<vmem>>, vector<16xi32>,
      tpu.vector_store_idx %arg13[%get3A_1053], %broadcast_in_dim3A_1018 {add = true} : memref<10240xi32, #tpu.memory_space<vmem>>[vector<16xi32>], vector<16xi32>,
      %get3A_1054 = arith.constant 3 : i32
      %get3A_1055 = arith.constant 112 : i32
      %get3A_1056 = arith.index_cast %get3A_1054 : i32 to index
      %get3A_1057 = arith.index_cast %get3A_1055 : i32 to index
      %get3A_1058 = tpu.vector_load %arg12[%get3A_1056, %get3A_1057] {strides = array<i32>} : memref<8x128xi32, #tpu.memory_space<vmem>>, vector<16xi32>,
      tpu.vector_store_idx %arg13[%get3A_1058], %broadcast_in_dim3A_1018 {add = true} : memref<10240xi32, #tpu.memory_space<vmem>>[vector<16xi32>], vector<16xi32>,
      %dma_wait3A_1059 = arith.constant 3 : i32
      %dma_wait3A_1060 = arith.constant 0 : i32
      %dma_wait3A_1061 = tpu.memref_slice %arg12[%dma_wait3A_1059, %dma_wait3A_1060] : memref<8x128xi32, #tpu.memory_space<vmem>> -> memref<1x128xi32, #tpu.memory_space<vmem>>
      %dma_wait3A_1062 = tpu.memref_squeeze %dma_wait3A_1061 : memref<1x128xi32, #tpu.memory_space<vmem>> -> memref<128xi32, #tpu.memory_space<vmem>>
      %dma_wait3A_1063 = arith.constant 0 : i32
      %dma_wait3A_1064 = arith.constant 0 : i32
      %dma_wait3A_1065 = tpu.memref_slice %arg14[%dma_wait3A_1063, %dma_wait3A_1064] : memref<10240x128xf32, #tpu.memory_space<vmem_shared>> -> memref<10240x128xf32, #tpu.memory_space<vmem_shared>>
      tpu.wait_indirect_dma semaphore(%arg22 : memref<!tpu.dma_semaphore, #tpu.memory_space<semaphore_mem>>) src(%arg8 : memref<128x128xf32, #tpu.memory_space<vmem>>) dst(%dma_wait3A_1065 : memref<10240x128xf32, #tpu.memory_space<vmem_shared>>)
      %dma_start3A_1066 = arith.constant 5 : i32
      %dma_start3A_1067 = arith.constant 0 : i32
      %dma_start3A_1068 = tpu.memref_slice %arg10[%dma_start3A_1066, %dma_start3A_1067] : memref<8x128xi32, #tpu.memory_space<vmem>> -> memref<1x128xi32, #tpu.memory_space<vmem>>
      %dma_start3A_1069 = tpu.memref_squeeze %dma_start3A_1068 : memref<1x128xi32, #tpu.memory_space<vmem>> -> memref<128xi32, #tpu.memory_space<vmem>>
      %dma_start3A_1070 = arith.constant 0 : i32
      %dma_start3A_1071 = arith.constant 0 : i32
      %dma_start3A_1072 = tpu.memref_slice %arg2[%dma_start3A_1070, %dma_start3A_1071] : memref<10240x128xf32, #tpu.memory_space<hbm>> -> memref<10240x128xf32, #tpu.memory_space<hbm>>
      tpu.enqueue_indirect_dma source(%dma_start3A_1072 : memref<10240x128xf32, #tpu.memory_space<hbm>>) target(%arg8 : memref<128x128xf32, #tpu.memory_space<vmem>>) offsets(%dma_start3A_1069 : memref<128xi32, #tpu.memory_space<vmem>>) semaphore(%arg16 : memref<!tpu.dma_semaphore, #tpu.memory_space<semaphore_mem>>)
      %dma_wait3A_1073 = arith.constant 4 : i32
      %dma_wait3A_1074 = arith.constant 0 : i32
      %dma_wait3A_1075 = tpu.memref_slice %arg10[%dma_wait3A_1073, %dma_wait3A_1074] : memref<8x128xi32, #tpu.memory_space<vmem>> -> memref<1x128xi32, #tpu.memory_space<vmem>>
      %dma_wait3A_1076 = tpu.memref_squeeze %dma_wait3A_1075 : memref<1x128xi32, #tpu.memory_space<vmem>> -> memref<128xi32, #tpu.memory_space<vmem>>
      %dma_wait3A_1077 = arith.constant 0 : i32
      %dma_wait3A_1078 = arith.constant 0 : i32
      %dma_wait3A_1079 = tpu.memref_slice %arg2[%dma_wait3A_1077, %dma_wait3A_1078] : memref<10240x128xf32, #tpu.memory_space<hbm>> -> memref<10240x128xf32, #tpu.memory_space<hbm>>
      tpu.wait_indirect_dma semaphore(%arg15 : memref<!tpu.dma_semaphore, #tpu.memory_space<semaphore_mem>>) src(%dma_wait3A_1079 : memref<10240x128xf32, #tpu.memory_space<hbm>>) dst(%arg7 : memref<128x128xf32, #tpu.memory_space<vmem>>)
      %dma_start3A_1080 = arith.constant 4 : i32
      %dma_start3A_1081 = arith.constant 0 : i32
      %dma_start3A_1082 = tpu.memref_slice %arg12[%dma_start3A_1080, %dma_start3A_1081] : memref<8x128xi32, #tpu.memory_space<vmem>> -> memref<1x128xi32, #tpu.memory_space<vmem>>
      %dma_start3A_1083 = tpu.memref_squeeze %dma_start3A_1082 : memref<1x128xi32, #tpu.memory_space<vmem>> -> memref<128xi32, #tpu.memory_space<vmem>>
      %dma_start3A_1084 = arith.constant 0 : i32
      %dma_start3A_1085 = arith.constant 0 : i32
      %dma_start3A_1086 = tpu.memref_slice %arg14[%dma_start3A_1084, %dma_start3A_1085] : memref<10240x128xf32, #tpu.memory_space<vmem_shared>> -> memref<10240x128xf32, #tpu.memory_space<vmem_shared>>
      tpu.enqueue_indirect_dma source(%arg7 : memref<128x128xf32, #tpu.memory_space<vmem>>) target(%dma_start3A_1086 : memref<10240x128xf32, #tpu.memory_space<vmem_shared>>) offsets(%dma_start3A_1083 : memref<128xi32, #tpu.memory_space<vmem>>) semaphore(%arg21 : memref<!tpu.dma_semaphore, #tpu.memory_space<semaphore_mem>>) {add = true}
      %broadcast_in_dim3A_1087 = arith.constant 1 : i32
      %broadcast_in_dim3A_1088 = vector.broadcast %broadcast_in_dim3A_1087 : i32 to vector<16xi32>
      %get3A_1089 = arith.constant 4 : i32
      %get3A_1090 = arith.constant 0 : i32
      %get3A_1091 = arith.index_cast %get3A_1089 : i32 to index
      %get3A_1092 = arith.index_cast %get3A_1090 : i32 to index
      %get3A_1093 = tpu.vector_load %arg12[%get3A_1091, %get3A_1092] {strides = array<i32>} : memref<8x128xi32, #tpu.memory_space<vmem>>, vector<16xi32>,
      tpu.vector_store_idx %arg13[%get3A_1093], %broadcast_in_dim3A_1088 {add = true} : memref<10240xi32, #tpu.memory_space<vmem>>[vector<16xi32>], vector<16xi32>,
      %get3A_1094 = arith.constant 4 : i32
      %get3A_1095 = arith.constant 16 : i32
      %get3A_1096 = arith.index_cast %get3A_1094 : i32 to index
      %get3A_1097 = arith.index_cast %get3A_1095 : i32 to index
      %get3A_1098 = tpu.vector_load %arg12[%get3A_1096, %get3A_1097] {strides = array<i32>} : memref<8x128xi32, #tpu.memory_space<vmem>>, vector<16xi32>,
      tpu.vector_store_idx %arg13[%get3A_1098], %broadcast_in_dim3A_1088 {add = true} : memref<10240xi32, #tpu.memory_space<vmem>>[vector<16xi32>], vector<16xi32>,
      %get3A_1099 = arith.constant 4 : i32
      %get3A_1100 = arith.constant 32 : i32
      %get3A_1101 = arith.index_cast %get3A_1099 : i32 to index
      %get3A_1102 = arith.index_cast %get3A_1100 : i32 to index
      %get3A_1103 = tpu.vector_load %arg12[%get3A_1101, %get3A_1102] {strides = array<i32>} : memref<8x128xi32, #tpu.memory_space<vmem>>, vector<16xi32>,
      tpu.vector_store_idx %arg13[%get3A_1103], %broadcast_in_dim3A_1088 {add = true} : memref<10240xi32, #tpu.memory_space<vmem>>[vector<16xi32>], vector<16xi32>,
      %get3A_1104 = arith.constant 4 : i32
      %get3A_1105 = arith.constant 48 : i32
      %get3A_1106 = arith.index_cast %get3A_1104 : i32 to index
      %get3A_1107 = arith.index_cast %get3A_1105 : i32 to index
      %get3A_1108 = tpu.vector_load %arg12[%get3A_1106, %get3A_1107] {strides = array<i32>} : memref<8x128xi32, #tpu.memory_space<vmem>>, vector<16xi32>,
      tpu.vector_store_idx %arg13[%get3A_1108], %broadcast_in_dim3A_1088 {add = true} : memref<10240xi32, #tpu.memory_space<vmem>>[vector<16xi32>], vector<16xi32>,
      %get3A_1109 = arith.constant 4 : i32
      %get3A_1110 = arith.constant 64 : i32
      %get3A_1111 = arith.index_cast %get3A_1109 : i32 to index
      %get3A_1112 = arith.index_cast %get3A_1110 : i32 to index
      %get3A_1113 = tpu.vector_load %arg12[%get3A_1111, %get3A_1112] {strides = array<i32>} : memref<8x128xi32, #tpu.memory_space<vmem>>, vector<16xi32>,
      tpu.vector_store_idx %arg13[%get3A_1113], %broadcast_in_dim3A_1088 {add = true} : memref<10240xi32, #tpu.memory_space<vmem>>[vector<16xi32>], vector<16xi32>,
      %get3A_1114 = arith.constant 4 : i32
      %get3A_1115 = arith.constant 80 : i32
      %get3A_1116 = arith.index_cast %get3A_1114 : i32 to index
      %get3A_1117 = arith.index_cast %get3A_1115 : i32 to index
      %get3A_1118 = tpu.vector_load %arg12[%get3A_1116, %get3A_1117] {strides = array<i32>} : memref<8x128xi32, #tpu.memory_space<vmem>>, vector<16xi32>,
      tpu.vector_store_idx %arg13[%get3A_1118], %broadcast_in_dim3A_1088 {add = true} : memref<10240xi32, #tpu.memory_space<vmem>>[vector<16xi32>], vector<16xi32>,
      %get3A_1119 = arith.constant 4 : i32
      %get3A_1120 = arith.constant 96 : i32
      %get3A_1121 = arith.index_cast %get3A_1119 : i32 to index
      %get3A_1122 = arith.index_cast %get3A_1120 : i32 to index
      %get3A_1123 = tpu.vector_load %arg12[%get3A_1121, %get3A_1122] {strides = array<i32>} : memref<8x128xi32, #tpu.memory_space<vmem>>, vector<16xi32>,
      tpu.vector_store_idx %arg13[%get3A_1123], %broadcast_in_dim3A_1088 {add = true} : memref<10240xi32, #tpu.memory_space<vmem>>[vector<16xi32>], vector<16xi32>,
      %get3A_1124 = arith.constant 4 : i32
      %get3A_1125 = arith.constant 112 : i32
      %get3A_1126 = arith.index_cast %get3A_1124 : i32 to index
      %get3A_1127 = arith.index_cast %get3A_1125 : i32 to index
      %get3A_1128 = tpu.vector_load %arg12[%get3A_1126, %get3A_1127] {strides = array<i32>} : memref<8x128xi32, #tpu.memory_space<vmem>>, vector<16xi32>,
      tpu.vector_store_idx %arg13[%get3A_1128], %broadcast_in_dim3A_1088 {add = true} : memref<10240xi32, #tpu.memory_space<vmem>>[vector<16xi32>], vector<16xi32>,
      %dma_wait3A_1129 = arith.constant 4 : i32
      %dma_wait3A_1130 = arith.constant 0 : i32
      %dma_wait3A_1131 = tpu.memref_slice %arg12[%dma_wait3A_1129, %dma_wait3A_1130] : memref<8x128xi32, #tpu.memory_space<vmem>> -> memref<1x128xi32, #tpu.memory_space<vmem>>
      %dma_wait3A_1132 = tpu.memref_squeeze %dma_wait3A_1131 : memref<1x128xi32, #tpu.memory_space<vmem>> -> memref<128xi32, #tpu.memory_space<vmem>>
      %dma_wait3A_1133 = arith.constant 0 : i32
      %dma_wait3A_1134 = arith.constant 0 : i32
      %dma_wait3A_1135 = tpu.memref_slice %arg14[%dma_wait3A_1133, %dma_wait3A_1134] : memref<10240x128xf32, #tpu.memory_space<vmem_shared>> -> memref<10240x128xf32, #tpu.memory_space<vmem_shared>>
      tpu.wait_indirect_dma semaphore(%arg21 : memref<!tpu.dma_semaphore, #tpu.memory_space<semaphore_mem>>) src(%arg7 : memref<128x128xf32, #tpu.memory_space<vmem>>) dst(%dma_wait3A_1135 : memref<10240x128xf32, #tpu.memory_space<vmem_shared>>)
      %dma_start3A_1136 = arith.constant 6 : i32
      %dma_start3A_1137 = arith.constant 0 : i32
      %dma_start3A_1138 = tpu.memref_slice %arg10[%dma_start3A_1136, %dma_start3A_1137] : memref<8x128xi32, #tpu.memory_space<vmem>> -> memref<1x128xi32, #tpu.memory_space<vmem>>
      %dma_start3A_1139 = tpu.memref_squeeze %dma_start3A_1138 : memref<1x128xi32, #tpu.memory_space<vmem>> -> memref<128xi32, #tpu.memory_space<vmem>>
      %dma_start3A_1140 = arith.constant 0 : i32
      %dma_start3A_1141 = arith.constant 0 : i32
      %dma_start3A_1142 = tpu.memref_slice %arg2[%dma_start3A_1140, %dma_start3A_1141] : memref<10240x128xf32, #tpu.memory_space<hbm>> -> memref<10240x128xf32, #tpu.memory_space<hbm>>
      tpu.enqueue_indirect_dma source(%dma_start3A_1142 : memref<10240x128xf32, #tpu.memory_space<hbm>>) target(%arg7 : memref<128x128xf32, #tpu.memory_space<vmem>>) offsets(%dma_start3A_1139 : memref<128xi32, #tpu.memory_space<vmem>>) semaphore(%arg15 : memref<!tpu.dma_semaphore, #tpu.memory_space<semaphore_mem>>)
      %dma_wait3A_1143 = arith.constant 5 : i32
      %dma_wait3A_1144 = arith.constant 0 : i32
      %dma_wait3A_1145 = tpu.memref_slice %arg10[%dma_wait3A_1143, %dma_wait3A_1144] : memref<8x128xi32, #tpu.memory_space<vmem>> -> memref<1x128xi32, #tpu.memory_space<vmem>>
      %dma_wait3A_1146 = tpu.memref_squeeze %dma_wait3A_1145 : memref<1x128xi32, #tpu.memory_space<vmem>> -> memref<128xi32, #tpu.memory_space<vmem>>
      %dma_wait3A_1147 = arith.constant 0 : i32
      %dma_wait3A_1148 = arith.constant 0 : i32
      %dma_wait3A_1149 = tpu.memref_slice %arg2[%dma_wait3A_1147, %dma_wait3A_1148] : memref<10240x128xf32, #tpu.memory_space<hbm>> -> memref<10240x128xf32, #tpu.memory_space<hbm>>
      tpu.wait_indirect_dma semaphore(%arg16 : memref<!tpu.dma_semaphore, #tpu.memory_space<semaphore_mem>>) src(%dma_wait3A_1149 : memref<10240x128xf32, #tpu.memory_space<hbm>>) dst(%arg8 : memref<128x128xf32, #tpu.memory_space<vmem>>)
      %dma_start3A_1150 = arith.constant 5 : i32
      %dma_start3A_1151 = arith.constant 0 : i32
      %dma_start3A_1152 = tpu.memref_slice %arg12[%dma_start3A_1150, %dma_start3A_1151] : memref<8x128xi32, #tpu.memory_space<vmem>> -> memref<1x128xi32, #tpu.memory_space<vmem>>
      %dma_start3A_1153 = tpu.memref_squeeze %dma_start3A_1152 : memref<1x128xi32, #tpu.memory_space<vmem>> -> memref<128xi32, #tpu.memory_space<vmem>>
      %dma_start3A_1154 = arith.constant 0 : i32
      %dma_start3A_1155 = arith.constant 0 : i32
      %dma_start3A_1156 = tpu.memref_slice %arg14[%dma_start3A_1154, %dma_start3A_1155] : memref<10240x128xf32, #tpu.memory_space<vmem_shared>> -> memref<10240x128xf32, #tpu.memory_space<vmem_shared>>
      tpu.enqueue_indirect_dma source(%arg8 : memref<128x128xf32, #tpu.memory_space<vmem>>) target(%dma_start3A_1156 : memref<10240x128xf32, #tpu.memory_space<vmem_shared>>) offsets(%dma_start3A_1153 : memref<128xi32, #tpu.memory_space<vmem>>) semaphore(%arg22 : memref<!tpu.dma_semaphore, #tpu.memory_space<semaphore_mem>>) {add = true}
      %broadcast_in_dim3A_1157 = arith.constant 1 : i32
      %broadcast_in_dim3A_1158 = vector.broadcast %broadcast_in_dim3A_1157 : i32 to vector<16xi32>
      %get3A_1159 = arith.constant 5 : i32
      %get3A_1160 = arith.constant 0 : i32
      %get3A_1161 = arith.index_cast %get3A_1159 : i32 to index
      %get3A_1162 = arith.index_cast %get3A_1160 : i32 to index
      %get3A_1163 = tpu.vector_load %arg12[%get3A_1161, %get3A_1162] {strides = array<i32>} : memref<8x128xi32, #tpu.memory_space<vmem>>, vector<16xi32>,
      tpu.vector_store_idx %arg13[%get3A_1163], %broadcast_in_dim3A_1158 {add = true} : memref<10240xi32, #tpu.memory_space<vmem>>[vector<16xi32>], vector<16xi32>,
      %get3A_1164 = arith.constant 5 : i32
      %get3A_1165 = arith.constant 16 : i32
      %get3A_1166 = arith.index_cast %get3A_1164 : i32 to index
      %get3A_1167 = arith.index_cast %get3A_1165 : i32 to index
      %get3A_1168 = tpu.vector_load %arg12[%get3A_1166, %get3A_1167] {strides = array<i32>} : memref<8x128xi32, #tpu.memory_space<vmem>>, vector<16xi32>,
      tpu.vector_store_idx %arg13[%get3A_1168], %broadcast_in_dim3A_1158 {add = true} : memref<10240xi32, #tpu.memory_space<vmem>>[vector<16xi32>], vector<16xi32>,
      %get3A_1169 = arith.constant 5 : i32
      %get3A_1170 = arith.constant 32 : i32
      %get3A_1171 = arith.index_cast %get3A_1169 : i32 to index
      %get3A_1172 = arith.index_cast %get3A_1170 : i32 to index
      %get3A_1173 = tpu.vector_load %arg12[%get3A_1171, %get3A_1172] {strides = array<i32>} : memref<8x128xi32, #tpu.memory_space<vmem>>, vector<16xi32>,
      tpu.vector_store_idx %arg13[%get3A_1173], %broadcast_in_dim3A_1158 {add = true} : memref<10240xi32, #tpu.memory_space<vmem>>[vector<16xi32>], vector<16xi32>,
      %get3A_1174 = arith.constant 5 : i32
      %get3A_1175 = arith.constant 48 : i32
      %get3A_1176 = arith.index_cast %get3A_1174 : i32 to index
      %get3A_1177 = arith.index_cast %get3A_1175 : i32 to index
      %get3A_1178 = tpu.vector_load %arg12[%get3A_1176, %get3A_1177] {strides = array<i32>} : memref<8x128xi32, #tpu.memory_space<vmem>>, vector<16xi32>,
      tpu.vector_store_idx %arg13[%get3A_1178], %broadcast_in_dim3A_1158 {add = true} : memref<10240xi32, #tpu.memory_space<vmem>>[vector<16xi32>], vector<16xi32>,
      %get3A_1179 = arith.constant 5 : i32
      %get3A_1180 = arith.constant 64 : i32
      %get3A_1181 = arith.index_cast %get3A_1179 : i32 to index
      %get3A_1182 = arith.index_cast %get3A_1180 : i32 to index
      %get3A_1183 = tpu.vector_load %arg12[%get3A_1181, %get3A_1182] {strides = array<i32>} : memref<8x128xi32, #tpu.memory_space<vmem>>, vector<16xi32>,
      tpu.vector_store_idx %arg13[%get3A_1183], %broadcast_in_dim3A_1158 {add = true} : memref<10240xi32, #tpu.memory_space<vmem>>[vector<16xi32>], vector<16xi32>,
      %get3A_1184 = arith.constant 5 : i32
      %get3A_1185 = arith.constant 80 : i32
      %get3A_1186 = arith.index_cast %get3A_1184 : i32 to index
      %get3A_1187 = arith.index_cast %get3A_1185 : i32 to index
      %get3A_1188 = tpu.vector_load %arg12[%get3A_1186, %get3A_1187] {strides = array<i32>} : memref<8x128xi32, #tpu.memory_space<vmem>>, vector<16xi32>,
      tpu.vector_store_idx %arg13[%get3A_1188], %broadcast_in_dim3A_1158 {add = true} : memref<10240xi32, #tpu.memory_space<vmem>>[vector<16xi32>], vector<16xi32>,
      %get3A_1189 = arith.constant 5 : i32
      %get3A_1190 = arith.constant 96 : i32
      %get3A_1191 = arith.index_cast %get3A_1189 : i32 to index
      %get3A_1192 = arith.index_cast %get3A_1190 : i32 to index
      %get3A_1193 = tpu.vector_load %arg12[%get3A_1191, %get3A_1192] {strides = array<i32>} : memref<8x128xi32, #tpu.memory_space<vmem>>, vector<16xi32>,
      tpu.vector_store_idx %arg13[%get3A_1193], %broadcast_in_dim3A_1158 {add = true} : memref<10240xi32, #tpu.memory_space<vmem>>[vector<16xi32>], vector<16xi32>,
      %get3A_1194 = arith.constant 5 : i32
      %get3A_1195 = arith.constant 112 : i32
      %get3A_1196 = arith.index_cast %get3A_1194 : i32 to index
      %get3A_1197 = arith.index_cast %get3A_1195 : i32 to index
      %get3A_1198 = tpu.vector_load %arg12[%get3A_1196, %get3A_1197] {strides = array<i32>} : memref<8x128xi32, #tpu.memory_space<vmem>>, vector<16xi32>,
      tpu.vector_store_idx %arg13[%get3A_1198], %broadcast_in_dim3A_1158 {add = true} : memref<10240xi32, #tpu.memory_space<vmem>>[vector<16xi32>], vector<16xi32>,
      %dma_wait3A_1199 = arith.constant 5 : i32
      %dma_wait3A_1200 = arith.constant 0 : i32
      %dma_wait3A_1201 = tpu.memref_slice %arg12[%dma_wait3A_1199, %dma_wait3A_1200] : memref<8x128xi32, #tpu.memory_space<vmem>> -> memref<1x128xi32, #tpu.memory_space<vmem>>
      %dma_wait3A_1202 = tpu.memref_squeeze %dma_wait3A_1201 : memref<1x128xi32, #tpu.memory_space<vmem>> -> memref<128xi32, #tpu.memory_space<vmem>>
      %dma_wait3A_1203 = arith.constant 0 : i32
      %dma_wait3A_1204 = arith.constant 0 : i32
      %dma_wait3A_1205 = tpu.memref_slice %arg14[%dma_wait3A_1203, %dma_wait3A_1204] : memref<10240x128xf32, #tpu.memory_space<vmem_shared>> -> memref<10240x128xf32, #tpu.memory_space<vmem_shared>>
      tpu.wait_indirect_dma semaphore(%arg22 : memref<!tpu.dma_semaphore, #tpu.memory_space<semaphore_mem>>) src(%arg8 : memref<128x128xf32, #tpu.memory_space<vmem>>) dst(%dma_wait3A_1205 : memref<10240x128xf32, #tpu.memory_space<vmem_shared>>)
      %dma_start3A_1206 = arith.constant 7 : i32
      %dma_start3A_1207 = arith.constant 0 : i32
      %dma_start3A_1208 = tpu.memref_slice %arg10[%dma_start3A_1206, %dma_start3A_1207] : memref<8x128xi32, #tpu.memory_space<vmem>> -> memref<1x128xi32, #tpu.memory_space<vmem>>
      %dma_start3A_1209 = tpu.memref_squeeze %dma_start3A_1208 : memref<1x128xi32, #tpu.memory_space<vmem>> -> memref<128xi32, #tpu.memory_space<vmem>>
      %dma_start3A_1210 = arith.constant 0 : i32
      %dma_start3A_1211 = arith.constant 0 : i32
      %dma_start3A_1212 = tpu.memref_slice %arg2[%dma_start3A_1210, %dma_start3A_1211] : memref<10240x128xf32, #tpu.memory_space<hbm>> -> memref<10240x128xf32, #tpu.memory_space<hbm>>
      tpu.enqueue_indirect_dma source(%dma_start3A_1212 : memref<10240x128xf32, #tpu.memory_space<hbm>>) target(%arg8 : memref<128x128xf32, #tpu.memory_space<vmem>>) offsets(%dma_start3A_1209 : memref<128xi32, #tpu.memory_space<vmem>>) semaphore(%arg16 : memref<!tpu.dma_semaphore, #tpu.memory_space<semaphore_mem>>)
      %dma_wait3A_1213 = arith.constant 6 : i32
      %dma_wait3A_1214 = arith.constant 0 : i32
      %dma_wait3A_1215 = tpu.memref_slice %arg10[%dma_wait3A_1213, %dma_wait3A_1214] : memref<8x128xi32, #tpu.memory_space<vmem>> -> memref<1x128xi32, #tpu.memory_space<vmem>>
      %dma_wait3A_1216 = tpu.memref_squeeze %dma_wait3A_1215 : memref<1x128xi32, #tpu.memory_space<vmem>> -> memref<128xi32, #tpu.memory_space<vmem>>
      %dma_wait3A_1217 = arith.constant 0 : i32
      %dma_wait3A_1218 = arith.constant 0 : i32
      %dma_wait3A_1219 = tpu.memref_slice %arg2[%dma_wait3A_1217, %dma_wait3A_1218] : memref<10240x128xf32, #tpu.memory_space<hbm>> -> memref<10240x128xf32, #tpu.memory_space<hbm>>
      tpu.wait_indirect_dma semaphore(%arg15 : memref<!tpu.dma_semaphore, #tpu.memory_space<semaphore_mem>>) src(%dma_wait3A_1219 : memref<10240x128xf32, #tpu.memory_space<hbm>>) dst(%arg7 : memref<128x128xf32, #tpu.memory_space<vmem>>)
      %dma_start3A_1220 = arith.constant 6 : i32
      %dma_start3A_1221 = arith.constant 0 : i32
      %dma_start3A_1222 = tpu.memref_slice %arg12[%dma_start3A_1220, %dma_start3A_1221] : memref<8x128xi32, #tpu.memory_space<vmem>> -> memref<1x128xi32, #tpu.memory_space<vmem>>
      %dma_start3A_1223 = tpu.memref_squeeze %dma_start3A_1222 : memref<1x128xi32, #tpu.memory_space<vmem>> -> memref<128xi32, #tpu.memory_space<vmem>>
      %dma_start3A_1224 = arith.constant 0 : i32
      %dma_start3A_1225 = arith.constant 0 : i32
      %dma_start3A_1226 = tpu.memref_slice %arg14[%dma_start3A_1224, %dma_start3A_1225] : memref<10240x128xf32, #tpu.memory_space<vmem_shared>> -> memref<10240x128xf32, #tpu.memory_space<vmem_shared>>
      tpu.enqueue_indirect_dma source(%arg7 : memref<128x128xf32, #tpu.memory_space<vmem>>) target(%dma_start3A_1226 : memref<10240x128xf32, #tpu.memory_space<vmem_shared>>) offsets(%dma_start3A_1223 : memref<128xi32, #tpu.memory_space<vmem>>) semaphore(%arg21 : memref<!tpu.dma_semaphore, #tpu.memory_space<semaphore_mem>>) {add = true}
      %broadcast_in_dim3A_1227 = arith.constant 1 : i32
      %broadcast_in_dim3A_1228 = vector.broadcast %broadcast_in_dim3A_1227 : i32 to vector<16xi32>
      %get3A_1229 = arith.constant 6 : i32
      %get3A_1230 = arith.constant 0 : i32
      %get3A_1231 = arith.index_cast %get3A_1229 : i32 to index
      %get3A_1232 = arith.index_cast %get3A_1230 : i32 to index
      %get3A_1233 = tpu.vector_load %arg12[%get3A_1231, %get3A_1232] {strides = array<i32>} : memref<8x128xi32, #tpu.memory_space<vmem>>, vector<16xi32>,
      tpu.vector_store_idx %arg13[%get3A_1233], %broadcast_in_dim3A_1228 {add = true} : memref<10240xi32, #tpu.memory_space<vmem>>[vector<16xi32>], vector<16xi32>,
      %get3A_1234 = arith.constant 6 : i32
      %get3A_1235 = arith.constant 16 : i32
      %get3A_1236 = arith.index_cast %get3A_1234 : i32 to index
      %get3A_1237 = arith.index_cast %get3A_1235 : i32 to index
      %get3A_1238 = tpu.vector_load %arg12[%get3A_1236, %get3A_1237] {strides = array<i32>} : memref<8x128xi32, #tpu.memory_space<vmem>>, vector<16xi32>,
      tpu.vector_store_idx %arg13[%get3A_1238], %broadcast_in_dim3A_1228 {add = true} : memref<10240xi32, #tpu.memory_space<vmem>>[vector<16xi32>], vector<16xi32>,
      %get3A_1239 = arith.constant 6 : i32
      %get3A_1240 = arith.constant 32 : i32
      %get3A_1241 = arith.index_cast %get3A_1239 : i32 to index
      %get3A_1242 = arith.index_cast %get3A_1240 : i32 to index
      %get3A_1243 = tpu.vector_load %arg12[%get3A_1241, %get3A_1242] {strides = array<i32>} : memref<8x128xi32, #tpu.memory_space<vmem>>, vector<16xi32>,
      tpu.vector_store_idx %arg13[%get3A_1243], %broadcast_in_dim3A_1228 {add = true} : memref<10240xi32, #tpu.memory_space<vmem>>[vector<16xi32>], vector<16xi32>,
      %get3A_1244 = arith.constant 6 : i32
      %get3A_1245 = arith.constant 48 : i32
      %get3A_1246 = arith.index_cast %get3A_1244 : i32 to index
      %get3A_1247 = arith.index_cast %get3A_1245 : i32 to index
      %get3A_1248 = tpu.vector_load %arg12[%get3A_1246, %get3A_1247] {strides = array<i32>} : memref<8x128xi32, #tpu.memory_space<vmem>>, vector<16xi32>,
      tpu.vector_store_idx %arg13[%get3A_1248], %broadcast_in_dim3A_1228 {add = true} : memref<10240xi32, #tpu.memory_space<vmem>>[vector<16xi32>], vector<16xi32>,
      %get3A_1249 = arith.constant 6 : i32
      %get3A_1250 = arith.constant 64 : i32
      %get3A_1251 = arith.index_cast %get3A_1249 : i32 to index
      %get3A_1252 = arith.index_cast %get3A_1250 : i32 to index
      %get3A_1253 = tpu.vector_load %arg12[%get3A_1251, %get3A_1252] {strides = array<i32>} : memref<8x128xi32, #tpu.memory_space<vmem>>, vector<16xi32>,
      tpu.vector_store_idx %arg13[%get3A_1253], %broadcast_in_dim3A_1228 {add = true} : memref<10240xi32, #tpu.memory_space<vmem>>[vector<16xi32>], vector<16xi32>,
      %get3A_1254 = arith.constant 6 : i32
      %get3A_1255 = arith.constant 80 : i32
      %get3A_1256 = arith.index_cast %get3A_1254 : i32 to index
      %get3A_1257 = arith.index_cast %get3A_1255 : i32 to index
      %get3A_1258 = tpu.vector_load %arg12[%get3A_1256, %get3A_1257] {strides = array<i32>} : memref<8x128xi32, #tpu.memory_space<vmem>>, vector<16xi32>,
      tpu.vector_store_idx %arg13[%get3A_1258], %broadcast_in_dim3A_1228 {add = true} : memref<10240xi32, #tpu.memory_space<vmem>>[vector<16xi32>], vector<16xi32>,
      %get3A_1259 = arith.constant 6 : i32
      %get3A_1260 = arith.constant 96 : i32
      %get3A_1261 = arith.index_cast %get3A_1259 : i32 to index
      %get3A_1262 = arith.index_cast %get3A_1260 : i32 to index
      %get3A_1263 = tpu.vector_load %arg12[%get3A_1261, %get3A_1262] {strides = array<i32>} : memref<8x128xi32, #tpu.memory_space<vmem>>, vector<16xi32>,
      tpu.vector_store_idx %arg13[%get3A_1263], %broadcast_in_dim3A_1228 {add = true} : memref<10240xi32, #tpu.memory_space<vmem>>[vector<16xi32>], vector<16xi32>,
      %get3A_1264 = arith.constant 6 : i32
      %get3A_1265 = arith.constant 112 : i32
      %get3A_1266 = arith.index_cast %get3A_1264 : i32 to index
      %get3A_1267 = arith.index_cast %get3A_1265 : i32 to index
      %get3A_1268 = tpu.vector_load %arg12[%get3A_1266, %get3A_1267] {strides = array<i32>} : memref<8x128xi32, #tpu.memory_space<vmem>>, vector<16xi32>,
      tpu.vector_store_idx %arg13[%get3A_1268], %broadcast_in_dim3A_1228 {add = true} : memref<10240xi32, #tpu.memory_space<vmem>>[vector<16xi32>], vector<16xi32>,
      %dma_wait3A_1269 = arith.constant 6 : i32
      %dma_wait3A_1270 = arith.constant 0 : i32
      %dma_wait3A_1271 = tpu.memref_slice %arg12[%dma_wait3A_1269, %dma_wait3A_1270] : memref<8x128xi32, #tpu.memory_space<vmem>> -> memref<1x128xi32, #tpu.memory_space<vmem>>
      %dma_wait3A_1272 = tpu.memref_squeeze %dma_wait3A_1271 : memref<1x128xi32, #tpu.memory_space<vmem>> -> memref<128xi32, #tpu.memory_space<vmem>>
      %dma_wait3A_1273 = arith.constant 0 : i32
      %dma_wait3A_1274 = arith.constant 0 : i32
      %dma_wait3A_1275 = tpu.memref_slice %arg14[%dma_wait3A_1273, %dma_wait3A_1274] : memref<10240x128xf32, #tpu.memory_space<vmem_shared>> -> memref<10240x128xf32, #tpu.memory_space<vmem_shared>>
      tpu.wait_indirect_dma semaphore(%arg21 : memref<!tpu.dma_semaphore, #tpu.memory_space<semaphore_mem>>) src(%arg7 : memref<128x128xf32, #tpu.memory_space<vmem>>) dst(%dma_wait3A_1275 : memref<10240x128xf32, #tpu.memory_space<vmem_shared>>)
      %dma_wait3A_1276 = arith.constant 0 : i32
      %dma_wait3A_1277 = arith.constant 0 : i32
      %dma_wait3A_1278 = tpu.memref_slice %arg3[%dma_wait3A_1276, %dma_wait3A_1277] : memref<2576x128xi32, #tpu.memory_space<hbm>> -> memref<8x128xi32, #tpu.memory_space<hbm>>
      %dma_wait3A_1279 = arith.constant 0 : i32
      %dma_wait3A_1280 = arith.constant 0 : i32
      %dma_wait3A_1281 = tpu.memref_slice %arg3[%dma_wait3A_1279, %dma_wait3A_1280] : memref<2576x128xi32, #tpu.memory_space<hbm>> -> memref<8x128xi32, #tpu.memory_space<hbm>>
      tpu.wait_dma2 semaphore(%arg17 : memref<!tpu.dma_semaphore, #tpu.memory_space<semaphore_mem>>) src(%dma_wait3A_1281 : memref<8x128xi32, #tpu.memory_space<hbm>>) dst(%arg9 : memref<8x128xi32, #tpu.memory_space<vmem>>)
      %dma_wait3A_1282 = arith.constant 0 : i32
      %dma_wait3A_1283 = arith.constant 0 : i32
      %dma_wait3A_1284 = tpu.memref_slice %arg4[%dma_wait3A_1282, %dma_wait3A_1283] : memref<2576x128xi32, #tpu.memory_space<hbm>> -> memref<8x128xi32, #tpu.memory_space<hbm>>
      %dma_wait3A_1285 = arith.constant 0 : i32
      %dma_wait3A_1286 = arith.constant 0 : i32
      %dma_wait3A_1287 = tpu.memref_slice %arg4[%dma_wait3A_1285, %dma_wait3A_1286] : memref<2576x128xi32, #tpu.memory_space<hbm>> -> memref<8x128xi32, #tpu.memory_space<hbm>>
      tpu.wait_dma2 semaphore(%arg19 : memref<!tpu.dma_semaphore, #tpu.memory_space<semaphore_mem>>) src(%dma_wait3A_1287 : memref<8x128xi32, #tpu.memory_space<hbm>>) dst(%arg11 : memref<8x128xi32, #tpu.memory_space<vmem>>)
      %dma_start3A_1288 = arith.constant 0 : i32
      %dma_start3A_1289 = arith.constant 0 : i32
      %dma_start3A_1290 = tpu.memref_slice %arg9[%dma_start3A_1288, %dma_start3A_1289] : memref<8x128xi32, #tpu.memory_space<vmem>> -> memref<1x128xi32, #tpu.memory_space<vmem>>
      %dma_start3A_1291 = tpu.memref_squeeze %dma_start3A_1290 : memref<1x128xi32, #tpu.memory_space<vmem>> -> memref<128xi32, #tpu.memory_space<vmem>>
      %dma_start3A_1292 = arith.constant 0 : i32
      %dma_start3A_1293 = arith.constant 0 : i32
      %dma_start3A_1294 = tpu.memref_slice %arg2[%dma_start3A_1292, %dma_start3A_1293] : memref<10240x128xf32, #tpu.memory_space<hbm>> -> memref<10240x128xf32, #tpu.memory_space<hbm>>
      tpu.enqueue_indirect_dma source(%dma_start3A_1294 : memref<10240x128xf32, #tpu.memory_space<hbm>>) target(%arg7 : memref<128x128xf32, #tpu.memory_space<vmem>>) offsets(%dma_start3A_1291 : memref<128xi32, #tpu.memory_space<vmem>>) semaphore(%arg15 : memref<!tpu.dma_semaphore, #tpu.memory_space<semaphore_mem>>)
      %dma_wait3A_1295 = arith.constant 7 : i32
      %dma_wait3A_1296 = arith.constant 0 : i32
      %dma_wait3A_1297 = tpu.memref_slice %arg10[%dma_wait3A_1295, %dma_wait3A_1296] : memref<8x128xi32, #tpu.memory_space<vmem>> -> memref<1x128xi32, #tpu.memory_space<vmem>>
      %dma_wait3A_1298 = tpu.memref_squeeze %dma_wait3A_1297 : memref<1x128xi32, #tpu.memory_space<vmem>> -> memref<128xi32, #tpu.memory_space<vmem>>
      %dma_wait3A_1299 = arith.constant 0 : i32
      %dma_wait3A_1300 = arith.constant 0 : i32
      %dma_wait3A_1301 = tpu.memref_slice %arg2[%dma_wait3A_1299, %dma_wait3A_1300] : memref<10240x128xf32, #tpu.memory_space<hbm>> -> memref<10240x128xf32, #tpu.memory_space<hbm>>
      tpu.wait_indirect_dma semaphore(%arg16 : memref<!tpu.dma_semaphore, #tpu.memory_space<semaphore_mem>>) src(%dma_wait3A_1301 : memref<10240x128xf32, #tpu.memory_space<hbm>>) dst(%arg8 : memref<128x128xf32, #tpu.memory_space<vmem>>)
      %dma_start3A_1302 = arith.constant 7 : i32
      %dma_start3A_1303 = arith.constant 0 : i32
      %dma_start3A_1304 = tpu.memref_slice %arg12[%dma_start3A_1302, %dma_start3A_1303] : memref<8x128xi32, #tpu.memory_space<vmem>> -> memref<1x128xi32, #tpu.memory_space<vmem>>
      %dma_start3A_1305 = tpu.memref_squeeze %dma_start3A_1304 : memref<1x128xi32, #tpu.memory_space<vmem>> -> memref<128xi32, #tpu.memory_space<vmem>>
      %dma_start3A_1306 = arith.constant 0 : i32
      %dma_start3A_1307 = arith.constant 0 : i32
      %dma_start3A_1308 = tpu.memref_slice %arg14[%dma_start3A_1306, %dma_start3A_1307] : memref<10240x128xf32, #tpu.memory_space<vmem_shared>> -> memref<10240x128xf32, #tpu.memory_space<vmem_shared>>
      tpu.enqueue_indirect_dma source(%arg8 : memref<128x128xf32, #tpu.memory_space<vmem>>) target(%dma_start3A_1308 : memref<10240x128xf32, #tpu.memory_space<vmem_shared>>) offsets(%dma_start3A_1305 : memref<128xi32, #tpu.memory_space<vmem>>) semaphore(%arg22 : memref<!tpu.dma_semaphore, #tpu.memory_space<semaphore_mem>>) {add = true}
      %broadcast_in_dim3A_1309 = arith.constant 1 : i32
      %broadcast_in_dim3A_1310 = vector.broadcast %broadcast_in_dim3A_1309 : i32 to vector<16xi32>
      %get3A_1311 = arith.constant 7 : i32
      %get3A_1312 = arith.constant 0 : i32
      %get3A_1313 = arith.index_cast %get3A_1311 : i32 to index
      %get3A_1314 = arith.index_cast %get3A_1312 : i32 to index
      %get3A_1315 = tpu.vector_load %arg12[%get3A_1313, %get3A_1314] {strides = array<i32>} : memref<8x128xi32, #tpu.memory_space<vmem>>, vector<16xi32>,
      tpu.vector_store_idx %arg13[%get3A_1315], %broadcast_in_dim3A_1310 {add = true} : memref<10240xi32, #tpu.memory_space<vmem>>[vector<16xi32>], vector<16xi32>,
      %get3A_1316 = arith.constant 7 : i32
      %get3A_1317 = arith.constant 16 : i32
      %get3A_1318 = arith.index_cast %get3A_1316 : i32 to index
      %get3A_1319 = arith.index_cast %get3A_1317 : i32 to index
      %get3A_1320 = tpu.vector_load %arg12[%get3A_1318, %get3A_1319] {strides = array<i32>} : memref<8x128xi32, #tpu.memory_space<vmem>>, vector<16xi32>,
      tpu.vector_store_idx %arg13[%get3A_1320], %broadcast_in_dim3A_1310 {add = true} : memref<10240xi32, #tpu.memory_space<vmem>>[vector<16xi32>], vector<16xi32>,
      %get3A_1321 = arith.constant 7 : i32
      %get3A_1322 = arith.constant 32 : i32
      %get3A_1323 = arith.index_cast %get3A_1321 : i32 to index
      %get3A_1324 = arith.index_cast %get3A_1322 : i32 to index
      %get3A_1325 = tpu.vector_load %arg12[%get3A_1323, %get3A_1324] {strides = array<i32>} : memref<8x128xi32, #tpu.memory_space<vmem>>, vector<16xi32>,
      tpu.vector_store_idx %arg13[%get3A_1325], %broadcast_in_dim3A_1310 {add = true} : memref<10240xi32, #tpu.memory_space<vmem>>[vector<16xi32>], vector<16xi32>,
      %get3A_1326 = arith.constant 7 : i32
      %get3A_1327 = arith.constant 48 : i32
      %get3A_1328 = arith.index_cast %get3A_1326 : i32 to index
      %get3A_1329 = arith.index_cast %get3A_1327 : i32 to index
      %get3A_1330 = tpu.vector_load %arg12[%get3A_1328, %get3A_1329] {strides = array<i32>} : memref<8x128xi32, #tpu.memory_space<vmem>>, vector<16xi32>,
      tpu.vector_store_idx %arg13[%get3A_1330], %broadcast_in_dim3A_1310 {add = true} : memref<10240xi32, #tpu.memory_space<vmem>>[vector<16xi32>], vector<16xi32>,
      %get3A_1331 = arith.constant 7 : i32
      %get3A_1332 = arith.constant 64 : i32
      %get3A_1333 = arith.index_cast %get3A_1331 : i32 to index
      %get3A_1334 = arith.index_cast %get3A_1332 : i32 to index
      %get3A_1335 = tpu.vector_load %arg12[%get3A_1333, %get3A_1334] {strides = array<i32>} : memref<8x128xi32, #tpu.memory_space<vmem>>, vector<16xi32>,
      tpu.vector_store_idx %arg13[%get3A_1335], %broadcast_in_dim3A_1310 {add = true} : memref<10240xi32, #tpu.memory_space<vmem>>[vector<16xi32>], vector<16xi32>,
      %get3A_1336 = arith.constant 7 : i32
      %get3A_1337 = arith.constant 80 : i32
      %get3A_1338 = arith.index_cast %get3A_1336 : i32 to index
      %get3A_1339 = arith.index_cast %get3A_1337 : i32 to index
      %get3A_1340 = tpu.vector_load %arg12[%get3A_1338, %get3A_1339] {strides = array<i32>} : memref<8x128xi32, #tpu.memory_space<vmem>>, vector<16xi32>,
      tpu.vector_store_idx %arg13[%get3A_1340], %broadcast_in_dim3A_1310 {add = true} : memref<10240xi32, #tpu.memory_space<vmem>>[vector<16xi32>], vector<16xi32>,
      %get3A_1341 = arith.constant 7 : i32
      %get3A_1342 = arith.constant 96 : i32
      %get3A_1343 = arith.index_cast %get3A_1341 : i32 to index
      %get3A_1344 = arith.index_cast %get3A_1342 : i32 to index
      %get3A_1345 = tpu.vector_load %arg12[%get3A_1343, %get3A_1344] {strides = array<i32>} : memref<8x128xi32, #tpu.memory_space<vmem>>, vector<16xi32>,
      tpu.vector_store_idx %arg13[%get3A_1345], %broadcast_in_dim3A_1310 {add = true} : memref<10240xi32, #tpu.memory_space<vmem>>[vector<16xi32>], vector<16xi32>,
      %get3A_1346 = arith.constant 7 : i32
      %get3A_1347 = arith.constant 112 : i32
      %get3A_1348 = arith.index_cast %get3A_1346 : i32 to index
      %get3A_1349 = arith.index_cast %get3A_1347 : i32 to index
      %get3A_1350 = tpu.vector_load %arg12[%get3A_1348, %get3A_1349] {strides = array<i32>} : memref<8x128xi32, #tpu.memory_space<vmem>>, vector<16xi32>,
      tpu.vector_store_idx %arg13[%get3A_1350], %broadcast_in_dim3A_1310 {add = true} : memref<10240xi32, #tpu.memory_space<vmem>>[vector<16xi32>], vector<16xi32>,
      %dma_wait3A_1351 = arith.constant 7 : i32
      %dma_wait3A_1352 = arith.constant 0 : i32
      %dma_wait3A_1353 = tpu.memref_slice %arg12[%dma_wait3A_1351, %dma_wait3A_1352] : memref<8x128xi32, #tpu.memory_space<vmem>> -> memref<1x128xi32, #tpu.memory_space<vmem>>
      %dma_wait3A_1354 = tpu.memref_squeeze %dma_wait3A_1353 : memref<1x128xi32, #tpu.memory_space<vmem>> -> memref<128xi32, #tpu.memory_space<vmem>>
      %dma_wait3A_1355 = arith.constant 0 : i32
      %dma_wait3A_1356 = arith.constant 0 : i32
      %dma_wait3A_1357 = tpu.memref_slice %arg14[%dma_wait3A_1355, %dma_wait3A_1356] : memref<10240x128xf32, #tpu.memory_space<vmem_shared>> -> memref<10240x128xf32, #tpu.memory_space<vmem_shared>>
      tpu.wait_indirect_dma semaphore(%arg22 : memref<!tpu.dma_semaphore, #tpu.memory_space<semaphore_mem>>) src(%arg8 : memref<128x128xf32, #tpu.memory_space<vmem>>) dst(%dma_wait3A_1357 : memref<10240x128xf32, #tpu.memory_space<vmem_shared>>)
      %dma_start3A_1358 = arith.constant 1 : i32
      %dma_start3A_1359 = arith.constant 0 : i32
      %dma_start3A_1360 = tpu.memref_slice %arg9[%dma_start3A_1358, %dma_start3A_1359] : memref<8x128xi32, #tpu.memory_space<vmem>> -> memref<1x128xi32, #tpu.memory_space<vmem>>
      %dma_start3A_1361 = tpu.memref_squeeze %dma_start3A_1360 : memref<1x128xi32, #tpu.memory_space<vmem>> -> memref<128xi32, #tpu.memory_space<vmem>>
      %dma_start3A_1362 = arith.constant 0 : i32
      %dma_start3A_1363 = arith.constant 0 : i32
      %dma_start3A_1364 = tpu.memref_slice %arg2[%dma_start3A_1362, %dma_start3A_1363] : memref<10240x128xf32, #tpu.memory_space<hbm>> -> memref<10240x128xf32, #tpu.memory_space<hbm>>
      tpu.enqueue_indirect_dma source(%dma_start3A_1364 : memref<10240x128xf32, #tpu.memory_space<hbm>>) target(%arg8 : memref<128x128xf32, #tpu.memory_space<vmem>>) offsets(%dma_start3A_1361 : memref<128xi32, #tpu.memory_space<vmem>>) semaphore(%arg16 : memref<!tpu.dma_semaphore, #tpu.memory_space<semaphore_mem>>)
      %add3A_1365 = arith.constant 2 : i32
      %add3A_1366 = arith.addi %add3A_792, %add3A_1365 : i32
      %mul3A_1367 = arith.constant 8 : i32
      %mul3A_1368 = arith.muli %add3A_1366, %mul3A_1367 : i32
      %add3A_1369 = arith.addi %select_n3A, %mul3A_1368 : i32
      %multiple_of3A_1370 = tpu.assume_multiple %add3A_1369, 8 : i32
      %dma_start3A_1371 = arith.constant 0 : i32
      %dma_start3A_1372 = tpu.memref_slice %arg3[%multiple_of3A_1370, %dma_start3A_1371] : memref<2576x128xi32, #tpu.memory_space<hbm>> -> memref<8x128xi32, #tpu.memory_space<hbm>>
      %dma_start3A_1373 = arith.constant 0 : i32
      %dma_start3A_1374 = tpu.memref_slice %arg3[%multiple_of3A_1370, %dma_start3A_1373] : memref<2576x128xi32, #tpu.memory_space<hbm>> -> memref<8x128xi32, #tpu.memory_space<hbm>>
      tpu.enqueue_dma source(%dma_start3A_1374 : memref<8x128xi32, #tpu.memory_space<hbm>>) target(%arg10 : memref<8x128xi32, #tpu.memory_space<vmem>>) target_semaphore(%arg18 : memref<!tpu.dma_semaphore, #tpu.memory_space<semaphore_mem>>)
      %dma_start3A_1375 = arith.constant 0 : i32
      %dma_start3A_1376 = tpu.memref_slice %arg4[%multiple_of3A_1370, %dma_start3A_1375] : memref<2576x128xi32, #tpu.memory_space<hbm>> -> memref<8x128xi32, #tpu.memory_space<hbm>>
      %dma_start3A_1377 = arith.constant 0 : i32
      %dma_start3A_1378 = tpu.memref_slice %arg4[%multiple_of3A_1370, %dma_start3A_1377] : memref<2576x128xi32, #tpu.memory_space<hbm>> -> memref<8x128xi32, #tpu.memory_space<hbm>>
      tpu.enqueue_dma source(%dma_start3A_1378 : memref<8x128xi32, #tpu.memory_space<hbm>>) target(%arg12 : memref<8x128xi32, #tpu.memory_space<vmem>>) target_semaphore(%arg20 : memref<!tpu.dma_semaphore, #tpu.memory_space<semaphore_mem>>)
    }
    %while3A_146 = arith.constant 1 : i32
    scf.for %while3A_198 = %while3A_144 to %while3A_140 step %while3A_146  : i32 {
      %mul3A_199 = arith.muli %while3A_198, %while3A_136 : i32
      %add3A_200 = arith.addi %while3A_137, %mul3A_199 : i32
      %mul3A_201 = arith.constant 2 : i32
      %mul3A_202 = arith.muli %mul3A_201, %add3A_200 : i32
      %add3A_203 = arith.constant 0 : i32
      %add3A_204 = arith.addi %mul3A_202, %add3A_203 : i32
      %dma_wait3A_205 = arith.constant 0 : i32
      %dma_wait3A_206 = arith.constant 0 : i32
      %dma_wait3A_207 = tpu.memref_slice %arg9[%dma_wait3A_205, %dma_wait3A_206] : memref<8x128xi32, #tpu.memory_space<vmem>> -> memref<1x128xi32, #tpu.memory_space<vmem>>
      %dma_wait3A_208 = tpu.memref_squeeze %dma_wait3A_207 : memref<1x128xi32, #tpu.memory_space<vmem>> -> memref<128xi32, #tpu.memory_space<vmem>>
      %dma_wait3A_209 = arith.constant 0 : i32
      %dma_wait3A_210 = arith.constant 0 : i32
      %dma_wait3A_211 = tpu.memref_slice %arg2[%dma_wait3A_209, %dma_wait3A_210] : memref<10240x128xf32, #tpu.memory_space<hbm>> -> memref<10240x128xf32, #tpu.memory_space<hbm>>
      tpu.wait_indirect_dma semaphore(%arg15 : memref<!tpu.dma_semaphore, #tpu.memory_space<semaphore_mem>>) src(%dma_wait3A_211 : memref<10240x128xf32, #tpu.memory_space<hbm>>) dst(%arg7 : memref<128x128xf32, #tpu.memory_space<vmem>>)
      %dma_start3A_212 = arith.constant 0 : i32
      %dma_start3A_213 = arith.constant 0 : i32
      %dma_start3A_214 = tpu.memref_slice %arg11[%dma_start3A_212, %dma_start3A_213] : memref<8x128xi32, #tpu.memory_space<vmem>> -> memref<1x128xi32, #tpu.memory_space<vmem>>
      %dma_start3A_215 = tpu.memref_squeeze %dma_start3A_214 : memref<1x128xi32, #tpu.memory_space<vmem>> -> memref<128xi32, #tpu.memory_space<vmem>>
      %dma_start3A_216 = arith.constant 0 : i32
      %dma_start3A_217 = arith.constant 0 : i32
      %dma_start3A_218 = tpu.memref_slice %arg14[%dma_start3A_216, %dma_start3A_217] : memref<10240x128xf32, #tpu.memory_space<vmem_shared>> -> memref<10240x128xf32, #tpu.memory_space<vmem_shared>>
      tpu.enqueue_indirect_dma source(%arg7 : memref<128x128xf32, #tpu.memory_space<vmem>>) target(%dma_start3A_218 : memref<10240x128xf32, #tpu.memory_space<vmem_shared>>) offsets(%dma_start3A_215 : memref<128xi32, #tpu.memory_space<vmem>>) semaphore(%arg21 : memref<!tpu.dma_semaphore, #tpu.memory_space<semaphore_mem>>) {add = true}
      %broadcast_in_dim3A = arith.constant 1 : i32
      %broadcast_in_dim3A_219 = vector.broadcast %broadcast_in_dim3A : i32 to vector<16xi32>
      %get3A = arith.constant 0 : i32
      %get3A_220 = arith.constant 0 : i32
      %get3A_221 = arith.index_cast %get3A : i32 to index
      %get3A_222 = arith.index_cast %get3A_220 : i32 to index
      %get3A_223 = tpu.vector_load %arg11[%get3A_221, %get3A_222] {strides = array<i32>} : memref<8x128xi32, #tpu.memory_space<vmem>>, vector<16xi32>,
      tpu.vector_store_idx %arg13[%get3A_223], %broadcast_in_dim3A_219 {add = true} : memref<10240xi32, #tpu.memory_space<vmem>>[vector<16xi32>], vector<16xi32>,
      %get3A_224 = arith.constant 0 : i32
      %get3A_225 = arith.constant 16 : i32
      %get3A_226 = arith.index_cast %get3A_224 : i32 to index
      %get3A_227 = arith.index_cast %get3A_225 : i32 to index
      %get3A_228 = tpu.vector_load %arg11[%get3A_226, %get3A_227] {strides = array<i32>} : memref<8x128xi32, #tpu.memory_space<vmem>>, vector<16xi32>,
      tpu.vector_store_idx %arg13[%get3A_228], %broadcast_in_dim3A_219 {add = true} : memref<10240xi32, #tpu.memory_space<vmem>>[vector<16xi32>], vector<16xi32>,
      %get3A_229 = arith.constant 0 : i32
      %get3A_230 = arith.constant 32 : i32
      %get3A_231 = arith.index_cast %get3A_229 : i32 to index
      %get3A_232 = arith.index_cast %get3A_230 : i32 to index
      %get3A_233 = tpu.vector_load %arg11[%get3A_231, %get3A_232] {strides = array<i32>} : memref<8x128xi32, #tpu.memory_space<vmem>>, vector<16xi32>,
      tpu.vector_store_idx %arg13[%get3A_233], %broadcast_in_dim3A_219 {add = true} : memref<10240xi32, #tpu.memory_space<vmem>>[vector<16xi32>], vector<16xi32>,
      %get3A_234 = arith.constant 0 : i32
      %get3A_235 = arith.constant 48 : i32
      %get3A_236 = arith.index_cast %get3A_234 : i32 to index
      %get3A_237 = arith.index_cast %get3A_235 : i32 to index
      %get3A_238 = tpu.vector_load %arg11[%get3A_236, %get3A_237] {strides = array<i32>} : memref<8x128xi32, #tpu.memory_space<vmem>>, vector<16xi32>,
      tpu.vector_store_idx %arg13[%get3A_238], %broadcast_in_dim3A_219 {add = true} : memref<10240xi32, #tpu.memory_space<vmem>>[vector<16xi32>], vector<16xi32>,
      %get3A_239 = arith.constant 0 : i32
      %get3A_240 = arith.constant 64 : i32
      %get3A_241 = arith.index_cast %get3A_239 : i32 to index
      %get3A_242 = arith.index_cast %get3A_240 : i32 to index
      %get3A_243 = tpu.vector_load %arg11[%get3A_241, %get3A_242] {strides = array<i32>} : memref<8x128xi32, #tpu.memory_space<vmem>>, vector<16xi32>,
      tpu.vector_store_idx %arg13[%get3A_243], %broadcast_in_dim3A_219 {add = true} : memref<10240xi32, #tpu.memory_space<vmem>>[vector<16xi32>], vector<16xi32>,
      %get3A_244 = arith.constant 0 : i32
      %get3A_245 = arith.constant 80 : i32
      %get3A_246 = arith.index_cast %get3A_244 : i32 to index
      %get3A_247 = arith.index_cast %get3A_245 : i32 to index
      %get3A_248 = tpu.vector_load %arg11[%get3A_246, %get3A_247] {strides = array<i32>} : memref<8x128xi32, #tpu.memory_space<vmem>>, vector<16xi32>,
      tpu.vector_store_idx %arg13[%get3A_248], %broadcast_in_dim3A_219 {add = true} : memref<10240xi32, #tpu.memory_space<vmem>>[vector<16xi32>], vector<16xi32>,
      %get3A_249 = arith.constant 0 : i32
      %get3A_250 = arith.constant 96 : i32
      %get3A_251 = arith.index_cast %get3A_249 : i32 to index
      %get3A_252 = arith.index_cast %get3A_250 : i32 to index
      %get3A_253 = tpu.vector_load %arg11[%get3A_251, %get3A_252] {strides = array<i32>} : memref<8x128xi32, #tpu.memory_space<vmem>>, vector<16xi32>,
      tpu.vector_store_idx %arg13[%get3A_253], %broadcast_in_dim3A_219 {add = true} : memref<10240xi32, #tpu.memory_space<vmem>>[vector<16xi32>], vector<16xi32>,
      %get3A_254 = arith.constant 0 : i32
      %get3A_255 = arith.constant 112 : i32
      %get3A_256 = arith.index_cast %get3A_254 : i32 to index
      %get3A_257 = arith.index_cast %get3A_255 : i32 to index
      %get3A_258 = tpu.vector_load %arg11[%get3A_256, %get3A_257] {strides = array<i32>} : memref<8x128xi32, #tpu.memory_space<vmem>>, vector<16xi32>,
      tpu.vector_store_idx %arg13[%get3A_258], %broadcast_in_dim3A_219 {add = true} : memref<10240xi32, #tpu.memory_space<vmem>>[vector<16xi32>], vector<16xi32>,
      %dma_wait3A_259 = arith.constant 0 : i32
      %dma_wait3A_260 = arith.constant 0 : i32
      %dma_wait3A_261 = tpu.memref_slice %arg11[%dma_wait3A_259, %dma_wait3A_260] : memref<8x128xi32, #tpu.memory_space<vmem>> -> memref<1x128xi32, #tpu.memory_space<vmem>>
      %dma_wait3A_262 = tpu.memref_squeeze %dma_wait3A_261 : memref<1x128xi32, #tpu.memory_space<vmem>> -> memref<128xi32, #tpu.memory_space<vmem>>
      %dma_wait3A_263 = arith.constant 0 : i32
      %dma_wait3A_264 = arith.constant 0 : i32
      %dma_wait3A_265 = tpu.memref_slice %arg14[%dma_wait3A_263, %dma_wait3A_264] : memref<10240x128xf32, #tpu.memory_space<vmem_shared>> -> memref<10240x128xf32, #tpu.memory_space<vmem_shared>>
      tpu.wait_indirect_dma semaphore(%arg21 : memref<!tpu.dma_semaphore, #tpu.memory_space<semaphore_mem>>) src(%arg7 : memref<128x128xf32, #tpu.memory_space<vmem>>) dst(%dma_wait3A_265 : memref<10240x128xf32, #tpu.memory_space<vmem_shared>>)
      %dma_start3A_266 = arith.constant 2 : i32
      %dma_start3A_267 = arith.constant 0 : i32
      %dma_start3A_268 = tpu.memref_slice %arg9[%dma_start3A_266, %dma_start3A_267] : memref<8x128xi32, #tpu.memory_space<vmem>> -> memref<1x128xi32, #tpu.memory_space<vmem>>
      %dma_start3A_269 = tpu.memref_squeeze %dma_start3A_268 : memref<1x128xi32, #tpu.memory_space<vmem>> -> memref<128xi32, #tpu.memory_space<vmem>>
      %dma_start3A_270 = arith.constant 0 : i32
      %dma_start3A_271 = arith.constant 0 : i32
      %dma_start3A_272 = tpu.memref_slice %arg2[%dma_start3A_270, %dma_start3A_271] : memref<10240x128xf32, #tpu.memory_space<hbm>> -> memref<10240x128xf32, #tpu.memory_space<hbm>>
      tpu.enqueue_indirect_dma source(%dma_start3A_272 : memref<10240x128xf32, #tpu.memory_space<hbm>>) target(%arg7 : memref<128x128xf32, #tpu.memory_space<vmem>>) offsets(%dma_start3A_269 : memref<128xi32, #tpu.memory_space<vmem>>) semaphore(%arg15 : memref<!tpu.dma_semaphore, #tpu.memory_space<semaphore_mem>>)
      %dma_wait3A_273 = arith.constant 1 : i32
      %dma_wait3A_274 = arith.constant 0 : i32
      %dma_wait3A_275 = tpu.memref_slice %arg9[%dma_wait3A_273, %dma_wait3A_274] : memref<8x128xi32, #tpu.memory_space<vmem>> -> memref<1x128xi32, #tpu.memory_space<vmem>>
      %dma_wait3A_276 = tpu.memref_squeeze %dma_wait3A_275 : memref<1x128xi32, #tpu.memory_space<vmem>> -> memref<128xi32, #tpu.memory_space<vmem>>
      %dma_wait3A_277 = arith.constant 0 : i32
      %dma_wait3A_278 = arith.constant 0 : i32
      %dma_wait3A_279 = tpu.memref_slice %arg2[%dma_wait3A_277, %dma_wait3A_278] : memref<10240x128xf32, #tpu.memory_space<hbm>> -> memref<10240x128xf32, #tpu.memory_space<hbm>>
      tpu.wait_indirect_dma semaphore(%arg16 : memref<!tpu.dma_semaphore, #tpu.memory_space<semaphore_mem>>) src(%dma_wait3A_279 : memref<10240x128xf32, #tpu.memory_space<hbm>>) dst(%arg8 : memref<128x128xf32, #tpu.memory_space<vmem>>)
      %dma_start3A_280 = arith.constant 1 : i32
      %dma_start3A_281 = arith.constant 0 : i32
      %dma_start3A_282 = tpu.memref_slice %arg11[%dma_start3A_280, %dma_start3A_281] : memref<8x128xi32, #tpu.memory_space<vmem>> -> memref<1x128xi32, #tpu.memory_space<vmem>>
      %dma_start3A_283 = tpu.memref_squeeze %dma_start3A_282 : memref<1x128xi32, #tpu.memory_space<vmem>> -> memref<128xi32, #tpu.memory_space<vmem>>
      %dma_start3A_284 = arith.constant 0 : i32
      %dma_start3A_285 = arith.constant 0 : i32
      %dma_start3A_286 = tpu.memref_slice %arg14[%dma_start3A_284, %dma_start3A_285] : memref<10240x128xf32, #tpu.memory_space<vmem_shared>> -> memref<10240x128xf32, #tpu.memory_space<vmem_shared>>
      tpu.enqueue_indirect_dma source(%arg8 : memref<128x128xf32, #tpu.memory_space<vmem>>) target(%dma_start3A_286 : memref<10240x128xf32, #tpu.memory_space<vmem_shared>>) offsets(%dma_start3A_283 : memref<128xi32, #tpu.memory_space<vmem>>) semaphore(%arg22 : memref<!tpu.dma_semaphore, #tpu.memory_space<semaphore_mem>>) {add = true}
      %broadcast_in_dim3A_287 = arith.constant 1 : i32
      %broadcast_in_dim3A_288 = vector.broadcast %broadcast_in_dim3A_287 : i32 to vector<16xi32>
      %get3A_289 = arith.constant 1 : i32
      %get3A_290 = arith.constant 0 : i32
      %get3A_291 = arith.index_cast %get3A_289 : i32 to index
      %get3A_292 = arith.index_cast %get3A_290 : i32 to index
      %get3A_293 = tpu.vector_load %arg11[%get3A_291, %get3A_292] {strides = array<i32>} : memref<8x128xi32, #tpu.memory_space<vmem>>, vector<16xi32>,
      tpu.vector_store_idx %arg13[%get3A_293], %broadcast_in_dim3A_288 {add = true} : memref<10240xi32, #tpu.memory_space<vmem>>[vector<16xi32>], vector<16xi32>,
      %get3A_294 = arith.constant 1 : i32
      %get3A_295 = arith.constant 16 : i32
      %get3A_296 = arith.index_cast %get3A_294 : i32 to index
      %get3A_297 = arith.index_cast %get3A_295 : i32 to index
      %get3A_298 = tpu.vector_load %arg11[%get3A_296, %get3A_297] {strides = array<i32>} : memref<8x128xi32, #tpu.memory_space<vmem>>, vector<16xi32>,
      tpu.vector_store_idx %arg13[%get3A_298], %broadcast_in_dim3A_288 {add = true} : memref<10240xi32, #tpu.memory_space<vmem>>[vector<16xi32>], vector<16xi32>,
      %get3A_299 = arith.constant 1 : i32
      %get3A_300 = arith.constant 32 : i32
      %get3A_301 = arith.index_cast %get3A_299 : i32 to index
      %get3A_302 = arith.index_cast %get3A_300 : i32 to index
      %get3A_303 = tpu.vector_load %arg11[%get3A_301, %get3A_302] {strides = array<i32>} : memref<8x128xi32, #tpu.memory_space<vmem>>, vector<16xi32>,
      tpu.vector_store_idx %arg13[%get3A_303], %broadcast_in_dim3A_288 {add = true} : memref<10240xi32, #tpu.memory_space<vmem>>[vector<16xi32>], vector<16xi32>,
      %get3A_304 = arith.constant 1 : i32
      %get3A_305 = arith.constant 48 : i32
      %get3A_306 = arith.index_cast %get3A_304 : i32 to index
      %get3A_307 = arith.index_cast %get3A_305 : i32 to index
      %get3A_308 = tpu.vector_load %arg11[%get3A_306, %get3A_307] {strides = array<i32>} : memref<8x128xi32, #tpu.memory_space<vmem>>, vector<16xi32>,
      tpu.vector_store_idx %arg13[%get3A_308], %broadcast_in_dim3A_288 {add = true} : memref<10240xi32, #tpu.memory_space<vmem>>[vector<16xi32>], vector<16xi32>,
      %get3A_309 = arith.constant 1 : i32
      %get3A_310 = arith.constant 64 : i32
      %get3A_311 = arith.index_cast %get3A_309 : i32 to index
      %get3A_312 = arith.index_cast %get3A_310 : i32 to index
      %get3A_313 = tpu.vector_load %arg11[%get3A_311, %get3A_312] {strides = array<i32>} : memref<8x128xi32, #tpu.memory_space<vmem>>, vector<16xi32>,
      tpu.vector_store_idx %arg13[%get3A_313], %broadcast_in_dim3A_288 {add = true} : memref<10240xi32, #tpu.memory_space<vmem>>[vector<16xi32>], vector<16xi32>,
      %get3A_314 = arith.constant 1 : i32
      %get3A_315 = arith.constant 80 : i32
      %get3A_316 = arith.index_cast %get3A_314 : i32 to index
      %get3A_317 = arith.index_cast %get3A_315 : i32 to index
      %get3A_318 = tpu.vector_load %arg11[%get3A_316, %get3A_317] {strides = array<i32>} : memref<8x128xi32, #tpu.memory_space<vmem>>, vector<16xi32>,
      tpu.vector_store_idx %arg13[%get3A_318], %broadcast_in_dim3A_288 {add = true} : memref<10240xi32, #tpu.memory_space<vmem>>[vector<16xi32>], vector<16xi32>,
      %get3A_319 = arith.constant 1 : i32
      %get3A_320 = arith.constant 96 : i32
      %get3A_321 = arith.index_cast %get3A_319 : i32 to index
      %get3A_322 = arith.index_cast %get3A_320 : i32 to index
      %get3A_323 = tpu.vector_load %arg11[%get3A_321, %get3A_322] {strides = array<i32>} : memref<8x128xi32, #tpu.memory_space<vmem>>, vector<16xi32>,
      tpu.vector_store_idx %arg13[%get3A_323], %broadcast_in_dim3A_288 {add = true} : memref<10240xi32, #tpu.memory_space<vmem>>[vector<16xi32>], vector<16xi32>,
      %get3A_324 = arith.constant 1 : i32
      %get3A_325 = arith.constant 112 : i32
      %get3A_326 = arith.index_cast %get3A_324 : i32 to index
      %get3A_327 = arith.index_cast %get3A_325 : i32 to index
      %get3A_328 = tpu.vector_load %arg11[%get3A_326, %get3A_327] {strides = array<i32>} : memref<8x128xi32, #tpu.memory_space<vmem>>, vector<16xi32>,
      tpu.vector_store_idx %arg13[%get3A_328], %broadcast_in_dim3A_288 {add = true} : memref<10240xi32, #tpu.memory_space<vmem>>[vector<16xi32>], vector<16xi32>,
      %dma_wait3A_329 = arith.constant 1 : i32
      %dma_wait3A_330 = arith.constant 0 : i32
      %dma_wait3A_331 = tpu.memref_slice %arg11[%dma_wait3A_329, %dma_wait3A_330] : memref<8x128xi32, #tpu.memory_space<vmem>> -> memref<1x128xi32, #tpu.memory_space<vmem>>
      %dma_wait3A_332 = tpu.memref_squeeze %dma_wait3A_331 : memref<1x128xi32, #tpu.memory_space<vmem>> -> memref<128xi32, #tpu.memory_space<vmem>>
      %dma_wait3A_333 = arith.constant 0 : i32
      %dma_wait3A_334 = arith.constant 0 : i32
      %dma_wait3A_335 = tpu.memref_slice %arg14[%dma_wait3A_333, %dma_wait3A_334] : memref<10240x128xf32, #tpu.memory_space<vmem_shared>> -> memref<10240x128xf32, #tpu.memory_space<vmem_shared>>
      tpu.wait_indirect_dma semaphore(%arg22 : memref<!tpu.dma_semaphore, #tpu.memory_space<semaphore_mem>>) src(%arg8 : memref<128x128xf32, #tpu.memory_space<vmem>>) dst(%dma_wait3A_335 : memref<10240x128xf32, #tpu.memory_space<vmem_shared>>)
      %dma_start3A_336 = arith.constant 3 : i32
      %dma_start3A_337 = arith.constant 0 : i32
      %dma_start3A_338 = tpu.memref_slice %arg9[%dma_start3A_336, %dma_start3A_337] : memref<8x128xi32, #tpu.memory_space<vmem>> -> memref<1x128xi32, #tpu.memory_space<vmem>>
      %dma_start3A_339 = tpu.memref_squeeze %dma_start3A_338 : memref<1x128xi32, #tpu.memory_space<vmem>> -> memref<128xi32, #tpu.memory_space<vmem>>
      %dma_start3A_340 = arith.constant 0 : i32
      %dma_start3A_341 = arith.constant 0 : i32
      %dma_start3A_342 = tpu.memref_slice %arg2[%dma_start3A_340, %dma_start3A_341] : memref<10240x128xf32, #tpu.memory_space<hbm>> -> memref<10240x128xf32, #tpu.memory_space<hbm>>
      tpu.enqueue_indirect_dma source(%dma_start3A_342 : memref<10240x128xf32, #tpu.memory_space<hbm>>) target(%arg8 : memref<128x128xf32, #tpu.memory_space<vmem>>) offsets(%dma_start3A_339 : memref<128xi32, #tpu.memory_space<vmem>>) semaphore(%arg16 : memref<!tpu.dma_semaphore, #tpu.memory_space<semaphore_mem>>)
      %dma_wait3A_343 = arith.constant 2 : i32
      %dma_wait3A_344 = arith.constant 0 : i32
      %dma_wait3A_345 = tpu.memref_slice %arg9[%dma_wait3A_343, %dma_wait3A_344] : memref<8x128xi32, #tpu.memory_space<vmem>> -> memref<1x128xi32, #tpu.memory_space<vmem>>
      %dma_wait3A_346 = tpu.memref_squeeze %dma_wait3A_345 : memref<1x128xi32, #tpu.memory_space<vmem>> -> memref<128xi32, #tpu.memory_space<vmem>>
      %dma_wait3A_347 = arith.constant 0 : i32
      %dma_wait3A_348 = arith.constant 0 : i32
      %dma_wait3A_349 = tpu.memref_slice %arg2[%dma_wait3A_347, %dma_wait3A_348] : memref<10240x128xf32, #tpu.memory_space<hbm>> -> memref<10240x128xf32, #tpu.memory_space<hbm>>
      tpu.wait_indirect_dma semaphore(%arg15 : memref<!tpu.dma_semaphore, #tpu.memory_space<semaphore_mem>>) src(%dma_wait3A_349 : memref<10240x128xf32, #tpu.memory_space<hbm>>) dst(%arg7 : memref<128x128xf32, #tpu.memory_space<vmem>>)
      %dma_start3A_350 = arith.constant 2 : i32
      %dma_start3A_351 = arith.constant 0 : i32
      %dma_start3A_352 = tpu.memref_slice %arg11[%dma_start3A_350, %dma_start3A_351] : memref<8x128xi32, #tpu.memory_space<vmem>> -> memref<1x128xi32, #tpu.memory_space<vmem>>
      %dma_start3A_353 = tpu.memref_squeeze %dma_start3A_352 : memref<1x128xi32, #tpu.memory_space<vmem>> -> memref<128xi32, #tpu.memory_space<vmem>>
      %dma_start3A_354 = arith.constant 0 : i32
      %dma_start3A_355 = arith.constant 0 : i32
      %dma_start3A_356 = tpu.memref_slice %arg14[%dma_start3A_354, %dma_start3A_355] : memref<10240x128xf32, #tpu.memory_space<vmem_shared>> -> memref<10240x128xf32, #tpu.memory_space<vmem_shared>>
      tpu.enqueue_indirect_dma source(%arg7 : memref<128x128xf32, #tpu.memory_space<vmem>>) target(%dma_start3A_356 : memref<10240x128xf32, #tpu.memory_space<vmem_shared>>) offsets(%dma_start3A_353 : memref<128xi32, #tpu.memory_space<vmem>>) semaphore(%arg21 : memref<!tpu.dma_semaphore, #tpu.memory_space<semaphore_mem>>) {add = true}
      %broadcast_in_dim3A_357 = arith.constant 1 : i32
      %broadcast_in_dim3A_358 = vector.broadcast %broadcast_in_dim3A_357 : i32 to vector<16xi32>
      %get3A_359 = arith.constant 2 : i32
      %get3A_360 = arith.constant 0 : i32
      %get3A_361 = arith.index_cast %get3A_359 : i32 to index
      %get3A_362 = arith.index_cast %get3A_360 : i32 to index
      %get3A_363 = tpu.vector_load %arg11[%get3A_361, %get3A_362] {strides = array<i32>} : memref<8x128xi32, #tpu.memory_space<vmem>>, vector<16xi32>,
      tpu.vector_store_idx %arg13[%get3A_363], %broadcast_in_dim3A_358 {add = true} : memref<10240xi32, #tpu.memory_space<vmem>>[vector<16xi32>], vector<16xi32>,
      %get3A_364 = arith.constant 2 : i32
      %get3A_365 = arith.constant 16 : i32
      %get3A_366 = arith.index_cast %get3A_364 : i32 to index
      %get3A_367 = arith.index_cast %get3A_365 : i32 to index
      %get3A_368 = tpu.vector_load %arg11[%get3A_366, %get3A_367] {strides = array<i32>} : memref<8x128xi32, #tpu.memory_space<vmem>>, vector<16xi32>,
      tpu.vector_store_idx %arg13[%get3A_368], %broadcast_in_dim3A_358 {add = true} : memref<10240xi32, #tpu.memory_space<vmem>>[vector<16xi32>], vector<16xi32>,
      %get3A_369 = arith.constant 2 : i32
      %get3A_370 = arith.constant 32 : i32
      %get3A_371 = arith.index_cast %get3A_369 : i32 to index
      %get3A_372 = arith.index_cast %get3A_370 : i32 to index
      %get3A_373 = tpu.vector_load %arg11[%get3A_371, %get3A_372] {strides = array<i32>} : memref<8x128xi32, #tpu.memory_space<vmem>>, vector<16xi32>,
      tpu.vector_store_idx %arg13[%get3A_373], %broadcast_in_dim3A_358 {add = true} : memref<10240xi32, #tpu.memory_space<vmem>>[vector<16xi32>], vector<16xi32>,
      %get3A_374 = arith.constant 2 : i32
      %get3A_375 = arith.constant 48 : i32
      %get3A_376 = arith.index_cast %get3A_374 : i32 to index
      %get3A_377 = arith.index_cast %get3A_375 : i32 to index
      %get3A_378 = tpu.vector_load %arg11[%get3A_376, %get3A_377] {strides = array<i32>} : memref<8x128xi32, #tpu.memory_space<vmem>>, vector<16xi32>,
      tpu.vector_store_idx %arg13[%get3A_378], %broadcast_in_dim3A_358 {add = true} : memref<10240xi32, #tpu.memory_space<vmem>>[vector<16xi32>], vector<16xi32>,
      %get3A_379 = arith.constant 2 : i32
      %get3A_380 = arith.constant 64 : i32
      %get3A_381 = arith.index_cast %get3A_379 : i32 to index
      %get3A_382 = arith.index_cast %get3A_380 : i32 to index
      %get3A_383 = tpu.vector_load %arg11[%get3A_381, %get3A_382] {strides = array<i32>} : memref<8x128xi32, #tpu.memory_space<vmem>>, vector<16xi32>,
      tpu.vector_store_idx %arg13[%get3A_383], %broadcast_in_dim3A_358 {add = true} : memref<10240xi32, #tpu.memory_space<vmem>>[vector<16xi32>], vector<16xi32>,
      %get3A_384 = arith.constant 2 : i32
      %get3A_385 = arith.constant 80 : i32
      %get3A_386 = arith.index_cast %get3A_384 : i32 to index
      %get3A_387 = arith.index_cast %get3A_385 : i32 to index
      %get3A_388 = tpu.vector_load %arg11[%get3A_386, %get3A_387] {strides = array<i32>} : memref<8x128xi32, #tpu.memory_space<vmem>>, vector<16xi32>,
      tpu.vector_store_idx %arg13[%get3A_388], %broadcast_in_dim3A_358 {add = true} : memref<10240xi32, #tpu.memory_space<vmem>>[vector<16xi32>], vector<16xi32>,
      %get3A_389 = arith.constant 2 : i32
      %get3A_390 = arith.constant 96 : i32
      %get3A_391 = arith.index_cast %get3A_389 : i32 to index
      %get3A_392 = arith.index_cast %get3A_390 : i32 to index
      %get3A_393 = tpu.vector_load %arg11[%get3A_391, %get3A_392] {strides = array<i32>} : memref<8x128xi32, #tpu.memory_space<vmem>>, vector<16xi32>,
      tpu.vector_store_idx %arg13[%get3A_393], %broadcast_in_dim3A_358 {add = true} : memref<10240xi32, #tpu.memory_space<vmem>>[vector<16xi32>], vector<16xi32>,
      %get3A_394 = arith.constant 2 : i32
      %get3A_395 = arith.constant 112 : i32
      %get3A_396 = arith.index_cast %get3A_394 : i32 to index
      %get3A_397 = arith.index_cast %get3A_395 : i32 to index
      %get3A_398 = tpu.vector_load %arg11[%get3A_396, %get3A_397] {strides = array<i32>} : memref<8x128xi32, #tpu.memory_space<vmem>>, vector<16xi32>,
      tpu.vector_store_idx %arg13[%get3A_398], %broadcast_in_dim3A_358 {add = true} : memref<10240xi32, #tpu.memory_space<vmem>>[vector<16xi32>], vector<16xi32>,
      %dma_wait3A_399 = arith.constant 2 : i32
      %dma_wait3A_400 = arith.constant 0 : i32
      %dma_wait3A_401 = tpu.memref_slice %arg11[%dma_wait3A_399, %dma_wait3A_400] : memref<8x128xi32, #tpu.memory_space<vmem>> -> memref<1x128xi32, #tpu.memory_space<vmem>>
      %dma_wait3A_402 = tpu.memref_squeeze %dma_wait3A_401 : memref<1x128xi32, #tpu.memory_space<vmem>> -> memref<128xi32, #tpu.memory_space<vmem>>
      %dma_wait3A_403 = arith.constant 0 : i32
      %dma_wait3A_404 = arith.constant 0 : i32
      %dma_wait3A_405 = tpu.memref_slice %arg14[%dma_wait3A_403, %dma_wait3A_404] : memref<10240x128xf32, #tpu.memory_space<vmem_shared>> -> memref<10240x128xf32, #tpu.memory_space<vmem_shared>>
      tpu.wait_indirect_dma semaphore(%arg21 : memref<!tpu.dma_semaphore, #tpu.memory_space<semaphore_mem>>) src(%arg7 : memref<128x128xf32, #tpu.memory_space<vmem>>) dst(%dma_wait3A_405 : memref<10240x128xf32, #tpu.memory_space<vmem_shared>>)
      %dma_start3A_406 = arith.constant 4 : i32
      %dma_start3A_407 = arith.constant 0 : i32
      %dma_start3A_408 = tpu.memref_slice %arg9[%dma_start3A_406, %dma_start3A_407] : memref<8x128xi32, #tpu.memory_space<vmem>> -> memref<1x128xi32, #tpu.memory_space<vmem>>
      %dma_start3A_409 = tpu.memref_squeeze %dma_start3A_408 : memref<1x128xi32, #tpu.memory_space<vmem>> -> memref<128xi32, #tpu.memory_space<vmem>>
      %dma_start3A_410 = arith.constant 0 : i32
      %dma_start3A_411 = arith.constant 0 : i32
      %dma_start3A_412 = tpu.memref_slice %arg2[%dma_start3A_410, %dma_start3A_411] : memref<10240x128xf32, #tpu.memory_space<hbm>> -> memref<10240x128xf32, #tpu.memory_space<hbm>>
      tpu.enqueue_indirect_dma source(%dma_start3A_412 : memref<10240x128xf32, #tpu.memory_space<hbm>>) target(%arg7 : memref<128x128xf32, #tpu.memory_space<vmem>>) offsets(%dma_start3A_409 : memref<128xi32, #tpu.memory_space<vmem>>) semaphore(%arg15 : memref<!tpu.dma_semaphore, #tpu.memory_space<semaphore_mem>>)
      %dma_wait3A_413 = arith.constant 3 : i32
      %dma_wait3A_414 = arith.constant 0 : i32
      %dma_wait3A_415 = tpu.memref_slice %arg9[%dma_wait3A_413, %dma_wait3A_414] : memref<8x128xi32, #tpu.memory_space<vmem>> -> memref<1x128xi32, #tpu.memory_space<vmem>>
      %dma_wait3A_416 = tpu.memref_squeeze %dma_wait3A_415 : memref<1x128xi32, #tpu.memory_space<vmem>> -> memref<128xi32, #tpu.memory_space<vmem>>
      %dma_wait3A_417 = arith.constant 0 : i32
      %dma_wait3A_418 = arith.constant 0 : i32
      %dma_wait3A_419 = tpu.memref_slice %arg2[%dma_wait3A_417, %dma_wait3A_418] : memref<10240x128xf32, #tpu.memory_space<hbm>> -> memref<10240x128xf32, #tpu.memory_space<hbm>>
      tpu.wait_indirect_dma semaphore(%arg16 : memref<!tpu.dma_semaphore, #tpu.memory_space<semaphore_mem>>) src(%dma_wait3A_419 : memref<10240x128xf32, #tpu.memory_space<hbm>>) dst(%arg8 : memref<128x128xf32, #tpu.memory_space<vmem>>)
      %dma_start3A_420 = arith.constant 3 : i32
      %dma_start3A_421 = arith.constant 0 : i32
      %dma_start3A_422 = tpu.memref_slice %arg11[%dma_start3A_420, %dma_start3A_421] : memref<8x128xi32, #tpu.memory_space<vmem>> -> memref<1x128xi32, #tpu.memory_space<vmem>>
      %dma_start3A_423 = tpu.memref_squeeze %dma_start3A_422 : memref<1x128xi32, #tpu.memory_space<vmem>> -> memref<128xi32, #tpu.memory_space<vmem>>
      %dma_start3A_424 = arith.constant 0 : i32
      %dma_start3A_425 = arith.constant 0 : i32
      %dma_start3A_426 = tpu.memref_slice %arg14[%dma_start3A_424, %dma_start3A_425] : memref<10240x128xf32, #tpu.memory_space<vmem_shared>> -> memref<10240x128xf32, #tpu.memory_space<vmem_shared>>
      tpu.enqueue_indirect_dma source(%arg8 : memref<128x128xf32, #tpu.memory_space<vmem>>) target(%dma_start3A_426 : memref<10240x128xf32, #tpu.memory_space<vmem_shared>>) offsets(%dma_start3A_423 : memref<128xi32, #tpu.memory_space<vmem>>) semaphore(%arg22 : memref<!tpu.dma_semaphore, #tpu.memory_space<semaphore_mem>>) {add = true}
      %broadcast_in_dim3A_427 = arith.constant 1 : i32
      %broadcast_in_dim3A_428 = vector.broadcast %broadcast_in_dim3A_427 : i32 to vector<16xi32>
      %get3A_429 = arith.constant 3 : i32
      %get3A_430 = arith.constant 0 : i32
      %get3A_431 = arith.index_cast %get3A_429 : i32 to index
      %get3A_432 = arith.index_cast %get3A_430 : i32 to index
      %get3A_433 = tpu.vector_load %arg11[%get3A_431, %get3A_432] {strides = array<i32>} : memref<8x128xi32, #tpu.memory_space<vmem>>, vector<16xi32>,
      tpu.vector_store_idx %arg13[%get3A_433], %broadcast_in_dim3A_428 {add = true} : memref<10240xi32, #tpu.memory_space<vmem>>[vector<16xi32>], vector<16xi32>,
      %get3A_434 = arith.constant 3 : i32
      %get3A_435 = arith.constant 16 : i32
      %get3A_436 = arith.index_cast %get3A_434 : i32 to index
      %get3A_437 = arith.index_cast %get3A_435 : i32 to index
      %get3A_438 = tpu.vector_load %arg11[%get3A_436, %get3A_437] {strides = array<i32>} : memref<8x128xi32, #tpu.memory_space<vmem>>, vector<16xi32>,
      tpu.vector_store_idx %arg13[%get3A_438], %broadcast_in_dim3A_428 {add = true} : memref<10240xi32, #tpu.memory_space<vmem>>[vector<16xi32>], vector<16xi32>,
      %get3A_439 = arith.constant 3 : i32
      %get3A_440 = arith.constant 32 : i32
      %get3A_441 = arith.index_cast %get3A_439 : i32 to index
      %get3A_442 = arith.index_cast %get3A_440 : i32 to index
      %get3A_443 = tpu.vector_load %arg11[%get3A_441, %get3A_442] {strides = array<i32>} : memref<8x128xi32, #tpu.memory_space<vmem>>, vector<16xi32>,
      tpu.vector_store_idx %arg13[%get3A_443], %broadcast_in_dim3A_428 {add = true} : memref<10240xi32, #tpu.memory_space<vmem>>[vector<16xi32>], vector<16xi32>,
      %get3A_444 = arith.constant 3 : i32
      %get3A_445 = arith.constant 48 : i32
      %get3A_446 = arith.index_cast %get3A_444 : i32 to index
      %get3A_447 = arith.index_cast %get3A_445 : i32 to index
      %get3A_448 = tpu.vector_load %arg11[%get3A_446, %get3A_447] {strides = array<i32>} : memref<8x128xi32, #tpu.memory_space<vmem>>, vector<16xi32>,
      tpu.vector_store_idx %arg13[%get3A_448], %broadcast_in_dim3A_428 {add = true} : memref<10240xi32, #tpu.memory_space<vmem>>[vector<16xi32>], vector<16xi32>,
      %get3A_449 = arith.constant 3 : i32
      %get3A_450 = arith.constant 64 : i32
      %get3A_451 = arith.index_cast %get3A_449 : i32 to index
      %get3A_452 = arith.index_cast %get3A_450 : i32 to index
      %get3A_453 = tpu.vector_load %arg11[%get3A_451, %get3A_452] {strides = array<i32>} : memref<8x128xi32, #tpu.memory_space<vmem>>, vector<16xi32>,
      tpu.vector_store_idx %arg13[%get3A_453], %broadcast_in_dim3A_428 {add = true} : memref<10240xi32, #tpu.memory_space<vmem>>[vector<16xi32>], vector<16xi32>,
      %get3A_454 = arith.constant 3 : i32
      %get3A_455 = arith.constant 80 : i32
      %get3A_456 = arith.index_cast %get3A_454 : i32 to index
      %get3A_457 = arith.index_cast %get3A_455 : i32 to index
      %get3A_458 = tpu.vector_load %arg11[%get3A_456, %get3A_457] {strides = array<i32>} : memref<8x128xi32, #tpu.memory_space<vmem>>, vector<16xi32>,
      tpu.vector_store_idx %arg13[%get3A_458], %broadcast_in_dim3A_428 {add = true} : memref<10240xi32, #tpu.memory_space<vmem>>[vector<16xi32>], vector<16xi32>,
      %get3A_459 = arith.constant 3 : i32
      %get3A_460 = arith.constant 96 : i32
      %get3A_461 = arith.index_cast %get3A_459 : i32 to index
      %get3A_462 = arith.index_cast %get3A_460 : i32 to index
      %get3A_463 = tpu.vector_load %arg11[%get3A_461, %get3A_462] {strides = array<i32>} : memref<8x128xi32, #tpu.memory_space<vmem>>, vector<16xi32>,
      tpu.vector_store_idx %arg13[%get3A_463], %broadcast_in_dim3A_428 {add = true} : memref<10240xi32, #tpu.memory_space<vmem>>[vector<16xi32>], vector<16xi32>,
      %get3A_464 = arith.constant 3 : i32
      %get3A_465 = arith.constant 112 : i32
      %get3A_466 = arith.index_cast %get3A_464 : i32 to index
      %get3A_467 = arith.index_cast %get3A_465 : i32 to index
      %get3A_468 = tpu.vector_load %arg11[%get3A_466, %get3A_467] {strides = array<i32>} : memref<8x128xi32, #tpu.memory_space<vmem>>, vector<16xi32>,
      tpu.vector_store_idx %arg13[%get3A_468], %broadcast_in_dim3A_428 {add = true} : memref<10240xi32, #tpu.memory_space<vmem>>[vector<16xi32>], vector<16xi32>,
      %dma_wait3A_469 = arith.constant 3 : i32
      %dma_wait3A_470 = arith.constant 0 : i32
      %dma_wait3A_471 = tpu.memref_slice %arg11[%dma_wait3A_469, %dma_wait3A_470] : memref<8x128xi32, #tpu.memory_space<vmem>> -> memref<1x128xi32, #tpu.memory_space<vmem>>
      %dma_wait3A_472 = tpu.memref_squeeze %dma_wait3A_471 : memref<1x128xi32, #tpu.memory_space<vmem>> -> memref<128xi32, #tpu.memory_space<vmem>>
      %dma_wait3A_473 = arith.constant 0 : i32
      %dma_wait3A_474 = arith.constant 0 : i32
      %dma_wait3A_475 = tpu.memref_slice %arg14[%dma_wait3A_473, %dma_wait3A_474] : memref<10240x128xf32, #tpu.memory_space<vmem_shared>> -> memref<10240x128xf32, #tpu.memory_space<vmem_shared>>
      tpu.wait_indirect_dma semaphore(%arg22 : memref<!tpu.dma_semaphore, #tpu.memory_space<semaphore_mem>>) src(%arg8 : memref<128x128xf32, #tpu.memory_space<vmem>>) dst(%dma_wait3A_475 : memref<10240x128xf32, #tpu.memory_space<vmem_shared>>)
      %dma_start3A_476 = arith.constant 5 : i32
      %dma_start3A_477 = arith.constant 0 : i32
      %dma_start3A_478 = tpu.memref_slice %arg9[%dma_start3A_476, %dma_start3A_477] : memref<8x128xi32, #tpu.memory_space<vmem>> -> memref<1x128xi32, #tpu.memory_space<vmem>>
      %dma_start3A_479 = tpu.memref_squeeze %dma_start3A_478 : memref<1x128xi32, #tpu.memory_space<vmem>> -> memref<128xi32, #tpu.memory_space<vmem>>
      %dma_start3A_480 = arith.constant 0 : i32
      %dma_start3A_481 = arith.constant 0 : i32
      %dma_start3A_482 = tpu.memref_slice %arg2[%dma_start3A_480, %dma_start3A_481] : memref<10240x128xf32, #tpu.memory_space<hbm>> -> memref<10240x128xf32, #tpu.memory_space<hbm>>
      tpu.enqueue_indirect_dma source(%dma_start3A_482 : memref<10240x128xf32, #tpu.memory_space<hbm>>) target(%arg8 : memref<128x128xf32, #tpu.memory_space<vmem>>) offsets(%dma_start3A_479 : memref<128xi32, #tpu.memory_space<vmem>>) semaphore(%arg16 : memref<!tpu.dma_semaphore, #tpu.memory_space<semaphore_mem>>)
      %dma_wait3A_483 = arith.constant 4 : i32
      %dma_wait3A_484 = arith.constant 0 : i32
      %dma_wait3A_485 = tpu.memref_slice %arg9[%dma_wait3A_483, %dma_wait3A_484] : memref<8x128xi32, #tpu.memory_space<vmem>> -> memref<1x128xi32, #tpu.memory_space<vmem>>
      %dma_wait3A_486 = tpu.memref_squeeze %dma_wait3A_485 : memref<1x128xi32, #tpu.memory_space<vmem>> -> memref<128xi32, #tpu.memory_space<vmem>>
      %dma_wait3A_487 = arith.constant 0 : i32
      %dma_wait3A_488 = arith.constant 0 : i32
      %dma_wait3A_489 = tpu.memref_slice %arg2[%dma_wait3A_487, %dma_wait3A_488] : memref<10240x128xf32, #tpu.memory_space<hbm>> -> memref<10240x128xf32, #tpu.memory_space<hbm>>
      tpu.wait_indirect_dma semaphore(%arg15 : memref<!tpu.dma_semaphore, #tpu.memory_space<semaphore_mem>>) src(%dma_wait3A_489 : memref<10240x128xf32, #tpu.memory_space<hbm>>) dst(%arg7 : memref<128x128xf32, #tpu.memory_space<vmem>>)
      %dma_start3A_490 = arith.constant 4 : i32
      %dma_start3A_491 = arith.constant 0 : i32
      %dma_start3A_492 = tpu.memref_slice %arg11[%dma_start3A_490, %dma_start3A_491] : memref<8x128xi32, #tpu.memory_space<vmem>> -> memref<1x128xi32, #tpu.memory_space<vmem>>
      %dma_start3A_493 = tpu.memref_squeeze %dma_start3A_492 : memref<1x128xi32, #tpu.memory_space<vmem>> -> memref<128xi32, #tpu.memory_space<vmem>>
      %dma_start3A_494 = arith.constant 0 : i32
      %dma_start3A_495 = arith.constant 0 : i32
      %dma_start3A_496 = tpu.memref_slice %arg14[%dma_start3A_494, %dma_start3A_495] : memref<10240x128xf32, #tpu.memory_space<vmem_shared>> -> memref<10240x128xf32, #tpu.memory_space<vmem_shared>>
      tpu.enqueue_indirect_dma source(%arg7 : memref<128x128xf32, #tpu.memory_space<vmem>>) target(%dma_start3A_496 : memref<10240x128xf32, #tpu.memory_space<vmem_shared>>) offsets(%dma_start3A_493 : memref<128xi32, #tpu.memory_space<vmem>>) semaphore(%arg21 : memref<!tpu.dma_semaphore, #tpu.memory_space<semaphore_mem>>) {add = true}
      %broadcast_in_dim3A_497 = arith.constant 1 : i32
      %broadcast_in_dim3A_498 = vector.broadcast %broadcast_in_dim3A_497 : i32 to vector<16xi32>
      %get3A_499 = arith.constant 4 : i32
      %get3A_500 = arith.constant 0 : i32
      %get3A_501 = arith.index_cast %get3A_499 : i32 to index
      %get3A_502 = arith.index_cast %get3A_500 : i32 to index
      %get3A_503 = tpu.vector_load %arg11[%get3A_501, %get3A_502] {strides = array<i32>} : memref<8x128xi32, #tpu.memory_space<vmem>>, vector<16xi32>,
      tpu.vector_store_idx %arg13[%get3A_503], %broadcast_in_dim3A_498 {add = true} : memref<10240xi32, #tpu.memory_space<vmem>>[vector<16xi32>], vector<16xi32>,
      %get3A_504 = arith.constant 4 : i32
      %get3A_505 = arith.constant 16 : i32
      %get3A_506 = arith.index_cast %get3A_504 : i32 to index
      %get3A_507 = arith.index_cast %get3A_505 : i32 to index
      %get3A_508 = tpu.vector_load %arg11[%get3A_506, %get3A_507] {strides = array<i32>} : memref<8x128xi32, #tpu.memory_space<vmem>>, vector<16xi32>,
      tpu.vector_store_idx %arg13[%get3A_508], %broadcast_in_dim3A_498 {add = true} : memref<10240xi32, #tpu.memory_space<vmem>>[vector<16xi32>], vector<16xi32>,
      %get3A_509 = arith.constant 4 : i32
      %get3A_510 = arith.constant 32 : i32
      %get3A_511 = arith.index_cast %get3A_509 : i32 to index
      %get3A_512 = arith.index_cast %get3A_510 : i32 to index
      %get3A_513 = tpu.vector_load %arg11[%get3A_511, %get3A_512] {strides = array<i32>} : memref<8x128xi32, #tpu.memory_space<vmem>>, vector<16xi32>,
      tpu.vector_store_idx %arg13[%get3A_513], %broadcast_in_dim3A_498 {add = true} : memref<10240xi32, #tpu.memory_space<vmem>>[vector<16xi32>], vector<16xi32>,
      %get3A_514 = arith.constant 4 : i32
      %get3A_515 = arith.constant 48 : i32
      %get3A_516 = arith.index_cast %get3A_514 : i32 to index
      %get3A_517 = arith.index_cast %get3A_515 : i32 to index
      %get3A_518 = tpu.vector_load %arg11[%get3A_516, %get3A_517] {strides = array<i32>} : memref<8x128xi32, #tpu.memory_space<vmem>>, vector<16xi32>,
      tpu.vector_store_idx %arg13[%get3A_518], %broadcast_in_dim3A_498 {add = true} : memref<10240xi32, #tpu.memory_space<vmem>>[vector<16xi32>], vector<16xi32>,
      %get3A_519 = arith.constant 4 : i32
      %get3A_520 = arith.constant 64 : i32
      %get3A_521 = arith.index_cast %get3A_519 : i32 to index
      %get3A_522 = arith.index_cast %get3A_520 : i32 to index
      %get3A_523 = tpu.vector_load %arg11[%get3A_521, %get3A_522] {strides = array<i32>} : memref<8x128xi32, #tpu.memory_space<vmem>>, vector<16xi32>,
      tpu.vector_store_idx %arg13[%get3A_523], %broadcast_in_dim3A_498 {add = true} : memref<10240xi32, #tpu.memory_space<vmem>>[vector<16xi32>], vector<16xi32>,
      %get3A_524 = arith.constant 4 : i32
      %get3A_525 = arith.constant 80 : i32
      %get3A_526 = arith.index_cast %get3A_524 : i32 to index
      %get3A_527 = arith.index_cast %get3A_525 : i32 to index
      %get3A_528 = tpu.vector_load %arg11[%get3A_526, %get3A_527] {strides = array<i32>} : memref<8x128xi32, #tpu.memory_space<vmem>>, vector<16xi32>,
      tpu.vector_store_idx %arg13[%get3A_528], %broadcast_in_dim3A_498 {add = true} : memref<10240xi32, #tpu.memory_space<vmem>>[vector<16xi32>], vector<16xi32>,
      %get3A_529 = arith.constant 4 : i32
      %get3A_530 = arith.constant 96 : i32
      %get3A_531 = arith.index_cast %get3A_529 : i32 to index
      %get3A_532 = arith.index_cast %get3A_530 : i32 to index
      %get3A_533 = tpu.vector_load %arg11[%get3A_531, %get3A_532] {strides = array<i32>} : memref<8x128xi32, #tpu.memory_space<vmem>>, vector<16xi32>,
      tpu.vector_store_idx %arg13[%get3A_533], %broadcast_in_dim3A_498 {add = true} : memref<10240xi32, #tpu.memory_space<vmem>>[vector<16xi32>], vector<16xi32>,
      %get3A_534 = arith.constant 4 : i32
      %get3A_535 = arith.constant 112 : i32
      %get3A_536 = arith.index_cast %get3A_534 : i32 to index
      %get3A_537 = arith.index_cast %get3A_535 : i32 to index
      %get3A_538 = tpu.vector_load %arg11[%get3A_536, %get3A_537] {strides = array<i32>} : memref<8x128xi32, #tpu.memory_space<vmem>>, vector<16xi32>,
      tpu.vector_store_idx %arg13[%get3A_538], %broadcast_in_dim3A_498 {add = true} : memref<10240xi32, #tpu.memory_space<vmem>>[vector<16xi32>], vector<16xi32>,
      %dma_wait3A_539 = arith.constant 4 : i32
      %dma_wait3A_540 = arith.constant 0 : i32
      %dma_wait3A_541 = tpu.memref_slice %arg11[%dma_wait3A_539, %dma_wait3A_540] : memref<8x128xi32, #tpu.memory_space<vmem>> -> memref<1x128xi32, #tpu.memory_space<vmem>>
      %dma_wait3A_542 = tpu.memref_squeeze %dma_wait3A_541 : memref<1x128xi32, #tpu.memory_space<vmem>> -> memref<128xi32, #tpu.memory_space<vmem>>
      %dma_wait3A_543 = arith.constant 0 : i32
      %dma_wait3A_544 = arith.constant 0 : i32
      %dma_wait3A_545 = tpu.memref_slice %arg14[%dma_wait3A_543, %dma_wait3A_544] : memref<10240x128xf32, #tpu.memory_space<vmem_shared>> -> memref<10240x128xf32, #tpu.memory_space<vmem_shared>>
      tpu.wait_indirect_dma semaphore(%arg21 : memref<!tpu.dma_semaphore, #tpu.memory_space<semaphore_mem>>) src(%arg7 : memref<128x128xf32, #tpu.memory_space<vmem>>) dst(%dma_wait3A_545 : memref<10240x128xf32, #tpu.memory_space<vmem_shared>>)
      %dma_start3A_546 = arith.constant 6 : i32
      %dma_start3A_547 = arith.constant 0 : i32
      %dma_start3A_548 = tpu.memref_slice %arg9[%dma_start3A_546, %dma_start3A_547] : memref<8x128xi32, #tpu.memory_space<vmem>> -> memref<1x128xi32, #tpu.memory_space<vmem>>
      %dma_start3A_549 = tpu.memref_squeeze %dma_start3A_548 : memref<1x128xi32, #tpu.memory_space<vmem>> -> memref<128xi32, #tpu.memory_space<vmem>>
      %dma_start3A_550 = arith.constant 0 : i32
      %dma_start3A_551 = arith.constant 0 : i32
      %dma_start3A_552 = tpu.memref_slice %arg2[%dma_start3A_550, %dma_start3A_551] : memref<10240x128xf32, #tpu.memory_space<hbm>> -> memref<10240x128xf32, #tpu.memory_space<hbm>>
      tpu.enqueue_indirect_dma source(%dma_start3A_552 : memref<10240x128xf32, #tpu.memory_space<hbm>>) target(%arg7 : memref<128x128xf32, #tpu.memory_space<vmem>>) offsets(%dma_start3A_549 : memref<128xi32, #tpu.memory_space<vmem>>) semaphore(%arg15 : memref<!tpu.dma_semaphore, #tpu.memory_space<semaphore_mem>>)
      %dma_wait3A_553 = arith.constant 5 : i32
      %dma_wait3A_554 = arith.constant 0 : i32
      %dma_wait3A_555 = tpu.memref_slice %arg9[%dma_wait3A_553, %dma_wait3A_554] : memref<8x128xi32, #tpu.memory_space<vmem>> -> memref<1x128xi32, #tpu.memory_space<vmem>>
      %dma_wait3A_556 = tpu.memref_squeeze %dma_wait3A_555 : memref<1x128xi32, #tpu.memory_space<vmem>> -> memref<128xi32, #tpu.memory_space<vmem>>
      %dma_wait3A_557 = arith.constant 0 : i32
      %dma_wait3A_558 = arith.constant 0 : i32
      %dma_wait3A_559 = tpu.memref_slice %arg2[%dma_wait3A_557, %dma_wait3A_558] : memref<10240x128xf32, #tpu.memory_space<hbm>> -> memref<10240x128xf32, #tpu.memory_space<hbm>>
      tpu.wait_indirect_dma semaphore(%arg16 : memref<!tpu.dma_semaphore, #tpu.memory_space<semaphore_mem>>) src(%dma_wait3A_559 : memref<10240x128xf32, #tpu.memory_space<hbm>>) dst(%arg8 : memref<128x128xf32, #tpu.memory_space<vmem>>)
      %dma_start3A_560 = arith.constant 5 : i32
      %dma_start3A_561 = arith.constant 0 : i32
      %dma_start3A_562 = tpu.memref_slice %arg11[%dma_start3A_560, %dma_start3A_561] : memref<8x128xi32, #tpu.memory_space<vmem>> -> memref<1x128xi32, #tpu.memory_space<vmem>>
      %dma_start3A_563 = tpu.memref_squeeze %dma_start3A_562 : memref<1x128xi32, #tpu.memory_space<vmem>> -> memref<128xi32, #tpu.memory_space<vmem>>
      %dma_start3A_564 = arith.constant 0 : i32
      %dma_start3A_565 = arith.constant 0 : i32
      %dma_start3A_566 = tpu.memref_slice %arg14[%dma_start3A_564, %dma_start3A_565] : memref<10240x128xf32, #tpu.memory_space<vmem_shared>> -> memref<10240x128xf32, #tpu.memory_space<vmem_shared>>
      tpu.enqueue_indirect_dma source(%arg8 : memref<128x128xf32, #tpu.memory_space<vmem>>) target(%dma_start3A_566 : memref<10240x128xf32, #tpu.memory_space<vmem_shared>>) offsets(%dma_start3A_563 : memref<128xi32, #tpu.memory_space<vmem>>) semaphore(%arg22 : memref<!tpu.dma_semaphore, #tpu.memory_space<semaphore_mem>>) {add = true}
      %broadcast_in_dim3A_567 = arith.constant 1 : i32
      %broadcast_in_dim3A_568 = vector.broadcast %broadcast_in_dim3A_567 : i32 to vector<16xi32>
      %get3A_569 = arith.constant 5 : i32
      %get3A_570 = arith.constant 0 : i32
      %get3A_571 = arith.index_cast %get3A_569 : i32 to index
      %get3A_572 = arith.index_cast %get3A_570 : i32 to index
      %get3A_573 = tpu.vector_load %arg11[%get3A_571, %get3A_572] {strides = array<i32>} : memref<8x128xi32, #tpu.memory_space<vmem>>, vector<16xi32>,
      tpu.vector_store_idx %arg13[%get3A_573], %broadcast_in_dim3A_568 {add = true} : memref<10240xi32, #tpu.memory_space<vmem>>[vector<16xi32>], vector<16xi32>,
      %get3A_574 = arith.constant 5 : i32
      %get3A_575 = arith.constant 16 : i32
      %get3A_576 = arith.index_cast %get3A_574 : i32 to index
      %get3A_577 = arith.index_cast %get3A_575 : i32 to index
      %get3A_578 = tpu.vector_load %arg11[%get3A_576, %get3A_577] {strides = array<i32>} : memref<8x128xi32, #tpu.memory_space<vmem>>, vector<16xi32>,
      tpu.vector_store_idx %arg13[%get3A_578], %broadcast_in_dim3A_568 {add = true} : memref<10240xi32, #tpu.memory_space<vmem>>[vector<16xi32>], vector<16xi32>,
      %get3A_579 = arith.constant 5 : i32
      %get3A_580 = arith.constant 32 : i32
      %get3A_581 = arith.index_cast %get3A_579 : i32 to index
      %get3A_582 = arith.index_cast %get3A_580 : i32 to index
      %get3A_583 = tpu.vector_load %arg11[%get3A_581, %get3A_582] {strides = array<i32>} : memref<8x128xi32, #tpu.memory_space<vmem>>, vector<16xi32>,
      tpu.vector_store_idx %arg13[%get3A_583], %broadcast_in_dim3A_568 {add = true} : memref<10240xi32, #tpu.memory_space<vmem>>[vector<16xi32>], vector<16xi32>,
      %get3A_584 = arith.constant 5 : i32
      %get3A_585 = arith.constant 48 : i32
      %get3A_586 = arith.index_cast %get3A_584 : i32 to index
      %get3A_587 = arith.index_cast %get3A_585 : i32 to index
      %get3A_588 = tpu.vector_load %arg11[%get3A_586, %get3A_587] {strides = array<i32>} : memref<8x128xi32, #tpu.memory_space<vmem>>, vector<16xi32>,
      tpu.vector_store_idx %arg13[%get3A_588], %broadcast_in_dim3A_568 {add = true} : memref<10240xi32, #tpu.memory_space<vmem>>[vector<16xi32>], vector<16xi32>,
      %get3A_589 = arith.constant 5 : i32
      %get3A_590 = arith.constant 64 : i32
      %get3A_591 = arith.index_cast %get3A_589 : i32 to index
      %get3A_592 = arith.index_cast %get3A_590 : i32 to index
      %get3A_593 = tpu.vector_load %arg11[%get3A_591, %get3A_592] {strides = array<i32>} : memref<8x128xi32, #tpu.memory_space<vmem>>, vector<16xi32>,
      tpu.vector_store_idx %arg13[%get3A_593], %broadcast_in_dim3A_568 {add = true} : memref<10240xi32, #tpu.memory_space<vmem>>[vector<16xi32>], vector<16xi32>,
      %get3A_594 = arith.constant 5 : i32
      %get3A_595 = arith.constant 80 : i32
      %get3A_596 = arith.index_cast %get3A_594 : i32 to index
      %get3A_597 = arith.index_cast %get3A_595 : i32 to index
      %get3A_598 = tpu.vector_load %arg11[%get3A_596, %get3A_597] {strides = array<i32>} : memref<8x128xi32, #tpu.memory_space<vmem>>, vector<16xi32>,
      tpu.vector_store_idx %arg13[%get3A_598], %broadcast_in_dim3A_568 {add = true} : memref<10240xi32, #tpu.memory_space<vmem>>[vector<16xi32>], vector<16xi32>,
      %get3A_599 = arith.constant 5 : i32
      %get3A_600 = arith.constant 96 : i32
      %get3A_601 = arith.index_cast %get3A_599 : i32 to index
      %get3A_602 = arith.index_cast %get3A_600 : i32 to index
      %get3A_603 = tpu.vector_load %arg11[%get3A_601, %get3A_602] {strides = array<i32>} : memref<8x128xi32, #tpu.memory_space<vmem>>, vector<16xi32>,
      tpu.vector_store_idx %arg13[%get3A_603], %broadcast_in_dim3A_568 {add = true} : memref<10240xi32, #tpu.memory_space<vmem>>[vector<16xi32>], vector<16xi32>,
      %get3A_604 = arith.constant 5 : i32
      %get3A_605 = arith.constant 112 : i32
      %get3A_606 = arith.index_cast %get3A_604 : i32 to index
      %get3A_607 = arith.index_cast %get3A_605 : i32 to index
      %get3A_608 = tpu.vector_load %arg11[%get3A_606, %get3A_607] {strides = array<i32>} : memref<8x128xi32, #tpu.memory_space<vmem>>, vector<16xi32>,
      tpu.vector_store_idx %arg13[%get3A_608], %broadcast_in_dim3A_568 {add = true} : memref<10240xi32, #tpu.memory_space<vmem>>[vector<16xi32>], vector<16xi32>,
      %dma_wait3A_609 = arith.constant 5 : i32
      %dma_wait3A_610 = arith.constant 0 : i32
      %dma_wait3A_611 = tpu.memref_slice %arg11[%dma_wait3A_609, %dma_wait3A_610] : memref<8x128xi32, #tpu.memory_space<vmem>> -> memref<1x128xi32, #tpu.memory_space<vmem>>
      %dma_wait3A_612 = tpu.memref_squeeze %dma_wait3A_611 : memref<1x128xi32, #tpu.memory_space<vmem>> -> memref<128xi32, #tpu.memory_space<vmem>>
      %dma_wait3A_613 = arith.constant 0 : i32
      %dma_wait3A_614 = arith.constant 0 : i32
      %dma_wait3A_615 = tpu.memref_slice %arg14[%dma_wait3A_613, %dma_wait3A_614] : memref<10240x128xf32, #tpu.memory_space<vmem_shared>> -> memref<10240x128xf32, #tpu.memory_space<vmem_shared>>
      tpu.wait_indirect_dma semaphore(%arg22 : memref<!tpu.dma_semaphore, #tpu.memory_space<semaphore_mem>>) src(%arg8 : memref<128x128xf32, #tpu.memory_space<vmem>>) dst(%dma_wait3A_615 : memref<10240x128xf32, #tpu.memory_space<vmem_shared>>)
      %dma_start3A_616 = arith.constant 7 : i32
      %dma_start3A_617 = arith.constant 0 : i32
      %dma_start3A_618 = tpu.memref_slice %arg9[%dma_start3A_616, %dma_start3A_617] : memref<8x128xi32, #tpu.memory_space<vmem>> -> memref<1x128xi32, #tpu.memory_space<vmem>>
      %dma_start3A_619 = tpu.memref_squeeze %dma_start3A_618 : memref<1x128xi32, #tpu.memory_space<vmem>> -> memref<128xi32, #tpu.memory_space<vmem>>
      %dma_start3A_620 = arith.constant 0 : i32
      %dma_start3A_621 = arith.constant 0 : i32
      %dma_start3A_622 = tpu.memref_slice %arg2[%dma_start3A_620, %dma_start3A_621] : memref<10240x128xf32, #tpu.memory_space<hbm>> -> memref<10240x128xf32, #tpu.memory_space<hbm>>
      tpu.enqueue_indirect_dma source(%dma_start3A_622 : memref<10240x128xf32, #tpu.memory_space<hbm>>) target(%arg8 : memref<128x128xf32, #tpu.memory_space<vmem>>) offsets(%dma_start3A_619 : memref<128xi32, #tpu.memory_space<vmem>>) semaphore(%arg16 : memref<!tpu.dma_semaphore, #tpu.memory_space<semaphore_mem>>)
      %dma_wait3A_623 = arith.constant 6 : i32
      %dma_wait3A_624 = arith.constant 0 : i32
      %dma_wait3A_625 = tpu.memref_slice %arg9[%dma_wait3A_623, %dma_wait3A_624] : memref<8x128xi32, #tpu.memory_space<vmem>> -> memref<1x128xi32, #tpu.memory_space<vmem>>
      %dma_wait3A_626 = tpu.memref_squeeze %dma_wait3A_625 : memref<1x128xi32, #tpu.memory_space<vmem>> -> memref<128xi32, #tpu.memory_space<vmem>>
      %dma_wait3A_627 = arith.constant 0 : i32
      %dma_wait3A_628 = arith.constant 0 : i32
      %dma_wait3A_629 = tpu.memref_slice %arg2[%dma_wait3A_627, %dma_wait3A_628] : memref<10240x128xf32, #tpu.memory_space<hbm>> -> memref<10240x128xf32, #tpu.memory_space<hbm>>
      tpu.wait_indirect_dma semaphore(%arg15 : memref<!tpu.dma_semaphore, #tpu.memory_space<semaphore_mem>>) src(%dma_wait3A_629 : memref<10240x128xf32, #tpu.memory_space<hbm>>) dst(%arg7 : memref<128x128xf32, #tpu.memory_space<vmem>>)
      %dma_start3A_630 = arith.constant 6 : i32
      %dma_start3A_631 = arith.constant 0 : i32
      %dma_start3A_632 = tpu.memref_slice %arg11[%dma_start3A_630, %dma_start3A_631] : memref<8x128xi32, #tpu.memory_space<vmem>> -> memref<1x128xi32, #tpu.memory_space<vmem>>
      %dma_start3A_633 = tpu.memref_squeeze %dma_start3A_632 : memref<1x128xi32, #tpu.memory_space<vmem>> -> memref<128xi32, #tpu.memory_space<vmem>>
      %dma_start3A_634 = arith.constant 0 : i32
      %dma_start3A_635 = arith.constant 0 : i32
      %dma_start3A_636 = tpu.memref_slice %arg14[%dma_start3A_634, %dma_start3A_635] : memref<10240x128xf32, #tpu.memory_space<vmem_shared>> -> memref<10240x128xf32, #tpu.memory_space<vmem_shared>>
      tpu.enqueue_indirect_dma source(%arg7 : memref<128x128xf32, #tpu.memory_space<vmem>>) target(%dma_start3A_636 : memref<10240x128xf32, #tpu.memory_space<vmem_shared>>) offsets(%dma_start3A_633 : memref<128xi32, #tpu.memory_space<vmem>>) semaphore(%arg21 : memref<!tpu.dma_semaphore, #tpu.memory_space<semaphore_mem>>) {add = true}
      %broadcast_in_dim3A_637 = arith.constant 1 : i32
      %broadcast_in_dim3A_638 = vector.broadcast %broadcast_in_dim3A_637 : i32 to vector<16xi32>
      %get3A_639 = arith.constant 6 : i32
      %get3A_640 = arith.constant 0 : i32
      %get3A_641 = arith.index_cast %get3A_639 : i32 to index
      %get3A_642 = arith.index_cast %get3A_640 : i32 to index
      %get3A_643 = tpu.vector_load %arg11[%get3A_641, %get3A_642] {strides = array<i32>} : memref<8x128xi32, #tpu.memory_space<vmem>>, vector<16xi32>,
      tpu.vector_store_idx %arg13[%get3A_643], %broadcast_in_dim3A_638 {add = true} : memref<10240xi32, #tpu.memory_space<vmem>>[vector<16xi32>], vector<16xi32>,
      %get3A_644 = arith.constant 6 : i32
      %get3A_645 = arith.constant 16 : i32
      %get3A_646 = arith.index_cast %get3A_644 : i32 to index
      %get3A_647 = arith.index_cast %get3A_645 : i32 to index
      %get3A_648 = tpu.vector_load %arg11[%get3A_646, %get3A_647] {strides = array<i32>} : memref<8x128xi32, #tpu.memory_space<vmem>>, vector<16xi32>,
      tpu.vector_store_idx %arg13[%get3A_648], %broadcast_in_dim3A_638 {add = true} : memref<10240xi32, #tpu.memory_space<vmem>>[vector<16xi32>], vector<16xi32>,
      %get3A_649 = arith.constant 6 : i32
      %get3A_650 = arith.constant 32 : i32
      %get3A_651 = arith.index_cast %get3A_649 : i32 to index
      %get3A_652 = arith.index_cast %get3A_650 : i32 to index
      %get3A_653 = tpu.vector_load %arg11[%get3A_651, %get3A_652] {strides = array<i32>} : memref<8x128xi32, #tpu.memory_space<vmem>>, vector<16xi32>,
      tpu.vector_store_idx %arg13[%get3A_653], %broadcast_in_dim3A_638 {add = true} : memref<10240xi32, #tpu.memory_space<vmem>>[vector<16xi32>], vector<16xi32>,
      %get3A_654 = arith.constant 6 : i32
      %get3A_655 = arith.constant 48 : i32
      %get3A_656 = arith.index_cast %get3A_654 : i32 to index
      %get3A_657 = arith.index_cast %get3A_655 : i32 to index
      %get3A_658 = tpu.vector_load %arg11[%get3A_656, %get3A_657] {strides = array<i32>} : memref<8x128xi32, #tpu.memory_space<vmem>>, vector<16xi32>,
      tpu.vector_store_idx %arg13[%get3A_658], %broadcast_in_dim3A_638 {add = true} : memref<10240xi32, #tpu.memory_space<vmem>>[vector<16xi32>], vector<16xi32>,
      %get3A_659 = arith.constant 6 : i32
      %get3A_660 = arith.constant 64 : i32
      %get3A_661 = arith.index_cast %get3A_659 : i32 to index
      %get3A_662 = arith.index_cast %get3A_660 : i32 to index
      %get3A_663 = tpu.vector_load %arg11[%get3A_661, %get3A_662] {strides = array<i32>} : memref<8x128xi32, #tpu.memory_space<vmem>>, vector<16xi32>,
      tpu.vector_store_idx %arg13[%get3A_663], %broadcast_in_dim3A_638 {add = true} : memref<10240xi32, #tpu.memory_space<vmem>>[vector<16xi32>], vector<16xi32>,
      %get3A_664 = arith.constant 6 : i32
      %get3A_665 = arith.constant 80 : i32
      %get3A_666 = arith.index_cast %get3A_664 : i32 to index
      %get3A_667 = arith.index_cast %get3A_665 : i32 to index
      %get3A_668 = tpu.vector_load %arg11[%get3A_666, %get3A_667] {strides = array<i32>} : memref<8x128xi32, #tpu.memory_space<vmem>>, vector<16xi32>,
      tpu.vector_store_idx %arg13[%get3A_668], %broadcast_in_dim3A_638 {add = true} : memref<10240xi32, #tpu.memory_space<vmem>>[vector<16xi32>], vector<16xi32>,
      %get3A_669 = arith.constant 6 : i32
      %get3A_670 = arith.constant 96 : i32
      %get3A_671 = arith.index_cast %get3A_669 : i32 to index
      %get3A_672 = arith.index_cast %get3A_670 : i32 to index
      %get3A_673 = tpu.vector_load %arg11[%get3A_671, %get3A_672] {strides = array<i32>} : memref<8x128xi32, #tpu.memory_space<vmem>>, vector<16xi32>,
      tpu.vector_store_idx %arg13[%get3A_673], %broadcast_in_dim3A_638 {add = true} : memref<10240xi32, #tpu.memory_space<vmem>>[vector<16xi32>], vector<16xi32>,
      %get3A_674 = arith.constant 6 : i32
      %get3A_675 = arith.constant 112 : i32
      %get3A_676 = arith.index_cast %get3A_674 : i32 to index
      %get3A_677 = arith.index_cast %get3A_675 : i32 to index
      %get3A_678 = tpu.vector_load %arg11[%get3A_676, %get3A_677] {strides = array<i32>} : memref<8x128xi32, #tpu.memory_space<vmem>>, vector<16xi32>,
      tpu.vector_store_idx %arg13[%get3A_678], %broadcast_in_dim3A_638 {add = true} : memref<10240xi32, #tpu.memory_space<vmem>>[vector<16xi32>], vector<16xi32>,
      %dma_wait3A_679 = arith.constant 6 : i32
      %dma_wait3A_680 = arith.constant 0 : i32
      %dma_wait3A_681 = tpu.memref_slice %arg11[%dma_wait3A_679, %dma_wait3A_680] : memref<8x128xi32, #tpu.memory_space<vmem>> -> memref<1x128xi32, #tpu.memory_space<vmem>>
      %dma_wait3A_682 = tpu.memref_squeeze %dma_wait3A_681 : memref<1x128xi32, #tpu.memory_space<vmem>> -> memref<128xi32, #tpu.memory_space<vmem>>
      %dma_wait3A_683 = arith.constant 0 : i32
      %dma_wait3A_684 = arith.constant 0 : i32
      %dma_wait3A_685 = tpu.memref_slice %arg14[%dma_wait3A_683, %dma_wait3A_684] : memref<10240x128xf32, #tpu.memory_space<vmem_shared>> -> memref<10240x128xf32, #tpu.memory_space<vmem_shared>>
      tpu.wait_indirect_dma semaphore(%arg21 : memref<!tpu.dma_semaphore, #tpu.memory_space<semaphore_mem>>) src(%arg7 : memref<128x128xf32, #tpu.memory_space<vmem>>) dst(%dma_wait3A_685 : memref<10240x128xf32, #tpu.memory_space<vmem_shared>>)
      %dma_wait3A_686 = arith.constant 0 : i32
      %dma_wait3A_687 = arith.constant 0 : i32
      %dma_wait3A_688 = tpu.memref_slice %arg3[%dma_wait3A_686, %dma_wait3A_687] : memref<2576x128xi32, #tpu.memory_space<hbm>> -> memref<8x128xi32, #tpu.memory_space<hbm>>
      %dma_wait3A_689 = arith.constant 0 : i32
      %dma_wait3A_690 = arith.constant 0 : i32
      %dma_wait3A_691 = tpu.memref_slice %arg3[%dma_wait3A_689, %dma_wait3A_690] : memref<2576x128xi32, #tpu.memory_space<hbm>> -> memref<8x128xi32, #tpu.memory_space<hbm>>
      tpu.wait_dma2 semaphore(%arg18 : memref<!tpu.dma_semaphore, #tpu.memory_space<semaphore_mem>>) src(%dma_wait3A_691 : memref<8x128xi32, #tpu.memory_space<hbm>>) dst(%arg10 : memref<8x128xi32, #tpu.memory_space<vmem>>)
      %dma_wait3A_692 = arith.constant 0 : i32
      %dma_wait3A_693 = arith.constant 0 : i32
      %dma_wait3A_694 = tpu.memref_slice %arg4[%dma_wait3A_692, %dma_wait3A_693] : memref<2576x128xi32, #tpu.memory_space<hbm>> -> memref<8x128xi32, #tpu.memory_space<hbm>>
      %dma_wait3A_695 = arith.constant 0 : i32
      %dma_wait3A_696 = arith.constant 0 : i32
      %dma_wait3A_697 = tpu.memref_slice %arg4[%dma_wait3A_695, %dma_wait3A_696] : memref<2576x128xi32, #tpu.memory_space<hbm>> -> memref<8x128xi32, #tpu.memory_space<hbm>>
      tpu.wait_dma2 semaphore(%arg20 : memref<!tpu.dma_semaphore, #tpu.memory_space<semaphore_mem>>) src(%dma_wait3A_697 : memref<8x128xi32, #tpu.memory_space<hbm>>) dst(%arg12 : memref<8x128xi32, #tpu.memory_space<vmem>>)
      %dma_start3A_698 = arith.constant 0 : i32
      %dma_start3A_699 = arith.constant 0 : i32
      %dma_start3A_700 = tpu.memref_slice %arg10[%dma_start3A_698, %dma_start3A_699] : memref<8x128xi32, #tpu.memory_space<vmem>> -> memref<1x128xi32, #tpu.memory_space<vmem>>
      %dma_start3A_701 = tpu.memref_squeeze %dma_start3A_700 : memref<1x128xi32, #tpu.memory_space<vmem>> -> memref<128xi32, #tpu.memory_space<vmem>>
      %dma_start3A_702 = arith.constant 0 : i32
      %dma_start3A_703 = arith.constant 0 : i32
      %dma_start3A_704 = tpu.memref_slice %arg2[%dma_start3A_702, %dma_start3A_703] : memref<10240x128xf32, #tpu.memory_space<hbm>> -> memref<10240x128xf32, #tpu.memory_space<hbm>>
      tpu.enqueue_indirect_dma source(%dma_start3A_704 : memref<10240x128xf32, #tpu.memory_space<hbm>>) target(%arg7 : memref<128x128xf32, #tpu.memory_space<vmem>>) offsets(%dma_start3A_701 : memref<128xi32, #tpu.memory_space<vmem>>) semaphore(%arg15 : memref<!tpu.dma_semaphore, #tpu.memory_space<semaphore_mem>>)
      %dma_wait3A_705 = arith.constant 7 : i32
      %dma_wait3A_706 = arith.constant 0 : i32
      %dma_wait3A_707 = tpu.memref_slice %arg9[%dma_wait3A_705, %dma_wait3A_706] : memref<8x128xi32, #tpu.memory_space<vmem>> -> memref<1x128xi32, #tpu.memory_space<vmem>>
      %dma_wait3A_708 = tpu.memref_squeeze %dma_wait3A_707 : memref<1x128xi32, #tpu.memory_space<vmem>> -> memref<128xi32, #tpu.memory_space<vmem>>
      %dma_wait3A_709 = arith.constant 0 : i32
      %dma_wait3A_710 = arith.constant 0 : i32
      %dma_wait3A_711 = tpu.memref_slice %arg2[%dma_wait3A_709, %dma_wait3A_710] : memref<10240x128xf32, #tpu.memory_space<hbm>> -> memref<10240x128xf32, #tpu.memory_space<hbm>>
      tpu.wait_indirect_dma semaphore(%arg16 : memref<!tpu.dma_semaphore, #tpu.memory_space<semaphore_mem>>) src(%dma_wait3A_711 : memref<10240x128xf32, #tpu.memory_space<hbm>>) dst(%arg8 : memref<128x128xf32, #tpu.memory_space<vmem>>)
      %dma_start3A_712 = arith.constant 7 : i32
      %dma_start3A_713 = arith.constant 0 : i32
      %dma_start3A_714 = tpu.memref_slice %arg11[%dma_start3A_712, %dma_start3A_713] : memref<8x128xi32, #tpu.memory_space<vmem>> -> memref<1x128xi32, #tpu.memory_space<vmem>>
      %dma_start3A_715 = tpu.memref_squeeze %dma_start3A_714 : memref<1x128xi32, #tpu.memory_space<vmem>> -> memref<128xi32, #tpu.memory_space<vmem>>
      %dma_start3A_716 = arith.constant 0 : i32
      %dma_start3A_717 = arith.constant 0 : i32
      %dma_start3A_718 = tpu.memref_slice %arg14[%dma_start3A_716, %dma_start3A_717] : memref<10240x128xf32, #tpu.memory_space<vmem_shared>> -> memref<10240x128xf32, #tpu.memory_space<vmem_shared>>
      tpu.enqueue_indirect_dma source(%arg8 : memref<128x128xf32, #tpu.memory_space<vmem>>) target(%dma_start3A_718 : memref<10240x128xf32, #tpu.memory_space<vmem_shared>>) offsets(%dma_start3A_715 : memref<128xi32, #tpu.memory_space<vmem>>) semaphore(%arg22 : memref<!tpu.dma_semaphore, #tpu.memory_space<semaphore_mem>>) {add = true}
      %broadcast_in_dim3A_719 = arith.constant 1 : i32
      %broadcast_in_dim3A_720 = vector.broadcast %broadcast_in_dim3A_719 : i32 to vector<16xi32>
      %get3A_721 = arith.constant 7 : i32
      %get3A_722 = arith.constant 0 : i32
      %get3A_723 = arith.index_cast %get3A_721 : i32 to index
      %get3A_724 = arith.index_cast %get3A_722 : i32 to index
      %get3A_725 = tpu.vector_load %arg11[%get3A_723, %get3A_724] {strides = array<i32>} : memref<8x128xi32, #tpu.memory_space<vmem>>, vector<16xi32>,
      tpu.vector_store_idx %arg13[%get3A_725], %broadcast_in_dim3A_720 {add = true} : memref<10240xi32, #tpu.memory_space<vmem>>[vector<16xi32>], vector<16xi32>,
      %get3A_726 = arith.constant 7 : i32
      %get3A_727 = arith.constant 16 : i32
      %get3A_728 = arith.index_cast %get3A_726 : i32 to index
      %get3A_729 = arith.index_cast %get3A_727 : i32 to index
      %get3A_730 = tpu.vector_load %arg11[%get3A_728, %get3A_729] {strides = array<i32>} : memref<8x128xi32, #tpu.memory_space<vmem>>, vector<16xi32>,
      tpu.vector_store_idx %arg13[%get3A_730], %broadcast_in_dim3A_720 {add = true} : memref<10240xi32, #tpu.memory_space<vmem>>[vector<16xi32>], vector<16xi32>,
      %get3A_731 = arith.constant 7 : i32
      %get3A_732 = arith.constant 32 : i32
      %get3A_733 = arith.index_cast %get3A_731 : i32 to index
      %get3A_734 = arith.index_cast %get3A_732 : i32 to index
      %get3A_735 = tpu.vector_load %arg11[%get3A_733, %get3A_734] {strides = array<i32>} : memref<8x128xi32, #tpu.memory_space<vmem>>, vector<16xi32>,
      tpu.vector_store_idx %arg13[%get3A_735], %broadcast_in_dim3A_720 {add = true} : memref<10240xi32, #tpu.memory_space<vmem>>[vector<16xi32>], vector<16xi32>,
      %get3A_736 = arith.constant 7 : i32
      %get3A_737 = arith.constant 48 : i32
      %get3A_738 = arith.index_cast %get3A_736 : i32 to index
      %get3A_739 = arith.index_cast %get3A_737 : i32 to index
      %get3A_740 = tpu.vector_load %arg11[%get3A_738, %get3A_739] {strides = array<i32>} : memref<8x128xi32, #tpu.memory_space<vmem>>, vector<16xi32>,
      tpu.vector_store_idx %arg13[%get3A_740], %broadcast_in_dim3A_720 {add = true} : memref<10240xi32, #tpu.memory_space<vmem>>[vector<16xi32>], vector<16xi32>,
      %get3A_741 = arith.constant 7 : i32
      %get3A_742 = arith.constant 64 : i32
      %get3A_743 = arith.index_cast %get3A_741 : i32 to index
      %get3A_744 = arith.index_cast %get3A_742 : i32 to index
      %get3A_745 = tpu.vector_load %arg11[%get3A_743, %get3A_744] {strides = array<i32>} : memref<8x128xi32, #tpu.memory_space<vmem>>, vector<16xi32>,
      tpu.vector_store_idx %arg13[%get3A_745], %broadcast_in_dim3A_720 {add = true} : memref<10240xi32, #tpu.memory_space<vmem>>[vector<16xi32>], vector<16xi32>,
      %get3A_746 = arith.constant 7 : i32
      %get3A_747 = arith.constant 80 : i32
      %get3A_748 = arith.index_cast %get3A_746 : i32 to index
      %get3A_749 = arith.index_cast %get3A_747 : i32 to index
      %get3A_750 = tpu.vector_load %arg11[%get3A_748, %get3A_749] {strides = array<i32>} : memref<8x128xi32, #tpu.memory_space<vmem>>, vector<16xi32>,
      tpu.vector_store_idx %arg13[%get3A_750], %broadcast_in_dim3A_720 {add = true} : memref<10240xi32, #tpu.memory_space<vmem>>[vector<16xi32>], vector<16xi32>,
      %get3A_751 = arith.constant 7 : i32
      %get3A_752 = arith.constant 96 : i32
      %get3A_753 = arith.index_cast %get3A_751 : i32 to index
      %get3A_754 = arith.index_cast %get3A_752 : i32 to index
      %get3A_755 = tpu.vector_load %arg11[%get3A_753, %get3A_754] {strides = array<i32>} : memref<8x128xi32, #tpu.memory_space<vmem>>, vector<16xi32>,
      tpu.vector_store_idx %arg13[%get3A_755], %broadcast_in_dim3A_720 {add = true} : memref<10240xi32, #tpu.memory_space<vmem>>[vector<16xi32>], vector<16xi32>,
      %get3A_756 = arith.constant 7 : i32
      %get3A_757 = arith.constant 112 : i32
      %get3A_758 = arith.index_cast %get3A_756 : i32 to index
      %get3A_759 = arith.index_cast %get3A_757 : i32 to index
      %get3A_760 = tpu.vector_load %arg11[%get3A_758, %get3A_759] {strides = array<i32>} : memref<8x128xi32, #tpu.memory_space<vmem>>, vector<16xi32>,
      tpu.vector_store_idx %arg13[%get3A_760], %broadcast_in_dim3A_720 {add = true} : memref<10240xi32, #tpu.memory_space<vmem>>[vector<16xi32>], vector<16xi32>,
      %dma_wait3A_761 = arith.constant 7 : i32
      %dma_wait3A_762 = arith.constant 0 : i32
      %dma_wait3A_763 = tpu.memref_slice %arg11[%dma_wait3A_761, %dma_wait3A_762] : memref<8x128xi32, #tpu.memory_space<vmem>> -> memref<1x128xi32, #tpu.memory_space<vmem>>
      %dma_wait3A_764 = tpu.memref_squeeze %dma_wait3A_763 : memref<1x128xi32, #tpu.memory_space<vmem>> -> memref<128xi32, #tpu.memory_space<vmem>>
      %dma_wait3A_765 = arith.constant 0 : i32
      %dma_wait3A_766 = arith.constant 0 : i32
      %dma_wait3A_767 = tpu.memref_slice %arg14[%dma_wait3A_765, %dma_wait3A_766] : memref<10240x128xf32, #tpu.memory_space<vmem_shared>> -> memref<10240x128xf32, #tpu.memory_space<vmem_shared>>
      tpu.wait_indirect_dma semaphore(%arg22 : memref<!tpu.dma_semaphore, #tpu.memory_space<semaphore_mem>>) src(%arg8 : memref<128x128xf32, #tpu.memory_space<vmem>>) dst(%dma_wait3A_767 : memref<10240x128xf32, #tpu.memory_space<vmem_shared>>)
      %dma_start3A_768 = arith.constant 1 : i32
      %dma_start3A_769 = arith.constant 0 : i32
      %dma_start3A_770 = tpu.memref_slice %arg10[%dma_start3A_768, %dma_start3A_769] : memref<8x128xi32, #tpu.memory_space<vmem>> -> memref<1x128xi32, #tpu.memory_space<vmem>>
      %dma_start3A_771 = tpu.memref_squeeze %dma_start3A_770 : memref<1x128xi32, #tpu.memory_space<vmem>> -> memref<128xi32, #tpu.memory_space<vmem>>
      %dma_start3A_772 = arith.constant 0 : i32
      %dma_start3A_773 = arith.constant 0 : i32
      %dma_start3A_774 = tpu.memref_slice %arg2[%dma_start3A_772, %dma_start3A_773] : memref<10240x128xf32, #tpu.memory_space<hbm>> -> memref<10240x128xf32, #tpu.memory_space<hbm>>
      tpu.enqueue_indirect_dma source(%dma_start3A_774 : memref<10240x128xf32, #tpu.memory_space<hbm>>) target(%arg8 : memref<128x128xf32, #tpu.memory_space<vmem>>) offsets(%dma_start3A_771 : memref<128xi32, #tpu.memory_space<vmem>>) semaphore(%arg16 : memref<!tpu.dma_semaphore, #tpu.memory_space<semaphore_mem>>)
      %add3A_775 = arith.constant 2 : i32
      %add3A_776 = arith.addi %add3A_204, %add3A_775 : i32
      %mul3A_777 = arith.constant 8 : i32
      %mul3A_778 = arith.muli %add3A_776, %mul3A_777 : i32
      %add3A_779 = arith.addi %select_n3A, %mul3A_778 : i32
      %multiple_of3A_780 = tpu.assume_multiple %add3A_779, 8 : i32
      %dma_start3A_781 = arith.constant 0 : i32
      %dma_start3A_782 = tpu.memref_slice %arg3[%multiple_of3A_780, %dma_start3A_781] : memref<2576x128xi32, #tpu.memory_space<hbm>> -> memref<8x128xi32, #tpu.memory_space<hbm>>
      %dma_start3A_783 = arith.constant 0 : i32
      %dma_start3A_784 = tpu.memref_slice %arg3[%multiple_of3A_780, %dma_start3A_783] : memref<2576x128xi32, #tpu.memory_space<hbm>> -> memref<8x128xi32, #tpu.memory_space<hbm>>
      tpu.enqueue_dma source(%dma_start3A_784 : memref<8x128xi32, #tpu.memory_space<hbm>>) target(%arg9 : memref<8x128xi32, #tpu.memory_space<vmem>>) target_semaphore(%arg17 : memref<!tpu.dma_semaphore, #tpu.memory_space<semaphore_mem>>)
      %dma_start3A_785 = arith.constant 0 : i32
      %dma_start3A_786 = tpu.memref_slice %arg4[%multiple_of3A_780, %dma_start3A_785] : memref<2576x128xi32, #tpu.memory_space<hbm>> -> memref<8x128xi32, #tpu.memory_space<hbm>>
      %dma_start3A_787 = arith.constant 0 : i32
      %dma_start3A_788 = tpu.memref_slice %arg4[%multiple_of3A_780, %dma_start3A_787] : memref<2576x128xi32, #tpu.memory_space<hbm>> -> memref<8x128xi32, #tpu.memory_space<hbm>>
      tpu.enqueue_dma source(%dma_start3A_788 : memref<8x128xi32, #tpu.memory_space<hbm>>) target(%arg11 : memref<8x128xi32, #tpu.memory_space<vmem>>) target_semaphore(%arg19 : memref<!tpu.dma_semaphore, #tpu.memory_space<semaphore_mem>>)
      %mul3A_789 = arith.constant 2 : i32
      %mul3A_790 = arith.muli %mul3A_789, %add3A_200 : i32
      %add3A_791 = arith.constant 1 : i32
      %add3A_792 = arith.addi %mul3A_790, %add3A_791 : i32
      %dma_wait3A_793 = arith.constant 0 : i32
      %dma_wait3A_794 = arith.constant 0 : i32
      %dma_wait3A_795 = tpu.memref_slice %arg10[%dma_wait3A_793, %dma_wait3A_794] : memref<8x128xi32, #tpu.memory_space<vmem>> -> memref<1x128xi32, #tpu.memory_space<vmem>>
      %dma_wait3A_796 = tpu.memref_squeeze %dma_wait3A_795 : memref<1x128xi32, #tpu.memory_space<vmem>> -> memref<128xi32, #tpu.memory_space<vmem>>
      %dma_wait3A_797 = arith.constant 0 : i32
      %dma_wait3A_798 = arith.constant 0 : i32
      %dma_wait3A_799 = tpu.memref_slice %arg2[%dma_wait3A_797, %dma_wait3A_798] : memref<10240x128xf32, #tpu.memory_space<hbm>> -> memref<10240x128xf32, #tpu.memory_space<hbm>>
      tpu.wait_indirect_dma semaphore(%arg15 : memref<!tpu.dma_semaphore, #tpu.memory_space<semaphore_mem>>) src(%dma_wait3A_799 : memref<10240x128xf32, #tpu.memory_space<hbm>>) dst(%arg7 : memref<128x128xf32, #tpu.memory_space<vmem>>)
      %dma_start3A_800 = arith.constant 0 : i32
      %dma_start3A_801 = arith.constant 0 : i32
      %dma_start3A_802 = tpu.memref_slice %arg12[%dma_start3A_800, %dma_start3A_801] : memref<8x128xi32, #tpu.memory_space<vmem>> -> memref<1x128xi32, #tpu.memory_space<vmem>>
      %dma_start3A_803 = tpu.memref_squeeze %dma_start3A_802 : memref<1x128xi32, #tpu.memory_space<vmem>> -> memref<128xi32, #tpu.memory_space<vmem>>
      %dma_start3A_804 = arith.constant 0 : i32
      %dma_start3A_805 = arith.constant 0 : i32
      %dma_start3A_806 = tpu.memref_slice %arg14[%dma_start3A_804, %dma_start3A_805] : memref<10240x128xf32, #tpu.memory_space<vmem_shared>> -> memref<10240x128xf32, #tpu.memory_space<vmem_shared>>
      tpu.enqueue_indirect_dma source(%arg7 : memref<128x128xf32, #tpu.memory_space<vmem>>) target(%dma_start3A_806 : memref<10240x128xf32, #tpu.memory_space<vmem_shared>>) offsets(%dma_start3A_803 : memref<128xi32, #tpu.memory_space<vmem>>) semaphore(%arg21 : memref<!tpu.dma_semaphore, #tpu.memory_space<semaphore_mem>>) {add = true}
      %broadcast_in_dim3A_807 = arith.constant 1 : i32
      %broadcast_in_dim3A_808 = vector.broadcast %broadcast_in_dim3A_807 : i32 to vector<16xi32>
      %get3A_809 = arith.constant 0 : i32
      %get3A_810 = arith.constant 0 : i32
      %get3A_811 = arith.index_cast %get3A_809 : i32 to index
      %get3A_812 = arith.index_cast %get3A_810 : i32 to index
      %get3A_813 = tpu.vector_load %arg12[%get3A_811, %get3A_812] {strides = array<i32>} : memref<8x128xi32, #tpu.memory_space<vmem>>, vector<16xi32>,
      tpu.vector_store_idx %arg13[%get3A_813], %broadcast_in_dim3A_808 {add = true} : memref<10240xi32, #tpu.memory_space<vmem>>[vector<16xi32>], vector<16xi32>,
      %get3A_814 = arith.constant 0 : i32
      %get3A_815 = arith.constant 16 : i32
      %get3A_816 = arith.index_cast %get3A_814 : i32 to index
      %get3A_817 = arith.index_cast %get3A_815 : i32 to index
      %get3A_818 = tpu.vector_load %arg12[%get3A_816, %get3A_817] {strides = array<i32>} : memref<8x128xi32, #tpu.memory_space<vmem>>, vector<16xi32>,
      tpu.vector_store_idx %arg13[%get3A_818], %broadcast_in_dim3A_808 {add = true} : memref<10240xi32, #tpu.memory_space<vmem>>[vector<16xi32>], vector<16xi32>,
      %get3A_819 = arith.constant 0 : i32
      %get3A_820 = arith.constant 32 : i32
      %get3A_821 = arith.index_cast %get3A_819 : i32 to index
      %get3A_822 = arith.index_cast %get3A_820 : i32 to index
      %get3A_823 = tpu.vector_load %arg12[%get3A_821, %get3A_822] {strides = array<i32>} : memref<8x128xi32, #tpu.memory_space<vmem>>, vector<16xi32>,
      tpu.vector_store_idx %arg13[%get3A_823], %broadcast_in_dim3A_808 {add = true} : memref<10240xi32, #tpu.memory_space<vmem>>[vector<16xi32>], vector<16xi32>,
      %get3A_824 = arith.constant 0 : i32
      %get3A_825 = arith.constant 48 : i32
      %get3A_826 = arith.index_cast %get3A_824 : i32 to index
      %get3A_827 = arith.index_cast %get3A_825 : i32 to index
      %get3A_828 = tpu.vector_load %arg12[%get3A_826, %get3A_827] {strides = array<i32>} : memref<8x128xi32, #tpu.memory_space<vmem>>, vector<16xi32>,
      tpu.vector_store_idx %arg13[%get3A_828], %broadcast_in_dim3A_808 {add = true} : memref<10240xi32, #tpu.memory_space<vmem>>[vector<16xi32>], vector<16xi32>,
      %get3A_829 = arith.constant 0 : i32
      %get3A_830 = arith.constant 64 : i32
      %get3A_831 = arith.index_cast %get3A_829 : i32 to index
      %get3A_832 = arith.index_cast %get3A_830 : i32 to index
      %get3A_833 = tpu.vector_load %arg12[%get3A_831, %get3A_832] {strides = array<i32>} : memref<8x128xi32, #tpu.memory_space<vmem>>, vector<16xi32>,
      tpu.vector_store_idx %arg13[%get3A_833], %broadcast_in_dim3A_808 {add = true} : memref<10240xi32, #tpu.memory_space<vmem>>[vector<16xi32>], vector<16xi32>,
      %get3A_834 = arith.constant 0 : i32
      %get3A_835 = arith.constant 80 : i32
      %get3A_836 = arith.index_cast %get3A_834 : i32 to index
      %get3A_837 = arith.index_cast %get3A_835 : i32 to index
      %get3A_838 = tpu.vector_load %arg12[%get3A_836, %get3A_837] {strides = array<i32>} : memref<8x128xi32, #tpu.memory_space<vmem>>, vector<16xi32>,
      tpu.vector_store_idx %arg13[%get3A_838], %broadcast_in_dim3A_808 {add = true} : memref<10240xi32, #tpu.memory_space<vmem>>[vector<16xi32>], vector<16xi32>,
      %get3A_839 = arith.constant 0 : i32
      %get3A_840 = arith.constant 96 : i32
      %get3A_841 = arith.index_cast %get3A_839 : i32 to index
      %get3A_842 = arith.index_cast %get3A_840 : i32 to index
      %get3A_843 = tpu.vector_load %arg12[%get3A_841, %get3A_842] {strides = array<i32>} : memref<8x128xi32, #tpu.memory_space<vmem>>, vector<16xi32>,
      tpu.vector_store_idx %arg13[%get3A_843], %broadcast_in_dim3A_808 {add = true} : memref<10240xi32, #tpu.memory_space<vmem>>[vector<16xi32>], vector<16xi32>,
      %get3A_844 = arith.constant 0 : i32
      %get3A_845 = arith.constant 112 : i32
      %get3A_846 = arith.index_cast %get3A_844 : i32 to index
      %get3A_847 = arith.index_cast %get3A_845 : i32 to index
      %get3A_848 = tpu.vector_load %arg12[%get3A_846, %get3A_847] {strides = array<i32>} : memref<8x128xi32, #tpu.memory_space<vmem>>, vector<16xi32>,
      tpu.vector_store_idx %arg13[%get3A_848], %broadcast_in_dim3A_808 {add = true} : memref<10240xi32, #tpu.memory_space<vmem>>[vector<16xi32>], vector<16xi32>,
      %dma_wait3A_849 = arith.constant 0 : i32
      %dma_wait3A_850 = arith.constant 0 : i32
      %dma_wait3A_851 = tpu.memref_slice %arg12[%dma_wait3A_849, %dma_wait3A_850] : memref<8x128xi32, #tpu.memory_space<vmem>> -> memref<1x128xi32, #tpu.memory_space<vmem>>
      %dma_wait3A_852 = tpu.memref_squeeze %dma_wait3A_851 : memref<1x128xi32, #tpu.memory_space<vmem>> -> memref<128xi32, #tpu.memory_space<vmem>>
      %dma_wait3A_853 = arith.constant 0 : i32
      %dma_wait3A_854 = arith.constant 0 : i32
      %dma_wait3A_855 = tpu.memref_slice %arg14[%dma_wait3A_853, %dma_wait3A_854] : memref<10240x128xf32, #tpu.memory_space<vmem_shared>> -> memref<10240x128xf32, #tpu.memory_space<vmem_shared>>
      tpu.wait_indirect_dma semaphore(%arg21 : memref<!tpu.dma_semaphore, #tpu.memory_space<semaphore_mem>>) src(%arg7 : memref<128x128xf32, #tpu.memory_space<vmem>>) dst(%dma_wait3A_855 : memref<10240x128xf32, #tpu.memory_space<vmem_shared>>)
      %dma_start3A_856 = arith.constant 2 : i32
      %dma_start3A_857 = arith.constant 0 : i32
      %dma_start3A_858 = tpu.memref_slice %arg10[%dma_start3A_856, %dma_start3A_857] : memref<8x128xi32, #tpu.memory_space<vmem>> -> memref<1x128xi32, #tpu.memory_space<vmem>>
      %dma_start3A_859 = tpu.memref_squeeze %dma_start3A_858 : memref<1x128xi32, #tpu.memory_space<vmem>> -> memref<128xi32, #tpu.memory_space<vmem>>
      %dma_start3A_860 = arith.constant 0 : i32
      %dma_start3A_861 = arith.constant 0 : i32
      %dma_start3A_862 = tpu.memref_slice %arg2[%dma_start3A_860, %dma_start3A_861] : memref<10240x128xf32, #tpu.memory_space<hbm>> -> memref<10240x128xf32, #tpu.memory_space<hbm>>
      tpu.enqueue_indirect_dma source(%dma_start3A_862 : memref<10240x128xf32, #tpu.memory_space<hbm>>) target(%arg7 : memref<128x128xf32, #tpu.memory_space<vmem>>) offsets(%dma_start3A_859 : memref<128xi32, #tpu.memory_space<vmem>>) semaphore(%arg15 : memref<!tpu.dma_semaphore, #tpu.memory_space<semaphore_mem>>)
      %dma_wait3A_863 = arith.constant 1 : i32
      %dma_wait3A_864 = arith.constant 0 : i32
      %dma_wait3A_865 = tpu.memref_slice %arg10[%dma_wait3A_863, %dma_wait3A_864] : memref<8x128xi32, #tpu.memory_space<vmem>> -> memref<1x128xi32, #tpu.memory_space<vmem>>
      %dma_wait3A_866 = tpu.memref_squeeze %dma_wait3A_865 : memref<1x128xi32, #tpu.memory_space<vmem>> -> memref<128xi32, #tpu.memory_space<vmem>>
      %dma_wait3A_867 = arith.constant 0 : i32
      %dma_wait3A_868 = arith.constant 0 : i32
      %dma_wait3A_869 = tpu.memref_slice %arg2[%dma_wait3A_867, %dma_wait3A_868] : memref<10240x128xf32, #tpu.memory_space<hbm>> -> memref<10240x128xf32, #tpu.memory_space<hbm>>
      tpu.wait_indirect_dma semaphore(%arg16 : memref<!tpu.dma_semaphore, #tpu.memory_space<semaphore_mem>>) src(%dma_wait3A_869 : memref<10240x128xf32, #tpu.memory_space<hbm>>) dst(%arg8 : memref<128x128xf32, #tpu.memory_space<vmem>>)
      %dma_start3A_870 = arith.constant 1 : i32
      %dma_start3A_871 = arith.constant 0 : i32
      %dma_start3A_872 = tpu.memref_slice %arg12[%dma_start3A_870, %dma_start3A_871] : memref<8x128xi32, #tpu.memory_space<vmem>> -> memref<1x128xi32, #tpu.memory_space<vmem>>
      %dma_start3A_873 = tpu.memref_squeeze %dma_start3A_872 : memref<1x128xi32, #tpu.memory_space<vmem>> -> memref<128xi32, #tpu.memory_space<vmem>>
      %dma_start3A_874 = arith.constant 0 : i32
      %dma_start3A_875 = arith.constant 0 : i32
      %dma_start3A_876 = tpu.memref_slice %arg14[%dma_start3A_874, %dma_start3A_875] : memref<10240x128xf32, #tpu.memory_space<vmem_shared>> -> memref<10240x128xf32, #tpu.memory_space<vmem_shared>>
      tpu.enqueue_indirect_dma source(%arg8 : memref<128x128xf32, #tpu.memory_space<vmem>>) target(%dma_start3A_876 : memref<10240x128xf32, #tpu.memory_space<vmem_shared>>) offsets(%dma_start3A_873 : memref<128xi32, #tpu.memory_space<vmem>>) semaphore(%arg22 : memref<!tpu.dma_semaphore, #tpu.memory_space<semaphore_mem>>) {add = true}
      %broadcast_in_dim3A_877 = arith.constant 1 : i32
      %broadcast_in_dim3A_878 = vector.broadcast %broadcast_in_dim3A_877 : i32 to vector<16xi32>
      %get3A_879 = arith.constant 1 : i32
      %get3A_880 = arith.constant 0 : i32
      %get3A_881 = arith.index_cast %get3A_879 : i32 to index
      %get3A_882 = arith.index_cast %get3A_880 : i32 to index
      %get3A_883 = tpu.vector_load %arg12[%get3A_881, %get3A_882] {strides = array<i32>} : memref<8x128xi32, #tpu.memory_space<vmem>>, vector<16xi32>,
      tpu.vector_store_idx %arg13[%get3A_883], %broadcast_in_dim3A_878 {add = true} : memref<10240xi32, #tpu.memory_space<vmem>>[vector<16xi32>], vector<16xi32>,
      %get3A_884 = arith.constant 1 : i32
      %get3A_885 = arith.constant 16 : i32
      %get3A_886 = arith.index_cast %get3A_884 : i32 to index
      %get3A_887 = arith.index_cast %get3A_885 : i32 to index
      %get3A_888 = tpu.vector_load %arg12[%get3A_886, %get3A_887] {strides = array<i32>} : memref<8x128xi32, #tpu.memory_space<vmem>>, vector<16xi32>,
      tpu.vector_store_idx %arg13[%get3A_888], %broadcast_in_dim3A_878 {add = true} : memref<10240xi32, #tpu.memory_space<vmem>>[vector<16xi32>], vector<16xi32>,
      %get3A_889 = arith.constant 1 : i32
      %get3A_890 = arith.constant 32 : i32
      %get3A_891 = arith.index_cast %get3A_889 : i32 to index
      %get3A_892 = arith.index_cast %get3A_890 : i32 to index
      %get3A_893 = tpu.vector_load %arg12[%get3A_891, %get3A_892] {strides = array<i32>} : memref<8x128xi32, #tpu.memory_space<vmem>>, vector<16xi32>,
      tpu.vector_store_idx %arg13[%get3A_893], %broadcast_in_dim3A_878 {add = true} : memref<10240xi32, #tpu.memory_space<vmem>>[vector<16xi32>], vector<16xi32>,
      %get3A_894 = arith.constant 1 : i32
      %get3A_895 = arith.constant 48 : i32
      %get3A_896 = arith.index_cast %get3A_894 : i32 to index
      %get3A_897 = arith.index_cast %get3A_895 : i32 to index
      %get3A_898 = tpu.vector_load %arg12[%get3A_896, %get3A_897] {strides = array<i32>} : memref<8x128xi32, #tpu.memory_space<vmem>>, vector<16xi32>,
      tpu.vector_store_idx %arg13[%get3A_898], %broadcast_in_dim3A_878 {add = true} : memref<10240xi32, #tpu.memory_space<vmem>>[vector<16xi32>], vector<16xi32>,
      %get3A_899 = arith.constant 1 : i32
      %get3A_900 = arith.constant 64 : i32
      %get3A_901 = arith.index_cast %get3A_899 : i32 to index
      %get3A_902 = arith.index_cast %get3A_900 : i32 to index
      %get3A_903 = tpu.vector_load %arg12[%get3A_901, %get3A_902] {strides = array<i32>} : memref<8x128xi32, #tpu.memory_space<vmem>>, vector<16xi32>,
      tpu.vector_store_idx %arg13[%get3A_903], %broadcast_in_dim3A_878 {add = true} : memref<10240xi32, #tpu.memory_space<vmem>>[vector<16xi32>], vector<16xi32>,
      %get3A_904 = arith.constant 1 : i32
      %get3A_905 = arith.constant 80 : i32
      %get3A_906 = arith.index_cast %get3A_904 : i32 to index
      %get3A_907 = arith.index_cast %get3A_905 : i32 to index
      %get3A_908 = tpu.vector_load %arg12[%get3A_906, %get3A_907] {strides = array<i32>} : memref<8x128xi32, #tpu.memory_space<vmem>>, vector<16xi32>,
      tpu.vector_store_idx %arg13[%get3A_908], %broadcast_in_dim3A_878 {add = true} : memref<10240xi32, #tpu.memory_space<vmem>>[vector<16xi32>], vector<16xi32>,
      %get3A_909 = arith.constant 1 : i32
      %get3A_910 = arith.constant 96 : i32
      %get3A_911 = arith.index_cast %get3A_909 : i32 to index
      %get3A_912 = arith.index_cast %get3A_910 : i32 to index
      %get3A_913 = tpu.vector_load %arg12[%get3A_911, %get3A_912] {strides = array<i32>} : memref<8x128xi32, #tpu.memory_space<vmem>>, vector<16xi32>,
      tpu.vector_store_idx %arg13[%get3A_913], %broadcast_in_dim3A_878 {add = true} : memref<10240xi32, #tpu.memory_space<vmem>>[vector<16xi32>], vector<16xi32>,
      %get3A_914 = arith.constant 1 : i32
      %get3A_915 = arith.constant 112 : i32
      %get3A_916 = arith.index_cast %get3A_914 : i32 to index
      %get3A_917 = arith.index_cast %get3A_915 : i32 to index
      %get3A_918 = tpu.vector_load %arg12[%get3A_916, %get3A_917] {strides = array<i32>} : memref<8x128xi32, #tpu.memory_space<vmem>>, vector<16xi32>,
      tpu.vector_store_idx %arg13[%get3A_918], %broadcast_in_dim3A_878 {add = true} : memref<10240xi32, #tpu.memory_space<vmem>>[vector<16xi32>], vector<16xi32>,
      %dma_wait3A_919 = arith.constant 1 : i32
      %dma_wait3A_920 = arith.constant 0 : i32
      %dma_wait3A_921 = tpu.memref_slice %arg12[%dma_wait3A_919, %dma_wait3A_920] : memref<8x128xi32, #tpu.memory_space<vmem>> -> memref<1x128xi32, #tpu.memory_space<vmem>>
      %dma_wait3A_922 = tpu.memref_squeeze %dma_wait3A_921 : memref<1x128xi32, #tpu.memory_space<vmem>> -> memref<128xi32, #tpu.memory_space<vmem>>
      %dma_wait3A_923 = arith.constant 0 : i32
      %dma_wait3A_924 = arith.constant 0 : i32
      %dma_wait3A_925 = tpu.memref_slice %arg14[%dma_wait3A_923, %dma_wait3A_924] : memref<10240x128xf32, #tpu.memory_space<vmem_shared>> -> memref<10240x128xf32, #tpu.memory_space<vmem_shared>>
      tpu.wait_indirect_dma semaphore(%arg22 : memref<!tpu.dma_semaphore, #tpu.memory_space<semaphore_mem>>) src(%arg8 : memref<128x128xf32, #tpu.memory_space<vmem>>) dst(%dma_wait3A_925 : memref<10240x128xf32, #tpu.memory_space<vmem_shared>>)
      %dma_start3A_926 = arith.constant 3 : i32
      %dma_start3A_927 = arith.constant 0 : i32
      %dma_start3A_928 = tpu.memref_slice %arg10[%dma_start3A_926, %dma_start3A_927] : memref<8x128xi32, #tpu.memory_space<vmem>> -> memref<1x128xi32, #tpu.memory_space<vmem>>
      %dma_start3A_929 = tpu.memref_squeeze %dma_start3A_928 : memref<1x128xi32, #tpu.memory_space<vmem>> -> memref<128xi32, #tpu.memory_space<vmem>>
      %dma_start3A_930 = arith.constant 0 : i32
      %dma_start3A_931 = arith.constant 0 : i32
      %dma_start3A_932 = tpu.memref_slice %arg2[%dma_start3A_930, %dma_start3A_931] : memref<10240x128xf32, #tpu.memory_space<hbm>> -> memref<10240x128xf32, #tpu.memory_space<hbm>>
      tpu.enqueue_indirect_dma source(%dma_start3A_932 : memref<10240x128xf32, #tpu.memory_space<hbm>>) target(%arg8 : memref<128x128xf32, #tpu.memory_space<vmem>>) offsets(%dma_start3A_929 : memref<128xi32, #tpu.memory_space<vmem>>) semaphore(%arg16 : memref<!tpu.dma_semaphore, #tpu.memory_space<semaphore_mem>>)
      %dma_wait3A_933 = arith.constant 2 : i32
      %dma_wait3A_934 = arith.constant 0 : i32
      %dma_wait3A_935 = tpu.memref_slice %arg10[%dma_wait3A_933, %dma_wait3A_934] : memref<8x128xi32, #tpu.memory_space<vmem>> -> memref<1x128xi32, #tpu.memory_space<vmem>>
      %dma_wait3A_936 = tpu.memref_squeeze %dma_wait3A_935 : memref<1x128xi32, #tpu.memory_space<vmem>> -> memref<128xi32, #tpu.memory_space<vmem>>
      %dma_wait3A_937 = arith.constant 0 : i32
      %dma_wait3A_938 = arith.constant 0 : i32
      %dma_wait3A_939 = tpu.memref_slice %arg2[%dma_wait3A_937, %dma_wait3A_938] : memref<10240x128xf32, #tpu.memory_space<hbm>> -> memref<10240x128xf32, #tpu.memory_space<hbm>>
      tpu.wait_indirect_dma semaphore(%arg15 : memref<!tpu.dma_semaphore, #tpu.memory_space<semaphore_mem>>) src(%dma_wait3A_939 : memref<10240x128xf32, #tpu.memory_space<hbm>>) dst(%arg7 : memref<128x128xf32, #tpu.memory_space<vmem>>)
      %dma_start3A_940 = arith.constant 2 : i32
      %dma_start3A_941 = arith.constant 0 : i32
      %dma_start3A_942 = tpu.memref_slice %arg12[%dma_start3A_940, %dma_start3A_941] : memref<8x128xi32, #tpu.memory_space<vmem>> -> memref<1x128xi32, #tpu.memory_space<vmem>>
      %dma_start3A_943 = tpu.memref_squeeze %dma_start3A_942 : memref<1x128xi32, #tpu.memory_space<vmem>> -> memref<128xi32, #tpu.memory_space<vmem>>
      %dma_start3A_944 = arith.constant 0 : i32
      %dma_start3A_945 = arith.constant 0 : i32
      %dma_start3A_946 = tpu.memref_slice %arg14[%dma_start3A_944, %dma_start3A_945] : memref<10240x128xf32, #tpu.memory_space<vmem_shared>> -> memref<10240x128xf32, #tpu.memory_space<vmem_shared>>
      tpu.enqueue_indirect_dma source(%arg7 : memref<128x128xf32, #tpu.memory_space<vmem>>) target(%dma_start3A_946 : memref<10240x128xf32, #tpu.memory_space<vmem_shared>>) offsets(%dma_start3A_943 : memref<128xi32, #tpu.memory_space<vmem>>) semaphore(%arg21 : memref<!tpu.dma_semaphore, #tpu.memory_space<semaphore_mem>>) {add = true}
      %broadcast_in_dim3A_947 = arith.constant 1 : i32
      %broadcast_in_dim3A_948 = vector.broadcast %broadcast_in_dim3A_947 : i32 to vector<16xi32>
      %get3A_949 = arith.constant 2 : i32
      %get3A_950 = arith.constant 0 : i32
      %get3A_951 = arith.index_cast %get3A_949 : i32 to index
      %get3A_952 = arith.index_cast %get3A_950 : i32 to index
      %get3A_953 = tpu.vector_load %arg12[%get3A_951, %get3A_952] {strides = array<i32>} : memref<8x128xi32, #tpu.memory_space<vmem>>, vector<16xi32>,
      tpu.vector_store_idx %arg13[%get3A_953], %broadcast_in_dim3A_948 {add = true} : memref<10240xi32, #tpu.memory_space<vmem>>[vector<16xi32>], vector<16xi32>,
      %get3A_954 = arith.constant 2 : i32
      %get3A_955 = arith.constant 16 : i32
      %get3A_956 = arith.index_cast %get3A_954 : i32 to index
      %get3A_957 = arith.index_cast %get3A_955 : i32 to index
      %get3A_958 = tpu.vector_load %arg12[%get3A_956, %get3A_957] {strides = array<i32>} : memref<8x128xi32, #tpu.memory_space<vmem>>, vector<16xi32>,
      tpu.vector_store_idx %arg13[%get3A_958], %broadcast_in_dim3A_948 {add = true} : memref<10240xi32, #tpu.memory_space<vmem>>[vector<16xi32>], vector<16xi32>,
      %get3A_959 = arith.constant 2 : i32
      %get3A_960 = arith.constant 32 : i32
      %get3A_961 = arith.index_cast %get3A_959 : i32 to index
      %get3A_962 = arith.index_cast %get3A_960 : i32 to index
      %get3A_963 = tpu.vector_load %arg12[%get3A_961, %get3A_962] {strides = array<i32>} : memref<8x128xi32, #tpu.memory_space<vmem>>, vector<16xi32>,
      tpu.vector_store_idx %arg13[%get3A_963], %broadcast_in_dim3A_948 {add = true} : memref<10240xi32, #tpu.memory_space<vmem>>[vector<16xi32>], vector<16xi32>,
      %get3A_964 = arith.constant 2 : i32
      %get3A_965 = arith.constant 48 : i32
      %get3A_966 = arith.index_cast %get3A_964 : i32 to index
      %get3A_967 = arith.index_cast %get3A_965 : i32 to index
      %get3A_968 = tpu.vector_load %arg12[%get3A_966, %get3A_967] {strides = array<i32>} : memref<8x128xi32, #tpu.memory_space<vmem>>, vector<16xi32>,
      tpu.vector_store_idx %arg13[%get3A_968], %broadcast_in_dim3A_948 {add = true} : memref<10240xi32, #tpu.memory_space<vmem>>[vector<16xi32>], vector<16xi32>,
      %get3A_969 = arith.constant 2 : i32
      %get3A_970 = arith.constant 64 : i32
      %get3A_971 = arith.index_cast %get3A_969 : i32 to index
      %get3A_972 = arith.index_cast %get3A_970 : i32 to index
      %get3A_973 = tpu.vector_load %arg12[%get3A_971, %get3A_972] {strides = array<i32>} : memref<8x128xi32, #tpu.memory_space<vmem>>, vector<16xi32>,
      tpu.vector_store_idx %arg13[%get3A_973], %broadcast_in_dim3A_948 {add = true} : memref<10240xi32, #tpu.memory_space<vmem>>[vector<16xi32>], vector<16xi32>,
      %get3A_974 = arith.constant 2 : i32
      %get3A_975 = arith.constant 80 : i32
      %get3A_976 = arith.index_cast %get3A_974 : i32 to index
      %get3A_977 = arith.index_cast %get3A_975 : i32 to index
      %get3A_978 = tpu.vector_load %arg12[%get3A_976, %get3A_977] {strides = array<i32>} : memref<8x128xi32, #tpu.memory_space<vmem>>, vector<16xi32>,
      tpu.vector_store_idx %arg13[%get3A_978], %broadcast_in_dim3A_948 {add = true} : memref<10240xi32, #tpu.memory_space<vmem>>[vector<16xi32>], vector<16xi32>,
      %get3A_979 = arith.constant 2 : i32
      %get3A_980 = arith.constant 96 : i32
      %get3A_981 = arith.index_cast %get3A_979 : i32 to index
      %get3A_982 = arith.index_cast %get3A_980 : i32 to index
      %get3A_983 = tpu.vector_load %arg12[%get3A_981, %get3A_982] {strides = array<i32>} : memref<8x128xi32, #tpu.memory_space<vmem>>, vector<16xi32>,
      tpu.vector_store_idx %arg13[%get3A_983], %broadcast_in_dim3A_948 {add = true} : memref<10240xi32, #tpu.memory_space<vmem>>[vector<16xi32>], vector<16xi32>,
      %get3A_984 = arith.constant 2 : i32
      %get3A_985 = arith.constant 112 : i32
      %get3A_986 = arith.index_cast %get3A_984 : i32 to index
      %get3A_987 = arith.index_cast %get3A_985 : i32 to index
      %get3A_988 = tpu.vector_load %arg12[%get3A_986, %get3A_987] {strides = array<i32>} : memref<8x128xi32, #tpu.memory_space<vmem>>, vector<16xi32>,
      tpu.vector_store_idx %arg13[%get3A_988], %broadcast_in_dim3A_948 {add = true} : memref<10240xi32, #tpu.memory_space<vmem>>[vector<16xi32>], vector<16xi32>,
      %dma_wait3A_989 = arith.constant 2 : i32
      %dma_wait3A_990 = arith.constant 0 : i32
      %dma_wait3A_991 = tpu.memref_slice %arg12[%dma_wait3A_989, %dma_wait3A_990] : memref<8x128xi32, #tpu.memory_space<vmem>> -> memref<1x128xi32, #tpu.memory_space<vmem>>
      %dma_wait3A_992 = tpu.memref_squeeze %dma_wait3A_991 : memref<1x128xi32, #tpu.memory_space<vmem>> -> memref<128xi32, #tpu.memory_space<vmem>>
      %dma_wait3A_993 = arith.constant 0 : i32
      %dma_wait3A_994 = arith.constant 0 : i32
      %dma_wait3A_995 = tpu.memref_slice %arg14[%dma_wait3A_993, %dma_wait3A_994] : memref<10240x128xf32, #tpu.memory_space<vmem_shared>> -> memref<10240x128xf32, #tpu.memory_space<vmem_shared>>
      tpu.wait_indirect_dma semaphore(%arg21 : memref<!tpu.dma_semaphore, #tpu.memory_space<semaphore_mem>>) src(%arg7 : memref<128x128xf32, #tpu.memory_space<vmem>>) dst(%dma_wait3A_995 : memref<10240x128xf32, #tpu.memory_space<vmem_shared>>)
      %dma_start3A_996 = arith.constant 4 : i32
      %dma_start3A_997 = arith.constant 0 : i32
      %dma_start3A_998 = tpu.memref_slice %arg10[%dma_start3A_996, %dma_start3A_997] : memref<8x128xi32, #tpu.memory_space<vmem>> -> memref<1x128xi32, #tpu.memory_space<vmem>>
      %dma_start3A_999 = tpu.memref_squeeze %dma_start3A_998 : memref<1x128xi32, #tpu.memory_space<vmem>> -> memref<128xi32, #tpu.memory_space<vmem>>
      %dma_start3A_1000 = arith.constant 0 : i32
      %dma_start3A_1001 = arith.constant 0 : i32
      %dma_start3A_1002 = tpu.memref_slice %arg2[%dma_start3A_1000, %dma_start3A_1001] : memref<10240x128xf32, #tpu.memory_space<hbm>> -> memref<10240x128xf32, #tpu.memory_space<hbm>>
      tpu.enqueue_indirect_dma source(%dma_start3A_1002 : memref<10240x128xf32, #tpu.memory_space<hbm>>) target(%arg7 : memref<128x128xf32, #tpu.memory_space<vmem>>) offsets(%dma_start3A_999 : memref<128xi32, #tpu.memory_space<vmem>>) semaphore(%arg15 : memref<!tpu.dma_semaphore, #tpu.memory_space<semaphore_mem>>)
      %dma_wait3A_1003 = arith.constant 3 : i32
      %dma_wait3A_1004 = arith.constant 0 : i32
      %dma_wait3A_1005 = tpu.memref_slice %arg10[%dma_wait3A_1003, %dma_wait3A_1004] : memref<8x128xi32, #tpu.memory_space<vmem>> -> memref<1x128xi32, #tpu.memory_space<vmem>>
      %dma_wait3A_1006 = tpu.memref_squeeze %dma_wait3A_1005 : memref<1x128xi32, #tpu.memory_space<vmem>> -> memref<128xi32, #tpu.memory_space<vmem>>
      %dma_wait3A_1007 = arith.constant 0 : i32
      %dma_wait3A_1008 = arith.constant 0 : i32
      %dma_wait3A_1009 = tpu.memref_slice %arg2[%dma_wait3A_1007, %dma_wait3A_1008] : memref<10240x128xf32, #tpu.memory_space<hbm>> -> memref<10240x128xf32, #tpu.memory_space<hbm>>
      tpu.wait_indirect_dma semaphore(%arg16 : memref<!tpu.dma_semaphore, #tpu.memory_space<semaphore_mem>>) src(%dma_wait3A_1009 : memref<10240x128xf32, #tpu.memory_space<hbm>>) dst(%arg8 : memref<128x128xf32, #tpu.memory_space<vmem>>)
      %dma_start3A_1010 = arith.constant 3 : i32
      %dma_start3A_1011 = arith.constant 0 : i32
      %dma_start3A_1012 = tpu.memref_slice %arg12[%dma_start3A_1010, %dma_start3A_1011] : memref<8x128xi32, #tpu.memory_space<vmem>> -> memref<1x128xi32, #tpu.memory_space<vmem>>
      %dma_start3A_1013 = tpu.memref_squeeze %dma_start3A_1012 : memref<1x128xi32, #tpu.memory_space<vmem>> -> memref<128xi32, #tpu.memory_space<vmem>>
      %dma_start3A_1014 = arith.constant 0 : i32
      %dma_start3A_1015 = arith.constant 0 : i32
      %dma_start3A_1016 = tpu.memref_slice %arg14[%dma_start3A_1014, %dma_start3A_1015] : memref<10240x128xf32, #tpu.memory_space<vmem_shared>> -> memref<10240x128xf32, #tpu.memory_space<vmem_shared>>
      tpu.enqueue_indirect_dma source(%arg8 : memref<128x128xf32, #tpu.memory_space<vmem>>) target(%dma_start3A_1016 : memref<10240x128xf32, #tpu.memory_space<vmem_shared>>) offsets(%dma_start3A_1013 : memref<128xi32, #tpu.memory_space<vmem>>) semaphore(%arg22 : memref<!tpu.dma_semaphore, #tpu.memory_space<semaphore_mem>>) {add = true}
      %broadcast_in_dim3A_1017 = arith.constant 1 : i32
      %broadcast_in_dim3A_1018 = vector.broadcast %broadcast_in_dim3A_1017 : i32 to vector<16xi32>
      %get3A_1019 = arith.constant 3 : i32
      %get3A_1020 = arith.constant 0 : i32
      %get3A_1021 = arith.index_cast %get3A_1019 : i32 to index
      %get3A_1022 = arith.index_cast %get3A_1020 : i32 to index
      %get3A_1023 = tpu.vector_load %arg12[%get3A_1021, %get3A_1022] {strides = array<i32>} : memref<8x128xi32, #tpu.memory_space<vmem>>, vector<16xi32>,
      tpu.vector_store_idx %arg13[%get3A_1023], %broadcast_in_dim3A_1018 {add = true} : memref<10240xi32, #tpu.memory_space<vmem>>[vector<16xi32>], vector<16xi32>,
      %get3A_1024 = arith.constant 3 : i32
      %get3A_1025 = arith.constant 16 : i32
      %get3A_1026 = arith.index_cast %get3A_1024 : i32 to index
      %get3A_1027 = arith.index_cast %get3A_1025 : i32 to index
      %get3A_1028 = tpu.vector_load %arg12[%get3A_1026, %get3A_1027] {strides = array<i32>} : memref<8x128xi32, #tpu.memory_space<vmem>>, vector<16xi32>,
      tpu.vector_store_idx %arg13[%get3A_1028], %broadcast_in_dim3A_1018 {add = true} : memref<10240xi32, #tpu.memory_space<vmem>>[vector<16xi32>], vector<16xi32>,
      %get3A_1029 = arith.constant 3 : i32
      %get3A_1030 = arith.constant 32 : i32
      %get3A_1031 = arith.index_cast %get3A_1029 : i32 to index
      %get3A_1032 = arith.index_cast %get3A_1030 : i32 to index
      %get3A_1033 = tpu.vector_load %arg12[%get3A_1031, %get3A_1032] {strides = array<i32>} : memref<8x128xi32, #tpu.memory_space<vmem>>, vector<16xi32>,
      tpu.vector_store_idx %arg13[%get3A_1033], %broadcast_in_dim3A_1018 {add = true} : memref<10240xi32, #tpu.memory_space<vmem>>[vector<16xi32>], vector<16xi32>,
      %get3A_1034 = arith.constant 3 : i32
      %get3A_1035 = arith.constant 48 : i32
      %get3A_1036 = arith.index_cast %get3A_1034 : i32 to index
      %get3A_1037 = arith.index_cast %get3A_1035 : i32 to index
      %get3A_1038 = tpu.vector_load %arg12[%get3A_1036, %get3A_1037] {strides = array<i32>} : memref<8x128xi32, #tpu.memory_space<vmem>>, vector<16xi32>,
      tpu.vector_store_idx %arg13[%get3A_1038], %broadcast_in_dim3A_1018 {add = true} : memref<10240xi32, #tpu.memory_space<vmem>>[vector<16xi32>], vector<16xi32>,
      %get3A_1039 = arith.constant 3 : i32
      %get3A_1040 = arith.constant 64 : i32
      %get3A_1041 = arith.index_cast %get3A_1039 : i32 to index
      %get3A_1042 = arith.index_cast %get3A_1040 : i32 to index
      %get3A_1043 = tpu.vector_load %arg12[%get3A_1041, %get3A_1042] {strides = array<i32>} : memref<8x128xi32, #tpu.memory_space<vmem>>, vector<16xi32>,
      tpu.vector_store_idx %arg13[%get3A_1043], %broadcast_in_dim3A_1018 {add = true} : memref<10240xi32, #tpu.memory_space<vmem>>[vector<16xi32>], vector<16xi32>,
      %get3A_1044 = arith.constant 3 : i32
      %get3A_1045 = arith.constant 80 : i32
      %get3A_1046 = arith.index_cast %get3A_1044 : i32 to index
      %get3A_1047 = arith.index_cast %get3A_1045 : i32 to index
      %get3A_1048 = tpu.vector_load %arg12[%get3A_1046, %get3A_1047] {strides = array<i32>} : memref<8x128xi32, #tpu.memory_space<vmem>>, vector<16xi32>,
      tpu.vector_store_idx %arg13[%get3A_1048], %broadcast_in_dim3A_1018 {add = true} : memref<10240xi32, #tpu.memory_space<vmem>>[vector<16xi32>], vector<16xi32>,
      %get3A_1049 = arith.constant 3 : i32
      %get3A_1050 = arith.constant 96 : i32
      %get3A_1051 = arith.index_cast %get3A_1049 : i32 to index
      %get3A_1052 = arith.index_cast %get3A_1050 : i32 to index
      %get3A_1053 = tpu.vector_load %arg12[%get3A_1051, %get3A_1052] {strides = array<i32>} : memref<8x128xi32, #tpu.memory_space<vmem>>, vector<16xi32>,
      tpu.vector_store_idx %arg13[%get3A_1053], %broadcast_in_dim3A_1018 {add = true} : memref<10240xi32, #tpu.memory_space<vmem>>[vector<16xi32>], vector<16xi32>,
      %get3A_1054 = arith.constant 3 : i32
      %get3A_1055 = arith.constant 112 : i32
      %get3A_1056 = arith.index_cast %get3A_1054 : i32 to index
      %get3A_1057 = arith.index_cast %get3A_1055 : i32 to index
      %get3A_1058 = tpu.vector_load %arg12[%get3A_1056, %get3A_1057] {strides = array<i32>} : memref<8x128xi32, #tpu.memory_space<vmem>>, vector<16xi32>,
      tpu.vector_store_idx %arg13[%get3A_1058], %broadcast_in_dim3A_1018 {add = true} : memref<10240xi32, #tpu.memory_space<vmem>>[vector<16xi32>], vector<16xi32>,
      %dma_wait3A_1059 = arith.constant 3 : i32
      %dma_wait3A_1060 = arith.constant 0 : i32
      %dma_wait3A_1061 = tpu.memref_slice %arg12[%dma_wait3A_1059, %dma_wait3A_1060] : memref<8x128xi32, #tpu.memory_space<vmem>> -> memref<1x128xi32, #tpu.memory_space<vmem>>
      %dma_wait3A_1062 = tpu.memref_squeeze %dma_wait3A_1061 : memref<1x128xi32, #tpu.memory_space<vmem>> -> memref<128xi32, #tpu.memory_space<vmem>>
      %dma_wait3A_1063 = arith.constant 0 : i32
      %dma_wait3A_1064 = arith.constant 0 : i32
      %dma_wait3A_1065 = tpu.memref_slice %arg14[%dma_wait3A_1063, %dma_wait3A_1064] : memref<10240x128xf32, #tpu.memory_space<vmem_shared>> -> memref<10240x128xf32, #tpu.memory_space<vmem_shared>>
      tpu.wait_indirect_dma semaphore(%arg22 : memref<!tpu.dma_semaphore, #tpu.memory_space<semaphore_mem>>) src(%arg8 : memref<128x128xf32, #tpu.memory_space<vmem>>) dst(%dma_wait3A_1065 : memref<10240x128xf32, #tpu.memory_space<vmem_shared>>)
      %dma_start3A_1066 = arith.constant 5 : i32
      %dma_start3A_1067 = arith.constant 0 : i32
      %dma_start3A_1068 = tpu.memref_slice %arg10[%dma_start3A_1066, %dma_start3A_1067] : memref<8x128xi32, #tpu.memory_space<vmem>> -> memref<1x128xi32, #tpu.memory_space<vmem>>
      %dma_start3A_1069 = tpu.memref_squeeze %dma_start3A_1068 : memref<1x128xi32, #tpu.memory_space<vmem>> -> memref<128xi32, #tpu.memory_space<vmem>>
      %dma_start3A_1070 = arith.constant 0 : i32
      %dma_start3A_1071 = arith.constant 0 : i32
      %dma_start3A_1072 = tpu.memref_slice %arg2[%dma_start3A_1070, %dma_start3A_1071] : memref<10240x128xf32, #tpu.memory_space<hbm>> -> memref<10240x128xf32, #tpu.memory_space<hbm>>
      tpu.enqueue_indirect_dma source(%dma_start3A_1072 : memref<10240x128xf32, #tpu.memory_space<hbm>>) target(%arg8 : memref<128x128xf32, #tpu.memory_space<vmem>>) offsets(%dma_start3A_1069 : memref<128xi32, #tpu.memory_space<vmem>>) semaphore(%arg16 : memref<!tpu.dma_semaphore, #tpu.memory_space<semaphore_mem>>)
      %dma_wait3A_1073 = arith.constant 4 : i32
      %dma_wait3A_1074 = arith.constant 0 : i32
      %dma_wait3A_1075 = tpu.memref_slice %arg10[%dma_wait3A_1073, %dma_wait3A_1074] : memref<8x128xi32, #tpu.memory_space<vmem>> -> memref<1x128xi32, #tpu.memory_space<vmem>>
      %dma_wait3A_1076 = tpu.memref_squeeze %dma_wait3A_1075 : memref<1x128xi32, #tpu.memory_space<vmem>> -> memref<128xi32, #tpu.memory_space<vmem>>
      %dma_wait3A_1077 = arith.constant 0 : i32
      %dma_wait3A_1078 = arith.constant 0 : i32
      %dma_wait3A_1079 = tpu.memref_slice %arg2[%dma_wait3A_1077, %dma_wait3A_1078] : memref<10240x128xf32, #tpu.memory_space<hbm>> -> memref<10240x128xf32, #tpu.memory_space<hbm>>
      tpu.wait_indirect_dma semaphore(%arg15 : memref<!tpu.dma_semaphore, #tpu.memory_space<semaphore_mem>>) src(%dma_wait3A_1079 : memref<10240x128xf32, #tpu.memory_space<hbm>>) dst(%arg7 : memref<128x128xf32, #tpu.memory_space<vmem>>)
      %dma_start3A_1080 = arith.constant 4 : i32
      %dma_start3A_1081 = arith.constant 0 : i32
      %dma_start3A_1082 = tpu.memref_slice %arg12[%dma_start3A_1080, %dma_start3A_1081] : memref<8x128xi32, #tpu.memory_space<vmem>> -> memref<1x128xi32, #tpu.memory_space<vmem>>
      %dma_start3A_1083 = tpu.memref_squeeze %dma_start3A_1082 : memref<1x128xi32, #tpu.memory_space<vmem>> -> memref<128xi32, #tpu.memory_space<vmem>>
      %dma_start3A_1084 = arith.constant 0 : i32
      %dma_start3A_1085 = arith.constant 0 : i32
      %dma_start3A_1086 = tpu.memref_slice %arg14[%dma_start3A_1084, %dma_start3A_1085] : memref<10240x128xf32, #tpu.memory_space<vmem_shared>> -> memref<10240x128xf32, #tpu.memory_space<vmem_shared>>
      tpu.enqueue_indirect_dma source(%arg7 : memref<128x128xf32, #tpu.memory_space<vmem>>) target(%dma_start3A_1086 : memref<10240x128xf32, #tpu.memory_space<vmem_shared>>) offsets(%dma_start3A_1083 : memref<128xi32, #tpu.memory_space<vmem>>) semaphore(%arg21 : memref<!tpu.dma_semaphore, #tpu.memory_space<semaphore_mem>>) {add = true}
      %broadcast_in_dim3A_1087 = arith.constant 1 : i32
      %broadcast_in_dim3A_1088 = vector.broadcast %broadcast_in_dim3A_1087 : i32 to vector<16xi32>
      %get3A_1089 = arith.constant 4 : i32
      %get3A_1090 = arith.constant 0 : i32
      %get3A_1091 = arith.index_cast %get3A_1089 : i32 to index
      %get3A_1092 = arith.index_cast %get3A_1090 : i32 to index
      %get3A_1093 = tpu.vector_load %arg12[%get3A_1091, %get3A_1092] {strides = array<i32>} : memref<8x128xi32, #tpu.memory_space<vmem>>, vector<16xi32>,
      tpu.vector_store_idx %arg13[%get3A_1093], %broadcast_in_dim3A_1088 {add = true} : memref<10240xi32, #tpu.memory_space<vmem>>[vector<16xi32>], vector<16xi32>,
      %get3A_1094 = arith.constant 4 : i32
      %get3A_1095 = arith.constant 16 : i32
      %get3A_1096 = arith.index_cast %get3A_1094 : i32 to index
      %get3A_1097 = arith.index_cast %get3A_1095 : i32 to index
      %get3A_1098 = tpu.vector_load %arg12[%get3A_1096, %get3A_1097] {strides = array<i32>} : memref<8x128xi32, #tpu.memory_space<vmem>>, vector<16xi32>,
      tpu.vector_store_idx %arg13[%get3A_1098], %broadcast_in_dim3A_1088 {add = true} : memref<10240xi32, #tpu.memory_space<vmem>>[vector<16xi32>], vector<16xi32>,
      %get3A_1099 = arith.constant 4 : i32
      %get3A_1100 = arith.constant 32 : i32
      %get3A_1101 = arith.index_cast %get3A_1099 : i32 to index
      %get3A_1102 = arith.index_cast %get3A_1100 : i32 to index
      %get3A_1103 = tpu.vector_load %arg12[%get3A_1101, %get3A_1102] {strides = array<i32>} : memref<8x128xi32, #tpu.memory_space<vmem>>, vector<16xi32>,
      tpu.vector_store_idx %arg13[%get3A_1103], %broadcast_in_dim3A_1088 {add = true} : memref<10240xi32, #tpu.memory_space<vmem>>[vector<16xi32>], vector<16xi32>,
      %get3A_1104 = arith.constant 4 : i32
      %get3A_1105 = arith.constant 48 : i32
      %get3A_1106 = arith.index_cast %get3A_1104 : i32 to index
      %get3A_1107 = arith.index_cast %get3A_1105 : i32 to index
      %get3A_1108 = tpu.vector_load %arg12[%get3A_1106, %get3A_1107] {strides = array<i32>} : memref<8x128xi32, #tpu.memory_space<vmem>>, vector<16xi32>,
      tpu.vector_store_idx %arg13[%get3A_1108], %broadcast_in_dim3A_1088 {add = true} : memref<10240xi32, #tpu.memory_space<vmem>>[vector<16xi32>], vector<16xi32>,
      %get3A_1109 = arith.constant 4 : i32
      %get3A_1110 = arith.constant 64 : i32
      %get3A_1111 = arith.index_cast %get3A_1109 : i32 to index
      %get3A_1112 = arith.index_cast %get3A_1110 : i32 to index
      %get3A_1113 = tpu.vector_load %arg12[%get3A_1111, %get3A_1112] {strides = array<i32>} : memref<8x128xi32, #tpu.memory_space<vmem>>, vector<16xi32>,
      tpu.vector_store_idx %arg13[%get3A_1113], %broadcast_in_dim3A_1088 {add = true} : memref<10240xi32, #tpu.memory_space<vmem>>[vector<16xi32>], vector<16xi32>,
      %get3A_1114 = arith.constant 4 : i32
      %get3A_1115 = arith.constant 80 : i32
      %get3A_1116 = arith.index_cast %get3A_1114 : i32 to index
      %get3A_1117 = arith.index_cast %get3A_1115 : i32 to index
      %get3A_1118 = tpu.vector_load %arg12[%get3A_1116, %get3A_1117] {strides = array<i32>} : memref<8x128xi32, #tpu.memory_space<vmem>>, vector<16xi32>,
      tpu.vector_store_idx %arg13[%get3A_1118], %broadcast_in_dim3A_1088 {add = true} : memref<10240xi32, #tpu.memory_space<vmem>>[vector<16xi32>], vector<16xi32>,
      %get3A_1119 = arith.constant 4 : i32
      %get3A_1120 = arith.constant 96 : i32
      %get3A_1121 = arith.index_cast %get3A_1119 : i32 to index
      %get3A_1122 = arith.index_cast %get3A_1120 : i32 to index
      %get3A_1123 = tpu.vector_load %arg12[%get3A_1121, %get3A_1122] {strides = array<i32>} : memref<8x128xi32, #tpu.memory_space<vmem>>, vector<16xi32>,
      tpu.vector_store_idx %arg13[%get3A_1123], %broadcast_in_dim3A_1088 {add = true} : memref<10240xi32, #tpu.memory_space<vmem>>[vector<16xi32>], vector<16xi32>,
      %get3A_1124 = arith.constant 4 : i32
      %get3A_1125 = arith.constant 112 : i32
      %get3A_1126 = arith.index_cast %get3A_1124 : i32 to index
      %get3A_1127 = arith.index_cast %get3A_1125 : i32 to index
      %get3A_1128 = tpu.vector_load %arg12[%get3A_1126, %get3A_1127] {strides = array<i32>} : memref<8x128xi32, #tpu.memory_space<vmem>>, vector<16xi32>,
      tpu.vector_store_idx %arg13[%get3A_1128], %broadcast_in_dim3A_1088 {add = true} : memref<10240xi32, #tpu.memory_space<vmem>>[vector<16xi32>], vector<16xi32>,
      %dma_wait3A_1129 = arith.constant 4 : i32
      %dma_wait3A_1130 = arith.constant 0 : i32
      %dma_wait3A_1131 = tpu.memref_slice %arg12[%dma_wait3A_1129, %dma_wait3A_1130] : memref<8x128xi32, #tpu.memory_space<vmem>> -> memref<1x128xi32, #tpu.memory_space<vmem>>
      %dma_wait3A_1132 = tpu.memref_squeeze %dma_wait3A_1131 : memref<1x128xi32, #tpu.memory_space<vmem>> -> memref<128xi32, #tpu.memory_space<vmem>>
      %dma_wait3A_1133 = arith.constant 0 : i32
      %dma_wait3A_1134 = arith.constant 0 : i32
      %dma_wait3A_1135 = tpu.memref_slice %arg14[%dma_wait3A_1133, %dma_wait3A_1134] : memref<10240x128xf32, #tpu.memory_space<vmem_shared>> -> memref<10240x128xf32, #tpu.memory_space<vmem_shared>>
      tpu.wait_indirect_dma semaphore(%arg21 : memref<!tpu.dma_semaphore, #tpu.memory_space<semaphore_mem>>) src(%arg7 : memref<128x128xf32, #tpu.memory_space<vmem>>) dst(%dma_wait3A_1135 : memref<10240x128xf32, #tpu.memory_space<vmem_shared>>)
      %dma_start3A_1136 = arith.constant 6 : i32
      %dma_start3A_1137 = arith.constant 0 : i32
      %dma_start3A_1138 = tpu.memref_slice %arg10[%dma_start3A_1136, %dma_start3A_1137] : memref<8x128xi32, #tpu.memory_space<vmem>> -> memref<1x128xi32, #tpu.memory_space<vmem>>
      %dma_start3A_1139 = tpu.memref_squeeze %dma_start3A_1138 : memref<1x128xi32, #tpu.memory_space<vmem>> -> memref<128xi32, #tpu.memory_space<vmem>>
      %dma_start3A_1140 = arith.constant 0 : i32
      %dma_start3A_1141 = arith.constant 0 : i32
      %dma_start3A_1142 = tpu.memref_slice %arg2[%dma_start3A_1140, %dma_start3A_1141] : memref<10240x128xf32, #tpu.memory_space<hbm>> -> memref<10240x128xf32, #tpu.memory_space<hbm>>
      tpu.enqueue_indirect_dma source(%dma_start3A_1142 : memref<10240x128xf32, #tpu.memory_space<hbm>>) target(%arg7 : memref<128x128xf32, #tpu.memory_space<vmem>>) offsets(%dma_start3A_1139 : memref<128xi32, #tpu.memory_space<vmem>>) semaphore(%arg15 : memref<!tpu.dma_semaphore, #tpu.memory_space<semaphore_mem>>)
      %dma_wait3A_1143 = arith.constant 5 : i32
      %dma_wait3A_1144 = arith.constant 0 : i32
      %dma_wait3A_1145 = tpu.memref_slice %arg10[%dma_wait3A_1143, %dma_wait3A_1144] : memref<8x128xi32, #tpu.memory_space<vmem>> -> memref<1x128xi32, #tpu.memory_space<vmem>>
      %dma_wait3A_1146 = tpu.memref_squeeze %dma_wait3A_1145 : memref<1x128xi32, #tpu.memory_space<vmem>> -> memref<128xi32, #tpu.memory_space<vmem>>
      %dma_wait3A_1147 = arith.constant 0 : i32
      %dma_wait3A_1148 = arith.constant 0 : i32
      %dma_wait3A_1149 = tpu.memref_slice %arg2[%dma_wait3A_1147, %dma_wait3A_1148] : memref<10240x128xf32, #tpu.memory_space<hbm>> -> memref<10240x128xf32, #tpu.memory_space<hbm>>
      tpu.wait_indirect_dma semaphore(%arg16 : memref<!tpu.dma_semaphore, #tpu.memory_space<semaphore_mem>>) src(%dma_wait3A_1149 : memref<10240x128xf32, #tpu.memory_space<hbm>>) dst(%arg8 : memref<128x128xf32, #tpu.memory_space<vmem>>)
      %dma_start3A_1150 = arith.constant 5 : i32
      %dma_start3A_1151 = arith.constant 0 : i32
      %dma_start3A_1152 = tpu.memref_slice %arg12[%dma_start3A_1150, %dma_start3A_1151] : memref<8x128xi32, #tpu.memory_space<vmem>> -> memref<1x128xi32, #tpu.memory_space<vmem>>
      %dma_start3A_1153 = tpu.memref_squeeze %dma_start3A_1152 : memref<1x128xi32, #tpu.memory_space<vmem>> -> memref<128xi32, #tpu.memory_space<vmem>>
      %dma_start3A_1154 = arith.constant 0 : i32
      %dma_start3A_1155 = arith.constant 0 : i32
      %dma_start3A_1156 = tpu.memref_slice %arg14[%dma_start3A_1154, %dma_start3A_1155] : memref<10240x128xf32, #tpu.memory_space<vmem_shared>> -> memref<10240x128xf32, #tpu.memory_space<vmem_shared>>
      tpu.enqueue_indirect_dma source(%arg8 : memref<128x128xf32, #tpu.memory_space<vmem>>) target(%dma_start3A_1156 : memref<10240x128xf32, #tpu.memory_space<vmem_shared>>) offsets(%dma_start3A_1153 : memref<128xi32, #tpu.memory_space<vmem>>) semaphore(%arg22 : memref<!tpu.dma_semaphore, #tpu.memory_space<semaphore_mem>>) {add = true}
      %broadcast_in_dim3A_1157 = arith.constant 1 : i32
      %broadcast_in_dim3A_1158 = vector.broadcast %broadcast_in_dim3A_1157 : i32 to vector<16xi32>
      %get3A_1159 = arith.constant 5 : i32
      %get3A_1160 = arith.constant 0 : i32
      %get3A_1161 = arith.index_cast %get3A_1159 : i32 to index
      %get3A_1162 = arith.index_cast %get3A_1160 : i32 to index
      %get3A_1163 = tpu.vector_load %arg12[%get3A_1161, %get3A_1162] {strides = array<i32>} : memref<8x128xi32, #tpu.memory_space<vmem>>, vector<16xi32>,
      tpu.vector_store_idx %arg13[%get3A_1163], %broadcast_in_dim3A_1158 {add = true} : memref<10240xi32, #tpu.memory_space<vmem>>[vector<16xi32>], vector<16xi32>,
      %get3A_1164 = arith.constant 5 : i32
      %get3A_1165 = arith.constant 16 : i32
      %get3A_1166 = arith.index_cast %get3A_1164 : i32 to index
      %get3A_1167 = arith.index_cast %get3A_1165 : i32 to index
      %get3A_1168 = tpu.vector_load %arg12[%get3A_1166, %get3A_1167] {strides = array<i32>} : memref<8x128xi32, #tpu.memory_space<vmem>>, vector<16xi32>,
      tpu.vector_store_idx %arg13[%get3A_1168], %broadcast_in_dim3A_1158 {add = true} : memref<10240xi32, #tpu.memory_space<vmem>>[vector<16xi32>], vector<16xi32>,
      %get3A_1169 = arith.constant 5 : i32
      %get3A_1170 = arith.constant 32 : i32
      %get3A_1171 = arith.index_cast %get3A_1169 : i32 to index
      %get3A_1172 = arith.index_cast %get3A_1170 : i32 to index
      %get3A_1173 = tpu.vector_load %arg12[%get3A_1171, %get3A_1172] {strides = array<i32>} : memref<8x128xi32, #tpu.memory_space<vmem>>, vector<16xi32>,
      tpu.vector_store_idx %arg13[%get3A_1173], %broadcast_in_dim3A_1158 {add = true} : memref<10240xi32, #tpu.memory_space<vmem>>[vector<16xi32>], vector<16xi32>,
      %get3A_1174 = arith.constant 5 : i32
      %get3A_1175 = arith.constant 48 : i32
      %get3A_1176 = arith.index_cast %get3A_1174 : i32 to index
      %get3A_1177 = arith.index_cast %get3A_1175 : i32 to index
      %get3A_1178 = tpu.vector_load %arg12[%get3A_1176, %get3A_1177] {strides = array<i32>} : memref<8x128xi32, #tpu.memory_space<vmem>>, vector<16xi32>,
      tpu.vector_store_idx %arg13[%get3A_1178], %broadcast_in_dim3A_1158 {add = true} : memref<10240xi32, #tpu.memory_space<vmem>>[vector<16xi32>], vector<16xi32>,
      %get3A_1179 = arith.constant 5 : i32
      %get3A_1180 = arith.constant 64 : i32
      %get3A_1181 = arith.index_cast %get3A_1179 : i32 to index
      %get3A_1182 = arith.index_cast %get3A_1180 : i32 to index
      %get3A_1183 = tpu.vector_load %arg12[%get3A_1181, %get3A_1182] {strides = array<i32>} : memref<8x128xi32, #tpu.memory_space<vmem>>, vector<16xi32>,
      tpu.vector_store_idx %arg13[%get3A_1183], %broadcast_in_dim3A_1158 {add = true} : memref<10240xi32, #tpu.memory_space<vmem>>[vector<16xi32>], vector<16xi32>,
      %get3A_1184 = arith.constant 5 : i32
      %get3A_1185 = arith.constant 80 : i32
      %get3A_1186 = arith.index_cast %get3A_1184 : i32 to index
      %get3A_1187 = arith.index_cast %get3A_1185 : i32 to index
      %get3A_1188 = tpu.vector_load %arg12[%get3A_1186, %get3A_1187] {strides = array<i32>} : memref<8x128xi32, #tpu.memory_space<vmem>>, vector<16xi32>,
      tpu.vector_store_idx %arg13[%get3A_1188], %broadcast_in_dim3A_1158 {add = true} : memref<10240xi32, #tpu.memory_space<vmem>>[vector<16xi32>], vector<16xi32>,
      %get3A_1189 = arith.constant 5 : i32
      %get3A_1190 = arith.constant 96 : i32
      %get3A_1191 = arith.index_cast %get3A_1189 : i32 to index
      %get3A_1192 = arith.index_cast %get3A_1190 : i32 to index
      %get3A_1193 = tpu.vector_load %arg12[%get3A_1191, %get3A_1192] {strides = array<i32>} : memref<8x128xi32, #tpu.memory_space<vmem>>, vector<16xi32>,
      tpu.vector_store_idx %arg13[%get3A_1193], %broadcast_in_dim3A_1158 {add = true} : memref<10240xi32, #tpu.memory_space<vmem>>[vector<16xi32>], vector<16xi32>,
      %get3A_1194 = arith.constant 5 : i32
      %get3A_1195 = arith.constant 112 : i32
      %get3A_1196 = arith.index_cast %get3A_1194 : i32 to index
      %get3A_1197 = arith.index_cast %get3A_1195 : i32 to index
      %get3A_1198 = tpu.vector_load %arg12[%get3A_1196, %get3A_1197] {strides = array<i32>} : memref<8x128xi32, #tpu.memory_space<vmem>>, vector<16xi32>,
      tpu.vector_store_idx %arg13[%get3A_1198], %broadcast_in_dim3A_1158 {add = true} : memref<10240xi32, #tpu.memory_space<vmem>>[vector<16xi32>], vector<16xi32>,
      %dma_wait3A_1199 = arith.constant 5 : i32
      %dma_wait3A_1200 = arith.constant 0 : i32
      %dma_wait3A_1201 = tpu.memref_slice %arg12[%dma_wait3A_1199, %dma_wait3A_1200] : memref<8x128xi32, #tpu.memory_space<vmem>> -> memref<1x128xi32, #tpu.memory_space<vmem>>
      %dma_wait3A_1202 = tpu.memref_squeeze %dma_wait3A_1201 : memref<1x128xi32, #tpu.memory_space<vmem>> -> memref<128xi32, #tpu.memory_space<vmem>>
      %dma_wait3A_1203 = arith.constant 0 : i32
      %dma_wait3A_1204 = arith.constant 0 : i32
      %dma_wait3A_1205 = tpu.memref_slice %arg14[%dma_wait3A_1203, %dma_wait3A_1204] : memref<10240x128xf32, #tpu.memory_space<vmem_shared>> -> memref<10240x128xf32, #tpu.memory_space<vmem_shared>>
      tpu.wait_indirect_dma semaphore(%arg22 : memref<!tpu.dma_semaphore, #tpu.memory_space<semaphore_mem>>) src(%arg8 : memref<128x128xf32, #tpu.memory_space<vmem>>) dst(%dma_wait3A_1205 : memref<10240x128xf32, #tpu.memory_space<vmem_shared>>)
      %dma_start3A_1206 = arith.constant 7 : i32
      %dma_start3A_1207 = arith.constant 0 : i32
      %dma_start3A_1208 = tpu.memref_slice %arg10[%dma_start3A_1206, %dma_start3A_1207] : memref<8x128xi32, #tpu.memory_space<vmem>> -> memref<1x128xi32, #tpu.memory_space<vmem>>
      %dma_start3A_1209 = tpu.memref_squeeze %dma_start3A_1208 : memref<1x128xi32, #tpu.memory_space<vmem>> -> memref<128xi32, #tpu.memory_space<vmem>>
      %dma_start3A_1210 = arith.constant 0 : i32
      %dma_start3A_1211 = arith.constant 0 : i32
      %dma_start3A_1212 = tpu.memref_slice %arg2[%dma_start3A_1210, %dma_start3A_1211] : memref<10240x128xf32, #tpu.memory_space<hbm>> -> memref<10240x128xf32, #tpu.memory_space<hbm>>
      tpu.enqueue_indirect_dma source(%dma_start3A_1212 : memref<10240x128xf32, #tpu.memory_space<hbm>>) target(%arg8 : memref<128x128xf32, #tpu.memory_space<vmem>>) offsets(%dma_start3A_1209 : memref<128xi32, #tpu.memory_space<vmem>>) semaphore(%arg16 : memref<!tpu.dma_semaphore, #tpu.memory_space<semaphore_mem>>)
      %dma_wait3A_1213 = arith.constant 6 : i32
      %dma_wait3A_1214 = arith.constant 0 : i32
      %dma_wait3A_1215 = tpu.memref_slice %arg10[%dma_wait3A_1213, %dma_wait3A_1214] : memref<8x128xi32, #tpu.memory_space<vmem>> -> memref<1x128xi32, #tpu.memory_space<vmem>>
      %dma_wait3A_1216 = tpu.memref_squeeze %dma_wait3A_1215 : memref<1x128xi32, #tpu.memory_space<vmem>> -> memref<128xi32, #tpu.memory_space<vmem>>
      %dma_wait3A_1217 = arith.constant 0 : i32
      %dma_wait3A_1218 = arith.constant 0 : i32
      %dma_wait3A_1219 = tpu.memref_slice %arg2[%dma_wait3A_1217, %dma_wait3A_1218] : memref<10240x128xf32, #tpu.memory_space<hbm>> -> memref<10240x128xf32, #tpu.memory_space<hbm>>
      tpu.wait_indirect_dma semaphore(%arg15 : memref<!tpu.dma_semaphore, #tpu.memory_space<semaphore_mem>>) src(%dma_wait3A_1219 : memref<10240x128xf32, #tpu.memory_space<hbm>>) dst(%arg7 : memref<128x128xf32, #tpu.memory_space<vmem>>)
      %dma_start3A_1220 = arith.constant 6 : i32
      %dma_start3A_1221 = arith.constant 0 : i32
      %dma_start3A_1222 = tpu.memref_slice %arg12[%dma_start3A_1220, %dma_start3A_1221] : memref<8x128xi32, #tpu.memory_space<vmem>> -> memref<1x128xi32, #tpu.memory_space<vmem>>
      %dma_start3A_1223 = tpu.memref_squeeze %dma_start3A_1222 : memref<1x128xi32, #tpu.memory_space<vmem>> -> memref<128xi32, #tpu.memory_space<vmem>>
      %dma_start3A_1224 = arith.constant 0 : i32
      %dma_start3A_1225 = arith.constant 0 : i32
      %dma_start3A_1226 = tpu.memref_slice %arg14[%dma_start3A_1224, %dma_start3A_1225] : memref<10240x128xf32, #tpu.memory_space<vmem_shared>> -> memref<10240x128xf32, #tpu.memory_space<vmem_shared>>
      tpu.enqueue_indirect_dma source(%arg7 : memref<128x128xf32, #tpu.memory_space<vmem>>) target(%dma_start3A_1226 : memref<10240x128xf32, #tpu.memory_space<vmem_shared>>) offsets(%dma_start3A_1223 : memref<128xi32, #tpu.memory_space<vmem>>) semaphore(%arg21 : memref<!tpu.dma_semaphore, #tpu.memory_space<semaphore_mem>>) {add = true}
      %broadcast_in_dim3A_1227 = arith.constant 1 : i32
      %broadcast_in_dim3A_1228 = vector.broadcast %broadcast_in_dim3A_1227 : i32 to vector<16xi32>
      %get3A_1229 = arith.constant 6 : i32
      %get3A_1230 = arith.constant 0 : i32
      %get3A_1231 = arith.index_cast %get3A_1229 : i32 to index
      %get3A_1232 = arith.index_cast %get3A_1230 : i32 to index
      %get3A_1233 = tpu.vector_load %arg12[%get3A_1231, %get3A_1232] {strides = array<i32>} : memref<8x128xi32, #tpu.memory_space<vmem>>, vector<16xi32>,
      tpu.vector_store_idx %arg13[%get3A_1233], %broadcast_in_dim3A_1228 {add = true} : memref<10240xi32, #tpu.memory_space<vmem>>[vector<16xi32>], vector<16xi32>,
      %get3A_1234 = arith.constant 6 : i32
      %get3A_1235 = arith.constant 16 : i32
      %get3A_1236 = arith.index_cast %get3A_1234 : i32 to index
      %get3A_1237 = arith.index_cast %get3A_1235 : i32 to index
      %get3A_1238 = tpu.vector_load %arg12[%get3A_1236, %get3A_1237] {strides = array<i32>} : memref<8x128xi32, #tpu.memory_space<vmem>>, vector<16xi32>,
      tpu.vector_store_idx %arg13[%get3A_1238], %broadcast_in_dim3A_1228 {add = true} : memref<10240xi32, #tpu.memory_space<vmem>>[vector<16xi32>], vector<16xi32>,
      %get3A_1239 = arith.constant 6 : i32
      %get3A_1240 = arith.constant 32 : i32
      %get3A_1241 = arith.index_cast %get3A_1239 : i32 to index
      %get3A_1242 = arith.index_cast %get3A_1240 : i32 to index
      %get3A_1243 = tpu.vector_load %arg12[%get3A_1241, %get3A_1242] {strides = array<i32>} : memref<8x128xi32, #tpu.memory_space<vmem>>, vector<16xi32>,
      tpu.vector_store_idx %arg13[%get3A_1243], %broadcast_in_dim3A_1228 {add = true} : memref<10240xi32, #tpu.memory_space<vmem>>[vector<16xi32>], vector<16xi32>,
      %get3A_1244 = arith.constant 6 : i32
      %get3A_1245 = arith.constant 48 : i32
      %get3A_1246 = arith.index_cast %get3A_1244 : i32 to index
      %get3A_1247 = arith.index_cast %get3A_1245 : i32 to index
      %get3A_1248 = tpu.vector_load %arg12[%get3A_1246, %get3A_1247] {strides = array<i32>} : memref<8x128xi32, #tpu.memory_space<vmem>>, vector<16xi32>,
      tpu.vector_store_idx %arg13[%get3A_1248], %broadcast_in_dim3A_1228 {add = true} : memref<10240xi32, #tpu.memory_space<vmem>>[vector<16xi32>], vector<16xi32>,
      %get3A_1249 = arith.constant 6 : i32
      %get3A_1250 = arith.constant 64 : i32
      %get3A_1251 = arith.index_cast %get3A_1249 : i32 to index
      %get3A_1252 = arith.index_cast %get3A_1250 : i32 to index
      %get3A_1253 = tpu.vector_load %arg12[%get3A_1251, %get3A_1252] {strides = array<i32>} : memref<8x128xi32, #tpu.memory_space<vmem>>, vector<16xi32>,
      tpu.vector_store_idx %arg13[%get3A_1253], %broadcast_in_dim3A_1228 {add = true} : memref<10240xi32, #tpu.memory_space<vmem>>[vector<16xi32>], vector<16xi32>,
      %get3A_1254 = arith.constant 6 : i32
      %get3A_1255 = arith.constant 80 : i32
      %get3A_1256 = arith.index_cast %get3A_1254 : i32 to index
      %get3A_1257 = arith.index_cast %get3A_1255 : i32 to index
      %get3A_1258 = tpu.vector_load %arg12[%get3A_1256, %get3A_1257] {strides = array<i32>} : memref<8x128xi32, #tpu.memory_space<vmem>>, vector<16xi32>,
      tpu.vector_store_idx %arg13[%get3A_1258], %broadcast_in_dim3A_1228 {add = true} : memref<10240xi32, #tpu.memory_space<vmem>>[vector<16xi32>], vector<16xi32>,
      %get3A_1259 = arith.constant 6 : i32
      %get3A_1260 = arith.constant 96 : i32
      %get3A_1261 = arith.index_cast %get3A_1259 : i32 to index
      %get3A_1262 = arith.index_cast %get3A_1260 : i32 to index
      %get3A_1263 = tpu.vector_load %arg12[%get3A_1261, %get3A_1262] {strides = array<i32>} : memref<8x128xi32, #tpu.memory_space<vmem>>, vector<16xi32>,
      tpu.vector_store_idx %arg13[%get3A_1263], %broadcast_in_dim3A_1228 {add = true} : memref<10240xi32, #tpu.memory_space<vmem>>[vector<16xi32>], vector<16xi32>,
      %get3A_1264 = arith.constant 6 : i32
      %get3A_1265 = arith.constant 112 : i32
      %get3A_1266 = arith.index_cast %get3A_1264 : i32 to index
      %get3A_1267 = arith.index_cast %get3A_1265 : i32 to index
      %get3A_1268 = tpu.vector_load %arg12[%get3A_1266, %get3A_1267] {strides = array<i32>} : memref<8x128xi32, #tpu.memory_space<vmem>>, vector<16xi32>,
      tpu.vector_store_idx %arg13[%get3A_1268], %broadcast_in_dim3A_1228 {add = true} : memref<10240xi32, #tpu.memory_space<vmem>>[vector<16xi32>], vector<16xi32>,
      %dma_wait3A_1269 = arith.constant 6 : i32
      %dma_wait3A_1270 = arith.constant 0 : i32
      %dma_wait3A_1271 = tpu.memref_slice %arg12[%dma_wait3A_1269, %dma_wait3A_1270] : memref<8x128xi32, #tpu.memory_space<vmem>> -> memref<1x128xi32, #tpu.memory_space<vmem>>
      %dma_wait3A_1272 = tpu.memref_squeeze %dma_wait3A_1271 : memref<1x128xi32, #tpu.memory_space<vmem>> -> memref<128xi32, #tpu.memory_space<vmem>>
      %dma_wait3A_1273 = arith.constant 0 : i32
      %dma_wait3A_1274 = arith.constant 0 : i32
      %dma_wait3A_1275 = tpu.memref_slice %arg14[%dma_wait3A_1273, %dma_wait3A_1274] : memref<10240x128xf32, #tpu.memory_space<vmem_shared>> -> memref<10240x128xf32, #tpu.memory_space<vmem_shared>>
      tpu.wait_indirect_dma semaphore(%arg21 : memref<!tpu.dma_semaphore, #tpu.memory_space<semaphore_mem>>) src(%arg7 : memref<128x128xf32, #tpu.memory_space<vmem>>) dst(%dma_wait3A_1275 : memref<10240x128xf32, #tpu.memory_space<vmem_shared>>)
      %dma_wait3A_1276 = arith.constant 0 : i32
      %dma_wait3A_1277 = arith.constant 0 : i32
      %dma_wait3A_1278 = tpu.memref_slice %arg3[%dma_wait3A_1276, %dma_wait3A_1277] : memref<2576x128xi32, #tpu.memory_space<hbm>> -> memref<8x128xi32, #tpu.memory_space<hbm>>
      %dma_wait3A_1279 = arith.constant 0 : i32
      %dma_wait3A_1280 = arith.constant 0 : i32
      %dma_wait3A_1281 = tpu.memref_slice %arg3[%dma_wait3A_1279, %dma_wait3A_1280] : memref<2576x128xi32, #tpu.memory_space<hbm>> -> memref<8x128xi32, #tpu.memory_space<hbm>>
      tpu.wait_dma2 semaphore(%arg17 : memref<!tpu.dma_semaphore, #tpu.memory_space<semaphore_mem>>) src(%dma_wait3A_1281 : memref<8x128xi32, #tpu.memory_space<hbm>>) dst(%arg9 : memref<8x128xi32, #tpu.memory_space<vmem>>)
      %dma_wait3A_1282 = arith.constant 0 : i32
      %dma_wait3A_1283 = arith.constant 0 : i32
      %dma_wait3A_1284 = tpu.memref_slice %arg4[%dma_wait3A_1282, %dma_wait3A_1283] : memref<2576x128xi32, #tpu.memory_space<hbm>> -> memref<8x128xi32, #tpu.memory_space<hbm>>
      %dma_wait3A_1285 = arith.constant 0 : i32
      %dma_wait3A_1286 = arith.constant 0 : i32
      %dma_wait3A_1287 = tpu.memref_slice %arg4[%dma_wait3A_1285, %dma_wait3A_1286] : memref<2576x128xi32, #tpu.memory_space<hbm>> -> memref<8x128xi32, #tpu.memory_space<hbm>>
      tpu.wait_dma2 semaphore(%arg19 : memref<!tpu.dma_semaphore, #tpu.memory_space<semaphore_mem>>) src(%dma_wait3A_1287 : memref<8x128xi32, #tpu.memory_space<hbm>>) dst(%arg11 : memref<8x128xi32, #tpu.memory_space<vmem>>)
      %dma_start3A_1288 = arith.constant 0 : i32
      %dma_start3A_1289 = arith.constant 0 : i32
      %dma_start3A_1290 = tpu.memref_slice %arg9[%dma_start3A_1288, %dma_start3A_1289] : memref<8x128xi32, #tpu.memory_space<vmem>> -> memref<1x128xi32, #tpu.memory_space<vmem>>
      %dma_start3A_1291 = tpu.memref_squeeze %dma_start3A_1290 : memref<1x128xi32, #tpu.memory_space<vmem>> -> memref<128xi32, #tpu.memory_space<vmem>>
      %dma_start3A_1292 = arith.constant 0 : i32
      %dma_start3A_1293 = arith.constant 0 : i32
      %dma_start3A_1294 = tpu.memref_slice %arg2[%dma_start3A_1292, %dma_start3A_1293] : memref<10240x128xf32, #tpu.memory_space<hbm>> -> memref<10240x128xf32, #tpu.memory_space<hbm>>
      tpu.enqueue_indirect_dma source(%dma_start3A_1294 : memref<10240x128xf32, #tpu.memory_space<hbm>>) target(%arg7 : memref<128x128xf32, #tpu.memory_space<vmem>>) offsets(%dma_start3A_1291 : memref<128xi32, #tpu.memory_space<vmem>>) semaphore(%arg15 : memref<!tpu.dma_semaphore, #tpu.memory_space<semaphore_mem>>)
      %dma_wait3A_1295 = arith.constant 7 : i32
      %dma_wait3A_1296 = arith.constant 0 : i32
      %dma_wait3A_1297 = tpu.memref_slice %arg10[%dma_wait3A_1295, %dma_wait3A_1296] : memref<8x128xi32, #tpu.memory_space<vmem>> -> memref<1x128xi32, #tpu.memory_space<vmem>>
      %dma_wait3A_1298 = tpu.memref_squeeze %dma_wait3A_1297 : memref<1x128xi32, #tpu.memory_space<vmem>> -> memref<128xi32, #tpu.memory_space<vmem>>
      %dma_wait3A_1299 = arith.constant 0 : i32
      %dma_wait3A_1300 = arith.constant 0 : i32
      %dma_wait3A_1301 = tpu.memref_slice %arg2[%dma_wait3A_1299, %dma_wait3A_1300] : memref<10240x128xf32, #tpu.memory_space<hbm>> -> memref<10240x128xf32, #tpu.memory_space<hbm>>
      tpu.wait_indirect_dma semaphore(%arg16 : memref<!tpu.dma_semaphore, #tpu.memory_space<semaphore_mem>>) src(%dma_wait3A_1301 : memref<10240x128xf32, #tpu.memory_space<hbm>>) dst(%arg8 : memref<128x128xf32, #tpu.memory_space<vmem>>)
      %dma_start3A_1302 = arith.constant 7 : i32
      %dma_start3A_1303 = arith.constant 0 : i32
      %dma_start3A_1304 = tpu.memref_slice %arg12[%dma_start3A_1302, %dma_start3A_1303] : memref<8x128xi32, #tpu.memory_space<vmem>> -> memref<1x128xi32, #tpu.memory_space<vmem>>
      %dma_start3A_1305 = tpu.memref_squeeze %dma_start3A_1304 : memref<1x128xi32, #tpu.memory_space<vmem>> -> memref<128xi32, #tpu.memory_space<vmem>>
      %dma_start3A_1306 = arith.constant 0 : i32
      %dma_start3A_1307 = arith.constant 0 : i32
      %dma_start3A_1308 = tpu.memref_slice %arg14[%dma_start3A_1306, %dma_start3A_1307] : memref<10240x128xf32, #tpu.memory_space<vmem_shared>> -> memref<10240x128xf32, #tpu.memory_space<vmem_shared>>
      tpu.enqueue_indirect_dma source(%arg8 : memref<128x128xf32, #tpu.memory_space<vmem>>) target(%dma_start3A_1308 : memref<10240x128xf32, #tpu.memory_space<vmem_shared>>) offsets(%dma_start3A_1305 : memref<128xi32, #tpu.memory_space<vmem>>) semaphore(%arg22 : memref<!tpu.dma_semaphore, #tpu.memory_space<semaphore_mem>>) {add = true}
      %broadcast_in_dim3A_1309 = arith.constant 1 : i32
      %broadcast_in_dim3A_1310 = vector.broadcast %broadcast_in_dim3A_1309 : i32 to vector<16xi32>
      %get3A_1311 = arith.constant 7 : i32
      %get3A_1312 = arith.constant 0 : i32
      %get3A_1313 = arith.index_cast %get3A_1311 : i32 to index
      %get3A_1314 = arith.index_cast %get3A_1312 : i32 to index
      %get3A_1315 = tpu.vector_load %arg12[%get3A_1313, %get3A_1314] {strides = array<i32>} : memref<8x128xi32, #tpu.memory_space<vmem>>, vector<16xi32>,
      tpu.vector_store_idx %arg13[%get3A_1315], %broadcast_in_dim3A_1310 {add = true} : memref<10240xi32, #tpu.memory_space<vmem>>[vector<16xi32>], vector<16xi32>,
      %get3A_1316 = arith.constant 7 : i32
      %get3A_1317 = arith.constant 16 : i32
      %get3A_1318 = arith.index_cast %get3A_1316 : i32 to index
      %get3A_1319 = arith.index_cast %get3A_1317 : i32 to index
      %get3A_1320 = tpu.vector_load %arg12[%get3A_1318, %get3A_1319] {strides = array<i32>} : memref<8x128xi32, #tpu.memory_space<vmem>>, vector<16xi32>,
      tpu.vector_store_idx %arg13[%get3A_1320], %broadcast_in_dim3A_1310 {add = true} : memref<10240xi32, #tpu.memory_space<vmem>>[vector<16xi32>], vector<16xi32>,
      %get3A_1321 = arith.constant 7 : i32
      %get3A_1322 = arith.constant 32 : i32
      %get3A_1323 = arith.index_cast %get3A_1321 : i32 to index
      %get3A_1324 = arith.index_cast %get3A_1322 : i32 to index
      %get3A_1325 = tpu.vector_load %arg12[%get3A_1323, %get3A_1324] {strides = array<i32>} : memref<8x128xi32, #tpu.memory_space<vmem>>, vector<16xi32>,
      tpu.vector_store_idx %arg13[%get3A_1325], %broadcast_in_dim3A_1310 {add = true} : memref<10240xi32, #tpu.memory_space<vmem>>[vector<16xi32>], vector<16xi32>,
      %get3A_1326 = arith.constant 7 : i32
      %get3A_1327 = arith.constant 48 : i32
      %get3A_1328 = arith.index_cast %get3A_1326 : i32 to index
      %get3A_1329 = arith.index_cast %get3A_1327 : i32 to index
      %get3A_1330 = tpu.vector_load %arg12[%get3A_1328, %get3A_1329] {strides = array<i32>} : memref<8x128xi32, #tpu.memory_space<vmem>>, vector<16xi32>,
      tpu.vector_store_idx %arg13[%get3A_1330], %broadcast_in_dim3A_1310 {add = true} : memref<10240xi32, #tpu.memory_space<vmem>>[vector<16xi32>], vector<16xi32>,
      %get3A_1331 = arith.constant 7 : i32
      %get3A_1332 = arith.constant 64 : i32
      %get3A_1333 = arith.index_cast %get3A_1331 : i32 to index
      %get3A_1334 = arith.index_cast %get3A_1332 : i32 to index
      %get3A_1335 = tpu.vector_load %arg12[%get3A_1333, %get3A_1334] {strides = array<i32>} : memref<8x128xi32, #tpu.memory_space<vmem>>, vector<16xi32>,
      tpu.vector_store_idx %arg13[%get3A_1335], %broadcast_in_dim3A_1310 {add = true} : memref<10240xi32, #tpu.memory_space<vmem>>[vector<16xi32>], vector<16xi32>,
      %get3A_1336 = arith.constant 7 : i32
      %get3A_1337 = arith.constant 80 : i32
      %get3A_1338 = arith.index_cast %get3A_1336 : i32 to index
      %get3A_1339 = arith.index_cast %get3A_1337 : i32 to index
      %get3A_1340 = tpu.vector_load %arg12[%get3A_1338, %get3A_1339] {strides = array<i32>} : memref<8x128xi32, #tpu.memory_space<vmem>>, vector<16xi32>,
      tpu.vector_store_idx %arg13[%get3A_1340], %broadcast_in_dim3A_1310 {add = true} : memref<10240xi32, #tpu.memory_space<vmem>>[vector<16xi32>], vector<16xi32>,
      %get3A_1341 = arith.constant 7 : i32
      %get3A_1342 = arith.constant 96 : i32
      %get3A_1343 = arith.index_cast %get3A_1341 : i32 to index
      %get3A_1344 = arith.index_cast %get3A_1342 : i32 to index
      %get3A_1345 = tpu.vector_load %arg12[%get3A_1343, %get3A_1344] {strides = array<i32>} : memref<8x128xi32, #tpu.memory_space<vmem>>, vector<16xi32>,
      tpu.vector_store_idx %arg13[%get3A_1345], %broadcast_in_dim3A_1310 {add = true} : memref<10240xi32, #tpu.memory_space<vmem>>[vector<16xi32>], vector<16xi32>,
      %get3A_1346 = arith.constant 7 : i32
      %get3A_1347 = arith.constant 112 : i32
      %get3A_1348 = arith.index_cast %get3A_1346 : i32 to index
      %get3A_1349 = arith.index_cast %get3A_1347 : i32 to index
      %get3A_1350 = tpu.vector_load %arg12[%get3A_1348, %get3A_1349] {strides = array<i32>} : memref<8x128xi32, #tpu.memory_space<vmem>>, vector<16xi32>,
      tpu.vector_store_idx %arg13[%get3A_1350], %broadcast_in_dim3A_1310 {add = true} : memref<10240xi32, #tpu.memory_space<vmem>>[vector<16xi32>], vector<16xi32>,
      %dma_wait3A_1351 = arith.constant 7 : i32
      %dma_wait3A_1352 = arith.constant 0 : i32
      %dma_wait3A_1353 = tpu.memref_slice %arg12[%dma_wait3A_1351, %dma_wait3A_1352] : memref<8x128xi32, #tpu.memory_space<vmem>> -> memref<1x128xi32, #tpu.memory_space<vmem>>
      %dma_wait3A_1354 = tpu.memref_squeeze %dma_wait3A_1353 : memref<1x128xi32, #tpu.memory_space<vmem>> -> memref<128xi32, #tpu.memory_space<vmem>>
      %dma_wait3A_1355 = arith.constant 0 : i32
      %dma_wait3A_1356 = arith.constant 0 : i32
      %dma_wait3A_1357 = tpu.memref_slice %arg14[%dma_wait3A_1355, %dma_wait3A_1356] : memref<10240x128xf32, #tpu.memory_space<vmem_shared>> -> memref<10240x128xf32, #tpu.memory_space<vmem_shared>>
      tpu.wait_indirect_dma semaphore(%arg22 : memref<!tpu.dma_semaphore, #tpu.memory_space<semaphore_mem>>) src(%arg8 : memref<128x128xf32, #tpu.memory_space<vmem>>) dst(%dma_wait3A_1357 : memref<10240x128xf32, #tpu.memory_space<vmem_shared>>)
      %dma_start3A_1358 = arith.constant 1 : i32
      %dma_start3A_1359 = arith.constant 0 : i32
      %dma_start3A_1360 = tpu.memref_slice %arg9[%dma_start3A_1358, %dma_start3A_1359] : memref<8x128xi32, #tpu.memory_space<vmem>> -> memref<1x128xi32, #tpu.memory_space<vmem>>
      %dma_start3A_1361 = tpu.memref_squeeze %dma_start3A_1360 : memref<1x128xi32, #tpu.memory_space<vmem>> -> memref<128xi32, #tpu.memory_space<vmem>>
      %dma_start3A_1362 = arith.constant 0 : i32
      %dma_start3A_1363 = arith.constant 0 : i32
      %dma_start3A_1364 = tpu.memref_slice %arg2[%dma_start3A_1362, %dma_start3A_1363] : memref<10240x128xf32, #tpu.memory_space<hbm>> -> memref<10240x128xf32, #tpu.memory_space<hbm>>
      tpu.enqueue_indirect_dma source(%dma_start3A_1364 : memref<10240x128xf32, #tpu.memory_space<hbm>>) target(%arg8 : memref<128x128xf32, #tpu.memory_space<vmem>>) offsets(%dma_start3A_1361 : memref<128xi32, #tpu.memory_space<vmem>>) semaphore(%arg16 : memref<!tpu.dma_semaphore, #tpu.memory_space<semaphore_mem>>)
      %add3A_1365 = arith.constant 2 : i32
      %add3A_1366 = arith.addi %add3A_792, %add3A_1365 : i32
      %mul3A_1367 = arith.constant 8 : i32
      %mul3A_1368 = arith.muli %add3A_1366, %mul3A_1367 : i32
      %add3A_1369 = arith.addi %select_n3A, %mul3A_1368 : i32
      %multiple_of3A_1370 = tpu.assume_multiple %add3A_1369, 8 : i32
      %dma_start3A_1371 = arith.constant 0 : i32
      %dma_start3A_1372 = tpu.memref_slice %arg3[%multiple_of3A_1370, %dma_start3A_1371] : memref<2576x128xi32, #tpu.memory_space<hbm>> -> memref<8x128xi32, #tpu.memory_space<hbm>>
      %dma_start3A_1373 = arith.constant 0 : i32
      %dma_start3A_1374 = tpu.memref_slice %arg3[%multiple_of3A_1370, %dma_start3A_1373] : memref<2576x128xi32, #tpu.memory_space<hbm>> -> memref<8x128xi32, #tpu.memory_space<hbm>>
      tpu.enqueue_dma source(%dma_start3A_1374 : memref<8x128xi32, #tpu.memory_space<hbm>>) target(%arg10 : memref<8x128xi32, #tpu.memory_space<vmem>>) target_semaphore(%arg18 : memref<!tpu.dma_semaphore, #tpu.memory_space<semaphore_mem>>)
      %dma_start3A_1375 = arith.constant 0 : i32
      %dma_start3A_1376 = tpu.memref_slice %arg4[%multiple_of3A_1370, %dma_start3A_1375] : memref<2576x128xi32, #tpu.memory_space<hbm>> -> memref<8x128xi32, #tpu.memory_space<hbm>>
      %dma_start3A_1377 = arith.constant 0 : i32
      %dma_start3A_1378 = tpu.memref_slice %arg4[%multiple_of3A_1370, %dma_start3A_1377] : memref<2576x128xi32, #tpu.memory_space<hbm>> -> memref<8x128xi32, #tpu.memory_space<hbm>>
      tpu.enqueue_dma source(%dma_start3A_1378 : memref<8x128xi32, #tpu.memory_space<hbm>>) target(%arg12 : memref<8x128xi32, #tpu.memory_space<vmem>>) target_semaphore(%arg20 : memref<!tpu.dma_semaphore, #tpu.memory_space<semaphore_mem>>)
    }
    %dma_wait3A_147 = arith.constant 0 : i32
    %dma_wait3A_148 = arith.constant 0 : i32
    %dma_wait3A_149 = tpu.memref_slice %arg9[%dma_wait3A_147, %dma_wait3A_148] : memref<8x128xi32, #tpu.memory_space<vmem>> -> memref<1x128xi32, #tpu.memory_space<vmem>>
    %dma_wait3A_150 = tpu.memref_squeeze %dma_wait3A_149 : memref<1x128xi32, #tpu.memory_space<vmem>> -> memref<128xi32, #tpu.memory_space<vmem>>
    %dma_wait3A_151 = arith.constant 0 : i32
    %dma_wait3A_152 = arith.constant 0 : i32
    %dma_wait3A_153 = tpu.memref_slice %arg2[%dma_wait3A_151, %dma_wait3A_152] : memref<10240x128xf32, #tpu.memory_space<hbm>> -> memref<10240x128xf32, #tpu.memory_space<hbm>>
    tpu.wait_indirect_dma semaphore(%arg15 : memref<!tpu.dma_semaphore, #tpu.memory_space<semaphore_mem>>) src(%dma_wait3A_153 : memref<10240x128xf32, #tpu.memory_space<hbm>>) dst(%arg7 : memref<128x128xf32, #tpu.memory_space<vmem>>)
    %dma_wait3A_154 = arith.constant 1 : i32
    %dma_wait3A_155 = arith.constant 0 : i32
    %dma_wait3A_156 = tpu.memref_slice %arg9[%dma_wait3A_154, %dma_wait3A_155] : memref<8x128xi32, #tpu.memory_space<vmem>> -> memref<1x128xi32, #tpu.memory_space<vmem>>
    %dma_wait3A_157 = tpu.memref_squeeze %dma_wait3A_156 : memref<1x128xi32, #tpu.memory_space<vmem>> -> memref<128xi32, #tpu.memory_space<vmem>>
    %dma_wait3A_158 = arith.constant 0 : i32
    %dma_wait3A_159 = arith.constant 0 : i32
    %dma_wait3A_160 = tpu.memref_slice %arg2[%dma_wait3A_158, %dma_wait3A_159] : memref<10240x128xf32, #tpu.memory_space<hbm>> -> memref<10240x128xf32, #tpu.memory_space<hbm>>
    tpu.wait_indirect_dma semaphore(%arg16 : memref<!tpu.dma_semaphore, #tpu.memory_space<semaphore_mem>>) src(%dma_wait3A_160 : memref<10240x128xf32, #tpu.memory_space<hbm>>) dst(%arg8 : memref<128x128xf32, #tpu.memory_space<vmem>>)
    %dma_wait3A_161 = arith.constant 0 : i32
    %dma_wait3A_162 = arith.constant 0 : i32
    %dma_wait3A_163 = tpu.memref_slice %arg3[%dma_wait3A_161, %dma_wait3A_162] : memref<2576x128xi32, #tpu.memory_space<hbm>> -> memref<8x128xi32, #tpu.memory_space<hbm>>
    %dma_wait3A_164 = arith.constant 0 : i32
    %dma_wait3A_165 = arith.constant 0 : i32
    %dma_wait3A_166 = tpu.memref_slice %arg3[%dma_wait3A_164, %dma_wait3A_165] : memref<2576x128xi32, #tpu.memory_space<hbm>> -> memref<8x128xi32, #tpu.memory_space<hbm>>
    tpu.wait_dma2 semaphore(%arg18 : memref<!tpu.dma_semaphore, #tpu.memory_space<semaphore_mem>>) src(%dma_wait3A_166 : memref<8x128xi32, #tpu.memory_space<hbm>>) dst(%arg10 : memref<8x128xi32, #tpu.memory_space<vmem>>)
    %dma_wait3A_167 = arith.constant 0 : i32
    %dma_wait3A_168 = arith.constant 0 : i32
    %dma_wait3A_169 = tpu.memref_slice %arg4[%dma_wait3A_167, %dma_wait3A_168] : memref<2576x128xi32, #tpu.memory_space<hbm>> -> memref<8x128xi32, #tpu.memory_space<hbm>>
    %dma_wait3A_170 = arith.constant 0 : i32
    %dma_wait3A_171 = arith.constant 0 : i32
    %dma_wait3A_172 = tpu.memref_slice %arg4[%dma_wait3A_170, %dma_wait3A_171] : memref<2576x128xi32, #tpu.memory_space<hbm>> -> memref<8x128xi32, #tpu.memory_space<hbm>>
    tpu.wait_dma2 semaphore(%arg20 : memref<!tpu.dma_semaphore, #tpu.memory_space<semaphore_mem>>) src(%dma_wait3A_172 : memref<8x128xi32, #tpu.memory_space<hbm>>) dst(%arg12 : memref<8x128xi32, #tpu.memory_space<vmem>>)
    %barrier3A_173 = arith.constant 0 : index
    tpu.barrier barrier_id(%barrier3A_173)
    %mul3A_174 = arith.constant 640 : i32
    %mul3A_175 = arith.muli %arg1, %mul3A_174 : i32
    %dma_start3A_176 = arith.constant 0 : i32
    %dma_start3A_177 = tpu.memref_slice %arg5[%arg0, %mul3A_175, %dma_start3A_176] : memref<2x10240x128xf32, #tpu.memory_space<hbm>> -> memref<1x640x128xf32, #tpu.memory_space<hbm>>
    %dma_start3A_178 = tpu.memref_squeeze %dma_start3A_177 : memref<1x640x128xf32, #tpu.memory_space<hbm>> -> memref<640x128xf32, #tpu.memory_space<hbm>>
    %dma_start3A_179 = arith.constant 0 : i32
    %dma_start3A_180 = tpu.memref_slice %arg14[%mul3A_175, %dma_start3A_179] : memref<10240x128xf32, #tpu.memory_space<vmem_shared>> -> memref<640x128xf32, #tpu.memory_space<vmem_shared>>
    tpu.enqueue_dma source(%dma_start3A_180 : memref<640x128xf32, #tpu.memory_space<vmem_shared>>) target(%dma_start3A_178 : memref<640x128xf32, #tpu.memory_space<hbm>>) target_semaphore(%arg15 : memref<!tpu.dma_semaphore, #tpu.memory_space<semaphore_mem>>)
    %dma_wait3A_181 = arith.constant 0 : i32
    %dma_wait3A_182 = tpu.memref_slice %arg5[%arg0, %mul3A_175, %dma_wait3A_181] : memref<2x10240x128xf32, #tpu.memory_space<hbm>> -> memref<1x640x128xf32, #tpu.memory_space<hbm>>
    %dma_wait3A_183 = tpu.memref_squeeze %dma_wait3A_182 : memref<1x640x128xf32, #tpu.memory_space<hbm>> -> memref<640x128xf32, #tpu.memory_space<hbm>>
    %dma_wait3A_184 = arith.constant 0 : i32
    %dma_wait3A_185 = tpu.memref_slice %arg14[%mul3A_175, %dma_wait3A_184] : memref<10240x128xf32, #tpu.memory_space<vmem_shared>> -> memref<640x128xf32, #tpu.memory_space<vmem_shared>>
    tpu.wait_dma2 semaphore(%arg15 : memref<!tpu.dma_semaphore, #tpu.memory_space<semaphore_mem>>) src(%dma_wait3A_185 : memref<640x128xf32, #tpu.memory_space<vmem_shared>>) dst(%dma_wait3A_183 : memref<640x128xf32, #tpu.memory_space<hbm>>)
    %dma_start3A_186 = arith.constant 0 : i32
    %dma_start3A_187 = tpu.memref_slice %arg6[%arg0, %arg1, %dma_start3A_186] : memref<2x16x10240xi32, #tpu.memory_space<hbm>> -> memref<1x1x10240xi32, #tpu.memory_space<hbm>>
    %dma_start3A_188 = tpu.memref_squeeze %dma_start3A_187 : memref<1x1x10240xi32, #tpu.memory_space<hbm>> -> memref<10240xi32, #tpu.memory_space<hbm>>
    %dma_start3A_189 = arith.constant 0 : i32
    %dma_start3A_190 = tpu.memref_slice %arg6[%arg0, %arg1, %dma_start3A_189] : memref<2x16x10240xi32, #tpu.memory_space<hbm>> -> memref<1x1x10240xi32, #tpu.memory_space<hbm>>
    %dma_start3A_191 = tpu.memref_squeeze %dma_start3A_190 : memref<1x1x10240xi32, #tpu.memory_space<hbm>> -> memref<10240xi32, #tpu.memory_space<hbm>>
    tpu.enqueue_dma source(%arg13 : memref<10240xi32, #tpu.memory_space<vmem>>) target(%dma_start3A_191 : memref<10240xi32, #tpu.memory_space<hbm>>) target_semaphore(%arg16 : memref<!tpu.dma_semaphore, #tpu.memory_space<semaphore_mem>>)
    %dma_wait3A_192 = arith.constant 0 : i32
    %dma_wait3A_193 = tpu.memref_slice %arg6[%arg0, %arg1, %dma_wait3A_192] : memref<2x16x10240xi32, #tpu.memory_space<hbm>> -> memref<1x1x10240xi32, #tpu.memory_space<hbm>>
    %dma_wait3A_194 = tpu.memref_squeeze %dma_wait3A_193 : memref<1x1x10240xi32, #tpu.memory_space<hbm>> -> memref<10240xi32, #tpu.memory_space<hbm>>
    %dma_wait3A_195 = arith.constant 0 : i32
    %dma_wait3A_196 = tpu.memref_slice %arg6[%arg0, %arg1, %dma_wait3A_195] : memref<2x16x10240xi32, #tpu.memory_space<hbm>> -> memref<1x1x10240xi32, #tpu.memory_space<hbm>>
    %dma_wait3A_197 = tpu.memref_squeeze %dma_wait3A_196 : memref<1x1x10240xi32, #tpu.memory_space<hbm>> -> memref<10240xi32, #tpu.memory_space<hbm>>
    tpu.wait_dma2 semaphore(%arg16 : memref<!tpu.dma_semaphore, #tpu.memory_space<semaphore_mem>>) src(%arg13 : memref<10240xi32, #tpu.memory_space<vmem>>) dst(%dma_wait3A_197 : memref<10240xi32, #tpu.memory_space<hbm>>)
    return
  }
}

</mosaic_0001>

<sc_bundles>
// kernel: kernel.4.cloned.1.call-start
scs
__scs_entry_jumppad:
0x0: {  	(pc) =	sbr.rel $0x88, $3  }
0x1: {  	(tag) =	ssettag $0x0;
	lr =	simm.s32 $0x1  }
0x2: {  	[smem:$0x3F9F] =	sst lr;
	_ =	strace $0xD0000000  }
0x3: {  	_ = 	snop  }
0x4: {  	_ = 	snop  }
0x5: {  	_ = 	snop  }
0x6: {  	_ = 	snop  }
0x7: {  	_ = 	snop  }
__scs_overlays_trampoline_lowered:
0x8: {  	[smem:$0x3FAE] =	sst s0  }
0x9: {  	[smem:$0x3FAF] =	sst s1  }
0xa: {  	[smem:$0x3FB0] =	sst s2  }
0xb: {  	[smem:$0x3FB1] =	sst s3  }
0xc: {  	[smem:$0x3FB2] =	sst s4  }
0xd: {  	[smem:$0x3FB3] =	sst s5  }
0xe: {  	[smem:$0x3FB4] =	sst s6  }
0xf: {  	[smem:$0x3FB5] =	sst s7  }
0x10: {  	[smem:$0x3FB6] =	sst s8  }
0x11: {  	[smem:$0x3FB7] =	sst s9;
	s0 =	simm.s32 @!p0 $0x0  }
0x12: {  	s1 =	sld [smem:$0x3F9D];
	s0 =	simm.s32 @p0 $0x1  }
0x13: {  	[smem:$0x3FB8] =	sst s0;
	s0 =	simm.s32 @!p1 $0x0  }
0x14: {  	s2 =	sld [smem:$0x3F9C];
	s0 =	simm.s32 @p1 $0x1  }
0x15: {  	[smem:$0x3FB9] =	sst s0;
	s0 =	simm.s32 @!p2 $0x0  }
0x16: {  	s3 =	sld [smem:$0x3FDB];
	s0 =	simm.s32 @p2 $0x1  }
0x17: {  	s4 =	simm.s32 $0x1BF5;
	[smem:$0x3FBB] =	sst s0  }
0x18: {  	s0 =	sld [smem:$0x3F9E];
	_ =	swait.ge [sflag:s4], $0x0  }
0x19: {  	s7 =	sld [smem:$0x3F9F]  }
0x1a: {  	s8 =	sadd.s32 $0xFFFFE003, lr  }
0x1b: {  	s9 =	sadd.s32 $0xFFFFFEF7, lr;
	s5 =	simm.s32 $0xFFFFFFFF;
	p2 =	slt.u32 s8, $0xFFFFF086  }
0x1c: {  	p1 =	slt.u32 s9, $0xF7A;
	s5 =	simm.s32 @!p2 $0x0  }
0x1d: {  	s5 =	simm.s32 @p1 $0x1;
	p0 =	seq.s32 s7, s2  }
0x1e: {  	s7 =	smul.u32 @!p0 $0xF7A, s2;
	p2 =	seq.s32 @!p0 s5, $0x0  }
0x1f: {  	s9 =	smul.u32 $0xF7A, s1;
	s8 =	simm.s32 @!p0 $0x1BF5;
	p2 =	por !p2, p0  }
0x20: {  	[sflag:s8] =	ssyncset.s32 @!p0 $0xFFFFF086;
	s6 =	sadd.s32 @!p0 s3, s7;
	s7 =	simm.s32 @!p0 $0x108  }
0x21: {  	s3 =	sadd.s32 s3, s9;
	s6 =	sadd.s32 @!p0 $0x88, s6;
	s7 =	simm.s32 @p2 $0x1082  }
0x22: {  	[simem:s7], [sflag:s8] =	dma.local @!p0 [hbm:s6], $0xF7A  }
0x23: {  	s9 =	sor.u32 $0xD0000000, s2;
	s6 =	simm.s32 $0x108;
	_ =	swait.ge @!p0 [sflag:s8], $0x0  }
0x24: {  	s3 =	sadd.s32 $0x88, s3;
	s6 =	simm.s32 @!p1 $0x1082;
	[sflag:s4] =	ssyncset.s32 $0xFFFFF086  }
0x25: {  	[simem:s6], [sflag:s4] =	dma.local [hbm:s3], $0xF7A  }
0x26: {  	[smem:$0x3F9F] =	sst s1;
	(tag) =	ssettag s2;
	_ =	strace s9  }
0x27: {  	s1 =	sld [smem:$0x3FAF]  }
0x28: {  	s2 =	sld [smem:$0x3FB0]  }
0x29: {  	s4 =	sld [smem:$0x3FB2]  }
0x2a: {  	p0 =	seq.s32 s5, $0x0;
	s5 =	sld [smem:$0x3FB3]  }
0x2b: {  	s6 =	sld [smem:$0x3FB4]  }
0x2c: {  	s7 =	sld [smem:$0x3FB5]  }
0x2d: {  	s3 =	simm.s32 $0x108;
	s8 =	sld [smem:$0x3FB6]  }
0x2e: {  	s3 =	simm.s32 @!p0 $0x1082;
	s9 =	sld [smem:$0x3FB7]  }
0x2f: {  	lr =	sadd.s32 s0, s3;
	s0 =	sld [smem:$0x3FAE]  }
0x30: {  	s3 =	sld [smem:$0x3FB1]  }
0x31: {  	[smem:$0x3FBA] =	sst s10  }
0x32: {  	s10 =	sld [smem:$0x3FB8];
	_ =	sdelay $0x3  }
0x33: {  	p0 =	seq.s32 s10, $0x1;
	s10 =	sld [smem:$0x3FBA];
	_ =	sdelay $0x3  }
0x34: {  	[smem:$0x3FBA] =	sst s10  }
0x35: {  	s10 =	sld [smem:$0x3FB9];
	_ =	sdelay $0x3  }
0x36: {  	p1 =	seq.s32 s10, $0x1;
	s10 =	sld [smem:$0x3FBA];
	_ =	sdelay $0x3  }
0x37: {  	[smem:$0x3FBA] =	sst s10  }
0x38: {  	s10 =	sld [smem:$0x3FBB]  }
0x39: {  	_ = 	snop;
	(pc) =	sbr.ind lr, $3  }
0x3a: {  	_ = 	snop  }
0x3b: {  	_ = 	snop  }
0x3c: {  	p2 =	seq.s32 s10, $0x1;
	s10 =	sld [smem:$0x3FBA]  }
0x3d: {  	_ =	shalt  }
0x3e: {  	_ =	shalt  }
0x3f: {  	_ =	shalt  }
0x40: {  	_ =	shalt  }
0x41: {  	_ =	shalt  }
0x42: {  	_ =	shalt  }
0x43: {  	_ =	shalt  }
0x44: {  	_ =	shalt  }
0x45: {  	_ =	shalt  }
0x46: {  	_ =	shalt  }
0x47: {  	_ =	shalt  }
0x48: {  	_ =	shalt  }
0x49: {  	_ =	shalt  }
0x4a: {  	_ =	shalt  }
0x4b: {  	_ =	shalt  }
0x4c: {  	_ =	shalt  }
0x4d: {  	_ =	shalt  }
0x4e: {  	_ =	shalt  }
0x4f: {  	_ =	shalt  }
0x50: {  	_ =	shalt  }
0x51: {  	_ =	shalt  }
0x52: {  	_ =	shalt  }
0x53: {  	_ =	shalt  }
0x54: {  	_ =	shalt  }
0x55: {  	_ =	shalt  }
0x56: {  	_ =	shalt  }
0x57: {  	_ =	shalt  }
0x58: {  	_ =	shalt  }
0x59: {  	_ =	shalt  }
0x5a: {  	_ =	shalt  }
0x5b: {  	_ =	shalt  }
0x5c: {  	_ =	shalt  }
0x5d: {  	_ =	shalt  }
0x5e: {  	_ =	shalt  }
0x5f: {  	_ =	shalt  }
0x60: {  	_ =	shalt  }
0x61: {  	_ =	shalt  }
0x62: {  	_ =	shalt  }
0x63: {  	_ =	shalt  }
0x64: {  	_ =	shalt  }
0x65: {  	_ =	shalt  }
0x66: {  	_ =	shalt  }
0x67: {  	_ =	shalt  }
0x68: {  	_ =	shalt  }
0x69: {  	_ =	shalt  }
0x6a: {  	_ =	shalt  }
0x6b: {  	_ =	shalt  }
0x6c: {  	_ =	shalt  }
0x6d: {  	_ =	shalt  }
0x6e: {  	_ =	shalt  }
0x6f: {  	_ =	shalt  }
0x70: {  	_ =	shalt  }
0x71: {  	_ =	shalt  }
0x72: {  	_ =	shalt  }
0x73: {  	_ =	shalt  }
0x74: {  	_ =	shalt  }
0x75: {  	_ =	shalt  }
0x76: {  	_ =	shalt  }
0x77: {  	_ =	shalt  }
0x78: {  	_ =	shalt  }
0x79: {  	_ =	shalt  }
0x7a: {  	_ =	shalt  }
0x7b: {  	_ =	shalt  }
0x7c: {  	_ =	shalt  }
0x7d: {  	_ =	shalt  }
0x7e: {  	_ =	shalt  }
0x7f: {  	_ =	shalt  }
0x80: {  	_ =	shalt  }
0x81: {  	_ =	shalt  }
0x82: {  	_ =	shalt  }
0x83: {  	_ =	shalt  }
0x84: {  	_ =	shalt  }
0x85: {  	_ =	shalt  }
0x86: {  	_ =	shalt  }
0x87: {  	_ =	shalt  }
.Lfunc_end0:
.L_simem_size_0:
called_computation_lowered:
.L_overlay_start_0:
0x88: {  	s2 =	sld [smem:$0x3FD9]  }
0x89: {  	s3 =	sld [smem:$0x3FFE];
	_ =	sdelay $0x1  }
0x8a: {  	s1 =	srdreg.scid  }
0x8b: {  	s0 =	sand.u32 $0x1, s1  }
0x8c: {  	s16 =	sshll.u32 s0, $0xA;
	s2 =	sadd.s32 s3, s2  }
0x8d: {  	s2 =	sadd.s32 s2, s16  }
0x8e: {  	[smem:$0x3FC6] =	sst s2  }
0x8f: {  	_ = 	snop  }
0x90: {  	(tm) =	ssettm $0x1  }
0x91: {  	s17 =	sld [smem:$0x3FFB];
	_ =	sdelay $0x3  }
0x92: {  	_ =	strace s17  }
0x93: {  	s2 =	sld [smem:$0x3FFC];
	_ =	sdelay $0x3  }
0x94: {  	_ =	strace s2  }
0x95: {  	s2 =	sld [smem:$0x3FFD];
	_ =	sdelay $0x3  }
0x96: {  	_ =	strace s2  }
0x97: {  	_ =	strace $0x8FFFFFFF  }
0x98: {  	s18 =	sld [smem:$0x3FDB];
	_ =	sdelay $0x1  }
0x99: {  	s19 =	simm.s32 $_scs_section_size  }
0x9a: {  	s4 =	simm.s32 $_size__tile_overlayer_lowered;
	s5 =	simm.s32 $_tile_overlayer_lowered  }
0x9b: {  	s22 =	simm.s32 $0x1BFF;
	s21 =	sshll.u32 s5, $0x1;
	s2 =	sadd.s32 s19, s18  }
0x9c: {  	s6 =	simm.s32 $0x0;
	s20 =	sshll.u32 s4, $0x1;
	s4 =	sadd.s32 s21, s2  }
0x9d: {  	[timem:s6], [sflag:s22] =	dma.local [hbm:s4], s20  }
0x9e: {  	_ =	swait.ge [sflag:s22], s20  }
0x9f: {  	s3 =	ssub.s32 $0x0, s20;
	[sflag:s22] =	ssyncset.done $0x0  }
0xa0: {  	[sflag:s22] =	ssyncadd.s32 s3;
	_ =	sdelay $0x1  }
0xa1: {  	s23 =	simm.s32 $0x1B8B  }
0xa2: {  	_ =	swait.ge [sflag:s23], $0x1  }
0xa3: {  	[sflag:s23] =	ssyncset.done $0x0  }
0xa4: {  	s25 =	simm.s32 $0x1B8E;
	s24 =	sld [smem:$0x3FFE];
	[sflag:s23] =	ssyncadd.s32 $0xFFFFFFFF  }
0xa5: {  	s26 =	simm.s32 $execute0_lowered;
	[smem:$0x3FD2] =	sst s25  }
0xa6: {  	s4 =	sshll.u32 s26, $0x1;
	_ =	strace $0x80000046;
	[dreg:$0x1] =	wrdreg $0xFFFFFFFF  }
0xa7: {  	s28 =	simm.s32 $_size_execute0_lowered;
	s2 =	sadd.s32 s2, s4;
	[dreg:$0x0] =	wrdreg $0x0  }
0xa8: {  	s4 =	sshll.u32 s28, $0x1;
	[dreg:$0x2] =	wrdreg s2  }
0xa9: {  	[dreg:$0x3] =	wrdreg s4  }
0xaa: {  	[dreg:$0x4] =	wrdreg $0xC0  }
0xab: {  	_ =	task [dreg:s6], $0x5FFFF  }
0xac: {  	[dreg:$0x1] =	wrdreg $0xFFFFFFFF  }
0xad: {  	[dreg:$0x0] =	wrdreg $0x60  }
0xae: {  	[dreg:$0x2] =	wrdreg s24  }
0xaf: {  	[dreg:$0x3] =	wrdreg $0x9  }
0xb0: {  	_ =	task.clear_ibuf [dreg:s6], $0x4FFFF;
	_ =	strace $0x90000046  }
0xb1: {  	s29 =	simm.s32 $0x9;
	_ =	strace $0x80000048  }
0xb2: {  	_ =	swait.ge [sflag:s29], $0x1  }
0xb3: {  	[sflag:s29] =	ssyncadd.s32 $0xFFFFFFFF  }
0xb4: {  	_ =	strace $0x90000048  }
0xb5: {  	_ =	sfence  }
0xb6: {  	s30 =	sld [smem:$0x0];
	_ =	sdelay $0x2  }
0xb7: {  	s31 =	sshll.u32 s1, $0xD;
	s1 =	sshrl.u32 s1, $0x2  }
0xb8: {  	s3 =	sand.u32 $0x4000, s31;
	s1 =	sadd.s32 s1, s30  }
0xb9: {  	s0 =	sor.u32 s3, s0;
	s1 =	sshll.u32 s1, $0x11  }
0xba: {  	s0 =	sor.u32 s1, s0  }
0xbb: {  	s0 =	sadd.s32 $0x8F2B, s0  }
0xbc: {  	[sflag:s0] =	ssyncadd.remote.s32 $0x1  }
0xbd: {  	_ =	sfence.sel $0xFFFF  }
0xbe: {  	[dreg:$0x0] =	wrdreg $0xFFFFFFFF;
	(pc) =	sbr.abs _section_cstart, $3  }
0xbf: {  	[dreg:$0x1] =	wrdreg $0xFFFFFFFF  }
0xc0: {  	_ =	task.clear_ibuf [dreg:s6], $0x2FFFF;
	_ =	strace $0x9FFFFFFF  }
0xc1: {  	(tm) =	ssettm $0x7FFFFFFF  }
tec
execute0_lowered:
.L_overlay_start_1:
0x0: {  	(tag) =	ssettag $0x1  }
0x1: {  	s1 =	srdreg.scid  }
0x2: {  	s0 =	stileid.u32;
	s2 =	rddreg [dreg:$0x0];
	s3 =	simm.s32 $0x0  }
0x3: {  	s11 =	simm.s32 $0x1;
	s12 =	simm.s32 $0x800;
	s13 =	simm.s32 $0x2  }
0x4: {  	s14 =	simm.s32 $0x80;
	s15 =	simm.s32 $0x0;
	s4 =	sand.u32 $0x1, s1  }
0x5: {  	s6 =	sshrl.u32 s0, $0x3;
	s1 =	rddreg [dreg:$0x1];
	s5 =	smul.u32 $0x28000, s4  }
0x6: {  	[smem:$0x7FF] =	sst s3;
	s7 =	sshll.u32 s0, $0x7;
	s6 =	smul.u32 $0x14000, s6  }
0x7: {  	s8 =	smul.u32 $0x2800, s0;
	s7 =	sand.u32 $0x380, s7;
	s4 =	ssub.s32 $0x2, s4  }
0x8: {  	_ =	strace $0x80000047;
	s28 =	sshrl.u32 s4, $0x1;
	s6 =	sadd.s32 s5, s6  }
0x9: {  	s9 =	sadd.s32 s8, s5;
	s30 =	ssub.s32 s4, s28;
	s6 =	sor.u32 s7, s6  }
0xa: {  	s29 =	sshrl.u32 s9, $0x3;
	s31 =	sadd.s32 $0xC00, s9;
	s7 =	smax.u32 s30, $0x1  }
0xb: {  	s9 =	sadd.s32 $0x800, s9;
	s6 =	sshrl.u32 s6, $0x3;
	s4 =	sadd.s32 s2, s29  }
0xc: {  	s10 =	sshrl.u32 s31, $0x3;
	s6 =	sadd.s32 s6, s2;
	s5 =	sadd.s32 $0x80, s4  }
0xd: {  	v0 =	vimm.s32 $0x0;
	v1 =	vimm.s32 $0x1;
	s8 =	sadd.s32 s10, s2;
	s10 =	simm.s32 $0x400;
	s6 =	sadd.s32 $0x14400, s6  }
.LBB2_1:
0xe: {  	s16 =	simm.s32 $0x0;
	s17 =	simm.s32 $0x200  }
.LBB2_2:
0xf: {  	p0 =	sne.s32 s17, $0x9E00;
	[tilespmem:s16+$0x870] =	vst v0  }
0x10: {  	[tilespmem:s16+$0x800] =	vst v0  }
0x11: {  	[tilespmem:s16+$0x810] =	vst v0  }
.Ltmp0:
0x12: {  	[tilespmem:s16+$0x820] =	vst v0;
	(pc) =	sbr.rel @p0 .LBB2_2-.Ltmp0, $4  }
0x13: {  	[tilespmem:s16+$0x830] =	vst v0  }
0x14: {  	[tilespmem:s16+$0x840] =	vst v0  }
0x15: {  	[tilespmem:s16+$0x850] =	vst v0  }
0x16: {  	[tilespmem:s16+$0x860] =	vst v0;
	s16 =	sshra.s32 s17, $0x2;
	s17 =	sadd.s32 $0x200, s17  }
0x17: {  	[tilespmem:s16+$0x870] =	vst v0  }
0x18: {  	[tilespmem:s16+$0x800] =	vst v0  }
0x19: {  	[tilespmem:s16+$0x810] =	vst v0  }
0x1a: {  	[tilespmem:s16+$0x820] =	vst v0  }
0x1b: {  	[tilespmem:s16+$0x830] =	vst v0  }
0x1c: {  	[tilespmem:s16+$0x840] =	vst v0  }
0x1d: {  	[tilespmem:s16+$0x850] =	vst v0  }
0x1e: {  	[tilespmem:s16+$0x860] =	vst v0;
	s16 =	simm.s32 $0x0  }
0x1f: {  	[tilespmem:s16], [sflag:$0x1] =	stream.linear.gather [hbm4b:s4+s16], $0x400, $0x38;
	[tilespmem:$0x3000] =	vst v63  }
0x20: {  	s17 =	smov.u32 s9  }
0x21: {  	[tilespmem:s10], [sflag:$0x2] =	stream.linear.gather [hbm4b:s5+s16], $0x400, $0x38;
	[tilespmem:$0x3000] =	vst v63  }
.LBB2_4:
0x22: {  	_ =	swait.ge [sflag:s11], $0x400  }
0x23: {  	[sflag:s11] =	ssyncset.done $0x0  }
0x24: {  	[sflag:s11] =	ssyncadd.s32 $0xFFFFFC00  }
0x25: {  	v2 =	vld [tilespmem:$0x0];
	_ =	sdelay $0x7  }
0x26: {  	[tilespmem:v2+s12+$0x0] =	vst.idx.add.s32.msk $0xffff, v1  }
0x27: {  	v2 =	vld [tilespmem:$0x10];
	_ =	sdelay $0x7  }
0x28: {  	[tilespmem:v2+s12+$0x0] =	vst.idx.add.s32.msk $0xffff, v1  }
0x29: {  	v2 =	vld [tilespmem:$0x20];
	_ =	sdelay $0x7  }
0x2a: {  	[tilespmem:v2+s12+$0x0] =	vst.idx.add.s32.msk $0xffff, v1  }
0x2b: {  	v2 =	vld [tilespmem:$0x30];
	_ =	sdelay $0x7  }
0x2c: {  	[tilespmem:v2+s12+$0x0] =	vst.idx.add.s32.msk $0xffff, v1  }
0x2d: {  	v2 =	vld [tilespmem:$0x40];
	_ =	sdelay $0x7  }
0x2e: {  	[tilespmem:v2+s12+$0x0] =	vst.idx.add.s32.msk $0xffff, v1  }
0x2f: {  	v2 =	vld [tilespmem:$0x50];
	_ =	sdelay $0x7  }
0x30: {  	[tilespmem:v2+s12+$0x0] =	vst.idx.add.s32.msk $0xffff, v1  }
0x31: {  	v2 =	vld [tilespmem:$0x60];
	_ =	sdelay $0x7  }
0x32: {  	[tilespmem:v2+s12+$0x0] =	vst.idx.add.s32.msk $0xffff, v1  }
0x33: {  	v2 =	vld [tilespmem:$0x70];
	_ =	sdelay $0x7  }
0x34: {  	[tilespmem:v2+s12+$0x0] =	vst.idx.add.s32.msk $0xffff, v1  }
0x35: {  	v2 =	vld [tilespmem:$0x80];
	_ =	sdelay $0x7  }
0x36: {  	[tilespmem:v2+s12+$0x0] =	vst.idx.add.s32.msk $0xffff, v1  }
0x37: {  	v2 =	vld [tilespmem:$0x90];
	_ =	sdelay $0x7  }
0x38: {  	[tilespmem:v2+s12+$0x0] =	vst.idx.add.s32.msk $0xffff, v1  }
0x39: {  	v2 =	vld [tilespmem:$0xA0];
	_ =	sdelay $0x7  }
0x3a: {  	[tilespmem:v2+s12+$0x0] =	vst.idx.add.s32.msk $0xffff, v1  }
0x3b: {  	v2 =	vld [tilespmem:$0xB0];
	_ =	sdelay $0x7  }
0x3c: {  	[tilespmem:v2+s12+$0x0] =	vst.idx.add.s32.msk $0xffff, v1  }
0x3d: {  	v2 =	vld [tilespmem:$0xC0];
	_ =	sdelay $0x7  }
0x3e: {  	[tilespmem:v2+s12+$0x0] =	vst.idx.add.s32.msk $0xffff, v1  }
0x3f: {  	v2 =	vld [tilespmem:$0xD0];
	_ =	sdelay $0x7  }
0x40: {  	[tilespmem:v2+s12+$0x0] =	vst.idx.add.s32.msk $0xffff, v1  }
0x41: {  	v2 =	vld [tilespmem:$0xE0];
	_ =	sdelay $0x7  }
0x42: {  	[tilespmem:v2+s12+$0x0] =	vst.idx.add.s32.msk $0xffff, v1  }
0x43: {  	v2 =	vld [tilespmem:$0xF0];
	_ =	sdelay $0x7  }
0x44: {  	[tilespmem:v2+s12+$0x0] =	vst.idx.add.s32.msk $0xffff, v1  }
0x45: {  	v2 =	vld [tilespmem:$0x100];
	_ =	sdelay $0x7  }
0x46: {  	[tilespmem:v2+s12+$0x0] =	vst.idx.add.s32.msk $0xffff, v1  }
0x47: {  	v2 =	vld [tilespmem:$0x110];
	_ =	sdelay $0x7  }
0x48: {  	[tilespmem:v2+s12+$0x0] =	vst.idx.add.s32.msk $0xffff, v1  }
0x49: {  	v2 =	vld [tilespmem:$0x120];
	_ =	sdelay $0x7  }
0x4a: {  	[tilespmem:v2+s12+$0x0] =	vst.idx.add.s32.msk $0xffff, v1  }
0x4b: {  	v2 =	vld [tilespmem:$0x130];
	_ =	sdelay $0x7  }
0x4c: {  	[tilespmem:v2+s12+$0x0] =	vst.idx.add.s32.msk $0xffff, v1  }
0x4d: {  	v2 =	vld [tilespmem:$0x140];
	_ =	sdelay $0x7  }
0x4e: {  	[tilespmem:v2+s12+$0x0] =	vst.idx.add.s32.msk $0xffff, v1  }
0x4f: {  	v2 =	vld [tilespmem:$0x150];
	_ =	sdelay $0x7  }
0x50: {  	[tilespmem:v2+s12+$0x0] =	vst.idx.add.s32.msk $0xffff, v1  }
0x51: {  	v2 =	vld [tilespmem:$0x160];
	_ =	sdelay $0x7  }
0x52: {  	[tilespmem:v2+s12+$0x0] =	vst.idx.add.s32.msk $0xffff, v1  }
0x53: {  	v2 =	vld [tilespmem:$0x170];
	_ =	sdelay $0x7  }
0x54: {  	[tilespmem:v2+s12+$0x0] =	vst.idx.add.s32.msk $0xffff, v1  }
0x55: {  	v2 =	vld [tilespmem:$0x180];
	_ =	sdelay $0x7  }
0x56: {  	[tilespmem:v2+s12+$0x0] =	vst.idx.add.s32.msk $0xffff, v1  }
0x57: {  	v2 =	vld [tilespmem:$0x190];
	_ =	sdelay $0x7  }
0x58: {  	[tilespmem:v2+s12+$0x0] =	vst.idx.add.s32.msk $0xffff, v1  }
0x59: {  	v2 =	vld [tilespmem:$0x1A0];
	_ =	sdelay $0x7  }
0x5a: {  	[tilespmem:v2+s12+$0x0] =	vst.idx.add.s32.msk $0xffff, v1  }
0x5b: {  	v2 =	vld [tilespmem:$0x1B0];
	_ =	sdelay $0x7  }
0x5c: {  	[tilespmem:v2+s12+$0x0] =	vst.idx.add.s32.msk $0xffff, v1  }
0x5d: {  	v2 =	vld [tilespmem:$0x1C0];
	_ =	sdelay $0x7  }
0x5e: {  	[tilespmem:v2+s12+$0x0] =	vst.idx.add.s32.msk $0xffff, v1  }
0x5f: {  	v2 =	vld [tilespmem:$0x1D0];
	_ =	sdelay $0x7  }
0x60: {  	[tilespmem:v2+s12+$0x0] =	vst.idx.add.s32.msk $0xffff, v1  }
0x61: {  	v2 =	vld [tilespmem:$0x1E0];
	_ =	sdelay $0x7  }
0x62: {  	[tilespmem:v2+s12+$0x0] =	vst.idx.add.s32.msk $0xffff, v1  }
0x63: {  	v2 =	vld [tilespmem:$0x1F0];
	_ =	sdelay $0x7  }
0x64: {  	[tilespmem:v2+s12+$0x0] =	vst.idx.add.s32.msk $0xffff, v1  }
0x65: {  	v2 =	vld [tilespmem:$0x200];
	_ =	sdelay $0x7  }
0x66: {  	[tilespmem:v2+s12+$0x0] =	vst.idx.add.s32.msk $0xffff, v1  }
0x67: {  	v2 =	vld [tilespmem:$0x210];
	_ =	sdelay $0x7  }
0x68: {  	[tilespmem:v2+s12+$0x0] =	vst.idx.add.s32.msk $0xffff, v1  }
0x69: {  	v2 =	vld [tilespmem:$0x220];
	_ =	sdelay $0x7  }
0x6a: {  	[tilespmem:v2+s12+$0x0] =	vst.idx.add.s32.msk $0xffff, v1  }
0x6b: {  	v2 =	vld [tilespmem:$0x230];
	_ =	sdelay $0x7  }
0x6c: {  	[tilespmem:v2+s12+$0x0] =	vst.idx.add.s32.msk $0xffff, v1  }
0x6d: {  	v2 =	vld [tilespmem:$0x240];
	_ =	sdelay $0x7  }
0x6e: {  	[tilespmem:v2+s12+$0x0] =	vst.idx.add.s32.msk $0xffff, v1  }
0x6f: {  	v2 =	vld [tilespmem:$0x250];
	_ =	sdelay $0x7  }
0x70: {  	[tilespmem:v2+s12+$0x0] =	vst.idx.add.s32.msk $0xffff, v1  }
0x71: {  	v2 =	vld [tilespmem:$0x260];
	_ =	sdelay $0x7  }
0x72: {  	[tilespmem:v2+s12+$0x0] =	vst.idx.add.s32.msk $0xffff, v1  }
0x73: {  	v2 =	vld [tilespmem:$0x270];
	_ =	sdelay $0x7  }
0x74: {  	[tilespmem:v2+s12+$0x0] =	vst.idx.add.s32.msk $0xffff, v1  }
0x75: {  	v2 =	vld [tilespmem:$0x280];
	_ =	sdelay $0x7  }
0x76: {  	[tilespmem:v2+s12+$0x0] =	vst.idx.add.s32.msk $0xffff, v1  }
0x77: {  	v2 =	vld [tilespmem:$0x290];
	_ =	sdelay $0x7  }
0x78: {  	[tilespmem:v2+s12+$0x0] =	vst.idx.add.s32.msk $0xffff, v1  }
0x79: {  	v2 =	vld [tilespmem:$0x2A0];
	_ =	sdelay $0x7  }
0x7a: {  	[tilespmem:v2+s12+$0x0] =	vst.idx.add.s32.msk $0xffff, v1  }
0x7b: {  	v2 =	vld [tilespmem:$0x2B0];
	_ =	sdelay $0x7  }
0x7c: {  	[tilespmem:v2+s12+$0x0] =	vst.idx.add.s32.msk $0xffff, v1  }
0x7d: {  	v2 =	vld [tilespmem:$0x2C0];
	_ =	sdelay $0x7  }
0x7e: {  	[tilespmem:v2+s12+$0x0] =	vst.idx.add.s32.msk $0xffff, v1  }
0x7f: {  	v2 =	vld [tilespmem:$0x2D0];
	_ =	sdelay $0x7  }
0x80: {  	[tilespmem:v2+s12+$0x0] =	vst.idx.add.s32.msk $0xffff, v1  }
0x81: {  	v2 =	vld [tilespmem:$0x2E0];
	_ =	sdelay $0x7  }
0x82: {  	[tilespmem:v2+s12+$0x0] =	vst.idx.add.s32.msk $0xffff, v1  }
0x83: {  	v2 =	vld [tilespmem:$0x2F0];
	_ =	sdelay $0x7  }
0x84: {  	[tilespmem:v2+s12+$0x0] =	vst.idx.add.s32.msk $0xffff, v1  }
0x85: {  	v2 =	vld [tilespmem:$0x300];
	_ =	sdelay $0x7  }
0x86: {  	[tilespmem:v2+s12+$0x0] =	vst.idx.add.s32.msk $0xffff, v1  }
0x87: {  	v2 =	vld [tilespmem:$0x310];
	_ =	sdelay $0x7  }
0x88: {  	[tilespmem:v2+s12+$0x0] =	vst.idx.add.s32.msk $0xffff, v1  }
0x89: {  	v2 =	vld [tilespmem:$0x320];
	_ =	sdelay $0x7  }
0x8a: {  	[tilespmem:v2+s12+$0x0] =	vst.idx.add.s32.msk $0xffff, v1  }
0x8b: {  	v2 =	vld [tilespmem:$0x330];
	_ =	sdelay $0x7  }
0x8c: {  	[tilespmem:v2+s12+$0x0] =	vst.idx.add.s32.msk $0xffff, v1  }
0x8d: {  	v2 =	vld [tilespmem:$0x340];
	_ =	sdelay $0x7  }
0x8e: {  	[tilespmem:v2+s12+$0x0] =	vst.idx.add.s32.msk $0xffff, v1  }
0x8f: {  	v2 =	vld [tilespmem:$0x350];
	_ =	sdelay $0x7  }
0x90: {  	[tilespmem:v2+s12+$0x0] =	vst.idx.add.s32.msk $0xffff, v1  }
0x91: {  	v2 =	vld [tilespmem:$0x360];
	_ =	sdelay $0x7  }
0x92: {  	[tilespmem:v2+s12+$0x0] =	vst.idx.add.s32.msk $0xffff, v1  }
0x93: {  	v2 =	vld [tilespmem:$0x370];
	_ =	sdelay $0x7  }
0x94: {  	[tilespmem:v2+s12+$0x0] =	vst.idx.add.s32.msk $0xffff, v1  }
0x95: {  	v2 =	vld [tilespmem:$0x380];
	_ =	sdelay $0x7  }
0x96: {  	[tilespmem:v2+s12+$0x0] =	vst.idx.add.s32.msk $0xffff, v1  }
0x97: {  	v2 =	vld [tilespmem:$0x390];
	_ =	sdelay $0x7  }
0x98: {  	[tilespmem:v2+s12+$0x0] =	vst.idx.add.s32.msk $0xffff, v1  }
0x99: {  	v2 =	vld [tilespmem:$0x3A0];
	_ =	sdelay $0x7  }
0x9a: {  	[tilespmem:v2+s12+$0x0] =	vst.idx.add.s32.msk $0xffff, v1  }
0x9b: {  	v2 =	vld [tilespmem:$0x3B0];
	_ =	sdelay $0x7  }
0x9c: {  	[tilespmem:v2+s12+$0x0] =	vst.idx.add.s32.msk $0xffff, v1  }
0x9d: {  	v2 =	vld [tilespmem:$0x3C0];
	_ =	sdelay $0x7  }
0x9e: {  	[tilespmem:v2+s12+$0x0] =	vst.idx.add.s32.msk $0xffff, v1  }
0x9f: {  	v2 =	vld [tilespmem:$0x3D0];
	_ =	sdelay $0x7  }
0xa0: {  	[tilespmem:v2+s12+$0x0] =	vst.idx.add.s32.msk $0xffff, v1  }
0xa1: {  	v2 =	vld [tilespmem:$0x3E0];
	_ =	sdelay $0x7  }
0xa2: {  	[tilespmem:v2+s12+$0x0] =	vst.idx.add.s32.msk $0xffff, v1  }
0xa3: {  	v2 =	vld [tilespmem:$0x3F0];
	_ =	sdelay $0x6  }
0xa4: {  	s18 =	sshrl.u32 s17, $0x3  }
0xa5: {  	s18 =	sadd.s32 s2, s18;
	[tilespmem:v2+s12+$0x0] =	vst.idx.add.s32.msk $0xffff, v1  }
0xa6: {  	[tilespmem:s3], [sflag:$0x1] =	stream.linear.gather [hbm4b:s18+s3], $0x400, $0x38;
	[tilespmem:$0x3000] =	vst v63  }
0xa7: {  	_ =	swait.ge [sflag:s13], $0x400  }
0xa8: {  	[sflag:s13] =	ssyncset.done $0x0  }
0xa9: {  	[sflag:s13] =	ssyncadd.s32 $0xFFFFFC00  }
0xaa: {  	v2 =	vld [tilespmem:$0x400];
	_ =	sdelay $0x7  }
0xab: {  	[tilespmem:v2+s12+$0x0] =	vst.idx.add.s32.msk $0xffff, v1  }
0xac: {  	v2 =	vld [tilespmem:$0x410];
	_ =	sdelay $0x7  }
0xad: {  	[tilespmem:v2+s12+$0x0] =	vst.idx.add.s32.msk $0xffff, v1  }
0xae: {  	v2 =	vld [tilespmem:$0x420];
	_ =	sdelay $0x7  }
0xaf: {  	[tilespmem:v2+s12+$0x0] =	vst.idx.add.s32.msk $0xffff, v1  }
0xb0: {  	v2 =	vld [tilespmem:$0x430];
	_ =	sdelay $0x7  }
0xb1: {  	[tilespmem:v2+s12+$0x0] =	vst.idx.add.s32.msk $0xffff, v1  }
0xb2: {  	v2 =	vld [tilespmem:$0x440];
	_ =	sdelay $0x7  }
0xb3: {  	[tilespmem:v2+s12+$0x0] =	vst.idx.add.s32.msk $0xffff, v1  }
0xb4: {  	v2 =	vld [tilespmem:$0x450];
	_ =	sdelay $0x7  }
0xb5: {  	[tilespmem:v2+s12+$0x0] =	vst.idx.add.s32.msk $0xffff, v1  }
0xb6: {  	v2 =	vld [tilespmem:$0x460];
	_ =	sdelay $0x7  }
0xb7: {  	[tilespmem:v2+s12+$0x0] =	vst.idx.add.s32.msk $0xffff, v1  }
0xb8: {  	v2 =	vld [tilespmem:$0x470];
	_ =	sdelay $0x7  }
0xb9: {  	[tilespmem:v2+s12+$0x0] =	vst.idx.add.s32.msk $0xffff, v1  }
0xba: {  	v2 =	vld [tilespmem:$0x480];
	_ =	sdelay $0x7  }
0xbb: {  	[tilespmem:v2+s12+$0x0] =	vst.idx.add.s32.msk $0xffff, v1  }
0xbc: {  	v2 =	vld [tilespmem:$0x490];
	_ =	sdelay $0x7  }
0xbd: {  	[tilespmem:v2+s12+$0x0] =	vst.idx.add.s32.msk $0xffff, v1  }
0xbe: {  	v2 =	vld [tilespmem:$0x4A0];
	_ =	sdelay $0x7  }
0xbf: {  	[tilespmem:v2+s12+$0x0] =	vst.idx.add.s32.msk $0xffff, v1  }
0xc0: {  	v2 =	vld [tilespmem:$0x4B0];
	_ =	sdelay $0x7  }
0xc1: {  	[tilespmem:v2+s12+$0x0] =	vst.idx.add.s32.msk $0xffff, v1  }
0xc2: {  	v2 =	vld [tilespmem:$0x4C0];
	_ =	sdelay $0x7  }
0xc3: {  	[tilespmem:v2+s12+$0x0] =	vst.idx.add.s32.msk $0xffff, v1  }
0xc4: {  	v2 =	vld [tilespmem:$0x4D0];
	_ =	sdelay $0x7  }
0xc5: {  	[tilespmem:v2+s12+$0x0] =	vst.idx.add.s32.msk $0xffff, v1  }
0xc6: {  	v2 =	vld [tilespmem:$0x4E0];
	_ =	sdelay $0x7  }
0xc7: {  	[tilespmem:v2+s12+$0x0] =	vst.idx.add.s32.msk $0xffff, v1  }
0xc8: {  	v2 =	vld [tilespmem:$0x4F0];
	_ =	sdelay $0x7  }
0xc9: {  	[tilespmem:v2+s12+$0x0] =	vst.idx.add.s32.msk $0xffff, v1  }
0xca: {  	v2 =	vld [tilespmem:$0x500];
	_ =	sdelay $0x7  }
0xcb: {  	[tilespmem:v2+s12+$0x0] =	vst.idx.add.s32.msk $0xffff, v1  }
0xcc: {  	v2 =	vld [tilespmem:$0x510];
	_ =	sdelay $0x7  }
0xcd: {  	[tilespmem:v2+s12+$0x0] =	vst.idx.add.s32.msk $0xffff, v1  }
0xce: {  	v2 =	vld [tilespmem:$0x520];
	_ =	sdelay $0x7  }
0xcf: {  	[tilespmem:v2+s12+$0x0] =	vst.idx.add.s32.msk $0xffff, v1  }
0xd0: {  	v2 =	vld [tilespmem:$0x530];
	_ =	sdelay $0x7  }
0xd1: {  	[tilespmem:v2+s12+$0x0] =	vst.idx.add.s32.msk $0xffff, v1  }
0xd2: {  	v2 =	vld [tilespmem:$0x540];
	_ =	sdelay $0x7  }
0xd3: {  	[tilespmem:v2+s12+$0x0] =	vst.idx.add.s32.msk $0xffff, v1  }
0xd4: {  	v2 =	vld [tilespmem:$0x550];
	_ =	sdelay $0x7  }
0xd5: {  	[tilespmem:v2+s12+$0x0] =	vst.idx.add.s32.msk $0xffff, v1  }
0xd6: {  	v2 =	vld [tilespmem:$0x560];
	_ =	sdelay $0x7  }
0xd7: {  	[tilespmem:v2+s12+$0x0] =	vst.idx.add.s32.msk $0xffff, v1  }
0xd8: {  	v2 =	vld [tilespmem:$0x570];
	_ =	sdelay $0x7  }
0xd9: {  	[tilespmem:v2+s12+$0x0] =	vst.idx.add.s32.msk $0xffff, v1  }
0xda: {  	v2 =	vld [tilespmem:$0x580];
	_ =	sdelay $0x7  }
0xdb: {  	[tilespmem:v2+s12+$0x0] =	vst.idx.add.s32.msk $0xffff, v1  }
0xdc: {  	v2 =	vld [tilespmem:$0x590];
	_ =	sdelay $0x7  }
0xdd: {  	[tilespmem:v2+s12+$0x0] =	vst.idx.add.s32.msk $0xffff, v1  }
0xde: {  	v2 =	vld [tilespmem:$0x5A0];
	_ =	sdelay $0x7  }
0xdf: {  	[tilespmem:v2+s12+$0x0] =	vst.idx.add.s32.msk $0xffff, v1  }
0xe0: {  	v2 =	vld [tilespmem:$0x5B0];
	_ =	sdelay $0x7  }
0xe1: {  	[tilespmem:v2+s12+$0x0] =	vst.idx.add.s32.msk $0xffff, v1  }
0xe2: {  	v2 =	vld [tilespmem:$0x5C0];
	_ =	sdelay $0x7  }
0xe3: {  	[tilespmem:v2+s12+$0x0] =	vst.idx.add.s32.msk $0xffff, v1  }
0xe4: {  	v2 =	vld [tilespmem:$0x5D0];
	_ =	sdelay $0x7  }
0xe5: {  	[tilespmem:v2+s12+$0x0] =	vst.idx.add.s32.msk $0xffff, v1  }
0xe6: {  	v2 =	vld [tilespmem:$0x5E0];
	_ =	sdelay $0x7  }
0xe7: {  	[tilespmem:v2+s12+$0x0] =	vst.idx.add.s32.msk $0xffff, v1  }
0xe8: {  	v2 =	vld [tilespmem:$0x5F0];
	_ =	sdelay $0x7  }
0xe9: {  	[tilespmem:v2+s12+$0x0] =	vst.idx.add.s32.msk $0xffff, v1  }
0xea: {  	v2 =	vld [tilespmem:$0x600];
	_ =	sdelay $0x7  }
0xeb: {  	[tilespmem:v2+s12+$0x0] =	vst.idx.add.s32.msk $0xffff, v1  }
0xec: {  	v2 =	vld [tilespmem:$0x610];
	_ =	sdelay $0x7  }
0xed: {  	[tilespmem:v2+s12+$0x0] =	vst.idx.add.s32.msk $0xffff, v1  }
0xee: {  	v2 =	vld [tilespmem:$0x620];
	_ =	sdelay $0x7  }
0xef: {  	[tilespmem:v2+s12+$0x0] =	vst.idx.add.s32.msk $0xffff, v1  }
0xf0: {  	v2 =	vld [tilespmem:$0x630];
	_ =	sdelay $0x7  }
0xf1: {  	[tilespmem:v2+s12+$0x0] =	vst.idx.add.s32.msk $0xffff, v1  }
0xf2: {  	v2 =	vld [tilespmem:$0x640];
	_ =	sdelay $0x7  }
0xf3: {  	[tilespmem:v2+s12+$0x0] =	vst.idx.add.s32.msk $0xffff, v1  }
0xf4: {  	v2 =	vld [tilespmem:$0x650];
	_ =	sdelay $0x7  }
0xf5: {  	[tilespmem:v2+s12+$0x0] =	vst.idx.add.s32.msk $0xffff, v1  }
0xf6: {  	v2 =	vld [tilespmem:$0x660];
	_ =	sdelay $0x7  }
0xf7: {  	[tilespmem:v2+s12+$0x0] =	vst.idx.add.s32.msk $0xffff, v1  }
0xf8: {  	v2 =	vld [tilespmem:$0x670];
	_ =	sdelay $0x7  }
0xf9: {  	[tilespmem:v2+s12+$0x0] =	vst.idx.add.s32.msk $0xffff, v1  }
0xfa: {  	v2 =	vld [tilespmem:$0x680];
	_ =	sdelay $0x7  }
0xfb: {  	[tilespmem:v2+s12+$0x0] =	vst.idx.add.s32.msk $0xffff, v1  }
0xfc: {  	v2 =	vld [tilespmem:$0x690];
	_ =	sdelay $0x7  }
0xfd: {  	[tilespmem:v2+s12+$0x0] =	vst.idx.add.s32.msk $0xffff, v1  }
0xfe: {  	v2 =	vld [tilespmem:$0x6A0];
	_ =	sdelay $0x7  }
0xff: {  	[tilespmem:v2+s12+$0x0] =	vst.idx.add.s32.msk $0xffff, v1  }
0x100: {  	v2 =	vld [tilespmem:$0x6B0];
	_ =	sdelay $0x7  }
0x101: {  	[tilespmem:v2+s12+$0x0] =	vst.idx.add.s32.msk $0xffff, v1  }
0x102: {  	v2 =	vld [tilespmem:$0x6C0];
	_ =	sdelay $0x7  }
0x103: {  	[tilespmem:v2+s12+$0x0] =	vst.idx.add.s32.msk $0xffff, v1  }
0x104: {  	v2 =	vld [tilespmem:$0x6D0];
	_ =	sdelay $0x7  }
0x105: {  	[tilespmem:v2+s12+$0x0] =	vst.idx.add.s32.msk $0xffff, v1  }
0x106: {  	v2 =	vld [tilespmem:$0x6E0];
	_ =	sdelay $0x7  }
0x107: {  	[tilespmem:v2+s12+$0x0] =	vst.idx.add.s32.msk $0xffff, v1  }
0x108: {  	v2 =	vld [tilespmem:$0x6F0];
	_ =	sdelay $0x7  }
0x109: {  	[tilespmem:v2+s12+$0x0] =	vst.idx.add.s32.msk $0xffff, v1  }
0x10a: {  	v2 =	vld [tilespmem:$0x700];
	_ =	sdelay $0x7  }
0x10b: {  	[tilespmem:v2+s12+$0x0] =	vst.idx.add.s32.msk $0xffff, v1  }
0x10c: {  	v2 =	vld [tilespmem:$0x710];
	_ =	sdelay $0x7  }
0x10d: {  	[tilespmem:v2+s12+$0x0] =	vst.idx.add.s32.msk $0xffff, v1  }
0x10e: {  	v2 =	vld [tilespmem:$0x720];
	_ =	sdelay $0x7  }
0x10f: {  	[tilespmem:v2+s12+$0x0] =	vst.idx.add.s32.msk $0xffff, v1  }
0x110: {  	v2 =	vld [tilespmem:$0x730];
	_ =	sdelay $0x7  }
0x111: {  	[tilespmem:v2+s12+$0x0] =	vst.idx.add.s32.msk $0xffff, v1  }
0x112: {  	v2 =	vld [tilespmem:$0x740];
	_ =	sdelay $0x7  }
0x113: {  	[tilespmem:v2+s12+$0x0] =	vst.idx.add.s32.msk $0xffff, v1  }
0x114: {  	v2 =	vld [tilespmem:$0x750];
	_ =	sdelay $0x7  }
0x115: {  	[tilespmem:v2+s12+$0x0] =	vst.idx.add.s32.msk $0xffff, v1  }
0x116: {  	v2 =	vld [tilespmem:$0x760];
	_ =	sdelay $0x7  }
0x117: {  	[tilespmem:v2+s12+$0x0] =	vst.idx.add.s32.msk $0xffff, v1  }
0x118: {  	v2 =	vld [tilespmem:$0x770];
	_ =	sdelay $0x7  }
0x119: {  	[tilespmem:v2+s12+$0x0] =	vst.idx.add.s32.msk $0xffff, v1  }
0x11a: {  	v2 =	vld [tilespmem:$0x780];
	_ =	sdelay $0x7  }
0x11b: {  	[tilespmem:v2+s12+$0x0] =	vst.idx.add.s32.msk $0xffff, v1  }
0x11c: {  	v2 =	vld [tilespmem:$0x790];
	_ =	sdelay $0x7  }
0x11d: {  	[tilespmem:v2+s12+$0x0] =	vst.idx.add.s32.msk $0xffff, v1  }
0x11e: {  	v2 =	vld [tilespmem:$0x7A0];
	_ =	sdelay $0x7  }
0x11f: {  	[tilespmem:v2+s12+$0x0] =	vst.idx.add.s32.msk $0xffff, v1  }
0x120: {  	v2 =	vld [tilespmem:$0x7B0];
	_ =	sdelay $0x7  }
0x121: {  	[tilespmem:v2+s12+$0x0] =	vst.idx.add.s32.msk $0xffff, v1  }
0x122: {  	v2 =	vld [tilespmem:$0x7C0];
	_ =	sdelay $0x7  }
0x123: {  	[tilespmem:v2+s12+$0x0] =	vst.idx.add.s32.msk $0xffff, v1  }
0x124: {  	v2 =	vld [tilespmem:$0x7D0];
	_ =	sdelay $0x7  }
0x125: {  	[tilespmem:v2+s12+$0x0] =	vst.idx.add.s32.msk $0xffff, v1  }
0x126: {  	v2 =	vld [tilespmem:$0x7E0];
	_ =	sdelay $0x7  }
0x127: {  	[tilespmem:v2+s12+$0x0] =	vst.idx.add.s32.msk $0xffff, v1  }
0x128: {  	v2 =	vld [tilespmem:$0x7F0];
	_ =	sdelay $0x3  }
0x129: {  	p0 =	sne.s32 s16, $0x400  }
.Ltmp1:
0x12a: {  	_ = 	snop;
	(pc) =	sbr.rel @p0 .LBB2_4-.Ltmp1, $3  }
0x12b: {  	_ =	sdelay $0x1  }
0x12c: {  	s31 =	sadd.s32 s16, s8;
	s17 =	sadd.s32 $0x800, s17;
	s16 =	sadd.s32 $0x100, s16;
	[tilespmem:v2+s12+$0x0] =	vst.idx.add.s32.msk $0xffff, v1  }
0x12d: {  	[tilespmem:s10], [sflag:$0x2] =	stream.linear.gather [hbm4b:s31+s3], $0x400, $0x38;
	[tilespmem:$0x3000] =	vst v63  }
0x12e: {  	_ =	swait.ge [sflag:s11], $0x400  }
0x12f: {  	[sflag:s11] =	ssyncset.done $0x0  }
0x130: {  	[sflag:s11] =	ssyncadd.s32 $0xFFFFFC00  }
0x131: {  	s15 =	sadd.s32 $0x1, s15;
	_ =	swait.ge [sflag:s13], $0x400  }
0x132: {  	p0 =	sne.s32 s15, s7;
	[sflag:s13] =	ssyncset.done $0x0  }
.Ltmp2:
0x133: {  	[sflag:s13] =	ssyncadd.s32 $0xFFFFFC00;
	(pc) =	sbr.rel @p0 .LBB2_1-.Ltmp2, $4  }
0x134: {  	[hbm4b:s6+s14] =	stream.strided.scatter [tilespmem:s12], [sflag:$0x1], $0x2800, s10, s14, $0x38;
	[tilespmem:$0x3000] =	vst v63  }
0x135: {  	_ =	swait.ge [sflag:s11], $0x2800  }
0x136: {  	[sflag:s11] =	ssyncset.done $0x0  }
0x137: {  	[sflag:s11] =	ssyncadd.s32 $0xFFFFD800  }
0x138: {  	_ =	sfence.sel $0x180000  }
0x139: {  	[bflag:$0x0] =	sbarrier.arrive $0xFFFF  }
0x13a: {  	p0 =	sne.s32 s0, $0x0;
	_ =	strace $0x90000047  }
0x13b: {  	s0 =	sadd.s32 @!p0 $0x100000, s1;
	[bflag:$0x2] =	sbarrier.arrive $0xFFFF  }
0x13c: {  	[sflag:s0] =	ssyncadd.tile.s32 @!p0 $0x1;
	_ =	shalt  }
.Lfunc_end2:
_tile_overlayer_lowered:
.L_overlay_start_2:
0x13d: {  	(tag) =	ssettag $0x2  }
0x13e: {  	s0 =	rddreg [dreg:$0x0];
	s2 =	stileid.u32  }
0x13f: {  	s1 =	rddreg [dreg:$0x1];
	p0 =	sne.s32 s2, $0x0  }
0x140: {  	s3 =	rddreg [dreg:$0x2];
	[bflag:$0x3] =	sbarrier.arrive $0xFFFF;
	s2 =	simm.s32 @!p0 $0x1C03  }
0x141: {  	[timem:s3], [sflag:s2] =	dma.local @!p0 [hbm:s0], s1  }
0x142: {  	s0 =	simm.s32 @!p0 $0x3  }
0x143: {  	_ =	swait.ge @!p0 [sflag:s0], s1  }
0x144: {  	s1 =	ssub.s32 @!p0 $0x0, s1;
	[sflag:s0] =	ssyncset.done @!p0 $0x0  }
0x145: {  	[sflag:s0] =	ssyncadd.s32 @!p0 s1  }
0x146: {  	[bflag:$0x3] =	sbarrier.arrive $0xFFFF  }
0x147: {  	_ =	shalt  }

// kernel: kernel.7.cloned.1.call-start
scs
__scs_entry_jumppad:
0x0: {  	(pc) =	sbr.rel $0x88, $3  }
0x1: {  	(tag) =	ssettag $0x0;
	lr =	simm.s32 $0x1  }
0x2: {  	[smem:$0x3F9F] =	sst lr;
	_ =	strace $0xD0000000  }
0x3: {  	_ = 	snop  }
0x4: {  	_ = 	snop  }
0x5: {  	_ = 	snop  }
0x6: {  	_ = 	snop  }
0x7: {  	_ = 	snop  }
__scs_overlays_trampoline_lowered:
0x8: {  	[smem:$0x3FAE] =	sst s0  }
0x9: {  	[smem:$0x3FAF] =	sst s1  }
0xa: {  	[smem:$0x3FB0] =	sst s2  }
0xb: {  	[smem:$0x3FB1] =	sst s3  }
0xc: {  	[smem:$0x3FB2] =	sst s4  }
0xd: {  	[smem:$0x3FB3] =	sst s5  }
0xe: {  	[smem:$0x3FB4] =	sst s6  }
0xf: {  	[smem:$0x3FB5] =	sst s7  }
0x10: {  	[smem:$0x3FB6] =	sst s8  }
0x11: {  	[smem:$0x3FB7] =	sst s9;
	s0 =	simm.s32 @!p0 $0x0  }
0x12: {  	s1 =	sld [smem:$0x3F9D];
	s0 =	simm.s32 @p0 $0x1  }
0x13: {  	[smem:$0x3FB8] =	sst s0;
	s0 =	simm.s32 @!p1 $0x0  }
0x14: {  	s2 =	sld [smem:$0x3F9C];
	s0 =	simm.s32 @p1 $0x1  }
0x15: {  	[smem:$0x3FB9] =	sst s0;
	s0 =	simm.s32 @!p2 $0x0  }
0x16: {  	s3 =	sld [smem:$0x3FDB];
	s0 =	simm.s32 @p2 $0x1  }
0x17: {  	s4 =	simm.s32 $0x1BF5;
	[smem:$0x3FBB] =	sst s0  }
0x18: {  	s0 =	sld [smem:$0x3F9E];
	_ =	swait.ge [sflag:s4], $0x0  }
0x19: {  	s7 =	sld [smem:$0x3F9F]  }
0x1a: {  	s8 =	sadd.s32 $0xFFFFE003, lr  }
0x1b: {  	s9 =	sadd.s32 $0xFFFFFEF7, lr;
	s5 =	simm.s32 $0xFFFFFFFF;
	p2 =	slt.u32 s8, $0xFFFFF086  }
0x1c: {  	p1 =	slt.u32 s9, $0xF7A;
	s5 =	simm.s32 @!p2 $0x0  }
0x1d: {  	s5 =	simm.s32 @p1 $0x1;
	p0 =	seq.s32 s7, s2  }
0x1e: {  	s7 =	smul.u32 @!p0 $0xF7A, s2;
	p2 =	seq.s32 @!p0 s5, $0x0  }
0x1f: {  	s9 =	smul.u32 $0xF7A, s1;
	s8 =	simm.s32 @!p0 $0x1BF5;
	p2 =	por !p2, p0  }
0x20: {  	[sflag:s8] =	ssyncset.s32 @!p0 $0xFFFFF086;
	s6 =	sadd.s32 @!p0 s3, s7;
	s7 =	simm.s32 @!p0 $0x108  }
0x21: {  	s3 =	sadd.s32 s3, s9;
	s6 =	sadd.s32 @!p0 $0x88, s6;
	s7 =	simm.s32 @p2 $0x1082  }
0x22: {  	[simem:s7], [sflag:s8] =	dma.local @!p0 [hbm:s6], $0xF7A  }
0x23: {  	s9 =	sor.u32 $0xD0000000, s2;
	s6 =	simm.s32 $0x108;
	_ =	swait.ge @!p0 [sflag:s8], $0x0  }
0x24: {  	s3 =	sadd.s32 $0x88, s3;
	s6 =	simm.s32 @!p1 $0x1082;
	[sflag:s4] =	ssyncset.s32 $0xFFFFF086  }
0x25: {  	[simem:s6], [sflag:s4] =	dma.local [hbm:s3], $0xF7A  }
0x26: {  	[smem:$0x3F9F] =	sst s1;
	(tag) =	ssettag s2;
	_ =	strace s9  }
0x27: {  	s1 =	sld [smem:$0x3FAF]  }
0x28: {  	s2 =	sld [smem:$0x3FB0]  }
0x29: {  	s4 =	sld [smem:$0x3FB2]  }
0x2a: {  	p0 =	seq.s32 s5, $0x0;
	s5 =	sld [smem:$0x3FB3]  }
0x2b: {  	s6 =	sld [smem:$0x3FB4]  }
0x2c: {  	s7 =	sld [smem:$0x3FB5]  }
0x2d: {  	s3 =	simm.s32 $0x108;
	s8 =	sld [smem:$0x3FB6]  }
0x2e: {  	s3 =	simm.s32 @!p0 $0x1082;
	s9 =	sld [smem:$0x3FB7]  }
0x2f: {  	lr =	sadd.s32 s0, s3;
	s0 =	sld [smem:$0x3FAE]  }
0x30: {  	s3 =	sld [smem:$0x3FB1]  }
0x31: {  	[smem:$0x3FBA] =	sst s10  }
0x32: {  	s10 =	sld [smem:$0x3FB8];
	_ =	sdelay $0x3  }
0x33: {  	p0 =	seq.s32 s10, $0x1;
	s10 =	sld [smem:$0x3FBA];
	_ =	sdelay $0x3  }
0x34: {  	[smem:$0x3FBA] =	sst s10  }
0x35: {  	s10 =	sld [smem:$0x3FB9];
	_ =	sdelay $0x3  }
0x36: {  	p1 =	seq.s32 s10, $0x1;
	s10 =	sld [smem:$0x3FBA];
	_ =	sdelay $0x3  }
0x37: {  	[smem:$0x3FBA] =	sst s10  }
0x38: {  	s10 =	sld [smem:$0x3FBB]  }
0x39: {  	_ = 	snop;
	(pc) =	sbr.ind lr, $3  }
0x3a: {  	_ = 	snop  }
0x3b: {  	_ = 	snop  }
0x3c: {  	p2 =	seq.s32 s10, $0x1;
	s10 =	sld [smem:$0x3FBA]  }
0x3d: {  	_ =	shalt  }
0x3e: {  	_ =	shalt  }
0x3f: {  	_ =	shalt  }
0x40: {  	_ =	shalt  }
0x41: {  	_ =	shalt  }
0x42: {  	_ =	shalt  }
0x43: {  	_ =	shalt  }
0x44: {  	_ =	shalt  }
0x45: {  	_ =	shalt  }
0x46: {  	_ =	shalt  }
0x47: {  	_ =	shalt  }
0x48: {  	_ =	shalt  }
0x49: {  	_ =	shalt  }
0x4a: {  	_ =	shalt  }
0x4b: {  	_ =	shalt  }
0x4c: {  	_ =	shalt  }
0x4d: {  	_ =	shalt  }
0x4e: {  	_ =	shalt  }
0x4f: {  	_ =	shalt  }
0x50: {  	_ =	shalt  }
0x51: {  	_ =	shalt  }
0x52: {  	_ =	shalt  }
0x53: {  	_ =	shalt  }
0x54: {  	_ =	shalt  }
0x55: {  	_ =	shalt  }
0x56: {  	_ =	shalt  }
0x57: {  	_ =	shalt  }
0x58: {  	_ =	shalt  }
0x59: {  	_ =	shalt  }
0x5a: {  	_ =	shalt  }
0x5b: {  	_ =	shalt  }
0x5c: {  	_ =	shalt  }
0x5d: {  	_ =	shalt  }
0x5e: {  	_ =	shalt  }
0x5f: {  	_ =	shalt  }
0x60: {  	_ =	shalt  }
0x61: {  	_ =	shalt  }
0x62: {  	_ =	shalt  }
0x63: {  	_ =	shalt  }
0x64: {  	_ =	shalt  }
0x65: {  	_ =	shalt  }
0x66: {  	_ =	shalt  }
0x67: {  	_ =	shalt  }
0x68: {  	_ =	shalt  }
0x69: {  	_ =	shalt  }
0x6a: {  	_ =	shalt  }
0x6b: {  	_ =	shalt  }
0x6c: {  	_ =	shalt  }
0x6d: {  	_ =	shalt  }
0x6e: {  	_ =	shalt  }
0x6f: {  	_ =	shalt  }
0x70: {  	_ =	shalt  }
0x71: {  	_ =	shalt  }
0x72: {  	_ =	shalt  }
0x73: {  	_ =	shalt  }
0x74: {  	_ =	shalt  }
0x75: {  	_ =	shalt  }
0x76: {  	_ =	shalt  }
0x77: {  	_ =	shalt  }
0x78: {  	_ =	shalt  }
0x79: {  	_ =	shalt  }
0x7a: {  	_ =	shalt  }
0x7b: {  	_ =	shalt  }
0x7c: {  	_ =	shalt  }
0x7d: {  	_ =	shalt  }
0x7e: {  	_ =	shalt  }
0x7f: {  	_ =	shalt  }
0x80: {  	_ =	shalt  }
0x81: {  	_ =	shalt  }
0x82: {  	_ =	shalt  }
0x83: {  	_ =	shalt  }
0x84: {  	_ =	shalt  }
0x85: {  	_ =	shalt  }
0x86: {  	_ =	shalt  }
0x87: {  	_ =	shalt  }
.Lfunc_end0:
.L_simem_size_0:
called_computation.1_lowered:
.L_overlay_start_0:
0x88: {  	s2 =	sld [smem:$0x3FD9]  }
0x89: {  	s3 =	sld [smem:$0x3FFE];
	_ =	sdelay $0x1  }
0x8a: {  	s1 =	srdreg.scid  }
0x8b: {  	s0 =	sand.u32 $0x1, s1  }
0x8c: {  	s17 =	sshll.u32 s0, $0xA;
	s2 =	sadd.s32 s3, s2  }
0x8d: {  	s2 =	sadd.s32 s2, s17  }
0x8e: {  	[smem:$0x3FC6] =	sst s2  }
0x8f: {  	_ = 	snop  }
0x90: {  	s2 =	sld [smem:$0x3FD0];
	(tm) =	ssettm $0x1  }
0x91: {  	s18 =	sld [smem:$0x3FFB];
	_ =	sdelay $0x3  }
0x92: {  	_ =	strace s18  }
0x93: {  	s3 =	sld [smem:$0x3FFC];
	_ =	sdelay $0x3  }
0x94: {  	_ =	strace s3  }
0x95: {  	s3 =	sld [smem:$0x3FFD];
	_ =	sdelay $0x3  }
0x96: {  	_ =	strace s3  }
0x97: {  	_ =	strace $0x8FFFFFFF  }
0x98: {  	s19 =	sld [smem:$0x3FDB];
	_ =	sdelay $0x1  }
0x99: {  	s4 =	simm.s32 $_scs_section_size  }
0x9a: {  	s5 =	simm.s32 $_size__tile_overlayer_lowered;
	s6 =	simm.s32 $_tile_overlayer_lowered  }
0x9b: {  	s22 =	simm.s32 $0x1BFF;
	s21 =	sshll.u32 s6, $0x1;
	s3 =	sadd.s32 s4, s19  }
0x9c: {  	s7 =	simm.s32 $0x0;
	s20 =	sshll.u32 s5, $0x1;
	s5 =	sadd.s32 s21, s3  }
0x9d: {  	[timem:s7], [sflag:s22] =	dma.local [hbm:s5], s20  }
0x9e: {  	_ =	swait.ge [sflag:s22], s20  }
0x9f: {  	s4 =	ssub.s32 $0x0, s20;
	[sflag:s22] =	ssyncset.done $0x0  }
0xa0: {  	[sflag:s22] =	ssyncadd.s32 s4;
	_ =	sdelay $0x1  }
0xa1: {  	s23 =	simm.s32 $0x1B8B  }
0xa2: {  	_ =	swait.ge [sflag:s23], $0x1  }
0xa3: {  	[sflag:s23] =	ssyncset.done $0x0  }
0xa4: {  	s25 =	simm.s32 $0x1B8E;
	s24 =	sld [smem:$0x3FFE];
	[sflag:s23] =	ssyncadd.s32 $0xFFFFFFFF  }
0xa5: {  	s26 =	simm.s32 $execute0_lowered;
	[smem:$0x3FD2] =	sst s25  }
0xa6: {  	s5 =	sshll.u32 s26, $0x1;
	_ =	strace $0x80000049;
	[dreg:$0x1] =	wrdreg $0xFFFFFFFF  }
0xa7: {  	s28 =	simm.s32 $_size_execute0_lowered;
	s3 =	sadd.s32 s3, s5;
	[dreg:$0x0] =	wrdreg $0x0  }
0xa8: {  	s5 =	sshll.u32 s28, $0x1;
	[dreg:$0x2] =	wrdreg s3  }
0xa9: {  	[dreg:$0x3] =	wrdreg s5  }
0xaa: {  	[dreg:$0x4] =	wrdreg $0xC0  }
0xab: {  	_ =	task [dreg:s7], $0x5FFFF  }
0xac: {  	[dreg:$0x1] =	wrdreg $0xFFFFFFFF  }
0xad: {  	[dreg:$0x0] =	wrdreg $0x60  }
0xae: {  	[dreg:$0x2] =	wrdreg s24  }
0xaf: {  	[dreg:$0x3] =	wrdreg s2  }
0xb0: {  	[dreg:$0x4] =	wrdreg $0xB8000  }
0xb1: {  	[dreg:$0x5] =	wrdreg $0x9  }
0xb2: {  	_ =	task.clear_ibuf [dreg:s7], $0x6FFFF;
	_ =	strace $0x90000049  }
0xb3: {  	s29 =	simm.s32 $0x9;
	_ =	strace $0x8000004B  }
0xb4: {  	_ =	swait.ge [sflag:s29], $0x1  }
0xb5: {  	[sflag:s29] =	ssyncadd.s32 $0xFFFFFFFF  }
0xb6: {  	_ =	strace $0x9000004B  }
0xb7: {  	_ =	sfence  }
0xb8: {  	s30 =	sld [smem:$0x0];
	_ =	sdelay $0x2  }
0xb9: {  	s31 =	sshll.u32 s1, $0xD;
	s1 =	sshrl.u32 s1, $0x2  }
0xba: {  	s3 =	sand.u32 $0x4000, s31;
	s1 =	sadd.s32 s1, s30  }
0xbb: {  	s0 =	sor.u32 s3, s0;
	s1 =	sshll.u32 s1, $0x11  }
0xbc: {  	s0 =	sor.u32 s1, s0  }
0xbd: {  	s0 =	sadd.s32 $0x8F2B, s0  }
0xbe: {  	[sflag:s0] =	ssyncadd.remote.s32 $0x1  }
0xbf: {  	_ =	sfence.sel $0xFFFF  }
0xc0: {  	[dreg:$0x0] =	wrdreg $0xFFFFFFFF;
	(pc) =	sbr.abs _section_cstart, $3  }
0xc1: {  	[dreg:$0x1] =	wrdreg $0xFFFFFFFF  }
0xc2: {  	_ =	task.clear_ibuf [dreg:s7], $0x2FFFF;
	_ =	strace $0x9FFFFFFF  }
0xc3: {  	(tm) =	ssettm $0x7FFFFFFF  }
tec
execute0_lowered:
.L_overlay_start_1:
0x0: {  	(tag) =	ssettag $0x1  }
0x1: {  	s7 =	rddreg [dreg:$0x0]  }
0x2: {  	s8 =	rddreg [dreg:$0x1]  }
0x3: {  	s1 =	rddreg [dreg:$0x2];
	s0 =	srdreg.scid  }
0x4: {  	s3 =	simm.s32 $0x0;
	s23 =	stileid.u32;
	s18 =	simm.s32 $0x8100  }
0x5: {  	s20 =	simm.s32 $0x8880;
	s22 =	simm.s32 $0x8180;
	s28 =	simm.s32 $0x8800  }
0x6: {  	s29 =	simm.s32 $0x8400;
	s30 =	simm.s32 $0x8C00;
	s31 =	simm.s32 $0x3  }
0x7: {  	s0 =	sand.u32 $0x1, s0;
	[smem:$0x7FF] =	sst s3;
	s5 =	smul.u32 $0x14000, s23  }
0x8: {  	s4 =	sadd.s32 $0x14400, s7;
	s11 =	smul.u32 $0x2800, s23;
	s10 =	sadd.s32 $0xA200, s7  }
0x9: {  	s14 =	sshrl.u32 s23, $0x3;
	s16 =	sshll.u32 s23, $0x7;
	s17 =	smul.u32 $0x50000, s23  }
0xa: {  	s2 =	smul.u32 $0x140000, s0;
	_ =	strace $0x8000004A;
	[dreg:$0x4] =	wrdreg s18  }
0xb: {  	s9 =	smul.u32 $0x28000, s0;
	s25 =	ssub.s32 $0x2, s0;
	[dreg:$0x5] =	wrdreg s20  }
0xc: {  	s14 =	smul.u32 $0x14000, s14;
	[dreg:$0x6] =	wrdreg s22;
	s20 =	simm.s32 $0x8A80  }
0xd: {  	s26 =	sand.u32 $0x380, s16;
	s22 =	simm.s32 $0x8B00;
	[dreg:$0xd] =	wrdreg s20  }
0xe: {  	s6 =	sshrl.u32 s25, $0x1;
	[dreg:$0xf] =	wrdreg s22;
	s20 =	simm.s32 $0x8D80  }
0xf: {  	s22 =	simm.s32 $0x8E00;
	s13 =	sadd.s32 s11, s9;
	[dreg:$0x17] =	wrdreg s20  }
0x10: {  	s15 =	ssub.s32 s25, s6;
	s25 =	simm.s32 $0x8900;
	[dreg:$0x19] =	wrdreg s22  }
0x11: {  	s9 =	sadd.s32 s9, s14;
	s19 =	smax.u32 s15, $0x1;
	[dreg:$0x7] =	wrdreg s25  }
0x12: {  	s14 =	sor.u32 s26, s9;
	s9 =	simm.s32 $0x8200;
	[smem:$0x7F1] =	sst s19  }
0x13: {  	s2 =	sadd.s32 s5, s2;
	s15 =	simm.s32 $0x8280;
	[dreg:$0x8] =	wrdreg s9  }
0x14: {  	s13 =	sshrl.u32 s13, $0x3;
	s25 =	simm.s32 $0x8B80;
	[dreg:$0xa] =	wrdreg s15  }
0x15: {  	s5 =	sadd.s32 s8, s13;
	s19 =	simm.s32 $0x8300;
	[dreg:$0x10] =	wrdreg s25  }
0x16: {  	s6 =	sadd.s32 s10, s13;
	s15 =	simm.s32 $0x8580;
	[dreg:$0xc] =	wrdreg s19  }
0x17: {  	s13 =	sor.u32 $0x80, s13;
	s25 =	simm.s32 $0x8E80;
	[dreg:$0x14] =	wrdreg s15  }
0x18: {  	s2 =	sshrl.u32 s2, $0x3;
	s8 =	sadd.s32 s8, s13;
	[dreg:$0x1b] =	wrdreg s25  }
0x19: {  	s12 =	sadd.s32 s2, s7;
	s13 =	sadd.s32 s10, s13;
	[dreg:$0x1c] =	wrdreg s8  }
0x1a: {  	s17 =	sshrl.u32 s17, $0x2;
	s16 =	sadd.s32 $0x3C400, s12;
	[dreg:$0x1d] =	wrdreg s13  }
0x1b: {  	s10 =	sadd.s32 s17, s1;
	s17 =	simm.s32 $0x8A00;
	[dreg:$0x1e] =	wrdreg s16  }
0x1c: {  	p0 =	seq.s32 s0, $0x0;
	s21 =	sadd.s32 $0x4000, s10;
	[dreg:$0xb] =	wrdreg s17  }
0x1d: {  	s20 =	simm.s32 $0x0;
	s24 =	sadd.s32 $0x8000, s10;
	[smem:$0x7F2] =	sst s21  }
0x1e: {  	s2 =	smul.u32 $0x280, s23;
	s26 =	sadd.s32 $0xC000, s10;
	[smem:$0x7F3] =	sst s24  }
0x1f: {  	s15 =	simm.s32 $0x8;
	s12 =	sadd.s32 $0x10000, s10;
	[smem:$0x7F4] =	sst s26  }
0x20: {  	s8 =	sshrl.u32 s14, $0x3;
	s14 =	sadd.s32 s4, s11;
	[smem:$0x7F5] =	sst s12  }
0x21: {  	s13 =	simm.s32 $0x8980;
	s16 =	sadd.s32 $0x80, s2;
	[smem:$0x7F6] =	sst s14  }
0x22: {  	s17 =	simm.s32 $0x8D00;
	s7 =	sadd.s32 s7, s8;
	[dreg:$0x9] =	wrdreg s13  }
0x23: {  	s18 =	sshll.u32 s16, $0x7;
	s8 =	sshll.u32 s16, $0x4;
	s21 =	simm.s32 $0x8380  }
0x24: {  	s24 =	sadd.s32 $0x100, s2;
	s12 =	simm.s32 $0x8480;
	[dreg:$0x15] =	wrdreg s17  }
0x25: {  	s13 =	simm.s32 $0x8500;
	s14 =	simm.s32 $0x8C80;
	[dreg:$0x1f] =	wrdreg s7  }
0x26: {  	s16 =	sadd.s32 $0x180, s2;
	s2 =	sadd.s32 $0x200, s2;
	[dreg:$0xe] =	wrdreg s21  }
0x27: {  	s17 =	simm.s32 $0x6;
	s9 =	sadd.s32 s18, s1;
	[dreg:$0x11] =	wrdreg s12  }
0x28: {  	s8 =	sadd.s32 s4, s8;
	s26 =	sshll.u32 s24, $0x7;
	[dreg:$0x12] =	wrdreg s13  }
0x29: {  	[dreg:$0x13] =	wrdreg s14;
	s18 =	simm.s32 $0x8600;
	s19 =	sshll.u32 s16, $0x7  }
0x2a: {  	s21 =	simm.s32 $0x8680;
	s12 =	simm.s32 $0x9000;
	s13 =	simm.s32 $0x7  }
0x2b: {  	s14 =	simm.s32 $0x2;
	[smem:$0x7F7] =	sst s8;
	s11 =	sadd.s32 s26, s1  }
0x2c: {  	s8 =	sshll.u32 s24, $0x4;
	[dreg:$0x16] =	wrdreg s18;
	s7 =	sadd.s32 s19, s1  }
0x2d: {  	[dreg:$0x18] =	wrdreg s21;
	s24 =	simm.s32 $0x8700;
	s26 =	sshll.u32 s2, $0x7  }
0x2e: {  	s2 =	sshll.u32 s2, $0x4;
	s18 =	simm.s32 $0x8F00;
	s19 =	simm.s32 $0x8F80  }
0x2f: {  	s8 =	sadd.s32 s4, s8;
	[dreg:$0x1a] =	wrdreg s24;
	s0 =	sadd.s32 s26, s1  }
0x30: {  	s2 =	sadd.s32 s4, s2;
	s26 =	simm.s32 $0x8000;
	[smem:$0x7F8] =	sst s8  }
0x31: {  	s8 =	sshll.u32 s16, $0x4;
	[smem:$0x7FA] =	sst s2;
	s2 =	sshrl.u32 @p0 s9, $0x3  }
0x32: {  	s25 =	sshrl.u32 @p0 s0, $0x3;
	s0 =	simm.s32 $0x5;
	s9 =	simm.s32 $0x4000  }
0x33: {  	s16 =	simm.s32 $0x4;
	s8 =	sadd.s32 s4, s8;
	[smem:$0x7FB] =	sst s2  }
0x34: {  	s2 =	sshrl.u32 @p0 s11, $0x3;
	s11 =	simm.s32 $0x1;
	[smem:$0x7F9] =	sst s8  }
0x35: {  	[smem:$0x7FC] =	sst s2;
	s2 =	sshrl.u32 @p0 s7, $0x3;
	s7 =	simm.s32 $0x80  }
0x36: {  	v0 =	vimm.f32 $0.0e+00;
	v1 =	vimm.s32 $0x0;
	v2 =	vimm.s32 $0x1;
	s8 =	simm.s32 $0x8080;
	[smem:$0x7FD] =	sst s2;
	s2 =	simm.s32 $0x8780  }
.LBB2_1:
0x37: {  	s21 =	simm.s32 $0x0;
	s22 =	simm.s32 $0x200  }
.LBB2_2:
0x38: {  	p1 =	sne.s32 s22, $0xFE00;
	[tilespmem:s21+$0x70] =	vst v0  }
0x39: {  	[tilespmem:s21+$0x0] =	vst v0  }
0x3a: {  	[tilespmem:s21+$0x10] =	vst v0  }
.Ltmp0:
0x3b: {  	[tilespmem:s21+$0x20] =	vst v0;
	(pc) =	sbr.rel @p1 .LBB2_2-.Ltmp0, $4  }
0x3c: {  	[tilespmem:s21+$0x30] =	vst v0  }
0x3d: {  	[tilespmem:s21+$0x40] =	vst v0  }
0x3e: {  	[tilespmem:s21+$0x50] =	vst v0  }
0x3f: {  	[tilespmem:s21+$0x60] =	vst v0;
	s21 =	sshra.s32 s22, $0x2;
	s22 =	sadd.s32 $0x200, s22  }
0x40: {  	[tilespmem:s21+$0x70] =	vst v0  }
0x41: {  	[tilespmem:s21+$0x0] =	vst v0  }
0x42: {  	[tilespmem:s21+$0x10] =	vst v0  }
0x43: {  	[tilespmem:s21+$0x20] =	vst v0  }
0x44: {  	[tilespmem:s21+$0x30] =	vst v0  }
0x45: {  	[tilespmem:s21+$0x40] =	vst v0  }
0x46: {  	[tilespmem:s21+$0x50] =	vst v0  }
0x47: {  	[tilespmem:s21+$0x60] =	vst v0;
	s21 =	simm.s32 $0x0;
	s22 =	simm.s32 $0x200  }
.LBB2_4:
0x48: {  	p1 =	sne.s32 s22, $0x9E00;
	[tilespmem:s21+$0x9070] =	vst v1  }
0x49: {  	[tilespmem:s21+$0x9000] =	vst v1  }
0x4a: {  	[tilespmem:s21+$0x9010] =	vst v1  }
.Ltmp1:
0x4b: {  	[tilespmem:s21+$0x9020] =	vst v1;
	(pc) =	sbr.rel @p1 .LBB2_4-.Ltmp1, $4  }
0x4c: {  	[tilespmem:s21+$0x9030] =	vst v1  }
0x4d: {  	[tilespmem:s21+$0x9040] =	vst v1  }
0x4e: {  	[tilespmem:s21+$0x9050] =	vst v1  }
0x4f: {  	[tilespmem:s21+$0x9060] =	vst v1;
	s21 =	sshra.s32 s22, $0x2;
	s22 =	sadd.s32 $0x200, s22  }
0x50: {  	[tilespmem:s21+$0x9070] =	vst v1  }
0x51: {  	[tilespmem:s21+$0x9000] =	vst v1  }
0x52: {  	[tilespmem:s21+$0x9010] =	vst v1  }
0x53: {  	[tilespmem:s21+$0x9020] =	vst v1  }
0x54: {  	[tilespmem:s21+$0x9030] =	vst v1  }
0x55: {  	[tilespmem:s21+$0x9040] =	vst v1;
	s22 =	sshll.u32 @p0 s23, $0x6;
	s23 =	sld [smem:$0x7F6]  }
0x56: {  	[tilespmem:s21+$0x9050] =	vst v1  }
0x57: {  	[tilespmem:s21+$0x9060] =	vst v1;
	s21 =	sor.u32 @p0 $0x1C0A, s22;
	s22 =	sshrl.u32 @p0 s10, $0x3  }
0x58: {  	[spmem:s22], [sflag:s21] =	dma.local @p0 [hbm:s23], $0x800  }
0x59: {  	s22 =	simm.s32 @p0 $0xA  }
0x5a: {  	_ =	swait.ge @p0 [sflag:s22], $0x800  }
0x5b: {  	s23 =	sld [smem:$0x7F7]  }
0x5c: {  	s24 =	sld [smem:$0x7FB]  }
0x5d: {  	[sflag:s22] =	ssyncset.done @p0 $0x0  }
0x5e: {  	[sflag:s22] =	ssyncadd.s32 @p0 $0xFFFFF800  }
0x5f: {  	[spmem:s24], [sflag:s21] =	dma.local @p0 [hbm:s23], $0x800  }
0x60: {  	_ =	swait.ge @p0 [sflag:s22], $0x800  }
0x61: {  	s23 =	sld [smem:$0x7F8]  }
0x62: {  	s24 =	sld [smem:$0x7FC]  }
0x63: {  	[sflag:s22] =	ssyncset.done @p0 $0x0  }
0x64: {  	[sflag:s22] =	ssyncadd.s32 @p0 $0xFFFFF800  }
0x65: {  	[spmem:s24], [sflag:s21] =	dma.local @p0 [hbm:s23], $0x800  }
0x66: {  	_ =	swait.ge @p0 [sflag:s22], $0x800  }
0x67: {  	s23 =	sld [smem:$0x7F9]  }
0x68: {  	s24 =	sld [smem:$0x7FD]  }
0x69: {  	[sflag:s22] =	ssyncset.done @p0 $0x0  }
0x6a: {  	[sflag:s22] =	ssyncadd.s32 @p0 $0xFFFFF800  }
0x6b: {  	[spmem:s24], [sflag:s21] =	dma.local @p0 [hbm:s23], $0x800  }
0x6c: {  	_ =	swait.ge @p0 [sflag:s22], $0x800  }
0x6d: {  	s23 =	sld [smem:$0x7FA]  }
0x6e: {  	[sflag:s22] =	ssyncset.done @p0 $0x0  }
0x6f: {  	[sflag:s22] =	ssyncadd.s32 @p0 $0xFFFFF800  }
0x70: {  	[spmem:s25], [sflag:s21] =	dma.local @p0 [hbm:s23], $0x800  }
0x71: {  	_ =	swait.ge @p0 [sflag:s22], $0x800  }
0x72: {  	[sflag:s22] =	ssyncset.done @p0 $0x0  }
0x73: {  	s21 =	simm.s32 @!p0 $0x0;
	[sflag:s22] =	ssyncadd.s32 @p0 $0xFFFFF800;
	s22 =	simm.s32 @!p0 $0x9  }
0x74: {  	[spmem:s10] =	stream.linear.scatter @!p0 [tilespmem:s21], [sflag:$0x9], $0x4000, $0x38;
	[tilespmem:$0x1F800] =	vst v63  }
0x75: {  	_ =	swait.ge @!p0 [sflag:s22], $0x4000  }
0x76: {  	s23 =	sld [smem:$0x7F2]  }
0x77: {  	[sflag:s22] =	ssyncset.done @!p0 $0x0  }
0x78: {  	[sflag:s22] =	ssyncadd.s32 @!p0 $0xFFFFC000  }
0x79: {  	[spmem:s23] =	stream.linear.scatter @!p0 [tilespmem:s21], [sflag:$0x9], $0x4000, $0x38;
	[tilespmem:$0x1F800] =	vst v63  }
0x7a: {  	_ =	swait.ge @!p0 [sflag:s22], $0x4000  }
0x7b: {  	s23 =	sld [smem:$0x7F3]  }
0x7c: {  	[sflag:s22] =	ssyncset.done @!p0 $0x0  }
0x7d: {  	[sflag:s22] =	ssyncadd.s32 @!p0 $0xFFFFC000  }
0x7e: {  	[spmem:s23] =	stream.linear.scatter @!p0 [tilespmem:s21], [sflag:$0x9], $0x4000, $0x38;
	[tilespmem:$0x1F800] =	vst v63  }
0x7f: {  	_ =	swait.ge @!p0 [sflag:s22], $0x4000  }
0x80: {  	s23 =	sld [smem:$0x7F4]  }
0x81: {  	[sflag:s22] =	ssyncset.done @!p0 $0x0  }
0x82: {  	[sflag:s22] =	ssyncadd.s32 @!p0 $0xFFFFC000  }
0x83: {  	[spmem:s23] =	stream.linear.scatter @!p0 [tilespmem:s21], [sflag:$0x9], $0x4000, $0x38;
	[tilespmem:$0x1F800] =	vst v63  }
0x84: {  	_ =	swait.ge @!p0 [sflag:s22], $0x4000  }
0x85: {  	s23 =	sld [smem:$0x7F5]  }
0x86: {  	[sflag:s22] =	ssyncset.done @!p0 $0x0  }
0x87: {  	[sflag:s22] =	ssyncadd.s32 @!p0 $0xFFFFC000  }
0x88: {  	[spmem:s23] =	stream.linear.scatter @!p0 [tilespmem:s21], [sflag:$0x9], $0x4000, $0x38;
	[tilespmem:$0x1F800] =	vst v63  }
0x89: {  	_ =	swait.ge @!p0 [sflag:s22], $0x4000  }
0x8a: {  	[sflag:s22] =	ssyncset.done @!p0 $0x0  }
0x8b: {  	[sflag:s22] =	ssyncadd.s32 @!p0 $0xFFFFC000  }
0x8c: {  	[bflag:$0x0] =	sbarrier.arrive $0xFFFF  }
0x8d: {  	[tilespmem:s26], [sflag:$0x3] =	stream.linear.gather [hbm4b:s5+s3], $0x400, $0x38;
	[tilespmem:$0x1F800] =	vst v63  }
0x8e: {  	_ = 	snop  }
0x8f: {  	[tilespmem:s28], [sflag:$0x5] =	stream.linear.gather [hbm4b:s6+s3], $0x400, $0x38;
	[tilespmem:$0x1F800] =	vst v63  }
0x90: {  	s23 =	rddreg [dreg:$0x1c]  }
0x91: {  	[tilespmem:s29], [sflag:$0x4] =	stream.linear.gather [hbm4b:s23+s3], $0x400, $0x38;
	[tilespmem:$0x1F800] =	vst v63  }
0x92: {  	s24 =	rddreg [dreg:$0x1d]  }
0x93: {  	[tilespmem:s30], [sflag:$0x6] =	stream.linear.gather [hbm4b:s24+s3], $0x400, $0x38;
	[tilespmem:$0x1F800] =	vst v63  }
0x94: {  	_ =	swait.ge [sflag:s31], $0x400  }
0x95: {  	[sflag:s31] =	ssyncset.done $0x0  }
0x96: {  	[sflag:s31] =	ssyncadd.s32 $0xFFFFFC00  }
0x97: {  	_ =	swait.ge [sflag:s0], $0x400  }
0x98: {  	[sflag:s0] =	ssyncset.done $0x0  }
0x99: {  	[sflag:s0] =	ssyncadd.s32 $0xFFFFFC00  }
0x9a: {  	[tilespmem:s3], [sflag:$0x1] =	stream.indirect.gather [hbm4b:s4+s7], $0x80, s26, s7, $0xb8;
	[tilespmem:$0x1F800] =	vst v63  }
0x9b: {  	s21 =	simm.s32 $0xFFFFFB00  }
0x9c: {  	[tilespmem:s9], [sflag:$0x2] =	stream.indirect.gather [hbm4b:s4+s7], $0x80, s8, s7, $0xb8;
	[tilespmem:$0x1F800] =	vst v63  }
.LBB2_6:
0x9d: {  	_ =	swait.ge [sflag:s11], $0x4000  }
0x9e: {  	[sflag:s11] =	ssyncset.done $0x0  }
0x9f: {  	[sflag:s11] =	ssyncadd.s32 $0xFFFFC000  }
0xa0: {  	[spmem:s1] =	stream.indirect.scatter.add.f32 [tilespmem:s3], [sflag:$0x7], $0x80, s28, s7, $0xb8;
	[tilespmem:$0x1F800] =	vst v63  }
0xa1: {  	v3 =	vld [tilespmem:$0x8800];
	_ =	sdelay $0x7  }
0xa2: {  	[tilespmem:v3+s12+$0x0] =	vst.idx.add.s32.msk $0xffff, v2  }
0xa3: {  	v3 =	vld [tilespmem:$0x8810];
	_ =	sdelay $0x7  }
0xa4: {  	[tilespmem:v3+s12+$0x0] =	vst.idx.add.s32.msk $0xffff, v2  }
0xa5: {  	v3 =	vld [tilespmem:$0x8820];
	_ =	sdelay $0x7  }
0xa6: {  	[tilespmem:v3+s12+$0x0] =	vst.idx.add.s32.msk $0xffff, v2  }
0xa7: {  	v3 =	vld [tilespmem:$0x8830];
	_ =	sdelay $0x7  }
0xa8: {  	[tilespmem:v3+s12+$0x0] =	vst.idx.add.s32.msk $0xffff, v2  }
0xa9: {  	v3 =	vld [tilespmem:$0x8840];
	_ =	sdelay $0x7  }
0xaa: {  	[tilespmem:v3+s12+$0x0] =	vst.idx.add.s32.msk $0xffff, v2  }
0xab: {  	v3 =	vld [tilespmem:$0x8850];
	_ =	sdelay $0x7  }
0xac: {  	[tilespmem:v3+s12+$0x0] =	vst.idx.add.s32.msk $0xffff, v2  }
0xad: {  	v3 =	vld [tilespmem:$0x8860];
	_ =	sdelay $0x7  }
0xae: {  	[tilespmem:v3+s12+$0x0] =	vst.idx.add.s32.msk $0xffff, v2  }
0xaf: {  	v3 =	vld [tilespmem:$0x8870];
	_ =	sdelay $0x7  }
0xb0: {  	[tilespmem:v3+s12+$0x0] =	vst.idx.add.s32.msk $0xffff, v2  }
0xb1: {  	_ =	swait.ge [sflag:s13], $0x4000  }
0xb2: {  	[sflag:s13] =	ssyncset.done $0x0  }
0xb3: {  	s22 =	rddreg [dreg:$0x4];
	[sflag:s13] =	ssyncadd.s32 $0xFFFFC000  }
0xb4: {  	[tilespmem:s3], [sflag:$0x1] =	stream.indirect.gather [hbm4b:s4+s7], $0x80, s22, s7, $0xb8;
	[tilespmem:$0x1F800] =	vst v63  }
0xb5: {  	_ =	swait.ge [sflag:s14], $0x4000  }
0xb6: {  	[sflag:s14] =	ssyncset.done $0x0  }
0xb7: {  	s23 =	rddreg [dreg:$0x5];
	[sflag:s14] =	ssyncadd.s32 $0xFFFFC000  }
0xb8: {  	[spmem:s1] =	stream.indirect.scatter.add.f32 [tilespmem:s9], [sflag:$0x8], $0x80, s23, s7, $0xb8;
	[tilespmem:$0x1F800] =	vst v63  }
0xb9: {  	v3 =	vld [tilespmem:$0x8880];
	_ =	sdelay $0x7  }
0xba: {  	[tilespmem:v3+s12+$0x0] =	vst.idx.add.s32.msk $0xffff, v2  }
0xbb: {  	v3 =	vld [tilespmem:$0x8890];
	_ =	sdelay $0x7  }
0xbc: {  	[tilespmem:v3+s12+$0x0] =	vst.idx.add.s32.msk $0xffff, v2  }
0xbd: {  	v3 =	vld [tilespmem:$0x88A0];
	_ =	sdelay $0x7  }
0xbe: {  	[tilespmem:v3+s12+$0x0] =	vst.idx.add.s32.msk $0xffff, v2  }
0xbf: {  	v3 =	vld [tilespmem:$0x88B0];
	_ =	sdelay $0x7  }
0xc0: {  	[tilespmem:v3+s12+$0x0] =	vst.idx.add.s32.msk $0xffff, v2  }
0xc1: {  	v3 =	vld [tilespmem:$0x88C0];
	_ =	sdelay $0x7  }
0xc2: {  	[tilespmem:v3+s12+$0x0] =	vst.idx.add.s32.msk $0xffff, v2  }
0xc3: {  	v3 =	vld [tilespmem:$0x88D0];
	_ =	sdelay $0x7  }
0xc4: {  	[tilespmem:v3+s12+$0x0] =	vst.idx.add.s32.msk $0xffff, v2  }
0xc5: {  	v3 =	vld [tilespmem:$0x88E0];
	_ =	sdelay $0x7  }
0xc6: {  	[tilespmem:v3+s12+$0x0] =	vst.idx.add.s32.msk $0xffff, v2  }
0xc7: {  	v3 =	vld [tilespmem:$0x88F0];
	_ =	sdelay $0x7  }
0xc8: {  	[tilespmem:v3+s12+$0x0] =	vst.idx.add.s32.msk $0xffff, v2  }
0xc9: {  	_ =	swait.ge [sflag:s15], $0x4000  }
0xca: {  	[sflag:s15] =	ssyncset.done $0x0  }
0xcb: {  	s24 =	rddreg [dreg:$0x6];
	[sflag:s15] =	ssyncadd.s32 $0xFFFFC000  }
0xcc: {  	[tilespmem:s9], [sflag:$0x2] =	stream.indirect.gather [hbm4b:s4+s7], $0x80, s24, s7, $0xb8;
	[tilespmem:$0x1F800] =	vst v63  }
0xcd: {  	_ =	swait.ge [sflag:s11], $0x4000  }
0xce: {  	[sflag:s11] =	ssyncset.done $0x0  }
0xcf: {  	s23 =	rddreg [dreg:$0x7];
	[sflag:s11] =	ssyncadd.s32 $0xFFFFC000  }
0xd0: {  	[spmem:s1] =	stream.indirect.scatter.add.f32 [tilespmem:s3], [sflag:$0x7], $0x80, s23, s7, $0xb8;
	[tilespmem:$0x1F800] =	vst v63  }
0xd1: {  	v3 =	vld [tilespmem:$0x8900];
	_ =	sdelay $0x7  }
0xd2: {  	[tilespmem:v3+s12+$0x0] =	vst.idx.add.s32.msk $0xffff, v2  }
0xd3: {  	v3 =	vld [tilespmem:$0x8910];
	_ =	sdelay $0x7  }
0xd4: {  	[tilespmem:v3+s12+$0x0] =	vst.idx.add.s32.msk $0xffff, v2  }
0xd5: {  	v3 =	vld [tilespmem:$0x8920];
	_ =	sdelay $0x7  }
0xd6: {  	[tilespmem:v3+s12+$0x0] =	vst.idx.add.s32.msk $0xffff, v2  }
0xd7: {  	v3 =	vld [tilespmem:$0x8930];
	_ =	sdelay $0x7  }
0xd8: {  	[tilespmem:v3+s12+$0x0] =	vst.idx.add.s32.msk $0xffff, v2  }
0xd9: {  	v3 =	vld [tilespmem:$0x8940];
	_ =	sdelay $0x7  }
0xda: {  	[tilespmem:v3+s12+$0x0] =	vst.idx.add.s32.msk $0xffff, v2  }
0xdb: {  	v3 =	vld [tilespmem:$0x8950];
	_ =	sdelay $0x7  }
0xdc: {  	[tilespmem:v3+s12+$0x0] =	vst.idx.add.s32.msk $0xffff, v2  }
0xdd: {  	v3 =	vld [tilespmem:$0x8960];
	_ =	sdelay $0x7  }
0xde: {  	[tilespmem:v3+s12+$0x0] =	vst.idx.add.s32.msk $0xffff, v2  }
0xdf: {  	v3 =	vld [tilespmem:$0x8970];
	_ =	sdelay $0x7  }
0xe0: {  	[tilespmem:v3+s12+$0x0] =	vst.idx.add.s32.msk $0xffff, v2  }
0xe1: {  	_ =	swait.ge [sflag:s13], $0x4000  }
0xe2: {  	[sflag:s13] =	ssyncset.done $0x0  }
0xe3: {  	s24 =	rddreg [dreg:$0x8];
	[sflag:s13] =	ssyncadd.s32 $0xFFFFC000  }
0xe4: {  	[tilespmem:s3], [sflag:$0x1] =	stream.indirect.gather [hbm4b:s4+s7], $0x80, s24, s7, $0xb8;
	[tilespmem:$0x1F800] =	vst v63  }
0xe5: {  	_ =	swait.ge [sflag:s14], $0x4000  }
0xe6: {  	[sflag:s14] =	ssyncset.done $0x0  }
0xe7: {  	s23 =	rddreg [dreg:$0x9];
	[sflag:s14] =	ssyncadd.s32 $0xFFFFC000  }
0xe8: {  	[spmem:s1] =	stream.indirect.scatter.add.f32 [tilespmem:s9], [sflag:$0x8], $0x80, s23, s7, $0xb8;
	[tilespmem:$0x1F800] =	vst v63  }
0xe9: {  	v3 =	vld [tilespmem:$0x8980];
	_ =	sdelay $0x7  }
0xea: {  	[tilespmem:v3+s12+$0x0] =	vst.idx.add.s32.msk $0xffff, v2  }
0xeb: {  	v3 =	vld [tilespmem:$0x8990];
	_ =	sdelay $0x7  }
0xec: {  	[tilespmem:v3+s12+$0x0] =	vst.idx.add.s32.msk $0xffff, v2  }
0xed: {  	v3 =	vld [tilespmem:$0x89A0];
	_ =	sdelay $0x7  }
0xee: {  	[tilespmem:v3+s12+$0x0] =	vst.idx.add.s32.msk $0xffff, v2  }
0xef: {  	v3 =	vld [tilespmem:$0x89B0];
	_ =	sdelay $0x7  }
0xf0: {  	[tilespmem:v3+s12+$0x0] =	vst.idx.add.s32.msk $0xffff, v2  }
0xf1: {  	v3 =	vld [tilespmem:$0x89C0];
	_ =	sdelay $0x7  }
0xf2: {  	[tilespmem:v3+s12+$0x0] =	vst.idx.add.s32.msk $0xffff, v2  }
0xf3: {  	v3 =	vld [tilespmem:$0x89D0];
	_ =	sdelay $0x7  }
0xf4: {  	[tilespmem:v3+s12+$0x0] =	vst.idx.add.s32.msk $0xffff, v2  }
0xf5: {  	v3 =	vld [tilespmem:$0x89E0];
	_ =	sdelay $0x7  }
0xf6: {  	[tilespmem:v3+s12+$0x0] =	vst.idx.add.s32.msk $0xffff, v2  }
0xf7: {  	v3 =	vld [tilespmem:$0x89F0];
	_ =	sdelay $0x7  }
0xf8: {  	[tilespmem:v3+s12+$0x0] =	vst.idx.add.s32.msk $0xffff, v2  }
0xf9: {  	_ =	swait.ge [sflag:s15], $0x4000  }
0xfa: {  	[sflag:s15] =	ssyncset.done $0x0  }
0xfb: {  	s24 =	rddreg [dreg:$0xa];
	[sflag:s15] =	ssyncadd.s32 $0xFFFFC000  }
0xfc: {  	[tilespmem:s9], [sflag:$0x2] =	stream.indirect.gather [hbm4b:s4+s7], $0x80, s24, s7, $0xb8;
	[tilespmem:$0x1F800] =	vst v63  }
0xfd: {  	_ =	swait.ge [sflag:s11], $0x4000  }
0xfe: {  	[sflag:s11] =	ssyncset.done $0x0  }
0xff: {  	s23 =	rddreg [dreg:$0xb];
	[sflag:s11] =	ssyncadd.s32 $0xFFFFC000  }
0x100: {  	[spmem:s1] =	stream.indirect.scatter.add.f32 [tilespmem:s3], [sflag:$0x7], $0x80, s23, s7, $0xb8;
	[tilespmem:$0x1F800] =	vst v63  }
0x101: {  	v3 =	vld [tilespmem:$0x8A00];
	_ =	sdelay $0x7  }
0x102: {  	[tilespmem:v3+s12+$0x0] =	vst.idx.add.s32.msk $0xffff, v2  }
0x103: {  	v3 =	vld [tilespmem:$0x8A10];
	_ =	sdelay $0x7  }
0x104: {  	[tilespmem:v3+s12+$0x0] =	vst.idx.add.s32.msk $0xffff, v2  }
0x105: {  	v3 =	vld [tilespmem:$0x8A20];
	_ =	sdelay $0x7  }
0x106: {  	[tilespmem:v3+s12+$0x0] =	vst.idx.add.s32.msk $0xffff, v2  }
0x107: {  	v3 =	vld [tilespmem:$0x8A30];
	_ =	sdelay $0x7  }
0x108: {  	[tilespmem:v3+s12+$0x0] =	vst.idx.add.s32.msk $0xffff, v2  }
0x109: {  	v3 =	vld [tilespmem:$0x8A40];
	_ =	sdelay $0x7  }
0x10a: {  	[tilespmem:v3+s12+$0x0] =	vst.idx.add.s32.msk $0xffff, v2  }
0x10b: {  	v3 =	vld [tilespmem:$0x8A50];
	_ =	sdelay $0x7  }
0x10c: {  	[tilespmem:v3+s12+$0x0] =	vst.idx.add.s32.msk $0xffff, v2  }
0x10d: {  	v3 =	vld [tilespmem:$0x8A60];
	_ =	sdelay $0x7  }
0x10e: {  	[tilespmem:v3+s12+$0x0] =	vst.idx.add.s32.msk $0xffff, v2  }
0x10f: {  	v3 =	vld [tilespmem:$0x8A70];
	_ =	sdelay $0x7  }
0x110: {  	[tilespmem:v3+s12+$0x0] =	vst.idx.add.s32.msk $0xffff, v2  }
0x111: {  	_ =	swait.ge [sflag:s13], $0x4000  }
0x112: {  	[sflag:s13] =	ssyncset.done $0x0  }
0x113: {  	s24 =	rddreg [dreg:$0xc];
	[sflag:s13] =	ssyncadd.s32 $0xFFFFC000  }
0x114: {  	[tilespmem:s3], [sflag:$0x1] =	stream.indirect.gather [hbm4b:s4+s7], $0x80, s24, s7, $0xb8;
	[tilespmem:$0x1F800] =	vst v63  }
0x115: {  	_ =	swait.ge [sflag:s14], $0x4000  }
0x116: {  	[sflag:s14] =	ssyncset.done $0x0  }
0x117: {  	s23 =	rddreg [dreg:$0xd];
	[sflag:s14] =	ssyncadd.s32 $0xFFFFC000  }
0x118: {  	[spmem:s1] =	stream.indirect.scatter.add.f32 [tilespmem:s9], [sflag:$0x8], $0x80, s23, s7, $0xb8;
	[tilespmem:$0x1F800] =	vst v63  }
0x119: {  	v3 =	vld [tilespmem:$0x8A80];
	_ =	sdelay $0x7  }
0x11a: {  	[tilespmem:v3+s12+$0x0] =	vst.idx.add.s32.msk $0xffff, v2  }
0x11b: {  	v3 =	vld [tilespmem:$0x8A90];
	_ =	sdelay $0x7  }
0x11c: {  	[tilespmem:v3+s12+$0x0] =	vst.idx.add.s32.msk $0xffff, v2  }
0x11d: {  	v3 =	vld [tilespmem:$0x8AA0];
	_ =	sdelay $0x7  }
0x11e: {  	[tilespmem:v3+s12+$0x0] =	vst.idx.add.s32.msk $0xffff, v2  }
0x11f: {  	v3 =	vld [tilespmem:$0x8AB0];
	_ =	sdelay $0x7  }
0x120: {  	[tilespmem:v3+s12+$0x0] =	vst.idx.add.s32.msk $0xffff, v2  }
0x121: {  	v3 =	vld [tilespmem:$0x8AC0];
	_ =	sdelay $0x7  }
0x122: {  	[tilespmem:v3+s12+$0x0] =	vst.idx.add.s32.msk $0xffff, v2  }
0x123: {  	v3 =	vld [tilespmem:$0x8AD0];
	_ =	sdelay $0x7  }
0x124: {  	[tilespmem:v3+s12+$0x0] =	vst.idx.add.s32.msk $0xffff, v2  }
0x125: {  	v3 =	vld [tilespmem:$0x8AE0];
	_ =	sdelay $0x7  }
0x126: {  	[tilespmem:v3+s12+$0x0] =	vst.idx.add.s32.msk $0xffff, v2  }
0x127: {  	v3 =	vld [tilespmem:$0x8AF0];
	_ =	sdelay $0x7  }
0x128: {  	[tilespmem:v3+s12+$0x0] =	vst.idx.add.s32.msk $0xffff, v2  }
0x129: {  	_ =	swait.ge [sflag:s15], $0x4000  }
0x12a: {  	[sflag:s15] =	ssyncset.done $0x0  }
0x12b: {  	s24 =	rddreg [dreg:$0xe];
	[sflag:s15] =	ssyncadd.s32 $0xFFFFC000  }
0x12c: {  	[tilespmem:s9], [sflag:$0x2] =	stream.indirect.gather [hbm4b:s4+s7], $0x80, s24, s7, $0xb8;
	[tilespmem:$0x1F800] =	vst v63  }
0x12d: {  	_ =	swait.ge [sflag:s11], $0x4000  }
0x12e: {  	[sflag:s11] =	ssyncset.done $0x0  }
0x12f: {  	s23 =	rddreg [dreg:$0xf];
	[sflag:s11] =	ssyncadd.s32 $0xFFFFC000  }
0x130: {  	[spmem:s1] =	stream.indirect.scatter.add.f32 [tilespmem:s3], [sflag:$0x7], $0x80, s23, s7, $0xb8;
	[tilespmem:$0x1F800] =	vst v63  }
0x131: {  	v3 =	vld [tilespmem:$0x8B00];
	_ =	sdelay $0x7  }
0x132: {  	[tilespmem:v3+s12+$0x0] =	vst.idx.add.s32.msk $0xffff, v2  }
0x133: {  	v3 =	vld [tilespmem:$0x8B10];
	_ =	sdelay $0x7  }
0x134: {  	[tilespmem:v3+s12+$0x0] =	vst.idx.add.s32.msk $0xffff, v2  }
0x135: {  	v3 =	vld [tilespmem:$0x8B20];
	_ =	sdelay $0x7  }
0x136: {  	[tilespmem:v3+s12+$0x0] =	vst.idx.add.s32.msk $0xffff, v2  }
0x137: {  	v3 =	vld [tilespmem:$0x8B30];
	_ =	sdelay $0x7  }
0x138: {  	[tilespmem:v3+s12+$0x0] =	vst.idx.add.s32.msk $0xffff, v2  }
0x139: {  	v3 =	vld [tilespmem:$0x8B40];
	_ =	sdelay $0x7  }
0x13a: {  	[tilespmem:v3+s12+$0x0] =	vst.idx.add.s32.msk $0xffff, v2  }
0x13b: {  	v3 =	vld [tilespmem:$0x8B50];
	_ =	sdelay $0x7  }
0x13c: {  	[tilespmem:v3+s12+$0x0] =	vst.idx.add.s32.msk $0xffff, v2  }
0x13d: {  	v3 =	vld [tilespmem:$0x8B60];
	_ =	sdelay $0x7  }
0x13e: {  	[tilespmem:v3+s12+$0x0] =	vst.idx.add.s32.msk $0xffff, v2  }
0x13f: {  	v3 =	vld [tilespmem:$0x8B70];
	_ =	sdelay $0x7  }
0x140: {  	[tilespmem:v3+s12+$0x0] =	vst.idx.add.s32.msk $0xffff, v2  }
0x141: {  	_ =	swait.ge [sflag:s13], $0x4000  }
0x142: {  	[sflag:s13] =	ssyncset.done $0x0  }
0x143: {  	[sflag:s13] =	ssyncadd.s32 $0xFFFFC000  }
0x144: {  	_ =	swait.ge [sflag:s16], $0x400  }
0x145: {  	[sflag:s16] =	ssyncset.done $0x0  }
0x146: {  	[sflag:s16] =	ssyncadd.s32 $0xFFFFFC00  }
0x147: {  	_ =	swait.ge [sflag:s17], $0x400  }
0x148: {  	[sflag:s17] =	ssyncset.done $0x0  }
0x149: {  	[sflag:s17] =	ssyncadd.s32 $0xFFFFFC00  }
0x14a: {  	[tilespmem:s3], [sflag:$0x1] =	stream.indirect.gather [hbm4b:s4+s7], $0x80, s29, s7, $0xb8;
	[tilespmem:$0x1F800] =	vst v63  }
0x14b: {  	_ =	swait.ge [sflag:s14], $0x4000  }
0x14c: {  	[sflag:s14] =	ssyncset.done $0x0  }
0x14d: {  	s24 =	rddreg [dreg:$0x10];
	[sflag:s14] =	ssyncadd.s32 $0xFFFFC000  }
0x14e: {  	[spmem:s1] =	stream.indirect.scatter.add.f32 [tilespmem:s9], [sflag:$0x8], $0x80, s24, s7, $0xb8;
	[tilespmem:$0x1F800] =	vst v63  }
0x14f: {  	v3 =	vld [tilespmem:$0x8B80];
	_ =	sdelay $0x7  }
0x150: {  	[tilespmem:v3+s12+$0x0] =	vst.idx.add.s32.msk $0xffff, v2  }
0x151: {  	v3 =	vld [tilespmem:$0x8B90];
	_ =	sdelay $0x7  }
0x152: {  	[tilespmem:v3+s12+$0x0] =	vst.idx.add.s32.msk $0xffff, v2  }
0x153: {  	v3 =	vld [tilespmem:$0x8BA0];
	_ =	sdelay $0x7  }
0x154: {  	[tilespmem:v3+s12+$0x0] =	vst.idx.add.s32.msk $0xffff, v2  }
0x155: {  	v3 =	vld [tilespmem:$0x8BB0];
	_ =	sdelay $0x7  }
0x156: {  	[tilespmem:v3+s12+$0x0] =	vst.idx.add.s32.msk $0xffff, v2  }
0x157: {  	v3 =	vld [tilespmem:$0x8BC0];
	_ =	sdelay $0x7  }
0x158: {  	[tilespmem:v3+s12+$0x0] =	vst.idx.add.s32.msk $0xffff, v2  }
0x159: {  	v3 =	vld [tilespmem:$0x8BD0];
	_ =	sdelay $0x7  }
0x15a: {  	[tilespmem:v3+s12+$0x0] =	vst.idx.add.s32.msk $0xffff, v2  }
0x15b: {  	v3 =	vld [tilespmem:$0x8BE0];
	_ =	sdelay $0x7  }
0x15c: {  	[tilespmem:v3+s12+$0x0] =	vst.idx.add.s32.msk $0xffff, v2  }
0x15d: {  	v3 =	vld [tilespmem:$0x8BF0];
	_ =	sdelay $0x7  }
0x15e: {  	[tilespmem:v3+s12+$0x0] =	vst.idx.add.s32.msk $0xffff, v2  }
0x15f: {  	_ =	swait.ge [sflag:s15], $0x4000  }
0x160: {  	[sflag:s15] =	ssyncset.done $0x0  }
0x161: {  	s22 =	sadd.s32 s21, s5;
	s23 =	rddreg [dreg:$0x11];
	[sflag:s15] =	ssyncadd.s32 $0xFFFFC000  }
0x162: {  	[tilespmem:s9], [sflag:$0x2] =	stream.indirect.gather [hbm4b:s4+s7], $0x80, s23, s7, $0xb8;
	[tilespmem:$0x1F800] =	vst v63  }
0x163: {  	s23 =	sadd.s32 $0x600, s22  }
0x164: {  	[tilespmem:s26], [sflag:$0x3] =	stream.linear.gather [hbm4b:s23+s3], $0x400, $0x38;
	[tilespmem:$0x1F800] =	vst v63  }
0x165: {  	s23 =	sadd.s32 s21, s6  }
0x166: {  	s24 =	sadd.s32 $0x600, s23  }
0x167: {  	[tilespmem:s28], [sflag:$0x5] =	stream.linear.gather [hbm4b:s24+s3], $0x400, $0x38;
	[tilespmem:$0x1F800] =	vst v63  }
0x168: {  	_ =	swait.ge [sflag:s11], $0x4000  }
0x169: {  	[sflag:s11] =	ssyncset.done $0x0  }
0x16a: {  	[sflag:s11] =	ssyncadd.s32 $0xFFFFC000  }
0x16b: {  	[spmem:s1] =	stream.indirect.scatter.add.f32 [tilespmem:s3], [sflag:$0x7], $0x80, s30, s7, $0xb8;
	[tilespmem:$0x1F800] =	vst v63  }
0x16c: {  	v3 =	vld [tilespmem:$0x8C00];
	_ =	sdelay $0x7  }
0x16d: {  	[tilespmem:v3+s12+$0x0] =	vst.idx.add.s32.msk $0xffff, v2  }
0x16e: {  	v3 =	vld [tilespmem:$0x8C10];
	_ =	sdelay $0x7  }
0x16f: {  	[tilespmem:v3+s12+$0x0] =	vst.idx.add.s32.msk $0xffff, v2  }
0x170: {  	v3 =	vld [tilespmem:$0x8C20];
	_ =	sdelay $0x7  }
0x171: {  	[tilespmem:v3+s12+$0x0] =	vst.idx.add.s32.msk $0xffff, v2  }
0x172: {  	v3 =	vld [tilespmem:$0x8C30];
	_ =	sdelay $0x7  }
0x173: {  	[tilespmem:v3+s12+$0x0] =	vst.idx.add.s32.msk $0xffff, v2  }
0x174: {  	v3 =	vld [tilespmem:$0x8C40];
	_ =	sdelay $0x7  }
0x175: {  	[tilespmem:v3+s12+$0x0] =	vst.idx.add.s32.msk $0xffff, v2  }
0x176: {  	v3 =	vld [tilespmem:$0x8C50];
	_ =	sdelay $0x7  }
0x177: {  	[tilespmem:v3+s12+$0x0] =	vst.idx.add.s32.msk $0xffff, v2  }
0x178: {  	v3 =	vld [tilespmem:$0x8C60];
	_ =	sdelay $0x7  }
0x179: {  	[tilespmem:v3+s12+$0x0] =	vst.idx.add.s32.msk $0xffff, v2  }
0x17a: {  	v3 =	vld [tilespmem:$0x8C70];
	_ =	sdelay $0x7  }
0x17b: {  	[tilespmem:v3+s12+$0x0] =	vst.idx.add.s32.msk $0xffff, v2  }
0x17c: {  	_ =	swait.ge [sflag:s13], $0x4000  }
0x17d: {  	[sflag:s13] =	ssyncset.done $0x0  }
0x17e: {  	s24 =	rddreg [dreg:$0x12];
	[sflag:s13] =	ssyncadd.s32 $0xFFFFC000  }
0x17f: {  	[tilespmem:s3], [sflag:$0x1] =	stream.indirect.gather [hbm4b:s4+s7], $0x80, s24, s7, $0xb8;
	[tilespmem:$0x1F800] =	vst v63  }
0x180: {  	_ =	swait.ge [sflag:s14], $0x4000  }
0x181: {  	[sflag:s14] =	ssyncset.done $0x0  }
0x182: {  	s24 =	rddreg [dreg:$0x13];
	[sflag:s14] =	ssyncadd.s32 $0xFFFFC000  }
0x183: {  	[spmem:s1] =	stream.indirect.scatter.add.f32 [tilespmem:s9], [sflag:$0x8], $0x80, s24, s7, $0xb8;
	[tilespmem:$0x1F800] =	vst v63  }
0x184: {  	v3 =	vld [tilespmem:$0x8C80];
	_ =	sdelay $0x7  }
0x185: {  	[tilespmem:v3+s12+$0x0] =	vst.idx.add.s32.msk $0xffff, v2  }
0x186: {  	v3 =	vld [tilespmem:$0x8C90];
	_ =	sdelay $0x7  }
0x187: {  	[tilespmem:v3+s12+$0x0] =	vst.idx.add.s32.msk $0xffff, v2  }
0x188: {  	v3 =	vld [tilespmem:$0x8CA0];
	_ =	sdelay $0x7  }
0x189: {  	[tilespmem:v3+s12+$0x0] =	vst.idx.add.s32.msk $0xffff, v2  }
0x18a: {  	v3 =	vld [tilespmem:$0x8CB0];
	_ =	sdelay $0x7  }
0x18b: {  	[tilespmem:v3+s12+$0x0] =	vst.idx.add.s32.msk $0xffff, v2  }
0x18c: {  	v3 =	vld [tilespmem:$0x8CC0];
	_ =	sdelay $0x7  }
0x18d: {  	[tilespmem:v3+s12+$0x0] =	vst.idx.add.s32.msk $0xffff, v2  }
0x18e: {  	v3 =	vld [tilespmem:$0x8CD0];
	_ =	sdelay $0x7  }
0x18f: {  	[tilespmem:v3+s12+$0x0] =	vst.idx.add.s32.msk $0xffff, v2  }
0x190: {  	v3 =	vld [tilespmem:$0x8CE0];
	_ =	sdelay $0x7  }
0x191: {  	[tilespmem:v3+s12+$0x0] =	vst.idx.add.s32.msk $0xffff, v2  }
0x192: {  	v3 =	vld [tilespmem:$0x8CF0];
	_ =	sdelay $0x7  }
0x193: {  	[tilespmem:v3+s12+$0x0] =	vst.idx.add.s32.msk $0xffff, v2  }
0x194: {  	_ =	swait.ge [sflag:s15], $0x4000  }
0x195: {  	[sflag:s15] =	ssyncset.done $0x0  }
0x196: {  	s24 =	rddreg [dreg:$0x14];
	[sflag:s15] =	ssyncadd.s32 $0xFFFFC000  }
0x197: {  	[tilespmem:s9], [sflag:$0x2] =	stream.indirect.gather [hbm4b:s4+s7], $0x80, s24, s7, $0xb8;
	[tilespmem:$0x1F800] =	vst v63  }
0x198: {  	_ =	swait.ge [sflag:s11], $0x4000  }
0x199: {  	[sflag:s11] =	ssyncset.done $0x0  }
0x19a: {  	s24 =	rddreg [dreg:$0x15];
	[sflag:s11] =	ssyncadd.s32 $0xFFFFC000  }
0x19b: {  	[spmem:s1] =	stream.indirect.scatter.add.f32 [tilespmem:s3], [sflag:$0x7], $0x80, s24, s7, $0xb8;
	[tilespmem:$0x1F800] =	vst v63  }
0x19c: {  	v3 =	vld [tilespmem:$0x8D00];
	_ =	sdelay $0x7  }
0x19d: {  	[tilespmem:v3+s12+$0x0] =	vst.idx.add.s32.msk $0xffff, v2  }
0x19e: {  	v3 =	vld [tilespmem:$0x8D10];
	_ =	sdelay $0x7  }
0x19f: {  	[tilespmem:v3+s12+$0x0] =	vst.idx.add.s32.msk $0xffff, v2  }
0x1a0: {  	v3 =	vld [tilespmem:$0x8D20];
	_ =	sdelay $0x7  }
0x1a1: {  	[tilespmem:v3+s12+$0x0] =	vst.idx.add.s32.msk $0xffff, v2  }
0x1a2: {  	v3 =	vld [tilespmem:$0x8D30];
	_ =	sdelay $0x7  }
0x1a3: {  	[tilespmem:v3+s12+$0x0] =	vst.idx.add.s32.msk $0xffff, v2  }
0x1a4: {  	v3 =	vld [tilespmem:$0x8D40];
	_ =	sdelay $0x7  }
0x1a5: {  	[tilespmem:v3+s12+$0x0] =	vst.idx.add.s32.msk $0xffff, v2  }
0x1a6: {  	v3 =	vld [tilespmem:$0x8D50];
	_ =	sdelay $0x7  }
0x1a7: {  	[tilespmem:v3+s12+$0x0] =	vst.idx.add.s32.msk $0xffff, v2  }
0x1a8: {  	v3 =	vld [tilespmem:$0x8D60];
	_ =	sdelay $0x7  }
0x1a9: {  	[tilespmem:v3+s12+$0x0] =	vst.idx.add.s32.msk $0xffff, v2  }
0x1aa: {  	v3 =	vld [tilespmem:$0x8D70];
	_ =	sdelay $0x7  }
0x1ab: {  	[tilespmem:v3+s12+$0x0] =	vst.idx.add.s32.msk $0xffff, v2  }
0x1ac: {  	_ =	swait.ge [sflag:s13], $0x4000  }
0x1ad: {  	[sflag:s13] =	ssyncset.done $0x0  }
0x1ae: {  	s24 =	rddreg [dreg:$0x16];
	[sflag:s13] =	ssyncadd.s32 $0xFFFFC000  }
0x1af: {  	[tilespmem:s3], [sflag:$0x1] =	stream.indirect.gather [hbm4b:s4+s7], $0x80, s24, s7, $0xb8;
	[tilespmem:$0x1F800] =	vst v63  }
0x1b0: {  	_ =	swait.ge [sflag:s14], $0x4000  }
0x1b1: {  	[sflag:s14] =	ssyncset.done $0x0  }
0x1b2: {  	s24 =	rddreg [dreg:$0x17];
	[sflag:s14] =	ssyncadd.s32 $0xFFFFC000  }
0x1b3: {  	[spmem:s1] =	stream.indirect.scatter.add.f32 [tilespmem:s9], [sflag:$0x8], $0x80, s24, s7, $0xb8;
	[tilespmem:$0x1F800] =	vst v63  }
0x1b4: {  	v3 =	vld [tilespmem:$0x8D80];
	_ =	sdelay $0x7  }
0x1b5: {  	[tilespmem:v3+s12+$0x0] =	vst.idx.add.s32.msk $0xffff, v2  }
0x1b6: {  	v3 =	vld [tilespmem:$0x8D90];
	_ =	sdelay $0x7  }
0x1b7: {  	[tilespmem:v3+s12+$0x0] =	vst.idx.add.s32.msk $0xffff, v2  }
0x1b8: {  	v3 =	vld [tilespmem:$0x8DA0];
	_ =	sdelay $0x7  }
0x1b9: {  	[tilespmem:v3+s12+$0x0] =	vst.idx.add.s32.msk $0xffff, v2  }
0x1ba: {  	v3 =	vld [tilespmem:$0x8DB0];
	_ =	sdelay $0x7  }
0x1bb: {  	[tilespmem:v3+s12+$0x0] =	vst.idx.add.s32.msk $0xffff, v2  }
0x1bc: {  	v3 =	vld [tilespmem:$0x8DC0];
	_ =	sdelay $0x7  }
0x1bd: {  	[tilespmem:v3+s12+$0x0] =	vst.idx.add.s32.msk $0xffff, v2  }
0x1be: {  	v3 =	vld [tilespmem:$0x8DD0];
	_ =	sdelay $0x7  }
0x1bf: {  	[tilespmem:v3+s12+$0x0] =	vst.idx.add.s32.msk $0xffff, v2  }
0x1c0: {  	v3 =	vld [tilespmem:$0x8DE0];
	_ =	sdelay $0x7  }
0x1c1: {  	[tilespmem:v3+s12+$0x0] =	vst.idx.add.s32.msk $0xffff, v2  }
0x1c2: {  	v3 =	vld [tilespmem:$0x8DF0];
	_ =	sdelay $0x7  }
0x1c3: {  	[tilespmem:v3+s12+$0x0] =	vst.idx.add.s32.msk $0xffff, v2  }
0x1c4: {  	_ =	swait.ge [sflag:s15], $0x4000  }
0x1c5: {  	[sflag:s15] =	ssyncset.done $0x0  }
0x1c6: {  	s24 =	rddreg [dreg:$0x18];
	[sflag:s15] =	ssyncadd.s32 $0xFFFFC000  }
0x1c7: {  	[tilespmem:s9], [sflag:$0x2] =	stream.indirect.gather [hbm4b:s4+s7], $0x80, s24, s7, $0xb8;
	[tilespmem:$0x1F800] =	vst v63  }
0x1c8: {  	_ =	swait.ge [sflag:s11], $0x4000  }
0x1c9: {  	[sflag:s11] =	ssyncset.done $0x0  }
0x1ca: {  	s24 =	rddreg [dreg:$0x19];
	[sflag:s11] =	ssyncadd.s32 $0xFFFFC000  }
0x1cb: {  	[spmem:s1] =	stream.indirect.scatter.add.f32 [tilespmem:s3], [sflag:$0x7], $0x80, s24, s7, $0xb8;
	[tilespmem:$0x1F800] =	vst v63  }
0x1cc: {  	v3 =	vld [tilespmem:$0x8E00];
	_ =	sdelay $0x7  }
0x1cd: {  	[tilespmem:v3+s12+$0x0] =	vst.idx.add.s32.msk $0xffff, v2  }
0x1ce: {  	v3 =	vld [tilespmem:$0x8E10];
	_ =	sdelay $0x7  }
0x1cf: {  	[tilespmem:v3+s12+$0x0] =	vst.idx.add.s32.msk $0xffff, v2  }
0x1d0: {  	v3 =	vld [tilespmem:$0x8E20];
	_ =	sdelay $0x7  }
0x1d1: {  	[tilespmem:v3+s12+$0x0] =	vst.idx.add.s32.msk $0xffff, v2  }
0x1d2: {  	v3 =	vld [tilespmem:$0x8E30];
	_ =	sdelay $0x7  }
0x1d3: {  	[tilespmem:v3+s12+$0x0] =	vst.idx.add.s32.msk $0xffff, v2  }
0x1d4: {  	v3 =	vld [tilespmem:$0x8E40];
	_ =	sdelay $0x7  }
0x1d5: {  	[tilespmem:v3+s12+$0x0] =	vst.idx.add.s32.msk $0xffff, v2  }
0x1d6: {  	v3 =	vld [tilespmem:$0x8E50];
	_ =	sdelay $0x7  }
0x1d7: {  	[tilespmem:v3+s12+$0x0] =	vst.idx.add.s32.msk $0xffff, v2  }
0x1d8: {  	v3 =	vld [tilespmem:$0x8E60];
	_ =	sdelay $0x7  }
0x1d9: {  	[tilespmem:v3+s12+$0x0] =	vst.idx.add.s32.msk $0xffff, v2  }
0x1da: {  	v3 =	vld [tilespmem:$0x8E70];
	_ =	sdelay $0x7  }
0x1db: {  	[tilespmem:v3+s12+$0x0] =	vst.idx.add.s32.msk $0xffff, v2  }
0x1dc: {  	_ =	swait.ge [sflag:s13], $0x4000  }
0x1dd: {  	[sflag:s13] =	ssyncset.done $0x0  }
0x1de: {  	s24 =	rddreg [dreg:$0x1a];
	[sflag:s13] =	ssyncadd.s32 $0xFFFFC000  }
0x1df: {  	[tilespmem:s3], [sflag:$0x1] =	stream.indirect.gather [hbm4b:s4+s7], $0x80, s24, s7, $0xb8;
	[tilespmem:$0x1F800] =	vst v63  }
0x1e0: {  	_ =	swait.ge [sflag:s14], $0x4000  }
0x1e1: {  	[sflag:s14] =	ssyncset.done $0x0  }
0x1e2: {  	s24 =	rddreg [dreg:$0x1b];
	[sflag:s14] =	ssyncadd.s32 $0xFFFFC000  }
0x1e3: {  	[spmem:s1] =	stream.indirect.scatter.add.f32 [tilespmem:s9], [sflag:$0x8], $0x80, s24, s7, $0xb8;
	[tilespmem:$0x1F800] =	vst v63  }
0x1e4: {  	v3 =	vld [tilespmem:$0x8E80];
	_ =	sdelay $0x7  }
0x1e5: {  	[tilespmem:v3+s12+$0x0] =	vst.idx.add.s32.msk $0xffff, v2  }
0x1e6: {  	v3 =	vld [tilespmem:$0x8E90];
	_ =	sdelay $0x7  }
0x1e7: {  	[tilespmem:v3+s12+$0x0] =	vst.idx.add.s32.msk $0xffff, v2  }
0x1e8: {  	v3 =	vld [tilespmem:$0x8EA0];
	_ =	sdelay $0x7  }
0x1e9: {  	[tilespmem:v3+s12+$0x0] =	vst.idx.add.s32.msk $0xffff, v2  }
0x1ea: {  	v3 =	vld [tilespmem:$0x8EB0];
	_ =	sdelay $0x7  }
0x1eb: {  	[tilespmem:v3+s12+$0x0] =	vst.idx.add.s32.msk $0xffff, v2  }
0x1ec: {  	v3 =	vld [tilespmem:$0x8EC0];
	_ =	sdelay $0x7  }
0x1ed: {  	[tilespmem:v3+s12+$0x0] =	vst.idx.add.s32.msk $0xffff, v2  }
0x1ee: {  	v3 =	vld [tilespmem:$0x8ED0];
	_ =	sdelay $0x7  }
0x1ef: {  	[tilespmem:v3+s12+$0x0] =	vst.idx.add.s32.msk $0xffff, v2  }
0x1f0: {  	v3 =	vld [tilespmem:$0x8EE0];
	_ =	sdelay $0x7  }
0x1f1: {  	[tilespmem:v3+s12+$0x0] =	vst.idx.add.s32.msk $0xffff, v2  }
0x1f2: {  	v3 =	vld [tilespmem:$0x8EF0];
	_ =	sdelay $0x7  }
0x1f3: {  	[tilespmem:v3+s12+$0x0] =	vst.idx.add.s32.msk $0xffff, v2  }
0x1f4: {  	_ =	swait.ge [sflag:s15], $0x4000  }
0x1f5: {  	[sflag:s15] =	ssyncset.done $0x0  }
0x1f6: {  	[sflag:s15] =	ssyncadd.s32 $0xFFFFC000  }
0x1f7: {  	[tilespmem:s9], [sflag:$0x2] =	stream.indirect.gather [hbm4b:s4+s7], $0x80, s2, s7, $0xb8;
	[tilespmem:$0x1F800] =	vst v63  }
0x1f8: {  	_ =	swait.ge [sflag:s11], $0x4000  }
0x1f9: {  	[sflag:s11] =	ssyncset.done $0x0  }
0x1fa: {  	[sflag:s11] =	ssyncadd.s32 $0xFFFFC000  }
0x1fb: {  	[spmem:s1] =	stream.indirect.scatter.add.f32 [tilespmem:s3], [sflag:$0x7], $0x80, s18, s7, $0xb8;
	[tilespmem:$0x1F800] =	vst v63  }
0x1fc: {  	v3 =	vld [tilespmem:$0x8F00];
	_ =	sdelay $0x7  }
0x1fd: {  	[tilespmem:v3+s12+$0x0] =	vst.idx.add.s32.msk $0xffff, v2  }
0x1fe: {  	v3 =	vld [tilespmem:$0x8F10];
	_ =	sdelay $0x7  }
0x1ff: {  	[tilespmem:v3+s12+$0x0] =	vst.idx.add.s32.msk $0xffff, v2  }
0x200: {  	v3 =	vld [tilespmem:$0x8F20];
	_ =	sdelay $0x7  }
0x201: {  	[tilespmem:v3+s12+$0x0] =	vst.idx.add.s32.msk $0xffff, v2  }
0x202: {  	v3 =	vld [tilespmem:$0x8F30];
	_ =	sdelay $0x7  }
0x203: {  	[tilespmem:v3+s12+$0x0] =	vst.idx.add.s32.msk $0xffff, v2  }
0x204: {  	v3 =	vld [tilespmem:$0x8F40];
	_ =	sdelay $0x7  }
0x205: {  	[tilespmem:v3+s12+$0x0] =	vst.idx.add.s32.msk $0xffff, v2  }
0x206: {  	v3 =	vld [tilespmem:$0x8F50];
	_ =	sdelay $0x7  }
0x207: {  	[tilespmem:v3+s12+$0x0] =	vst.idx.add.s32.msk $0xffff, v2  }
0x208: {  	v3 =	vld [tilespmem:$0x8F60];
	_ =	sdelay $0x7  }
0x209: {  	[tilespmem:v3+s12+$0x0] =	vst.idx.add.s32.msk $0xffff, v2  }
0x20a: {  	v3 =	vld [tilespmem:$0x8F70];
	_ =	sdelay $0x7  }
0x20b: {  	[tilespmem:v3+s12+$0x0] =	vst.idx.add.s32.msk $0xffff, v2  }
0x20c: {  	_ =	swait.ge [sflag:s13], $0x4000  }
0x20d: {  	[sflag:s13] =	ssyncset.done $0x0  }
0x20e: {  	[sflag:s13] =	ssyncadd.s32 $0xFFFFC000  }
0x20f: {  	_ =	swait.ge [sflag:s31], $0x400  }
0x210: {  	[sflag:s31] =	ssyncset.done $0x0  }
0x211: {  	[sflag:s31] =	ssyncadd.s32 $0xFFFFFC00  }
0x212: {  	_ =	swait.ge [sflag:s0], $0x400  }
0x213: {  	[sflag:s0] =	ssyncset.done $0x0  }
0x214: {  	[sflag:s0] =	ssyncadd.s32 $0xFFFFFC00  }
0x215: {  	[tilespmem:s3], [sflag:$0x1] =	stream.indirect.gather [hbm4b:s4+s7], $0x80, s26, s7, $0xb8;
	[tilespmem:$0x1F800] =	vst v63  }
0x216: {  	_ =	swait.ge [sflag:s14], $0x4000  }
0x217: {  	[sflag:s14] =	ssyncset.done $0x0  }
0x218: {  	[sflag:s14] =	ssyncadd.s32 $0xFFFFC000  }
0x219: {  	[spmem:s1] =	stream.indirect.scatter.add.f32 [tilespmem:s9], [sflag:$0x8], $0x80, s19, s7, $0xb8;
	[tilespmem:$0x1F800] =	vst v63  }
0x21a: {  	v3 =	vld [tilespmem:$0x8F80];
	_ =	sdelay $0x7  }
0x21b: {  	[tilespmem:v3+s12+$0x0] =	vst.idx.add.s32.msk $0xffff, v2  }
0x21c: {  	v3 =	vld [tilespmem:$0x8F90];
	_ =	sdelay $0x7  }
0x21d: {  	[tilespmem:v3+s12+$0x0] =	vst.idx.add.s32.msk $0xffff, v2  }
0x21e: {  	v3 =	vld [tilespmem:$0x8FA0];
	_ =	sdelay $0x7  }
0x21f: {  	[tilespmem:v3+s12+$0x0] =	vst.idx.add.s32.msk $0xffff, v2  }
0x220: {  	v3 =	vld [tilespmem:$0x8FB0];
	_ =	sdelay $0x7  }
0x221: {  	[tilespmem:v3+s12+$0x0] =	vst.idx.add.s32.msk $0xffff, v2  }
0x222: {  	v3 =	vld [tilespmem:$0x8FC0];
	_ =	sdelay $0x7  }
0x223: {  	[tilespmem:v3+s12+$0x0] =	vst.idx.add.s32.msk $0xffff, v2  }
0x224: {  	v3 =	vld [tilespmem:$0x8FD0];
	_ =	sdelay $0x7  }
0x225: {  	[tilespmem:v3+s12+$0x0] =	vst.idx.add.s32.msk $0xffff, v2  }
0x226: {  	v3 =	vld [tilespmem:$0x8FE0];
	_ =	sdelay $0x7  }
0x227: {  	[tilespmem:v3+s12+$0x0] =	vst.idx.add.s32.msk $0xffff, v2  }
0x228: {  	v3 =	vld [tilespmem:$0x8FF0];
	_ =	sdelay $0x7  }
0x229: {  	[tilespmem:v3+s12+$0x0] =	vst.idx.add.s32.msk $0xffff, v2  }
0x22a: {  	_ =	swait.ge [sflag:s15], $0x4000  }
0x22b: {  	[sflag:s15] =	ssyncset.done $0x0  }
0x22c: {  	p1 =	sne.s32 s21, $0xFFFFFF00;
	[sflag:s15] =	ssyncadd.s32 $0xFFFFC000  }
0x22d: {  	[tilespmem:s9], [sflag:$0x2] =	stream.indirect.gather [hbm4b:s4+s7], $0x80, s8, s7, $0xb8;
	[tilespmem:$0x1F800] =	vst v63  }
.Ltmp2:
0x22e: {  	_ = 	snop;
	(pc) =	sbr.rel @p1 .LBB2_6-.Ltmp2, $4  }
0x22f: {  	s22 =	sadd.s32 $0x680, s22  }
0x230: {  	[tilespmem:s29], [sflag:$0x4] =	stream.linear.gather [hbm4b:s22+s3], $0x400, $0x38;
	[tilespmem:$0x1F800] =	vst v63  }
0x231: {  	s21 =	sadd.s32 $0x100, s21;
	s24 =	sadd.s32 $0x680, s23  }
0x232: {  	[tilespmem:s30], [sflag:$0x6] =	stream.linear.gather [hbm4b:s24+s3], $0x400, $0x38;
	[tilespmem:$0x1F800] =	vst v63  }
0x233: {  	_ =	swait.ge [sflag:s11], $0x4000  }
0x234: {  	[sflag:s11] =	ssyncset.done $0x0  }
0x235: {  	[sflag:s11] =	ssyncadd.s32 $0xFFFFC000  }
0x236: {  	_ =	swait.ge [sflag:s14], $0x4000  }
0x237: {  	[sflag:s14] =	ssyncset.done $0x0  }
0x238: {  	[sflag:s14] =	ssyncadd.s32 $0xFFFFC000  }
0x239: {  	_ =	swait.ge [sflag:s16], $0x400  }
0x23a: {  	[sflag:s16] =	ssyncset.done $0x0  }
0x23b: {  	[sflag:s16] =	ssyncadd.s32 $0xFFFFFC00  }
0x23c: {  	_ =	swait.ge [sflag:s17], $0x400  }
0x23d: {  	[sflag:s17] =	ssyncset.done $0x0  }
0x23e: {  	s23 =	stileid.u32;
	[sflag:s17] =	ssyncadd.s32 $0xFFFFFC00  }
0x23f: {  	s21 =	sshll.u32 s23, $0x6;
	[bflag:$0x0] =	sbarrier.arrive $0xFFFF  }
0x240: {  	s22 =	sshrl.u32 s10, $0x3;
	s21 =	sor.u32 $0x1C01, s21;
	s24 =	rddreg [dreg:$0x1e]  }
0x241: {  	[hbm:s24], [sflag:s21] =	dma.local [spmem:s22], $0x2800  }
0x242: {  	_ =	swait.ge [sflag:s11], $0x2800  }
0x243: {  	[sflag:s11] =	ssyncset.done $0x0  }
0x244: {  	s24 =	simm.s32 $0x400;
	s22 =	rddreg [dreg:$0x1f];
	[sflag:s11] =	ssyncadd.s32 $0xFFFFD800  }
0x245: {  	[hbm4b:s22+s7] =	stream.strided.scatter [tilespmem:s12], [sflag:$0x2], $0x2800, s24, s7, $0x38;
	[tilespmem:$0x1F800] =	vst v63  }
0x246: {  	_ =	swait.ge [sflag:s14], $0x2800  }
0x247: {  	s24 =	sld [smem:$0x7F1];
	_ =	sdelay $0x1  }
0x248: {  	s20 =	sadd.s32 $0x1, s20  }
0x249: {  	p1 =	sne.s32 s20, s24  }
.Ltmp3:
0x24a: {  	_ = 	snop;
	(pc) =	sbr.rel @p1 .LBB2_1-.Ltmp3, $3  }
0x24b: {  	_ =	sdelay $0x1  }
0x24c: {  	[sflag:s14] =	ssyncset.done $0x0  }
0x24d: {  	[sflag:s14] =	ssyncadd.s32 $0xFFFFD800  }
0x24e: {  	_ =	sfence.sel $0x180000  }
0x24f: {  	[bflag:$0x0] =	sbarrier.arrive $0xFFFF  }
0x250: {  	_ =	strace $0x9000004A  }
0x251: {  	[bflag:$0x2] =	sbarrier.arrive $0xFFFF  }
0x252: {  	p0 =	sne.s32 s23, $0x0;
	s0 =	rddreg [dreg:$0x3]  }
0x253: {  	s0 =	sadd.s32 @!p0 $0x100000, s0  }
0x254: {  	[sflag:s0] =	ssyncadd.tile.s32 @!p0 $0x1;
	_ =	shalt  }
.Lfunc_end2:
_tile_overlayer_lowered:
.L_overlay_start_2:
0x255: {  	(tag) =	ssettag $0x2  }
0x256: {  	s0 =	rddreg [dreg:$0x0];
	s2 =	stileid.u32  }
0x257: {  	s1 =	rddreg [dreg:$0x1];
	p0 =	sne.s32 s2, $0x0  }
0x258: {  	s3 =	rddreg [dreg:$0x2];
	[bflag:$0x3] =	sbarrier.arrive $0xFFFF;
	s2 =	simm.s32 @!p0 $0x1C09  }
0x259: {  	[timem:s3], [sflag:s2] =	dma.local @!p0 [hbm:s0], s1  }
0x25a: {  	s0 =	simm.s32 @!p0 $0x9  }
0x25b: {  	_ =	swait.ge @!p0 [sflag:s0], s1  }
0x25c: {  	s1 =	ssub.s32 @!p0 $0x0, s1;
	[sflag:s0] =	ssyncset.done @!p0 $0x0  }
0x25d: {  	[sflag:s0] =	ssyncadd.s32 @!p0 s1  }
0x25e: {  	[bflag:$0x3] =	sbarrier.arrive $0xFFFF  }
0x25f: {  	_ =	shalt  }

</sc_bundles>
